<compile_context>
chip_gen: v7x
topology: tpu7x:2x2x1
jax: 0.10.2.dev20260603
libtpu: 0.0.44.dev20260713+nightly
codegen_flags: <defaults>
</compile_context>

<pallas_src>
import dataclasses
import functools

import jax
import jax.numpy as jnp
from jax import lax
from jax.experimental import pallas as pl
from jax.experimental.pallas import tpu as pltpu
from jax.experimental.pallas import tpu_sc as plsc

N = 10000
NB = 25
RB = N // NB
CW = 512
NPAD = 10240
KNN = 8
DH = 128
DM = 32
NEG = float("-inf")

PREC = None


def _topk_body(cs0_ref, nch_ref, x_rows, x_all, bcol, ball, swT, sb2, hwTp,
               hb2, o1wT, w_o, idx_o, h_o, xo1_o, tv, ti):
    r = pl.program_id(0)
    xr = x_rows[...]
    s_row = jnp.dot(xr, swT[...], precision=PREC) + sb2[...]
    snr = jnp.sum(s_row * s_row, axis=1, keepdims=True)
    h_o[...] = jnp.dot(xr, hwTp[...], precision=PREC) + hb2[...]
    xo1_o[...] = jnp.dot(xr, o1wT[...], precision=PREC)
    tv[...] = jnp.full((RB, 16), NEG, jnp.float32)
    ti[...] = jnp.zeros((RB, 16), jnp.float32)
    bcol_v = bcol[...]
    ones14 = jnp.ones((1, 4), jnp.float32)
    inf = float("inf")
    cs0 = cs0_ref[r]
    nch = nch_ref[r]

    def chunk(k, carry):
        cs = pl.multiple_of(cs0 + k * CW, CW)
        xc = x_all[pl.ds(cs, CW), :]
        sc = jnp.dot(xc, swT[...], precision=PREC) + sb2[...]
        snc = lax.dot_general(ones14, sc * sc, (((1,), (1,)), ((), ())),
                              precision=jax.lax.Precision.HIGHEST)
        cross = lax.dot_general(s_row, sc, (((1,), (1,)), ((), ())),
                                precision=PREC)
        d = jnp.maximum((snr + snc) - 2.0 * cross, 0.0)
        bc = ball[0:1, pl.ds(cs, CW)]
        dm = jnp.where(bcol_v != bc, NEG, -d)
        colid = (lax.broadcasted_iota(jnp.int32, (1, CW), 1).astype(jnp.float32)
                 + cs.astype(jnp.float32))
        for t in range(KNN):
            m = jnp.max(dm, axis=1, keepdims=True)
            am = jnp.min(jnp.where(dm == m, colid, inf), axis=1,
                         keepdims=True)
            dm = jnp.where(colid == am, NEG, dm)
            tv[:, 8 + t:9 + t] = m
            ti[:, 8 + t:9 + t] = am
        cv = tv[...]
        ci = ti[...]
        for t in range(KNN):
            m = jnp.max(cv, axis=1, keepdims=True)
            am = jnp.min(jnp.where(cv == m, ci, inf), axis=1, keepdims=True)
            cv = jnp.where(ci == am, NEG, cv)
            tv[:, t:t + 1] = m
            ti[:, t:t + 1] = am
        return carry

    lax.fori_loop(0, nch, chunk, 0)
    res_v = tv[:, 0:KNN]
    res_i = ti[:, 0:KNN]
    w_o[...] = jnp.exp(10.0 * res_v)
    idx_o[...] = jnp.where(res_v == NEG, 0.0, res_i).astype(jnp.int32)


def _head_body(agg, xo1, o2wmT, o2wxT, o2b2, w1T, b12, w2T, b22,
               w3T, b32, out_o):
    a = agg[...]
    mean = a[:, 0:DM] * (1.0 / KNN)
    mx = a[:, DM:2 * DM]
    emb = (xo1[...] + jnp.dot(mean, o2wmT[...], precision=PREC)
           + jnp.dot(mx, o2wxT[...], precision=PREC) + o2b2[...])
    h1 = jnp.dot(emb, w1T[...], precision=PREC) + b12[...]
    h1 = jnp.where(h1 > 0, h1, jnp.exp(h1) - 1.0)
    h2 = jnp.dot(h1, w2T[...], precision=PREC) + b22[...]
    h2 = jnp.where(h2 > 0, h2, jnp.exp(h2) - 1.0)
    out_o[...] = jnp.dot(h2, w3T[...], precision=PREC) + b32[...]


_SC_B = 81920
_SC_BPW = _SC_B // 32
_SC_CH = 320
_SC_NCH = _SC_BPW // _SC_CH
_SC_NPW = _SC_BPW // KNN
_SC_CHN = _SC_CH // KNN
NAGG = 10240
SCL = 16


def _sc_combine_body(table_hbm, idx_hbm, w_hbm, out_hbm, idx_v, w_v,
                     rows_v0, rows_v1, out_v0, out_v1, sem0, sem1):
    wid = lax.axis_index("s") * 2 + lax.axis_index("c")
    base = wid * _SC_BPW
    nbase = wid * _SC_NPW
    pltpu.sync_copy(idx_hbm.at[pl.ds(base, _SC_BPW)], idx_v)
    pltpu.sync_copy(w_hbm.at[pl.ds(base, _SC_BPW)], w_v)
    ninf = jnp.full((SCL,), float("-inf"), jnp.float32)
    bufs = ((rows_v0, out_v0, sem0), (rows_v1, out_v1, sem1))
    pending = [None, None]
    pending[0] = pltpu.async_copy(
        table_hbm.at[idx_v.at[pl.ds(0, _SC_CH)]], rows_v0, sem0)
    for c in range(_SC_NCH):
        rows_v, out_v, _ = bufs[c % 2]
        off = c * _SC_CH
        pending[c % 2].wait()
        if c + 1 < _SC_NCH:
            nrows, _, nsem = bufs[(c + 1) % 2]
            pending[(c + 1) % 2] = pltpu.async_copy(
                table_hbm.at[idx_v.at[pl.ds(off + _SC_CH, _SC_CH)]],
                nrows, nsem)

        @pl.loop(0, _SC_CHN)
        def _(n, off=off, rows_v=rows_v, out_v=out_v):
            acc0 = jnp.zeros((SCL,), jnp.float32)
            acc1 = jnp.zeros((SCL,), jnp.float32)
            m0 = ninf
            m1 = ninf
            for k in range(KNN):
                rk = n * KNN + k
                wv = plsc.load_gather(w_v, [jnp.full((SCL,), off + rk,
                                                     jnp.int32)])
                t0 = wv * rows_v[rk, pl.ds(0, SCL)]
                t1 = wv * rows_v[rk, pl.ds(SCL, SCL)]
                acc0 = acc0 + t0
                acc1 = acc1 + t1
                m0 = jnp.maximum(m0, t0)
                m1 = jnp.maximum(m1, t1)
            out_v[n, pl.ds(0, SCL)] = acc0
            out_v[n, pl.ds(SCL, SCL)] = acc1
            out_v[n, pl.ds(2 * SCL, SCL)] = m0
            out_v[n, pl.ds(3 * SCL, SCL)] = m1

        pltpu.sync_copy(out_v, out_hbm.at[pl.ds(nbase + c * _SC_CHN,
                                                _SC_CHN)])


def _sc_combine(table, idx_flat, w_flat):
    mesh = plsc.VectorSubcoreMesh(core_axis_name="c", subcore_axis_name="s")
    cp = pltpu.CompilerParams()
    if "needs_layout_passes" in pltpu.CompilerParams.__dataclass_fields__:
        cp = dataclasses.replace(cp, needs_layout_passes=False)
    gk = pl.kernel(
        _sc_combine_body,
        mesh=mesh,
        compiler_params=cp,
        out_type=jax.ShapeDtypeStruct((NAGG, DH), jnp.float32),
        scratch_types=[
            pltpu.VMEM((_SC_BPW,), jnp.int32),
            pltpu.VMEM((_SC_BPW,), jnp.float32),
            pltpu.VMEM((_SC_CH, DH), jnp.float32),
            pltpu.VMEM((_SC_CH, DH), jnp.float32),
            pltpu.VMEM((_SC_CHN, DH), jnp.float32),
            pltpu.VMEM((_SC_CHN, DH), jnp.float32),
            pltpu.SemaphoreType.DMA,
            pltpu.SemaphoreType.DMA,
        ],
    )
    return gk(table, idx_flat, w_flat)


def kernel(x, batch, c0_sw, c0_sb, c0_hw, c0_hb, c0_o1w, c0_o2w, c0_o2b,
           c1_sw, c1_sb, c1_hw, c1_hb, c1_o1w, c1_o2w, c1_o2b,
           w1, b1, w2, b2, w3, b3):
    f32 = jnp.float32
    batch = batch.astype(jnp.int32)
    x_pad = jnp.zeros((NPAD, 34), f32).at[:N].set(x)
    ball = jnp.full((1, NPAD), -1, jnp.int32).at[0, :N].set(batch)
    bcol = batch[:, None]
    starts = jnp.searchsorted(batch, jnp.arange(33, dtype=jnp.int32)
                              ).astype(jnp.int32)
    b2d = batch.reshape(NB, RB)
    lo = starts[b2d[:, 0]]
    hi = starts[b2d[:, -1] + 1]
    cs0 = (lo // CW) * CW
    nch = (hi - cs0 + CW - 1) // CW

    swT = c1_sw.T
    sb2 = c1_sb[None, :]
    hwTp = jnp.zeros((34, DH), f32).at[:, :22].set(c1_hw.T)
    hb2 = jnp.zeros((1, DH), f32).at[0, :22].set(c1_hb)
    o1wT = c1_o1w.T
    o2wmT = jnp.zeros((DM, 34), f32).at[:22].set(c1_o2w[:, :22].T)
    o2wxT = jnp.zeros((DM, 34), f32).at[:22].set(c1_o2w[:, 22:].T)

    grid_spec = pltpu.PrefetchScalarGridSpec(
        num_scalar_prefetch=2,
        grid=(NB,),
        in_specs=[
            pl.BlockSpec((RB, 34), lambda r, *_: (r, 0)),
            pl.BlockSpec((NPAD, 34), lambda r, *_: (0, 0)),
            pl.BlockSpec((RB, 1), lambda r, *_: (r, 0)),
            pl.BlockSpec((1, NPAD), lambda r, *_: (0, 0)),
            pl.BlockSpec((34, 4), lambda r, *_: (0, 0)),
            pl.BlockSpec((1, 4), lambda r, *_: (0, 0)),
            pl.BlockSpec((34, DH), lambda r, *_: (0, 0)),
            pl.BlockSpec((1, DH), lambda r, *_: (0, 0)),
            pl.BlockSpec((34, 34), lambda r, *_: (0, 0)),
        ],
        out_specs=[
            pl.BlockSpec((RB, KNN), lambda r, *_: (r, 0)),
            pl.BlockSpec((RB, KNN), lambda r, *_: (r, 0)),
            pl.BlockSpec((RB, DH), lambda r, *_: (r, 0)),
            pl.BlockSpec((RB, 34), lambda r, *_: (r, 0)),
        ],
        scratch_shapes=[
            pltpu.VMEM((RB, 16), f32),
            pltpu.VMEM((RB, 16), f32),
        ],
    )
    wout, idx, h_tab, xo1 = pl.pallas_call(
        _topk_body,
        grid_spec=grid_spec,
        out_shape=[
            jax.ShapeDtypeStruct((N, KNN), f32),
            jax.ShapeDtypeStruct((N, KNN), jnp.int32),
            jax.ShapeDtypeStruct((N, DH), f32),
            jax.ShapeDtypeStruct((N, 34), f32),
        ],
    )(cs0, nch, x, x_pad, bcol, ball, swT, sb2, hwTp, hb2, o1wT)

    idx_flat = jnp.zeros((_SC_B,), jnp.int32).at[:N * KNN].set(
        idx.reshape(N * KNN))
    w_flat = jnp.zeros((_SC_B,), f32).at[:N * KNN].set(
        wout.reshape(N * KNN))
    agg = _sc_combine(h_tab, idx_flat, w_flat)

    out = pl.pallas_call(
        _head_body,
        grid=(NB,),
        in_specs=[
            pl.BlockSpec((RB, DH), lambda r: (r, 0)),
            pl.BlockSpec((RB, 34), lambda r: (r, 0)),
            pl.BlockSpec((DM, 34), lambda r: (0, 0)),
            pl.BlockSpec((DM, 34), lambda r: (0, 0)),
            pl.BlockSpec((1, 34), lambda r: (0, 0)),
            pl.BlockSpec((34, 126), lambda r: (0, 0)),
            pl.BlockSpec((1, 126), lambda r: (0, 0)),
            pl.BlockSpec((126, 126), lambda r: (0, 0)),
            pl.BlockSpec((1, 126), lambda r: (0, 0)),
            pl.BlockSpec((126, 6), lambda r: (0, 0)),
            pl.BlockSpec((1, 6), lambda r: (0, 0)),
        ],
        out_specs=pl.BlockSpec((RB, 6), lambda r: (r, 0)),
        out_shape=jax.ShapeDtypeStruct((N, 6), f32),
    )(agg, xo1, o2wmT, o2wxT,
      c1_o2b[None, :], w1.T, b1[None, :], w2.T, b2[None, :],
      w3.T, b3[None, :])
    return out

# --- scband reference (transcript-rebuilt; emitter-appended) ---
"""Pipeline reference for scband-mlpf-85830626443407 (READ-ONLY COPY).

The authoritative reference and input builder live on the scoring server;
editing this copy changes nothing except your own understanding.
"""

import jax, jax.numpy as jnp
import numpy as np

NUM_CLASSES = 6
K = 8
N_NODES = 10000
IN_DIM = 34
WIDTH = 126
SPACE_DIM = 4
PROP_DIM = 22
N_GRAPHS = 32


def _gravnet(x, batch, sw, sb, hw, hb, o1w, o2w, o2b):
    # learned coordinate space and propagated features
    s = x @ sw.T + sb            # [N, 4]
    h = x @ hw.T + hb            # [N, 22]
    sn = jnp.sum(s * s, axis=1)
    d = sn[:, None] + sn[None, :] - 2.0 * (s @ s.T)   # squared distances [N, N]
    d = jnp.maximum(d, 0.0)
    mask = batch[:, None] != batch[None, :]
    d = jnp.where(mask, jnp.inf, d)
    neg_d, idx = jax.lax.top_k(-d, K)                 # k nearest (incl. self)
    w = jnp.exp(10.0 * neg_d)                         # exp(-10 * dist^2)
    msg = h[idx] * w[:, :, None]                      # gather + weight [N, K, 22]
    agg = jnp.concatenate([jnp.mean(msg, axis=1), jnp.max(msg, axis=1)], axis=-1)  # [N, 44]
    return x @ o1w.T + agg @ o2w.T + o2b


def setup_inputs(seed: int = 0):
    key = jax.random.key(seed)
    ks = jax.random.split(key, 40)
    inp = {}
    inp['x'] = jax.random.normal(ks[0], (N_NODES, IN_DIM), dtype=jnp.float32)
    inp['batch'] = jnp.sort(jax.random.randint(ks[1], (N_NODES,), 0, N_GRAPHS, dtype=jnp.int32))
    i = 2
    for c in range(2):
        inp['c%d_sw' % c] = 0.1 * jax.random.normal(ks[i], (SPACE_DIM, IN_DIM), dtype=jnp.float32); i += 1
        inp['c%d_sb' % c] = jnp.zeros((SPACE_DIM,), dtype=jnp.float32)
        inp['c%d_hw' % c] = 0.1 * jax.random.normal(ks[i], (PROP_DIM, IN_DIM), dtype=jnp.float32); i += 1
        inp['c%d_hb' % c] = jnp.zeros((PROP_DIM,), dtype=jnp.float32)
        inp['c%d_o1w' % c] = 0.1 * jax.random.normal(ks[i], (IN_DIM, IN_DIM), dtype=jnp.float32); i += 1
        inp['c%d_o2w' % c] = 0.1 * jax.random.normal(ks[i], (IN_DIM, 2 * PROP_DIM), dtype=jnp.float32); i += 1
        inp['c%d_o2b' % c] = jnp.zeros((IN_DIM,), dtype=jnp.float32)
    inp['w1'] = 0.1 * jax.random.normal(ks[i], (WIDTH, IN_DIM), dtype=jnp.float32); i += 1
    inp['b1'] = jnp.zeros((WIDTH,), dtype=jnp.float32)
    inp['w2'] = 0.1 * jax.random.normal(ks[i], (WIDTH, WIDTH), dtype=jnp.float32); i += 1
    inp['b2'] = jnp.zeros((WIDTH,), dtype=jnp.float32)
    inp['w3'] = 0.1 * jax.random.normal(ks[i], (NUM_CLASSES, WIDTH), dtype=jnp.float32); i += 1
    inp['b3'] = jnp.zeros((NUM_CLASSES,), dtype=jnp.float32)
    return inp


def reference(x, batch, c0_sw, c0_sb, c0_hw, c0_hb, c0_o1w, c0_o2w, c0_o2b,
              c1_sw, c1_sb, c1_hw, c1_hb, c1_o1w, c1_o2w, c1_o2b,
              w1, b1, w2, b2, w3, b3):
    convs = [(c0_sw, c0_sb, c0_hw, c0_hb, c0_o1w, c0_o2w, c0_o2b),
             (c1_sw, c1_sb, c1_hw, c1_hb, c1_o1w, c1_o2w, c1_o2b)]
    embedding = None
    # Faithful to the original code: each conv is applied to the RAW input x
    # (the original loop does not chain conv outputs), so only the last conv's
    # embedding reaches the MLP head.
    for (sw, sb, hw, hb, o1w, o2w, o2b) in convs:
        embedding = _gravnet(x, batch, sw, sb, hw, hb, o1w, o2w, o2b)
    h = jax.nn.elu(embedding @ w1.T + b1)
    h = jax.nn.elu(h @ w2.T + b2)
    return h @ w3.T + b3

if __name__ == "__main__":
    import jax
    _d = setup_inputs()
    print(jax.jit(kernel)(*tuple(_d.values())))

</pallas_src>

<mosaic_0001>
#map = affine_map<(d0, d1) -> (0, 0)>
#map1 = affine_map<(d0, d1) -> (0)>
module attributes {stable_mosaic.version = 14 : i64} {
  func.func @_sc_combine_body(%arg0: i32, %arg1: i32, %arg2: memref<10000x128xf32, #tpu.memory_space<hbm>>, %arg3: memref<81920xi32, #tpu.memory_space<hbm>>, %arg4: memref<81920xf32, #tpu.memory_space<hbm>>, %arg5: memref<10240x128xf32, #tpu.memory_space<hbm>>, %arg6: memref<2560xi32, #tpu.memory_space<vmem>>, %arg7: memref<2560xf32, #tpu.memory_space<vmem>>, %arg8: memref<320x128xf32, #tpu.memory_space<vmem>>, %arg9: memref<320x128xf32, #tpu.memory_space<vmem>>, %arg10: memref<40x128xf32, #tpu.memory_space<vmem>>, %arg11: memref<40x128xf32, #tpu.memory_space<vmem>>, %arg12: memref<!tpu.dma_semaphore, #tpu.memory_space<semaphore_mem>>, %arg13: memref<!tpu.dma_semaphore, #tpu.memory_space<semaphore_mem>>) attributes {dimension_semantics = [#tpu.dimension_semantics<core_parallel>, #tpu.dimension_semantics<subcore_parallel>], iteration_bounds = array<i64: 2, 16>, scalar_prefetch = 0 : i64, scratch_operands = 8 : i64, tpu.core_type = #tpu.core_type<sc_vector_subcore>, window_params = [{transform_indices = #map}, {transform_indices = #map1}, {transform_indices = #map1}, {transform_indices = #map}]} {
    %mul3A = arith.constant 2 : i32
    %mul3A_0 = arith.muli %arg1, %mul3A : i32
    %add3A = arith.addi %mul3A_0, %arg0 : i32
    %mul3A_1 = arith.constant 2560 : i32
    %mul3A_2 = arith.muli %add3A, %mul3A_1 : i32
    %mul3A_3 = arith.constant 320 : i32
    %mul3A_4 = arith.muli %add3A, %mul3A_3 : i32
    "tpu.region"() ({
      %run_scoped3A = tpu.sem_alloc : memref<!tpu.dma_semaphore, #tpu.memory_space<semaphore_mem>>
      %dma_start3A_139 = tpu.memref_slice %arg3[%mul3A_2] : memref<81920xi32, #tpu.memory_space<hbm>> -> memref<2560xi32, #tpu.memory_space<hbm>>
      %dma_start3A_140 = tpu.memref_slice %arg3[%mul3A_2] : memref<81920xi32, #tpu.memory_space<hbm>> -> memref<2560xi32, #tpu.memory_space<hbm>>
      tpu.enqueue_dma source(%dma_start3A_140 : memref<2560xi32, #tpu.memory_space<hbm>>) target(%arg6 : memref<2560xi32, #tpu.memory_space<vmem>>) target_semaphore(%run_scoped3A : memref<!tpu.dma_semaphore, #tpu.memory_space<semaphore_mem>>)
      %dma_wait3A_141 = tpu.memref_slice %arg3[%mul3A_2] : memref<81920xi32, #tpu.memory_space<hbm>> -> memref<2560xi32, #tpu.memory_space<hbm>>
      %dma_wait3A_142 = tpu.memref_slice %arg3[%mul3A_2] : memref<81920xi32, #tpu.memory_space<hbm>> -> memref<2560xi32, #tpu.memory_space<hbm>>
      tpu.wait_dma2 semaphore(%run_scoped3A : memref<!tpu.dma_semaphore, #tpu.memory_space<semaphore_mem>>) src(%dma_wait3A_142 : memref<2560xi32, #tpu.memory_space<hbm>>) dst(%arg6 : memref<2560xi32, #tpu.memory_space<vmem>>)
      tpu.yield
    }) : () -> ()
    "tpu.region"() ({
      %run_scoped3A = tpu.sem_alloc : memref<!tpu.dma_semaphore, #tpu.memory_space<semaphore_mem>>
      %dma_start3A_139 = tpu.memref_slice %arg4[%mul3A_2] : memref<81920xf32, #tpu.memory_space<hbm>> -> memref<2560xf32, #tpu.memory_space<hbm>>
      %dma_start3A_140 = tpu.memref_slice %arg4[%mul3A_2] : memref<81920xf32, #tpu.memory_space<hbm>> -> memref<2560xf32, #tpu.memory_space<hbm>>
      tpu.enqueue_dma source(%dma_start3A_140 : memref<2560xf32, #tpu.memory_space<hbm>>) target(%arg7 : memref<2560xf32, #tpu.memory_space<vmem>>) target_semaphore(%run_scoped3A : memref<!tpu.dma_semaphore, #tpu.memory_space<semaphore_mem>>)
      %dma_wait3A_141 = tpu.memref_slice %arg4[%mul3A_2] : memref<81920xf32, #tpu.memory_space<hbm>> -> memref<2560xf32, #tpu.memory_space<hbm>>
      %dma_wait3A_142 = tpu.memref_slice %arg4[%mul3A_2] : memref<81920xf32, #tpu.memory_space<hbm>> -> memref<2560xf32, #tpu.memory_space<hbm>>
      tpu.wait_dma2 semaphore(%run_scoped3A : memref<!tpu.dma_semaphore, #tpu.memory_space<semaphore_mem>>) src(%dma_wait3A_142 : memref<2560xf32, #tpu.memory_space<hbm>>) dst(%arg7 : memref<2560xf32, #tpu.memory_space<vmem>>)
      tpu.yield
    }) : () -> ()
    %broadcast_in_dim3A = arith.constant 0xFF800000 : f32
    %broadcast_in_dim3A_5 = vector.broadcast %broadcast_in_dim3A : f32 to vector<16xf32>
    %dma_start3A = arith.constant 0 : i32
    %dma_start3A_6 = tpu.memref_slice %arg6[%dma_start3A] : memref<2560xi32, #tpu.memory_space<vmem>> -> memref<320xi32, #tpu.memory_space<vmem>>
    %dma_start3A_7 = arith.constant 0 : i32
    %dma_start3A_8 = arith.constant 0 : i32
    %dma_start3A_9 = tpu.memref_slice %arg2[%dma_start3A_7, %dma_start3A_8] : memref<10000x128xf32, #tpu.memory_space<hbm>> -> memref<10000x128xf32, #tpu.memory_space<hbm>>
    tpu.enqueue_indirect_dma source(%dma_start3A_9 : memref<10000x128xf32, #tpu.memory_space<hbm>>) target(%arg8 : memref<320x128xf32, #tpu.memory_space<vmem>>) offsets(%dma_start3A_6 : memref<320xi32, #tpu.memory_space<vmem>>) semaphore(%arg12 : memref<!tpu.dma_semaphore, #tpu.memory_space<semaphore_mem>>)
    %dma_wait3A = arith.constant 0 : i32
    %dma_wait3A_10 = tpu.memref_slice %arg6[%dma_wait3A] : memref<2560xi32, #tpu.memory_space<vmem>> -> memref<320xi32, #tpu.memory_space<vmem>>
    %dma_wait3A_11 = arith.constant 0 : i32
    %dma_wait3A_12 = arith.constant 0 : i32
    %dma_wait3A_13 = tpu.memref_slice %arg2[%dma_wait3A_11, %dma_wait3A_12] : memref<10000x128xf32, #tpu.memory_space<hbm>> -> memref<10000x128xf32, #tpu.memory_space<hbm>>
    tpu.wait_indirect_dma semaphore(%arg12 : memref<!tpu.dma_semaphore, #tpu.memory_space<semaphore_mem>>) src(%dma_wait3A_13 : memref<10000x128xf32, #tpu.memory_space<hbm>>) dst(%arg8 : memref<320x128xf32, #tpu.memory_space<vmem>>)
    %dma_start3A_14 = arith.constant 320 : i32
    %dma_start3A_15 = tpu.memref_slice %arg6[%dma_start3A_14] : memref<2560xi32, #tpu.memory_space<vmem>> -> memref<320xi32, #tpu.memory_space<vmem>>
    %dma_start3A_16 = arith.constant 0 : i32
    %dma_start3A_17 = arith.constant 0 : i32
    %dma_start3A_18 = tpu.memref_slice %arg2[%dma_start3A_16, %dma_start3A_17] : memref<10000x128xf32, #tpu.memory_space<hbm>> -> memref<10000x128xf32, #tpu.memory_space<hbm>>
    tpu.enqueue_indirect_dma source(%dma_start3A_18 : memref<10000x128xf32, #tpu.memory_space<hbm>>) target(%arg9 : memref<320x128xf32, #tpu.memory_space<vmem>>) offsets(%dma_start3A_15 : memref<320xi32, #tpu.memory_space<vmem>>) semaphore(%arg13 : memref<!tpu.dma_semaphore, #tpu.memory_space<semaphore_mem>>)
    %scan3A = arith.constant 0 : i32
    %scan3A_19 = arith.constant 40 : i32
    %scan3A_20 = arith.addi %scan3A, %scan3A_19 : i32
    %scan3A_21 = arith.constant 1 : i32
    scf.for %scan3A_139 = %scan3A to %scan3A_20 step %scan3A_21  : i32 {
      %mul3A_140 = arith.constant 1 : i32
      %mul3A_141 = arith.muli %scan3A_139, %mul3A_140 : i32
      %add3A_142 = arith.constant 0 : i32
      %add3A_143 = arith.addi %add3A_142, %mul3A_141 : i32
      %broadcast_in_dim3A_144 = arith.constant 0.000000e+00 : f32
      %broadcast_in_dim3A_145 = vector.broadcast %broadcast_in_dim3A_144 : f32 to vector<16xf32>
      %broadcast_in_dim3A_146 = arith.constant 0.000000e+00 : f32
      %broadcast_in_dim3A_147 = vector.broadcast %broadcast_in_dim3A_146 : f32 to vector<16xf32>
      %mul3A_148 = arith.constant 8 : i32
      %mul3A_149 = arith.muli %add3A_143, %mul3A_148 : i32
      %add3A_150 = arith.constant 0 : i32
      %add3A_151 = arith.addi %mul3A_149, %add3A_150 : i32
      %add3A_152 = arith.constant 0 : i32
      %add3A_153 = arith.addi %add3A_152, %add3A_151 : i32
      %broadcast_in_dim3A_154 = vector.broadcast %add3A_153 : i32 to vector<16xi32>
      %gather3A = tpu.vector_load_idx %arg7[%broadcast_in_dim3A_154] : memref<2560xf32, #tpu.memory_space<vmem>>[vector<16xi32>], vector<16xf32>,
      %get3A = arith.index_cast %add3A_151 : i32 to index
      %get3A_155 = arith.constant 0 : index
      %get3A_156 = tpu.vector_load %arg8[%get3A, %get3A_155] {strides = array<i32>} : memref<320x128xf32, #tpu.memory_space<vmem>>, vector<16xf32>,
      %mul3A_157 = arith.mulf %gather3A, %get3A_156 : vector<16xf32>
      %get3A_158 = arith.index_cast %add3A_151 : i32 to index
      %get3A_159 = arith.constant 16 : index
      %get3A_160 = tpu.vector_load %arg8[%get3A_158, %get3A_159] {strides = array<i32>} : memref<320x128xf32, #tpu.memory_space<vmem>>, vector<16xf32>,
      %mul3A_161 = arith.mulf %gather3A, %get3A_160 : vector<16xf32>
      %add3A_162 = arith.addf %broadcast_in_dim3A_145, %mul3A_157 : vector<16xf32>
      %add3A_163 = arith.addf %broadcast_in_dim3A_147, %mul3A_161 : vector<16xf32>
      %max3A = arith.maximumf %broadcast_in_dim3A_5, %mul3A_157 : vector<16xf32>
      %max3A_164 = arith.maximumf %broadcast_in_dim3A_5, %mul3A_161 : vector<16xf32>
      %mul3A_165 = arith.constant 8 : i32
      %mul3A_166 = arith.muli %add3A_143, %mul3A_165 : i32
      %add3A_167 = arith.constant 1 : i32
      %add3A_168 = arith.addi %mul3A_166, %add3A_167 : i32
      %add3A_169 = arith.constant 0 : i32
      %add3A_170 = arith.addi %add3A_169, %add3A_168 : i32
      %broadcast_in_dim3A_171 = vector.broadcast %add3A_170 : i32 to vector<16xi32>
      %gather3A_172 = tpu.vector_load_idx %arg7[%broadcast_in_dim3A_171] : memref<2560xf32, #tpu.memory_space<vmem>>[vector<16xi32>], vector<16xf32>,
      %get3A_173 = arith.index_cast %add3A_168 : i32 to index
      %get3A_174 = arith.constant 0 : index
      %get3A_175 = tpu.vector_load %arg8[%get3A_173, %get3A_174] {strides = array<i32>} : memref<320x128xf32, #tpu.memory_space<vmem>>, vector<16xf32>,
      %mul3A_176 = arith.mulf %gather3A_172, %get3A_175 : vector<16xf32>
      %get3A_177 = arith.index_cast %add3A_168 : i32 to index
      %get3A_178 = arith.constant 16 : index
      %get3A_179 = tpu.vector_load %arg8[%get3A_177, %get3A_178] {strides = array<i32>} : memref<320x128xf32, #tpu.memory_space<vmem>>, vector<16xf32>,
      %mul3A_180 = arith.mulf %gather3A_172, %get3A_179 : vector<16xf32>
      %add3A_181 = arith.addf %add3A_162, %mul3A_176 : vector<16xf32>
      %add3A_182 = arith.addf %add3A_163, %mul3A_180 : vector<16xf32>
      %max3A_183 = arith.maximumf %max3A, %mul3A_176 : vector<16xf32>
      %max3A_184 = arith.maximumf %max3A_164, %mul3A_180 : vector<16xf32>
      %mul3A_185 = arith.constant 8 : i32
      %mul3A_186 = arith.muli %add3A_143, %mul3A_185 : i32
      %add3A_187 = arith.constant 2 : i32
      %add3A_188 = arith.addi %mul3A_186, %add3A_187 : i32
      %add3A_189 = arith.constant 0 : i32
      %add3A_190 = arith.addi %add3A_189, %add3A_188 : i32
      %broadcast_in_dim3A_191 = vector.broadcast %add3A_190 : i32 to vector<16xi32>
      %gather3A_192 = tpu.vector_load_idx %arg7[%broadcast_in_dim3A_191] : memref<2560xf32, #tpu.memory_space<vmem>>[vector<16xi32>], vector<16xf32>,
      %get3A_193 = arith.index_cast %add3A_188 : i32 to index
      %get3A_194 = arith.constant 0 : index
      %get3A_195 = tpu.vector_load %arg8[%get3A_193, %get3A_194] {strides = array<i32>} : memref<320x128xf32, #tpu.memory_space<vmem>>, vector<16xf32>,
      %mul3A_196 = arith.mulf %gather3A_192, %get3A_195 : vector<16xf32>
      %get3A_197 = arith.index_cast %add3A_188 : i32 to index
      %get3A_198 = arith.constant 16 : index
      %get3A_199 = tpu.vector_load %arg8[%get3A_197, %get3A_198] {strides = array<i32>} : memref<320x128xf32, #tpu.memory_space<vmem>>, vector<16xf32>,
      %mul3A_200 = arith.mulf %gather3A_192, %get3A_199 : vector<16xf32>
      %add3A_201 = arith.addf %add3A_181, %mul3A_196 : vector<16xf32>
      %add3A_202 = arith.addf %add3A_182, %mul3A_200 : vector<16xf32>
      %max3A_203 = arith.maximumf %max3A_183, %mul3A_196 : vector<16xf32>
      %max3A_204 = arith.maximumf %max3A_184, %mul3A_200 : vector<16xf32>
      %mul3A_205 = arith.constant 8 : i32
      %mul3A_206 = arith.muli %add3A_143, %mul3A_205 : i32
      %add3A_207 = arith.constant 3 : i32
      %add3A_208 = arith.addi %mul3A_206, %add3A_207 : i32
      %add3A_209 = arith.constant 0 : i32
      %add3A_210 = arith.addi %add3A_209, %add3A_208 : i32
      %broadcast_in_dim3A_211 = vector.broadcast %add3A_210 : i32 to vector<16xi32>
      %gather3A_212 = tpu.vector_load_idx %arg7[%broadcast_in_dim3A_211] : memref<2560xf32, #tpu.memory_space<vmem>>[vector<16xi32>], vector<16xf32>,
      %get3A_213 = arith.index_cast %add3A_208 : i32 to index
      %get3A_214 = arith.constant 0 : index
      %get3A_215 = tpu.vector_load %arg8[%get3A_213, %get3A_214] {strides = array<i32>} : memref<320x128xf32, #tpu.memory_space<vmem>>, vector<16xf32>,
      %mul3A_216 = arith.mulf %gather3A_212, %get3A_215 : vector<16xf32>
      %get3A_217 = arith.index_cast %add3A_208 : i32 to index
      %get3A_218 = arith.constant 16 : index
      %get3A_219 = tpu.vector_load %arg8[%get3A_217, %get3A_218] {strides = array<i32>} : memref<320x128xf32, #tpu.memory_space<vmem>>, vector<16xf32>,
      %mul3A_220 = arith.mulf %gather3A_212, %get3A_219 : vector<16xf32>
      %add3A_221 = arith.addf %add3A_201, %mul3A_216 : vector<16xf32>
      %add3A_222 = arith.addf %add3A_202, %mul3A_220 : vector<16xf32>
      %max3A_223 = arith.maximumf %max3A_203, %mul3A_216 : vector<16xf32>
      %max3A_224 = arith.maximumf %max3A_204, %mul3A_220 : vector<16xf32>
      %mul3A_225 = arith.constant 8 : i32
      %mul3A_226 = arith.muli %add3A_143, %mul3A_225 : i32
      %add3A_227 = arith.constant 4 : i32
      %add3A_228 = arith.addi %mul3A_226, %add3A_227 : i32
      %add3A_229 = arith.constant 0 : i32
      %add3A_230 = arith.addi %add3A_229, %add3A_228 : i32
      %broadcast_in_dim3A_231 = vector.broadcast %add3A_230 : i32 to vector<16xi32>
      %gather3A_232 = tpu.vector_load_idx %arg7[%broadcast_in_dim3A_231] : memref<2560xf32, #tpu.memory_space<vmem>>[vector<16xi32>], vector<16xf32>,
      %get3A_233 = arith.index_cast %add3A_228 : i32 to index
      %get3A_234 = arith.constant 0 : index
      %get3A_235 = tpu.vector_load %arg8[%get3A_233, %get3A_234] {strides = array<i32>} : memref<320x128xf32, #tpu.memory_space<vmem>>, vector<16xf32>,
      %mul3A_236 = arith.mulf %gather3A_232, %get3A_235 : vector<16xf32>
      %get3A_237 = arith.index_cast %add3A_228 : i32 to index
      %get3A_238 = arith.constant 16 : index
      %get3A_239 = tpu.vector_load %arg8[%get3A_237, %get3A_238] {strides = array<i32>} : memref<320x128xf32, #tpu.memory_space<vmem>>, vector<16xf32>,
      %mul3A_240 = arith.mulf %gather3A_232, %get3A_239 : vector<16xf32>
      %add3A_241 = arith.addf %add3A_221, %mul3A_236 : vector<16xf32>
      %add3A_242 = arith.addf %add3A_222, %mul3A_240 : vector<16xf32>
      %max3A_243 = arith.maximumf %max3A_223, %mul3A_236 : vector<16xf32>
      %max3A_244 = arith.maximumf %max3A_224, %mul3A_240 : vector<16xf32>
      %mul3A_245 = arith.constant 8 : i32
      %mul3A_246 = arith.muli %add3A_143, %mul3A_245 : i32
      %add3A_247 = arith.constant 5 : i32
      %add3A_248 = arith.addi %mul3A_246, %add3A_247 : i32
      %add3A_249 = arith.constant 0 : i32
      %add3A_250 = arith.addi %add3A_249, %add3A_248 : i32
      %broadcast_in_dim3A_251 = vector.broadcast %add3A_250 : i32 to vector<16xi32>
      %gather3A_252 = tpu.vector_load_idx %arg7[%broadcast_in_dim3A_251] : memref<2560xf32, #tpu.memory_space<vmem>>[vector<16xi32>], vector<16xf32>,
      %get3A_253 = arith.index_cast %add3A_248 : i32 to index
      %get3A_254 = arith.constant 0 : index
      %get3A_255 = tpu.vector_load %arg8[%get3A_253, %get3A_254] {strides = array<i32>} : memref<320x128xf32, #tpu.memory_space<vmem>>, vector<16xf32>,
      %mul3A_256 = arith.mulf %gather3A_252, %get3A_255 : vector<16xf32>
      %get3A_257 = arith.index_cast %add3A_248 : i32 to index
      %get3A_258 = arith.constant 16 : index
      %get3A_259 = tpu.vector_load %arg8[%get3A_257, %get3A_258] {strides = array<i32>} : memref<320x128xf32, #tpu.memory_space<vmem>>, vector<16xf32>,
      %mul3A_260 = arith.mulf %gather3A_252, %get3A_259 : vector<16xf32>
      %add3A_261 = arith.addf %add3A_241, %mul3A_256 : vector<16xf32>
      %add3A_262 = arith.addf %add3A_242, %mul3A_260 : vector<16xf32>
      %max3A_263 = arith.maximumf %max3A_243, %mul3A_256 : vector<16xf32>
      %max3A_264 = arith.maximumf %max3A_244, %mul3A_260 : vector<16xf32>
      %mul3A_265 = arith.constant 8 : i32
      %mul3A_266 = arith.muli %add3A_143, %mul3A_265 : i32
      %add3A_267 = arith.constant 6 : i32
      %add3A_268 = arith.addi %mul3A_266, %add3A_267 : i32
      %add3A_269 = arith.constant 0 : i32
      %add3A_270 = arith.addi %add3A_269, %add3A_268 : i32
      %broadcast_in_dim3A_271 = vector.broadcast %add3A_270 : i32 to vector<16xi32>
      %gather3A_272 = tpu.vector_load_idx %arg7[%broadcast_in_dim3A_271] : memref<2560xf32, #tpu.memory_space<vmem>>[vector<16xi32>], vector<16xf32>,
      %get3A_273 = arith.index_cast %add3A_268 : i32 to index
      %get3A_274 = arith.constant 0 : index
      %get3A_275 = tpu.vector_load %arg8[%get3A_273, %get3A_274] {strides = array<i32>} : memref<320x128xf32, #tpu.memory_space<vmem>>, vector<16xf32>,
      %mul3A_276 = arith.mulf %gather3A_272, %get3A_275 : vector<16xf32>
      %get3A_277 = arith.index_cast %add3A_268 : i32 to index
      %get3A_278 = arith.constant 16 : index
      %get3A_279 = tpu.vector_load %arg8[%get3A_277, %get3A_278] {strides = array<i32>} : memref<320x128xf32, #tpu.memory_space<vmem>>, vector<16xf32>,
      %mul3A_280 = arith.mulf %gather3A_272, %get3A_279 : vector<16xf32>
      %add3A_281 = arith.addf %add3A_261, %mul3A_276 : vector<16xf32>
      %add3A_282 = arith.addf %add3A_262, %mul3A_280 : vector<16xf32>
      %max3A_283 = arith.maximumf %max3A_263, %mul3A_276 : vector<16xf32>
      %max3A_284 = arith.maximumf %max3A_264, %mul3A_280 : vector<16xf32>
      %mul3A_285 = arith.constant 8 : i32
      %mul3A_286 = arith.muli %add3A_143, %mul3A_285 : i32
      %add3A_287 = arith.constant 7 : i32
      %add3A_288 = arith.addi %mul3A_286, %add3A_287 : i32
      %add3A_289 = arith.constant 0 : i32
      %add3A_290 = arith.addi %add3A_289, %add3A_288 : i32
      %broadcast_in_dim3A_291 = vector.broadcast %add3A_290 : i32 to vector<16xi32>
      %gather3A_292 = tpu.vector_load_idx %arg7[%broadcast_in_dim3A_291] : memref<2560xf32, #tpu.memory_space<vmem>>[vector<16xi32>], vector<16xf32>,
      %get3A_293 = arith.index_cast %add3A_288 : i32 to index
      %get3A_294 = arith.constant 0 : index
      %get3A_295 = tpu.vector_load %arg8[%get3A_293, %get3A_294] {strides = array<i32>} : memref<320x128xf32, #tpu.memory_space<vmem>>, vector<16xf32>,
      %mul3A_296 = arith.mulf %gather3A_292, %get3A_295 : vector<16xf32>
      %get3A_297 = arith.index_cast %add3A_288 : i32 to index
      %get3A_298 = arith.constant 16 : index
      %get3A_299 = tpu.vector_load %arg8[%get3A_297, %get3A_298] {strides = array<i32>} : memref<320x128xf32, #tpu.memory_space<vmem>>, vector<16xf32>,
      %mul3A_300 = arith.mulf %gather3A_292, %get3A_299 : vector<16xf32>
      %add3A_301 = arith.addf %add3A_281, %mul3A_296 : vector<16xf32>
      %add3A_302 = arith.addf %add3A_282, %mul3A_300 : vector<16xf32>
      %max3A_303 = arith.maximumf %max3A_283, %mul3A_296 : vector<16xf32>
      %max3A_304 = arith.maximumf %max3A_284, %mul3A_300 : vector<16xf32>
      %swap3A = arith.index_cast %add3A_143 : i32 to index
      %swap3A_305 = arith.constant 0 : index
      %swap3A_306 = tpu.vector_load %arg10[%swap3A, %swap3A_305] {strides = array<i32>} : memref<40x128xf32, #tpu.memory_space<vmem>>, vector<16xf32>,
      tpu.vector_store %arg10[%swap3A, %swap3A_305], %add3A_301 {strides = array<i32>} : memref<40x128xf32, #tpu.memory_space<vmem>>, vector<16xf32>,
      %swap3A_307 = arith.index_cast %add3A_143 : i32 to index
      %swap3A_308 = arith.constant 16 : index
      %swap3A_309 = tpu.vector_load %arg10[%swap3A_307, %swap3A_308] {strides = array<i32>} : memref<40x128xf32, #tpu.memory_space<vmem>>, vector<16xf32>,
      tpu.vector_store %arg10[%swap3A_307, %swap3A_308], %add3A_302 {strides = array<i32>} : memref<40x128xf32, #tpu.memory_space<vmem>>, vector<16xf32>,
      %swap3A_310 = arith.index_cast %add3A_143 : i32 to index
      %swap3A_311 = arith.constant 32 : index
      %swap3A_312 = tpu.vector_load %arg10[%swap3A_310, %swap3A_311] {strides = array<i32>} : memref<40x128xf32, #tpu.memory_space<vmem>>, vector<16xf32>,
      tpu.vector_store %arg10[%swap3A_310, %swap3A_311], %max3A_303 {strides = array<i32>} : memref<40x128xf32, #tpu.memory_space<vmem>>, vector<16xf32>,
      %swap3A_313 = arith.index_cast %add3A_143 : i32 to index
      %swap3A_314 = arith.constant 48 : index
      %swap3A_315 = tpu.vector_load %arg10[%swap3A_313, %swap3A_314] {strides = array<i32>} : memref<40x128xf32, #tpu.memory_space<vmem>>, vector<16xf32>,
      tpu.vector_store %arg10[%swap3A_313, %swap3A_314], %max3A_304 {strides = array<i32>} : memref<40x128xf32, #tpu.memory_space<vmem>>, vector<16xf32>,
    }
    %scan3A_22 = arith.constant 40 : i32
    %add3A_23 = arith.constant 0 : i32
    %add3A_24 = arith.addi %mul3A_4, %add3A_23 : i32
    "tpu.region"() ({
      %run_scoped3A = tpu.sem_alloc : memref<!tpu.dma_semaphore, #tpu.memory_space<semaphore_mem>>
      %dma_start3A_139 = arith.constant 0 : i32
      %dma_start3A_140 = tpu.memref_slice %arg5[%add3A_24, %dma_start3A_139] : memref<10240x128xf32, #tpu.memory_space<hbm>> -> memref<40x128xf32, #tpu.memory_space<hbm>>
      %dma_start3A_141 = arith.constant 0 : i32
      %dma_start3A_142 = tpu.memref_slice %arg5[%add3A_24, %dma_start3A_141] : memref<10240x128xf32, #tpu.memory_space<hbm>> -> memref<40x128xf32, #tpu.memory_space<hbm>>
      tpu.enqueue_dma source(%arg10 : memref<40x128xf32, #tpu.memory_space<vmem>>) target(%dma_start3A_142 : memref<40x128xf32, #tpu.memory_space<hbm>>) target_semaphore(%run_scoped3A : memref<!tpu.dma_semaphore, #tpu.memory_space<semaphore_mem>>)
      %dma_wait3A_143 = arith.constant 0 : i32
      %dma_wait3A_144 = tpu.memref_slice %arg5[%add3A_24, %dma_wait3A_143] : memref<10240x128xf32, #tpu.memory_space<hbm>> -> memref<40x128xf32, #tpu.memory_space<hbm>>
      %dma_wait3A_145 = arith.constant 0 : i32
      %dma_wait3A_146 = tpu.memref_slice %arg5[%add3A_24, %dma_wait3A_145] : memref<10240x128xf32, #tpu.memory_space<hbm>> -> memref<40x128xf32, #tpu.memory_space<hbm>>
      tpu.wait_dma2 semaphore(%run_scoped3A : memref<!tpu.dma_semaphore, #tpu.memory_space<semaphore_mem>>) src(%arg10 : memref<40x128xf32, #tpu.memory_space<vmem>>) dst(%dma_wait3A_146 : memref<40x128xf32, #tpu.memory_space<hbm>>)
      tpu.yield
    }) : () -> ()
    %dma_wait3A_25 = arith.constant 320 : i32
    %dma_wait3A_26 = tpu.memref_slice %arg6[%dma_wait3A_25] : memref<2560xi32, #tpu.memory_space<vmem>> -> memref<320xi32, #tpu.memory_space<vmem>>
    %dma_wait3A_27 = arith.constant 0 : i32
    %dma_wait3A_28 = arith.constant 0 : i32
    %dma_wait3A_29 = tpu.memref_slice %arg2[%dma_wait3A_27, %dma_wait3A_28] : memref<10000x128xf32, #tpu.memory_space<hbm>> -> memref<10000x128xf32, #tpu.memory_space<hbm>>
    tpu.wait_indirect_dma semaphore(%arg13 : memref<!tpu.dma_semaphore, #tpu.memory_space<semaphore_mem>>) src(%dma_wait3A_29 : memref<10000x128xf32, #tpu.memory_space<hbm>>) dst(%arg9 : memref<320x128xf32, #tpu.memory_space<vmem>>)
    %dma_start3A_30 = arith.constant 640 : i32
    %dma_start3A_31 = tpu.memref_slice %arg6[%dma_start3A_30] : memref<2560xi32, #tpu.memory_space<vmem>> -> memref<320xi32, #tpu.memory_space<vmem>>
    %dma_start3A_32 = arith.constant 0 : i32
    %dma_start3A_33 = arith.constant 0 : i32
    %dma_start3A_34 = tpu.memref_slice %arg2[%dma_start3A_32, %dma_start3A_33] : memref<10000x128xf32, #tpu.memory_space<hbm>> -> memref<10000x128xf32, #tpu.memory_space<hbm>>
    tpu.enqueue_indirect_dma source(%dma_start3A_34 : memref<10000x128xf32, #tpu.memory_space<hbm>>) target(%arg8 : memref<320x128xf32, #tpu.memory_space<vmem>>) offsets(%dma_start3A_31 : memref<320xi32, #tpu.memory_space<vmem>>) semaphore(%arg12 : memref<!tpu.dma_semaphore, #tpu.memory_space<semaphore_mem>>)
    %scan3A_35 = arith.constant 0 : i32
    %scan3A_36 = arith.constant 40 : i32
    %scan3A_37 = arith.addi %scan3A_35, %scan3A_36 : i32
    %scan3A_38 = arith.constant 1 : i32
    scf.for %scan3A_139 = %scan3A_35 to %scan3A_37 step %scan3A_38  : i32 {
      %mul3A_140 = arith.constant 1 : i32
      %mul3A_141 = arith.muli %scan3A_139, %mul3A_140 : i32
      %add3A_142 = arith.constant 0 : i32
      %add3A_143 = arith.addi %add3A_142, %mul3A_141 : i32
      %broadcast_in_dim3A_144 = arith.constant 0.000000e+00 : f32
      %broadcast_in_dim3A_145 = vector.broadcast %broadcast_in_dim3A_144 : f32 to vector<16xf32>
      %broadcast_in_dim3A_146 = arith.constant 0.000000e+00 : f32
      %broadcast_in_dim3A_147 = vector.broadcast %broadcast_in_dim3A_146 : f32 to vector<16xf32>
      %mul3A_148 = arith.constant 8 : i32
      %mul3A_149 = arith.muli %add3A_143, %mul3A_148 : i32
      %add3A_150 = arith.constant 0 : i32
      %add3A_151 = arith.addi %mul3A_149, %add3A_150 : i32
      %add3A_152 = arith.constant 320 : i32
      %add3A_153 = arith.addi %add3A_152, %add3A_151 : i32
      %broadcast_in_dim3A_154 = vector.broadcast %add3A_153 : i32 to vector<16xi32>
      %gather3A = tpu.vector_load_idx %arg7[%broadcast_in_dim3A_154] : memref<2560xf32, #tpu.memory_space<vmem>>[vector<16xi32>], vector<16xf32>,
      %get3A = arith.index_cast %add3A_151 : i32 to index
      %get3A_155 = arith.constant 0 : index
      %get3A_156 = tpu.vector_load %arg9[%get3A, %get3A_155] {strides = array<i32>} : memref<320x128xf32, #tpu.memory_space<vmem>>, vector<16xf32>,
      %mul3A_157 = arith.mulf %gather3A, %get3A_156 : vector<16xf32>
      %get3A_158 = arith.index_cast %add3A_151 : i32 to index
      %get3A_159 = arith.constant 16 : index
      %get3A_160 = tpu.vector_load %arg9[%get3A_158, %get3A_159] {strides = array<i32>} : memref<320x128xf32, #tpu.memory_space<vmem>>, vector<16xf32>,
      %mul3A_161 = arith.mulf %gather3A, %get3A_160 : vector<16xf32>
      %add3A_162 = arith.addf %broadcast_in_dim3A_145, %mul3A_157 : vector<16xf32>
      %add3A_163 = arith.addf %broadcast_in_dim3A_147, %mul3A_161 : vector<16xf32>
      %max3A = arith.maximumf %broadcast_in_dim3A_5, %mul3A_157 : vector<16xf32>
      %max3A_164 = arith.maximumf %broadcast_in_dim3A_5, %mul3A_161 : vector<16xf32>
      %mul3A_165 = arith.constant 8 : i32
      %mul3A_166 = arith.muli %add3A_143, %mul3A_165 : i32
      %add3A_167 = arith.constant 1 : i32
      %add3A_168 = arith.addi %mul3A_166, %add3A_167 : i32
      %add3A_169 = arith.constant 320 : i32
      %add3A_170 = arith.addi %add3A_169, %add3A_168 : i32
      %broadcast_in_dim3A_171 = vector.broadcast %add3A_170 : i32 to vector<16xi32>
      %gather3A_172 = tpu.vector_load_idx %arg7[%broadcast_in_dim3A_171] : memref<2560xf32, #tpu.memory_space<vmem>>[vector<16xi32>], vector<16xf32>,
      %get3A_173 = arith.index_cast %add3A_168 : i32 to index
      %get3A_174 = arith.constant 0 : index
      %get3A_175 = tpu.vector_load %arg9[%get3A_173, %get3A_174] {strides = array<i32>} : memref<320x128xf32, #tpu.memory_space<vmem>>, vector<16xf32>,
      %mul3A_176 = arith.mulf %gather3A_172, %get3A_175 : vector<16xf32>
      %get3A_177 = arith.index_cast %add3A_168 : i32 to index
      %get3A_178 = arith.constant 16 : index
      %get3A_179 = tpu.vector_load %arg9[%get3A_177, %get3A_178] {strides = array<i32>} : memref<320x128xf32, #tpu.memory_space<vmem>>, vector<16xf32>,
      %mul3A_180 = arith.mulf %gather3A_172, %get3A_179 : vector<16xf32>
      %add3A_181 = arith.addf %add3A_162, %mul3A_176 : vector<16xf32>
      %add3A_182 = arith.addf %add3A_163, %mul3A_180 : vector<16xf32>
      %max3A_183 = arith.maximumf %max3A, %mul3A_176 : vector<16xf32>
      %max3A_184 = arith.maximumf %max3A_164, %mul3A_180 : vector<16xf32>
      %mul3A_185 = arith.constant 8 : i32
      %mul3A_186 = arith.muli %add3A_143, %mul3A_185 : i32
      %add3A_187 = arith.constant 2 : i32
      %add3A_188 = arith.addi %mul3A_186, %add3A_187 : i32
      %add3A_189 = arith.constant 320 : i32
      %add3A_190 = arith.addi %add3A_189, %add3A_188 : i32
      %broadcast_in_dim3A_191 = vector.broadcast %add3A_190 : i32 to vector<16xi32>
      %gather3A_192 = tpu.vector_load_idx %arg7[%broadcast_in_dim3A_191] : memref<2560xf32, #tpu.memory_space<vmem>>[vector<16xi32>], vector<16xf32>,
      %get3A_193 = arith.index_cast %add3A_188 : i32 to index
      %get3A_194 = arith.constant 0 : index
      %get3A_195 = tpu.vector_load %arg9[%get3A_193, %get3A_194] {strides = array<i32>} : memref<320x128xf32, #tpu.memory_space<vmem>>, vector<16xf32>,
      %mul3A_196 = arith.mulf %gather3A_192, %get3A_195 : vector<16xf32>
      %get3A_197 = arith.index_cast %add3A_188 : i32 to index
      %get3A_198 = arith.constant 16 : index
      %get3A_199 = tpu.vector_load %arg9[%get3A_197, %get3A_198] {strides = array<i32>} : memref<320x128xf32, #tpu.memory_space<vmem>>, vector<16xf32>,
      %mul3A_200 = arith.mulf %gather3A_192, %get3A_199 : vector<16xf32>
      %add3A_201 = arith.addf %add3A_181, %mul3A_196 : vector<16xf32>
      %add3A_202 = arith.addf %add3A_182, %mul3A_200 : vector<16xf32>
      %max3A_203 = arith.maximumf %max3A_183, %mul3A_196 : vector<16xf32>
      %max3A_204 = arith.maximumf %max3A_184, %mul3A_200 : vector<16xf32>
      %mul3A_205 = arith.constant 8 : i32
      %mul3A_206 = arith.muli %add3A_143, %mul3A_205 : i32
      %add3A_207 = arith.constant 3 : i32
      %add3A_208 = arith.addi %mul3A_206, %add3A_207 : i32
      %add3A_209 = arith.constant 320 : i32
      %add3A_210 = arith.addi %add3A_209, %add3A_208 : i32
      %broadcast_in_dim3A_211 = vector.broadcast %add3A_210 : i32 to vector<16xi32>
      %gather3A_212 = tpu.vector_load_idx %arg7[%broadcast_in_dim3A_211] : memref<2560xf32, #tpu.memory_space<vmem>>[vector<16xi32>], vector<16xf32>,
      %get3A_213 = arith.index_cast %add3A_208 : i32 to index
      %get3A_214 = arith.constant 0 : index
      %get3A_215 = tpu.vector_load %arg9[%get3A_213, %get3A_214] {strides = array<i32>} : memref<320x128xf32, #tpu.memory_space<vmem>>, vector<16xf32>,
      %mul3A_216 = arith.mulf %gather3A_212, %get3A_215 : vector<16xf32>
      %get3A_217 = arith.index_cast %add3A_208 : i32 to index
      %get3A_218 = arith.constant 16 : index
      %get3A_219 = tpu.vector_load %arg9[%get3A_217, %get3A_218] {strides = array<i32>} : memref<320x128xf32, #tpu.memory_space<vmem>>, vector<16xf32>,
      %mul3A_220 = arith.mulf %gather3A_212, %get3A_219 : vector<16xf32>
      %add3A_221 = arith.addf %add3A_201, %mul3A_216 : vector<16xf32>
      %add3A_222 = arith.addf %add3A_202, %mul3A_220 : vector<16xf32>
      %max3A_223 = arith.maximumf %max3A_203, %mul3A_216 : vector<16xf32>
      %max3A_224 = arith.maximumf %max3A_204, %mul3A_220 : vector<16xf32>
      %mul3A_225 = arith.constant 8 : i32
      %mul3A_226 = arith.muli %add3A_143, %mul3A_225 : i32
      %add3A_227 = arith.constant 4 : i32
      %add3A_228 = arith.addi %mul3A_226, %add3A_227 : i32
      %add3A_229 = arith.constant 320 : i32
      %add3A_230 = arith.addi %add3A_229, %add3A_228 : i32
      %broadcast_in_dim3A_231 = vector.broadcast %add3A_230 : i32 to vector<16xi32>
      %gather3A_232 = tpu.vector_load_idx %arg7[%broadcast_in_dim3A_231] : memref<2560xf32, #tpu.memory_space<vmem>>[vector<16xi32>], vector<16xf32>,
      %get3A_233 = arith.index_cast %add3A_228 : i32 to index
      %get3A_234 = arith.constant 0 : index
      %get3A_235 = tpu.vector_load %arg9[%get3A_233, %get3A_234] {strides = array<i32>} : memref<320x128xf32, #tpu.memory_space<vmem>>, vector<16xf32>,
      %mul3A_236 = arith.mulf %gather3A_232, %get3A_235 : vector<16xf32>
      %get3A_237 = arith.index_cast %add3A_228 : i32 to index
      %get3A_238 = arith.constant 16 : index
      %get3A_239 = tpu.vector_load %arg9[%get3A_237, %get3A_238] {strides = array<i32>} : memref<320x128xf32, #tpu.memory_space<vmem>>, vector<16xf32>,
      %mul3A_240 = arith.mulf %gather3A_232, %get3A_239 : vector<16xf32>
      %add3A_241 = arith.addf %add3A_221, %mul3A_236 : vector<16xf32>
      %add3A_242 = arith.addf %add3A_222, %mul3A_240 : vector<16xf32>
      %max3A_243 = arith.maximumf %max3A_223, %mul3A_236 : vector<16xf32>
      %max3A_244 = arith.maximumf %max3A_224, %mul3A_240 : vector<16xf32>
      %mul3A_245 = arith.constant 8 : i32
      %mul3A_246 = arith.muli %add3A_143, %mul3A_245 : i32
      %add3A_247 = arith.constant 5 : i32
      %add3A_248 = arith.addi %mul3A_246, %add3A_247 : i32
      %add3A_249 = arith.constant 320 : i32
      %add3A_250 = arith.addi %add3A_249, %add3A_248 : i32
      %broadcast_in_dim3A_251 = vector.broadcast %add3A_250 : i32 to vector<16xi32>
      %gather3A_252 = tpu.vector_load_idx %arg7[%broadcast_in_dim3A_251] : memref<2560xf32, #tpu.memory_space<vmem>>[vector<16xi32>], vector<16xf32>,
      %get3A_253 = arith.index_cast %add3A_248 : i32 to index
      %get3A_254 = arith.constant 0 : index
      %get3A_255 = tpu.vector_load %arg9[%get3A_253, %get3A_254] {strides = array<i32>} : memref<320x128xf32, #tpu.memory_space<vmem>>, vector<16xf32>,
      %mul3A_256 = arith.mulf %gather3A_252, %get3A_255 : vector<16xf32>
      %get3A_257 = arith.index_cast %add3A_248 : i32 to index
      %get3A_258 = arith.constant 16 : index
      %get3A_259 = tpu.vector_load %arg9[%get3A_257, %get3A_258] {strides = array<i32>} : memref<320x128xf32, #tpu.memory_space<vmem>>, vector<16xf32>,
      %mul3A_260 = arith.mulf %gather3A_252, %get3A_259 : vector<16xf32>
      %add3A_261 = arith.addf %add3A_241, %mul3A_256 : vector<16xf32>
      %add3A_262 = arith.addf %add3A_242, %mul3A_260 : vector<16xf32>
      %max3A_263 = arith.maximumf %max3A_243, %mul3A_256 : vector<16xf32>
      %max3A_264 = arith.maximumf %max3A_244, %mul3A_260 : vector<16xf32>
      %mul3A_265 = arith.constant 8 : i32
      %mul3A_266 = arith.muli %add3A_143, %mul3A_265 : i32
      %add3A_267 = arith.constant 6 : i32
      %add3A_268 = arith.addi %mul3A_266, %add3A_267 : i32
      %add3A_269 = arith.constant 320 : i32
      %add3A_270 = arith.addi %add3A_269, %add3A_268 : i32
      %broadcast_in_dim3A_271 = vector.broadcast %add3A_270 : i32 to vector<16xi32>
      %gather3A_272 = tpu.vector_load_idx %arg7[%broadcast_in_dim3A_271] : memref<2560xf32, #tpu.memory_space<vmem>>[vector<16xi32>], vector<16xf32>,
      %get3A_273 = arith.index_cast %add3A_268 : i32 to index
      %get3A_274 = arith.constant 0 : index
      %get3A_275 = tpu.vector_load %arg9[%get3A_273, %get3A_274] {strides = array<i32>} : memref<320x128xf32, #tpu.memory_space<vmem>>, vector<16xf32>,
      %mul3A_276 = arith.mulf %gather3A_272, %get3A_275 : vector<16xf32>
      %get3A_277 = arith.index_cast %add3A_268 : i32 to index
      %get3A_278 = arith.constant 16 : index
      %get3A_279 = tpu.vector_load %arg9[%get3A_277, %get3A_278] {strides = array<i32>} : memref<320x128xf32, #tpu.memory_space<vmem>>, vector<16xf32>,
      %mul3A_280 = arith.mulf %gather3A_272, %get3A_279 : vector<16xf32>
      %add3A_281 = arith.addf %add3A_261, %mul3A_276 : vector<16xf32>
      %add3A_282 = arith.addf %add3A_262, %mul3A_280 : vector<16xf32>
      %max3A_283 = arith.maximumf %max3A_263, %mul3A_276 : vector<16xf32>
      %max3A_284 = arith.maximumf %max3A_264, %mul3A_280 : vector<16xf32>
      %mul3A_285 = arith.constant 8 : i32
      %mul3A_286 = arith.muli %add3A_143, %mul3A_285 : i32
      %add3A_287 = arith.constant 7 : i32
      %add3A_288 = arith.addi %mul3A_286, %add3A_287 : i32
      %add3A_289 = arith.constant 320 : i32
      %add3A_290 = arith.addi %add3A_289, %add3A_288 : i32
      %broadcast_in_dim3A_291 = vector.broadcast %add3A_290 : i32 to vector<16xi32>
      %gather3A_292 = tpu.vector_load_idx %arg7[%broadcast_in_dim3A_291] : memref<2560xf32, #tpu.memory_space<vmem>>[vector<16xi32>], vector<16xf32>,
      %get3A_293 = arith.index_cast %add3A_288 : i32 to index
      %get3A_294 = arith.constant 0 : index
      %get3A_295 = tpu.vector_load %arg9[%get3A_293, %get3A_294] {strides = array<i32>} : memref<320x128xf32, #tpu.memory_space<vmem>>, vector<16xf32>,
      %mul3A_296 = arith.mulf %gather3A_292, %get3A_295 : vector<16xf32>
      %get3A_297 = arith.index_cast %add3A_288 : i32 to index
      %get3A_298 = arith.constant 16 : index
      %get3A_299 = tpu.vector_load %arg9[%get3A_297, %get3A_298] {strides = array<i32>} : memref<320x128xf32, #tpu.memory_space<vmem>>, vector<16xf32>,
      %mul3A_300 = arith.mulf %gather3A_292, %get3A_299 : vector<16xf32>
      %add3A_301 = arith.addf %add3A_281, %mul3A_296 : vector<16xf32>
      %add3A_302 = arith.addf %add3A_282, %mul3A_300 : vector<16xf32>
      %max3A_303 = arith.maximumf %max3A_283, %mul3A_296 : vector<16xf32>
      %max3A_304 = arith.maximumf %max3A_284, %mul3A_300 : vector<16xf32>
      %swap3A = arith.index_cast %add3A_143 : i32 to index
      %swap3A_305 = arith.constant 0 : index
      %swap3A_306 = tpu.vector_load %arg11[%swap3A, %swap3A_305] {strides = array<i32>} : memref<40x128xf32, #tpu.memory_space<vmem>>, vector<16xf32>,
      tpu.vector_store %arg11[%swap3A, %swap3A_305], %add3A_301 {strides = array<i32>} : memref<40x128xf32, #tpu.memory_space<vmem>>, vector<16xf32>,
      %swap3A_307 = arith.index_cast %add3A_143 : i32 to index
      %swap3A_308 = arith.constant 16 : index
      %swap3A_309 = tpu.vector_load %arg11[%swap3A_307, %swap3A_308] {strides = array<i32>} : memref<40x128xf32, #tpu.memory_space<vmem>>, vector<16xf32>,
      tpu.vector_store %arg11[%swap3A_307, %swap3A_308], %add3A_302 {strides = array<i32>} : memref<40x128xf32, #tpu.memory_space<vmem>>, vector<16xf32>,
      %swap3A_310 = arith.index_cast %add3A_143 : i32 to index
      %swap3A_311 = arith.constant 32 : index
      %swap3A_312 = tpu.vector_load %arg11[%swap3A_310, %swap3A_311] {strides = array<i32>} : memref<40x128xf32, #tpu.memory_space<vmem>>, vector<16xf32>,
      tpu.vector_store %arg11[%swap3A_310, %swap3A_311], %max3A_303 {strides = array<i32>} : memref<40x128xf32, #tpu.memory_space<vmem>>, vector<16xf32>,
      %swap3A_313 = arith.index_cast %add3A_143 : i32 to index
      %swap3A_314 = arith.constant 48 : index
      %swap3A_315 = tpu.vector_load %arg11[%swap3A_313, %swap3A_314] {strides = array<i32>} : memref<40x128xf32, #tpu.memory_space<vmem>>, vector<16xf32>,
      tpu.vector_store %arg11[%swap3A_313, %swap3A_314], %max3A_304 {strides = array<i32>} : memref<40x128xf32, #tpu.memory_space<vmem>>, vector<16xf32>,
    }
    %scan3A_39 = arith.constant 40 : i32
    %add3A_40 = arith.constant 40 : i32
    %add3A_41 = arith.addi %mul3A_4, %add3A_40 : i32
    "tpu.region"() ({
      %run_scoped3A = tpu.sem_alloc : memref<!tpu.dma_semaphore, #tpu.memory_space<semaphore_mem>>
      %dma_start3A_139 = arith.constant 0 : i32
      %dma_start3A_140 = tpu.memref_slice %arg5[%add3A_41, %dma_start3A_139] : memref<10240x128xf32, #tpu.memory_space<hbm>> -> memref<40x128xf32, #tpu.memory_space<hbm>>
      %dma_start3A_141 = arith.constant 0 : i32
      %dma_start3A_142 = tpu.memref_slice %arg5[%add3A_41, %dma_start3A_141] : memref<10240x128xf32, #tpu.memory_space<hbm>> -> memref<40x128xf32, #tpu.memory_space<hbm>>
      tpu.enqueue_dma source(%arg11 : memref<40x128xf32, #tpu.memory_space<vmem>>) target(%dma_start3A_142 : memref<40x128xf32, #tpu.memory_space<hbm>>) target_semaphore(%run_scoped3A : memref<!tpu.dma_semaphore, #tpu.memory_space<semaphore_mem>>)
      %dma_wait3A_143 = arith.constant 0 : i32
      %dma_wait3A_144 = tpu.memref_slice %arg5[%add3A_41, %dma_wait3A_143] : memref<10240x128xf32, #tpu.memory_space<hbm>> -> memref<40x128xf32, #tpu.memory_space<hbm>>
      %dma_wait3A_145 = arith.constant 0 : i32
      %dma_wait3A_146 = tpu.memref_slice %arg5[%add3A_41, %dma_wait3A_145] : memref<10240x128xf32, #tpu.memory_space<hbm>> -> memref<40x128xf32, #tpu.memory_space<hbm>>
      tpu.wait_dma2 semaphore(%run_scoped3A : memref<!tpu.dma_semaphore, #tpu.memory_space<semaphore_mem>>) src(%arg11 : memref<40x128xf32, #tpu.memory_space<vmem>>) dst(%dma_wait3A_146 : memref<40x128xf32, #tpu.memory_space<hbm>>)
      tpu.yield
    }) : () -> ()
    %dma_wait3A_42 = arith.constant 640 : i32
    %dma_wait3A_43 = tpu.memref_slice %arg6[%dma_wait3A_42] : memref<2560xi32, #tpu.memory_space<vmem>> -> memref<320xi32, #tpu.memory_space<vmem>>
    %dma_wait3A_44 = arith.constant 0 : i32
    %dma_wait3A_45 = arith.constant 0 : i32
    %dma_wait3A_46 = tpu.memref_slice %arg2[%dma_wait3A_44, %dma_wait3A_45] : memref<10000x128xf32, #tpu.memory_space<hbm>> -> memref<10000x128xf32, #tpu.memory_space<hbm>>
    tpu.wait_indirect_dma semaphore(%arg12 : memref<!tpu.dma_semaphore, #tpu.memory_space<semaphore_mem>>) src(%dma_wait3A_46 : memref<10000x128xf32, #tpu.memory_space<hbm>>) dst(%arg8 : memref<320x128xf32, #tpu.memory_space<vmem>>)
    %dma_start3A_47 = arith.constant 960 : i32
    %dma_start3A_48 = tpu.memref_slice %arg6[%dma_start3A_47] : memref<2560xi32, #tpu.memory_space<vmem>> -> memref<320xi32, #tpu.memory_space<vmem>>
    %dma_start3A_49 = arith.constant 0 : i32
    %dma_start3A_50 = arith.constant 0 : i32
    %dma_start3A_51 = tpu.memref_slice %arg2[%dma_start3A_49, %dma_start3A_50] : memref<10000x128xf32, #tpu.memory_space<hbm>> -> memref<10000x128xf32, #tpu.memory_space<hbm>>
    tpu.enqueue_indirect_dma source(%dma_start3A_51 : memref<10000x128xf32, #tpu.memory_space<hbm>>) target(%arg9 : memref<320x128xf32, #tpu.memory_space<vmem>>) offsets(%dma_start3A_48 : memref<320xi32, #tpu.memory_space<vmem>>) semaphore(%arg13 : memref<!tpu.dma_semaphore, #tpu.memory_space<semaphore_mem>>)
    %scan3A_52 = arith.constant 0 : i32
    %scan3A_53 = arith.constant 40 : i32
    %scan3A_54 = arith.addi %scan3A_52, %scan3A_53 : i32
    %scan3A_55 = arith.constant 1 : i32
    scf.for %scan3A_139 = %scan3A_52 to %scan3A_54 step %scan3A_55  : i32 {
      %mul3A_140 = arith.constant 1 : i32
      %mul3A_141 = arith.muli %scan3A_139, %mul3A_140 : i32
      %add3A_142 = arith.constant 0 : i32
      %add3A_143 = arith.addi %add3A_142, %mul3A_141 : i32
      %broadcast_in_dim3A_144 = arith.constant 0.000000e+00 : f32
      %broadcast_in_dim3A_145 = vector.broadcast %broadcast_in_dim3A_144 : f32 to vector<16xf32>
      %broadcast_in_dim3A_146 = arith.constant 0.000000e+00 : f32
      %broadcast_in_dim3A_147 = vector.broadcast %broadcast_in_dim3A_146 : f32 to vector<16xf32>
      %mul3A_148 = arith.constant 8 : i32
      %mul3A_149 = arith.muli %add3A_143, %mul3A_148 : i32
      %add3A_150 = arith.constant 0 : i32
      %add3A_151 = arith.addi %mul3A_149, %add3A_150 : i32
      %add3A_152 = arith.constant 640 : i32
      %add3A_153 = arith.addi %add3A_152, %add3A_151 : i32
      %broadcast_in_dim3A_154 = vector.broadcast %add3A_153 : i32 to vector<16xi32>
      %gather3A = tpu.vector_load_idx %arg7[%broadcast_in_dim3A_154] : memref<2560xf32, #tpu.memory_space<vmem>>[vector<16xi32>], vector<16xf32>,
      %get3A = arith.index_cast %add3A_151 : i32 to index
      %get3A_155 = arith.constant 0 : index
      %get3A_156 = tpu.vector_load %arg8[%get3A, %get3A_155] {strides = array<i32>} : memref<320x128xf32, #tpu.memory_space<vmem>>, vector<16xf32>,
      %mul3A_157 = arith.mulf %gather3A, %get3A_156 : vector<16xf32>
      %get3A_158 = arith.index_cast %add3A_151 : i32 to index
      %get3A_159 = arith.constant 16 : index
      %get3A_160 = tpu.vector_load %arg8[%get3A_158, %get3A_159] {strides = array<i32>} : memref<320x128xf32, #tpu.memory_space<vmem>>, vector<16xf32>,
      %mul3A_161 = arith.mulf %gather3A, %get3A_160 : vector<16xf32>
      %add3A_162 = arith.addf %broadcast_in_dim3A_145, %mul3A_157 : vector<16xf32>
      %add3A_163 = arith.addf %broadcast_in_dim3A_147, %mul3A_161 : vector<16xf32>
      %max3A = arith.maximumf %broadcast_in_dim3A_5, %mul3A_157 : vector<16xf32>
      %max3A_164 = arith.maximumf %broadcast_in_dim3A_5, %mul3A_161 : vector<16xf32>
      %mul3A_165 = arith.constant 8 : i32
      %mul3A_166 = arith.muli %add3A_143, %mul3A_165 : i32
      %add3A_167 = arith.constant 1 : i32
      %add3A_168 = arith.addi %mul3A_166, %add3A_167 : i32
      %add3A_169 = arith.constant 640 : i32
      %add3A_170 = arith.addi %add3A_169, %add3A_168 : i32
      %broadcast_in_dim3A_171 = vector.broadcast %add3A_170 : i32 to vector<16xi32>
      %gather3A_172 = tpu.vector_load_idx %arg7[%broadcast_in_dim3A_171] : memref<2560xf32, #tpu.memory_space<vmem>>[vector<16xi32>], vector<16xf32>,
      %get3A_173 = arith.index_cast %add3A_168 : i32 to index
      %get3A_174 = arith.constant 0 : index
      %get3A_175 = tpu.vector_load %arg8[%get3A_173, %get3A_174] {strides = array<i32>} : memref<320x128xf32, #tpu.memory_space<vmem>>, vector<16xf32>,
      %mul3A_176 = arith.mulf %gather3A_172, %get3A_175 : vector<16xf32>
      %get3A_177 = arith.index_cast %add3A_168 : i32 to index
      %get3A_178 = arith.constant 16 : index
      %get3A_179 = tpu.vector_load %arg8[%get3A_177, %get3A_178] {strides = array<i32>} : memref<320x128xf32, #tpu.memory_space<vmem>>, vector<16xf32>,
      %mul3A_180 = arith.mulf %gather3A_172, %get3A_179 : vector<16xf32>
      %add3A_181 = arith.addf %add3A_162, %mul3A_176 : vector<16xf32>
      %add3A_182 = arith.addf %add3A_163, %mul3A_180 : vector<16xf32>
      %max3A_183 = arith.maximumf %max3A, %mul3A_176 : vector<16xf32>
      %max3A_184 = arith.maximumf %max3A_164, %mul3A_180 : vector<16xf32>
      %mul3A_185 = arith.constant 8 : i32
      %mul3A_186 = arith.muli %add3A_143, %mul3A_185 : i32
      %add3A_187 = arith.constant 2 : i32
      %add3A_188 = arith.addi %mul3A_186, %add3A_187 : i32
      %add3A_189 = arith.constant 640 : i32
      %add3A_190 = arith.addi %add3A_189, %add3A_188 : i32
      %broadcast_in_dim3A_191 = vector.broadcast %add3A_190 : i32 to vector<16xi32>
      %gather3A_192 = tpu.vector_load_idx %arg7[%broadcast_in_dim3A_191] : memref<2560xf32, #tpu.memory_space<vmem>>[vector<16xi32>], vector<16xf32>,
      %get3A_193 = arith.index_cast %add3A_188 : i32 to index
      %get3A_194 = arith.constant 0 : index
      %get3A_195 = tpu.vector_load %arg8[%get3A_193, %get3A_194] {strides = array<i32>} : memref<320x128xf32, #tpu.memory_space<vmem>>, vector<16xf32>,
      %mul3A_196 = arith.mulf %gather3A_192, %get3A_195 : vector<16xf32>
      %get3A_197 = arith.index_cast %add3A_188 : i32 to index
      %get3A_198 = arith.constant 16 : index
      %get3A_199 = tpu.vector_load %arg8[%get3A_197, %get3A_198] {strides = array<i32>} : memref<320x128xf32, #tpu.memory_space<vmem>>, vector<16xf32>,
      %mul3A_200 = arith.mulf %gather3A_192, %get3A_199 : vector<16xf32>
      %add3A_201 = arith.addf %add3A_181, %mul3A_196 : vector<16xf32>
      %add3A_202 = arith.addf %add3A_182, %mul3A_200 : vector<16xf32>
      %max3A_203 = arith.maximumf %max3A_183, %mul3A_196 : vector<16xf32>
      %max3A_204 = arith.maximumf %max3A_184, %mul3A_200 : vector<16xf32>
      %mul3A_205 = arith.constant 8 : i32
      %mul3A_206 = arith.muli %add3A_143, %mul3A_205 : i32
      %add3A_207 = arith.constant 3 : i32
      %add3A_208 = arith.addi %mul3A_206, %add3A_207 : i32
      %add3A_209 = arith.constant 640 : i32
      %add3A_210 = arith.addi %add3A_209, %add3A_208 : i32
      %broadcast_in_dim3A_211 = vector.broadcast %add3A_210 : i32 to vector<16xi32>
      %gather3A_212 = tpu.vector_load_idx %arg7[%broadcast_in_dim3A_211] : memref<2560xf32, #tpu.memory_space<vmem>>[vector<16xi32>], vector<16xf32>,
      %get3A_213 = arith.index_cast %add3A_208 : i32 to index
      %get3A_214 = arith.constant 0 : index
      %get3A_215 = tpu.vector_load %arg8[%get3A_213, %get3A_214] {strides = array<i32>} : memref<320x128xf32, #tpu.memory_space<vmem>>, vector<16xf32>,
      %mul3A_216 = arith.mulf %gather3A_212, %get3A_215 : vector<16xf32>
      %get3A_217 = arith.index_cast %add3A_208 : i32 to index
      %get3A_218 = arith.constant 16 : index
      %get3A_219 = tpu.vector_load %arg8[%get3A_217, %get3A_218] {strides = array<i32>} : memref<320x128xf32, #tpu.memory_space<vmem>>, vector<16xf32>,
      %mul3A_220 = arith.mulf %gather3A_212, %get3A_219 : vector<16xf32>
      %add3A_221 = arith.addf %add3A_201, %mul3A_216 : vector<16xf32>
      %add3A_222 = arith.addf %add3A_202, %mul3A_220 : vector<16xf32>
      %max3A_223 = arith.maximumf %max3A_203, %mul3A_216 : vector<16xf32>
      %max3A_224 = arith.maximumf %max3A_204, %mul3A_220 : vector<16xf32>
      %mul3A_225 = arith.constant 8 : i32
      %mul3A_226 = arith.muli %add3A_143, %mul3A_225 : i32
      %add3A_227 = arith.constant 4 : i32
      %add3A_228 = arith.addi %mul3A_226, %add3A_227 : i32
      %add3A_229 = arith.constant 640 : i32
      %add3A_230 = arith.addi %add3A_229, %add3A_228 : i32
      %broadcast_in_dim3A_231 = vector.broadcast %add3A_230 : i32 to vector<16xi32>
      %gather3A_232 = tpu.vector_load_idx %arg7[%broadcast_in_dim3A_231] : memref<2560xf32, #tpu.memory_space<vmem>>[vector<16xi32>], vector<16xf32>,
      %get3A_233 = arith.index_cast %add3A_228 : i32 to index
      %get3A_234 = arith.constant 0 : index
      %get3A_235 = tpu.vector_load %arg8[%get3A_233, %get3A_234] {strides = array<i32>} : memref<320x128xf32, #tpu.memory_space<vmem>>, vector<16xf32>,
      %mul3A_236 = arith.mulf %gather3A_232, %get3A_235 : vector<16xf32>
      %get3A_237 = arith.index_cast %add3A_228 : i32 to index
      %get3A_238 = arith.constant 16 : index
      %get3A_239 = tpu.vector_load %arg8[%get3A_237, %get3A_238] {strides = array<i32>} : memref<320x128xf32, #tpu.memory_space<vmem>>, vector<16xf32>,
      %mul3A_240 = arith.mulf %gather3A_232, %get3A_239 : vector<16xf32>
      %add3A_241 = arith.addf %add3A_221, %mul3A_236 : vector<16xf32>
      %add3A_242 = arith.addf %add3A_222, %mul3A_240 : vector<16xf32>
      %max3A_243 = arith.maximumf %max3A_223, %mul3A_236 : vector<16xf32>
      %max3A_244 = arith.maximumf %max3A_224, %mul3A_240 : vector<16xf32>
      %mul3A_245 = arith.constant 8 : i32
      %mul3A_246 = arith.muli %add3A_143, %mul3A_245 : i32
      %add3A_247 = arith.constant 5 : i32
      %add3A_248 = arith.addi %mul3A_246, %add3A_247 : i32
      %add3A_249 = arith.constant 640 : i32
      %add3A_250 = arith.addi %add3A_249, %add3A_248 : i32
      %broadcast_in_dim3A_251 = vector.broadcast %add3A_250 : i32 to vector<16xi32>
      %gather3A_252 = tpu.vector_load_idx %arg7[%broadcast_in_dim3A_251] : memref<2560xf32, #tpu.memory_space<vmem>>[vector<16xi32>], vector<16xf32>,
      %get3A_253 = arith.index_cast %add3A_248 : i32 to index
      %get3A_254 = arith.constant 0 : index
      %get3A_255 = tpu.vector_load %arg8[%get3A_253, %get3A_254] {strides = array<i32>} : memref<320x128xf32, #tpu.memory_space<vmem>>, vector<16xf32>,
      %mul3A_256 = arith.mulf %gather3A_252, %get3A_255 : vector<16xf32>
      %get3A_257 = arith.index_cast %add3A_248 : i32 to index
      %get3A_258 = arith.constant 16 : index
      %get3A_259 = tpu.vector_load %arg8[%get3A_257, %get3A_258] {strides = array<i32>} : memref<320x128xf32, #tpu.memory_space<vmem>>, vector<16xf32>,
      %mul3A_260 = arith.mulf %gather3A_252, %get3A_259 : vector<16xf32>
      %add3A_261 = arith.addf %add3A_241, %mul3A_256 : vector<16xf32>
      %add3A_262 = arith.addf %add3A_242, %mul3A_260 : vector<16xf32>
      %max3A_263 = arith.maximumf %max3A_243, %mul3A_256 : vector<16xf32>
      %max3A_264 = arith.maximumf %max3A_244, %mul3A_260 : vector<16xf32>
      %mul3A_265 = arith.constant 8 : i32
      %mul3A_266 = arith.muli %add3A_143, %mul3A_265 : i32
      %add3A_267 = arith.constant 6 : i32
      %add3A_268 = arith.addi %mul3A_266, %add3A_267 : i32
      %add3A_269 = arith.constant 640 : i32
      %add3A_270 = arith.addi %add3A_269, %add3A_268 : i32
      %broadcast_in_dim3A_271 = vector.broadcast %add3A_270 : i32 to vector<16xi32>
      %gather3A_272 = tpu.vector_load_idx %arg7[%broadcast_in_dim3A_271] : memref<2560xf32, #tpu.memory_space<vmem>>[vector<16xi32>], vector<16xf32>,
      %get3A_273 = arith.index_cast %add3A_268 : i32 to index
      %get3A_274 = arith.constant 0 : index
      %get3A_275 = tpu.vector_load %arg8[%get3A_273, %get3A_274] {strides = array<i32>} : memref<320x128xf32, #tpu.memory_space<vmem>>, vector<16xf32>,
      %mul3A_276 = arith.mulf %gather3A_272, %get3A_275 : vector<16xf32>
      %get3A_277 = arith.index_cast %add3A_268 : i32 to index
      %get3A_278 = arith.constant 16 : index
      %get3A_279 = tpu.vector_load %arg8[%get3A_277, %get3A_278] {strides = array<i32>} : memref<320x128xf32, #tpu.memory_space<vmem>>, vector<16xf32>,
      %mul3A_280 = arith.mulf %gather3A_272, %get3A_279 : vector<16xf32>
      %add3A_281 = arith.addf %add3A_261, %mul3A_276 : vector<16xf32>
      %add3A_282 = arith.addf %add3A_262, %mul3A_280 : vector<16xf32>
      %max3A_283 = arith.maximumf %max3A_263, %mul3A_276 : vector<16xf32>
      %max3A_284 = arith.maximumf %max3A_264, %mul3A_280 : vector<16xf32>
      %mul3A_285 = arith.constant 8 : i32
      %mul3A_286 = arith.muli %add3A_143, %mul3A_285 : i32
      %add3A_287 = arith.constant 7 : i32
      %add3A_288 = arith.addi %mul3A_286, %add3A_287 : i32
      %add3A_289 = arith.constant 640 : i32
      %add3A_290 = arith.addi %add3A_289, %add3A_288 : i32
      %broadcast_in_dim3A_291 = vector.broadcast %add3A_290 : i32 to vector<16xi32>
      %gather3A_292 = tpu.vector_load_idx %arg7[%broadcast_in_dim3A_291] : memref<2560xf32, #tpu.memory_space<vmem>>[vector<16xi32>], vector<16xf32>,
      %get3A_293 = arith.index_cast %add3A_288 : i32 to index
      %get3A_294 = arith.constant 0 : index
      %get3A_295 = tpu.vector_load %arg8[%get3A_293, %get3A_294] {strides = array<i32>} : memref<320x128xf32, #tpu.memory_space<vmem>>, vector<16xf32>,
      %mul3A_296 = arith.mulf %gather3A_292, %get3A_295 : vector<16xf32>
      %get3A_297 = arith.index_cast %add3A_288 : i32 to index
      %get3A_298 = arith.constant 16 : index
      %get3A_299 = tpu.vector_load %arg8[%get3A_297, %get3A_298] {strides = array<i32>} : memref<320x128xf32, #tpu.memory_space<vmem>>, vector<16xf32>,
      %mul3A_300 = arith.mulf %gather3A_292, %get3A_299 : vector<16xf32>
      %add3A_301 = arith.addf %add3A_281, %mul3A_296 : vector<16xf32>
      %add3A_302 = arith.addf %add3A_282, %mul3A_300 : vector<16xf32>
      %max3A_303 = arith.maximumf %max3A_283, %mul3A_296 : vector<16xf32>
      %max3A_304 = arith.maximumf %max3A_284, %mul3A_300 : vector<16xf32>
      %swap3A = arith.index_cast %add3A_143 : i32 to index
      %swap3A_305 = arith.constant 0 : index
      %swap3A_306 = tpu.vector_load %arg10[%swap3A, %swap3A_305] {strides = array<i32>} : memref<40x128xf32, #tpu.memory_space<vmem>>, vector<16xf32>,
      tpu.vector_store %arg10[%swap3A, %swap3A_305], %add3A_301 {strides = array<i32>} : memref<40x128xf32, #tpu.memory_space<vmem>>, vector<16xf32>,
      %swap3A_307 = arith.index_cast %add3A_143 : i32 to index
      %swap3A_308 = arith.constant 16 : index
      %swap3A_309 = tpu.vector_load %arg10[%swap3A_307, %swap3A_308] {strides = array<i32>} : memref<40x128xf32, #tpu.memory_space<vmem>>, vector<16xf32>,
      tpu.vector_store %arg10[%swap3A_307, %swap3A_308], %add3A_302 {strides = array<i32>} : memref<40x128xf32, #tpu.memory_space<vmem>>, vector<16xf32>,
      %swap3A_310 = arith.index_cast %add3A_143 : i32 to index
      %swap3A_311 = arith.constant 32 : index
      %swap3A_312 = tpu.vector_load %arg10[%swap3A_310, %swap3A_311] {strides = array<i32>} : memref<40x128xf32, #tpu.memory_space<vmem>>, vector<16xf32>,
      tpu.vector_store %arg10[%swap3A_310, %swap3A_311], %max3A_303 {strides = array<i32>} : memref<40x128xf32, #tpu.memory_space<vmem>>, vector<16xf32>,
      %swap3A_313 = arith.index_cast %add3A_143 : i32 to index
      %swap3A_314 = arith.constant 48 : index
      %swap3A_315 = tpu.vector_load %arg10[%swap3A_313, %swap3A_314] {strides = array<i32>} : memref<40x128xf32, #tpu.memory_space<vmem>>, vector<16xf32>,
      tpu.vector_store %arg10[%swap3A_313, %swap3A_314], %max3A_304 {strides = array<i32>} : memref<40x128xf32, #tpu.memory_space<vmem>>, vector<16xf32>,
    }
    %scan3A_56 = arith.constant 40 : i32
    %add3A_57 = arith.constant 80 : i32
    %add3A_58 = arith.addi %mul3A_4, %add3A_57 : i32
    "tpu.region"() ({
      %run_scoped3A = tpu.sem_alloc : memref<!tpu.dma_semaphore, #tpu.memory_space<semaphore_mem>>
      %dma_start3A_139 = arith.constant 0 : i32
      %dma_start3A_140 = tpu.memref_slice %arg5[%add3A_58, %dma_start3A_139] : memref<10240x128xf32, #tpu.memory_space<hbm>> -> memref<40x128xf32, #tpu.memory_space<hbm>>
      %dma_start3A_141 = arith.constant 0 : i32
      %dma_start3A_142 = tpu.memref_slice %arg5[%add3A_58, %dma_start3A_141] : memref<10240x128xf32, #tpu.memory_space<hbm>> -> memref<40x128xf32, #tpu.memory_space<hbm>>
      tpu.enqueue_dma source(%arg10 : memref<40x128xf32, #tpu.memory_space<vmem>>) target(%dma_start3A_142 : memref<40x128xf32, #tpu.memory_space<hbm>>) target_semaphore(%run_scoped3A : memref<!tpu.dma_semaphore, #tpu.memory_space<semaphore_mem>>)
      %dma_wait3A_143 = arith.constant 0 : i32
      %dma_wait3A_144 = tpu.memref_slice %arg5[%add3A_58, %dma_wait3A_143] : memref<10240x128xf32, #tpu.memory_space<hbm>> -> memref<40x128xf32, #tpu.memory_space<hbm>>
      %dma_wait3A_145 = arith.constant 0 : i32
      %dma_wait3A_146 = tpu.memref_slice %arg5[%add3A_58, %dma_wait3A_145] : memref<10240x128xf32, #tpu.memory_space<hbm>> -> memref<40x128xf32, #tpu.memory_space<hbm>>
      tpu.wait_dma2 semaphore(%run_scoped3A : memref<!tpu.dma_semaphore, #tpu.memory_space<semaphore_mem>>) src(%arg10 : memref<40x128xf32, #tpu.memory_space<vmem>>) dst(%dma_wait3A_146 : memref<40x128xf32, #tpu.memory_space<hbm>>)
      tpu.yield
    }) : () -> ()
    %dma_wait3A_59 = arith.constant 960 : i32
    %dma_wait3A_60 = tpu.memref_slice %arg6[%dma_wait3A_59] : memref<2560xi32, #tpu.memory_space<vmem>> -> memref<320xi32, #tpu.memory_space<vmem>>
    %dma_wait3A_61 = arith.constant 0 : i32
    %dma_wait3A_62 = arith.constant 0 : i32
    %dma_wait3A_63 = tpu.memref_slice %arg2[%dma_wait3A_61, %dma_wait3A_62] : memref<10000x128xf32, #tpu.memory_space<hbm>> -> memref<10000x128xf32, #tpu.memory_space<hbm>>
    tpu.wait_indirect_dma semaphore(%arg13 : memref<!tpu.dma_semaphore, #tpu.memory_space<semaphore_mem>>) src(%dma_wait3A_63 : memref<10000x128xf32, #tpu.memory_space<hbm>>) dst(%arg9 : memref<320x128xf32, #tpu.memory_space<vmem>>)
    %dma_start3A_64 = arith.constant 1280 : i32
    %dma_start3A_65 = tpu.memref_slice %arg6[%dma_start3A_64] : memref<2560xi32, #tpu.memory_space<vmem>> -> memref<320xi32, #tpu.memory_space<vmem>>
    %dma_start3A_66 = arith.constant 0 : i32
    %dma_start3A_67 = arith.constant 0 : i32
    %dma_start3A_68 = tpu.memref_slice %arg2[%dma_start3A_66, %dma_start3A_67] : memref<10000x128xf32, #tpu.memory_space<hbm>> -> memref<10000x128xf32, #tpu.memory_space<hbm>>
    tpu.enqueue_indirect_dma source(%dma_start3A_68 : memref<10000x128xf32, #tpu.memory_space<hbm>>) target(%arg8 : memref<320x128xf32, #tpu.memory_space<vmem>>) offsets(%dma_start3A_65 : memref<320xi32, #tpu.memory_space<vmem>>) semaphore(%arg12 : memref<!tpu.dma_semaphore, #tpu.memory_space<semaphore_mem>>)
    %scan3A_69 = arith.constant 0 : i32
    %scan3A_70 = arith.constant 40 : i32
    %scan3A_71 = arith.addi %scan3A_69, %scan3A_70 : i32
    %scan3A_72 = arith.constant 1 : i32
    scf.for %scan3A_139 = %scan3A_69 to %scan3A_71 step %scan3A_72  : i32 {
      %mul3A_140 = arith.constant 1 : i32
      %mul3A_141 = arith.muli %scan3A_139, %mul3A_140 : i32
      %add3A_142 = arith.constant 0 : i32
      %add3A_143 = arith.addi %add3A_142, %mul3A_141 : i32
      %broadcast_in_dim3A_144 = arith.constant 0.000000e+00 : f32
      %broadcast_in_dim3A_145 = vector.broadcast %broadcast_in_dim3A_144 : f32 to vector<16xf32>
      %broadcast_in_dim3A_146 = arith.constant 0.000000e+00 : f32
      %broadcast_in_dim3A_147 = vector.broadcast %broadcast_in_dim3A_146 : f32 to vector<16xf32>
      %mul3A_148 = arith.constant 8 : i32
      %mul3A_149 = arith.muli %add3A_143, %mul3A_148 : i32
      %add3A_150 = arith.constant 0 : i32
      %add3A_151 = arith.addi %mul3A_149, %add3A_150 : i32
      %add3A_152 = arith.constant 960 : i32
      %add3A_153 = arith.addi %add3A_152, %add3A_151 : i32
      %broadcast_in_dim3A_154 = vector.broadcast %add3A_153 : i32 to vector<16xi32>
      %gather3A = tpu.vector_load_idx %arg7[%broadcast_in_dim3A_154] : memref<2560xf32, #tpu.memory_space<vmem>>[vector<16xi32>], vector<16xf32>,
      %get3A = arith.index_cast %add3A_151 : i32 to index
      %get3A_155 = arith.constant 0 : index
      %get3A_156 = tpu.vector_load %arg9[%get3A, %get3A_155] {strides = array<i32>} : memref<320x128xf32, #tpu.memory_space<vmem>>, vector<16xf32>,
      %mul3A_157 = arith.mulf %gather3A, %get3A_156 : vector<16xf32>
      %get3A_158 = arith.index_cast %add3A_151 : i32 to index
      %get3A_159 = arith.constant 16 : index
      %get3A_160 = tpu.vector_load %arg9[%get3A_158, %get3A_159] {strides = array<i32>} : memref<320x128xf32, #tpu.memory_space<vmem>>, vector<16xf32>,
      %mul3A_161 = arith.mulf %gather3A, %get3A_160 : vector<16xf32>
      %add3A_162 = arith.addf %broadcast_in_dim3A_145, %mul3A_157 : vector<16xf32>
      %add3A_163 = arith.addf %broadcast_in_dim3A_147, %mul3A_161 : vector<16xf32>
      %max3A = arith.maximumf %broadcast_in_dim3A_5, %mul3A_157 : vector<16xf32>
      %max3A_164 = arith.maximumf %broadcast_in_dim3A_5, %mul3A_161 : vector<16xf32>
      %mul3A_165 = arith.constant 8 : i32
      %mul3A_166 = arith.muli %add3A_143, %mul3A_165 : i32
      %add3A_167 = arith.constant 1 : i32
      %add3A_168 = arith.addi %mul3A_166, %add3A_167 : i32
      %add3A_169 = arith.constant 960 : i32
      %add3A_170 = arith.addi %add3A_169, %add3A_168 : i32
      %broadcast_in_dim3A_171 = vector.broadcast %add3A_170 : i32 to vector<16xi32>
      %gather3A_172 = tpu.vector_load_idx %arg7[%broadcast_in_dim3A_171] : memref<2560xf32, #tpu.memory_space<vmem>>[vector<16xi32>], vector<16xf32>,
      %get3A_173 = arith.index_cast %add3A_168 : i32 to index
      %get3A_174 = arith.constant 0 : index
      %get3A_175 = tpu.vector_load %arg9[%get3A_173, %get3A_174] {strides = array<i32>} : memref<320x128xf32, #tpu.memory_space<vmem>>, vector<16xf32>,
      %mul3A_176 = arith.mulf %gather3A_172, %get3A_175 : vector<16xf32>
      %get3A_177 = arith.index_cast %add3A_168 : i32 to index
      %get3A_178 = arith.constant 16 : index
      %get3A_179 = tpu.vector_load %arg9[%get3A_177, %get3A_178] {strides = array<i32>} : memref<320x128xf32, #tpu.memory_space<vmem>>, vector<16xf32>,
      %mul3A_180 = arith.mulf %gather3A_172, %get3A_179 : vector<16xf32>
      %add3A_181 = arith.addf %add3A_162, %mul3A_176 : vector<16xf32>
      %add3A_182 = arith.addf %add3A_163, %mul3A_180 : vector<16xf32>
      %max3A_183 = arith.maximumf %max3A, %mul3A_176 : vector<16xf32>
      %max3A_184 = arith.maximumf %max3A_164, %mul3A_180 : vector<16xf32>
      %mul3A_185 = arith.constant 8 : i32
      %mul3A_186 = arith.muli %add3A_143, %mul3A_185 : i32
      %add3A_187 = arith.constant 2 : i32
      %add3A_188 = arith.addi %mul3A_186, %add3A_187 : i32
      %add3A_189 = arith.constant 960 : i32
      %add3A_190 = arith.addi %add3A_189, %add3A_188 : i32
      %broadcast_in_dim3A_191 = vector.broadcast %add3A_190 : i32 to vector<16xi32>
      %gather3A_192 = tpu.vector_load_idx %arg7[%broadcast_in_dim3A_191] : memref<2560xf32, #tpu.memory_space<vmem>>[vector<16xi32>], vector<16xf32>,
      %get3A_193 = arith.index_cast %add3A_188 : i32 to index
      %get3A_194 = arith.constant 0 : index
      %get3A_195 = tpu.vector_load %arg9[%get3A_193, %get3A_194] {strides = array<i32>} : memref<320x128xf32, #tpu.memory_space<vmem>>, vector<16xf32>,
      %mul3A_196 = arith.mulf %gather3A_192, %get3A_195 : vector<16xf32>
      %get3A_197 = arith.index_cast %add3A_188 : i32 to index
      %get3A_198 = arith.constant 16 : index
      %get3A_199 = tpu.vector_load %arg9[%get3A_197, %get3A_198] {strides = array<i32>} : memref<320x128xf32, #tpu.memory_space<vmem>>, vector<16xf32>,
      %mul3A_200 = arith.mulf %gather3A_192, %get3A_199 : vector<16xf32>
      %add3A_201 = arith.addf %add3A_181, %mul3A_196 : vector<16xf32>
      %add3A_202 = arith.addf %add3A_182, %mul3A_200 : vector<16xf32>
      %max3A_203 = arith.maximumf %max3A_183, %mul3A_196 : vector<16xf32>
      %max3A_204 = arith.maximumf %max3A_184, %mul3A_200 : vector<16xf32>
      %mul3A_205 = arith.constant 8 : i32
      %mul3A_206 = arith.muli %add3A_143, %mul3A_205 : i32
      %add3A_207 = arith.constant 3 : i32
      %add3A_208 = arith.addi %mul3A_206, %add3A_207 : i32
      %add3A_209 = arith.constant 960 : i32
      %add3A_210 = arith.addi %add3A_209, %add3A_208 : i32
      %broadcast_in_dim3A_211 = vector.broadcast %add3A_210 : i32 to vector<16xi32>
      %gather3A_212 = tpu.vector_load_idx %arg7[%broadcast_in_dim3A_211] : memref<2560xf32, #tpu.memory_space<vmem>>[vector<16xi32>], vector<16xf32>,
      %get3A_213 = arith.index_cast %add3A_208 : i32 to index
      %get3A_214 = arith.constant 0 : index
      %get3A_215 = tpu.vector_load %arg9[%get3A_213, %get3A_214] {strides = array<i32>} : memref<320x128xf32, #tpu.memory_space<vmem>>, vector<16xf32>,
      %mul3A_216 = arith.mulf %gather3A_212, %get3A_215 : vector<16xf32>
      %get3A_217 = arith.index_cast %add3A_208 : i32 to index
      %get3A_218 = arith.constant 16 : index
      %get3A_219 = tpu.vector_load %arg9[%get3A_217, %get3A_218] {strides = array<i32>} : memref<320x128xf32, #tpu.memory_space<vmem>>, vector<16xf32>,
      %mul3A_220 = arith.mulf %gather3A_212, %get3A_219 : vector<16xf32>
      %add3A_221 = arith.addf %add3A_201, %mul3A_216 : vector<16xf32>
      %add3A_222 = arith.addf %add3A_202, %mul3A_220 : vector<16xf32>
      %max3A_223 = arith.maximumf %max3A_203, %mul3A_216 : vector<16xf32>
      %max3A_224 = arith.maximumf %max3A_204, %mul3A_220 : vector<16xf32>
      %mul3A_225 = arith.constant 8 : i32
      %mul3A_226 = arith.muli %add3A_143, %mul3A_225 : i32
      %add3A_227 = arith.constant 4 : i32
      %add3A_228 = arith.addi %mul3A_226, %add3A_227 : i32
      %add3A_229 = arith.constant 960 : i32
      %add3A_230 = arith.addi %add3A_229, %add3A_228 : i32
      %broadcast_in_dim3A_231 = vector.broadcast %add3A_230 : i32 to vector<16xi32>
      %gather3A_232 = tpu.vector_load_idx %arg7[%broadcast_in_dim3A_231] : memref<2560xf32, #tpu.memory_space<vmem>>[vector<16xi32>], vector<16xf32>,
      %get3A_233 = arith.index_cast %add3A_228 : i32 to index
      %get3A_234 = arith.constant 0 : index
      %get3A_235 = tpu.vector_load %arg9[%get3A_233, %get3A_234] {strides = array<i32>} : memref<320x128xf32, #tpu.memory_space<vmem>>, vector<16xf32>,
      %mul3A_236 = arith.mulf %gather3A_232, %get3A_235 : vector<16xf32>
      %get3A_237 = arith.index_cast %add3A_228 : i32 to index
      %get3A_238 = arith.constant 16 : index
      %get3A_239 = tpu.vector_load %arg9[%get3A_237, %get3A_238] {strides = array<i32>} : memref<320x128xf32, #tpu.memory_space<vmem>>, vector<16xf32>,
      %mul3A_240 = arith.mulf %gather3A_232, %get3A_239 : vector<16xf32>
      %add3A_241 = arith.addf %add3A_221, %mul3A_236 : vector<16xf32>
      %add3A_242 = arith.addf %add3A_222, %mul3A_240 : vector<16xf32>
      %max3A_243 = arith.maximumf %max3A_223, %mul3A_236 : vector<16xf32>
      %max3A_244 = arith.maximumf %max3A_224, %mul3A_240 : vector<16xf32>
      %mul3A_245 = arith.constant 8 : i32
      %mul3A_246 = arith.muli %add3A_143, %mul3A_245 : i32
      %add3A_247 = arith.constant 5 : i32
      %add3A_248 = arith.addi %mul3A_246, %add3A_247 : i32
      %add3A_249 = arith.constant 960 : i32
      %add3A_250 = arith.addi %add3A_249, %add3A_248 : i32
      %broadcast_in_dim3A_251 = vector.broadcast %add3A_250 : i32 to vector<16xi32>
      %gather3A_252 = tpu.vector_load_idx %arg7[%broadcast_in_dim3A_251] : memref<2560xf32, #tpu.memory_space<vmem>>[vector<16xi32>], vector<16xf32>,
      %get3A_253 = arith.index_cast %add3A_248 : i32 to index
      %get3A_254 = arith.constant 0 : index
      %get3A_255 = tpu.vector_load %arg9[%get3A_253, %get3A_254] {strides = array<i32>} : memref<320x128xf32, #tpu.memory_space<vmem>>, vector<16xf32>,
      %mul3A_256 = arith.mulf %gather3A_252, %get3A_255 : vector<16xf32>
      %get3A_257 = arith.index_cast %add3A_248 : i32 to index
      %get3A_258 = arith.constant 16 : index
      %get3A_259 = tpu.vector_load %arg9[%get3A_257, %get3A_258] {strides = array<i32>} : memref<320x128xf32, #tpu.memory_space<vmem>>, vector<16xf32>,
      %mul3A_260 = arith.mulf %gather3A_252, %get3A_259 : vector<16xf32>
      %add3A_261 = arith.addf %add3A_241, %mul3A_256 : vector<16xf32>
      %add3A_262 = arith.addf %add3A_242, %mul3A_260 : vector<16xf32>
      %max3A_263 = arith.maximumf %max3A_243, %mul3A_256 : vector<16xf32>
      %max3A_264 = arith.maximumf %max3A_244, %mul3A_260 : vector<16xf32>
      %mul3A_265 = arith.constant 8 : i32
      %mul3A_266 = arith.muli %add3A_143, %mul3A_265 : i32
      %add3A_267 = arith.constant 6 : i32
      %add3A_268 = arith.addi %mul3A_266, %add3A_267 : i32
      %add3A_269 = arith.constant 960 : i32
      %add3A_270 = arith.addi %add3A_269, %add3A_268 : i32
      %broadcast_in_dim3A_271 = vector.broadcast %add3A_270 : i32 to vector<16xi32>
      %gather3A_272 = tpu.vector_load_idx %arg7[%broadcast_in_dim3A_271] : memref<2560xf32, #tpu.memory_space<vmem>>[vector<16xi32>], vector<16xf32>,
      %get3A_273 = arith.index_cast %add3A_268 : i32 to index
      %get3A_274 = arith.constant 0 : index
      %get3A_275 = tpu.vector_load %arg9[%get3A_273, %get3A_274] {strides = array<i32>} : memref<320x128xf32, #tpu.memory_space<vmem>>, vector<16xf32>,
      %mul3A_276 = arith.mulf %gather3A_272, %get3A_275 : vector<16xf32>
      %get3A_277 = arith.index_cast %add3A_268 : i32 to index
      %get3A_278 = arith.constant 16 : index
      %get3A_279 = tpu.vector_load %arg9[%get3A_277, %get3A_278] {strides = array<i32>} : memref<320x128xf32, #tpu.memory_space<vmem>>, vector<16xf32>,
      %mul3A_280 = arith.mulf %gather3A_272, %get3A_279 : vector<16xf32>
      %add3A_281 = arith.addf %add3A_261, %mul3A_276 : vector<16xf32>
      %add3A_282 = arith.addf %add3A_262, %mul3A_280 : vector<16xf32>
      %max3A_283 = arith.maximumf %max3A_263, %mul3A_276 : vector<16xf32>
      %max3A_284 = arith.maximumf %max3A_264, %mul3A_280 : vector<16xf32>
      %mul3A_285 = arith.constant 8 : i32
      %mul3A_286 = arith.muli %add3A_143, %mul3A_285 : i32
      %add3A_287 = arith.constant 7 : i32
      %add3A_288 = arith.addi %mul3A_286, %add3A_287 : i32
      %add3A_289 = arith.constant 960 : i32
      %add3A_290 = arith.addi %add3A_289, %add3A_288 : i32
      %broadcast_in_dim3A_291 = vector.broadcast %add3A_290 : i32 to vector<16xi32>
      %gather3A_292 = tpu.vector_load_idx %arg7[%broadcast_in_dim3A_291] : memref<2560xf32, #tpu.memory_space<vmem>>[vector<16xi32>], vector<16xf32>,
      %get3A_293 = arith.index_cast %add3A_288 : i32 to index
      %get3A_294 = arith.constant 0 : index
      %get3A_295 = tpu.vector_load %arg9[%get3A_293, %get3A_294] {strides = array<i32>} : memref<320x128xf32, #tpu.memory_space<vmem>>, vector<16xf32>,
      %mul3A_296 = arith.mulf %gather3A_292, %get3A_295 : vector<16xf32>
      %get3A_297 = arith.index_cast %add3A_288 : i32 to index
      %get3A_298 = arith.constant 16 : index
      %get3A_299 = tpu.vector_load %arg9[%get3A_297, %get3A_298] {strides = array<i32>} : memref<320x128xf32, #tpu.memory_space<vmem>>, vector<16xf32>,
      %mul3A_300 = arith.mulf %gather3A_292, %get3A_299 : vector<16xf32>
      %add3A_301 = arith.addf %add3A_281, %mul3A_296 : vector<16xf32>
      %add3A_302 = arith.addf %add3A_282, %mul3A_300 : vector<16xf32>
      %max3A_303 = arith.maximumf %max3A_283, %mul3A_296 : vector<16xf32>
      %max3A_304 = arith.maximumf %max3A_284, %mul3A_300 : vector<16xf32>
      %swap3A = arith.index_cast %add3A_143 : i32 to index
      %swap3A_305 = arith.constant 0 : index
      %swap3A_306 = tpu.vector_load %arg11[%swap3A, %swap3A_305] {strides = array<i32>} : memref<40x128xf32, #tpu.memory_space<vmem>>, vector<16xf32>,
      tpu.vector_store %arg11[%swap3A, %swap3A_305], %add3A_301 {strides = array<i32>} : memref<40x128xf32, #tpu.memory_space<vmem>>, vector<16xf32>,
      %swap3A_307 = arith.index_cast %add3A_143 : i32 to index
      %swap3A_308 = arith.constant 16 : index
      %swap3A_309 = tpu.vector_load %arg11[%swap3A_307, %swap3A_308] {strides = array<i32>} : memref<40x128xf32, #tpu.memory_space<vmem>>, vector<16xf32>,
      tpu.vector_store %arg11[%swap3A_307, %swap3A_308], %add3A_302 {strides = array<i32>} : memref<40x128xf32, #tpu.memory_space<vmem>>, vector<16xf32>,
      %swap3A_310 = arith.index_cast %add3A_143 : i32 to index
      %swap3A_311 = arith.constant 32 : index
      %swap3A_312 = tpu.vector_load %arg11[%swap3A_310, %swap3A_311] {strides = array<i32>} : memref<40x128xf32, #tpu.memory_space<vmem>>, vector<16xf32>,
      tpu.vector_store %arg11[%swap3A_310, %swap3A_311], %max3A_303 {strides = array<i32>} : memref<40x128xf32, #tpu.memory_space<vmem>>, vector<16xf32>,
      %swap3A_313 = arith.index_cast %add3A_143 : i32 to index
      %swap3A_314 = arith.constant 48 : index
      %swap3A_315 = tpu.vector_load %arg11[%swap3A_313, %swap3A_314] {strides = array<i32>} : memref<40x128xf32, #tpu.memory_space<vmem>>, vector<16xf32>,
      tpu.vector_store %arg11[%swap3A_313, %swap3A_314], %max3A_304 {strides = array<i32>} : memref<40x128xf32, #tpu.memory_space<vmem>>, vector<16xf32>,
    }
    %scan3A_73 = arith.constant 40 : i32
    %add3A_74 = arith.constant 120 : i32
    %add3A_75 = arith.addi %mul3A_4, %add3A_74 : i32
    "tpu.region"() ({
      %run_scoped3A = tpu.sem_alloc : memref<!tpu.dma_semaphore, #tpu.memory_space<semaphore_mem>>
      %dma_start3A_139 = arith.constant 0 : i32
      %dma_start3A_140 = tpu.memref_slice %arg5[%add3A_75, %dma_start3A_139] : memref<10240x128xf32, #tpu.memory_space<hbm>> -> memref<40x128xf32, #tpu.memory_space<hbm>>
      %dma_start3A_141 = arith.constant 0 : i32
      %dma_start3A_142 = tpu.memref_slice %arg5[%add3A_75, %dma_start3A_141] : memref<10240x128xf32, #tpu.memory_space<hbm>> -> memref<40x128xf32, #tpu.memory_space<hbm>>
      tpu.enqueue_dma source(%arg11 : memref<40x128xf32, #tpu.memory_space<vmem>>) target(%dma_start3A_142 : memref<40x128xf32, #tpu.memory_space<hbm>>) target_semaphore(%run_scoped3A : memref<!tpu.dma_semaphore, #tpu.memory_space<semaphore_mem>>)
      %dma_wait3A_143 = arith.constant 0 : i32
      %dma_wait3A_144 = tpu.memref_slice %arg5[%add3A_75, %dma_wait3A_143] : memref<10240x128xf32, #tpu.memory_space<hbm>> -> memref<40x128xf32, #tpu.memory_space<hbm>>
      %dma_wait3A_145 = arith.constant 0 : i32
      %dma_wait3A_146 = tpu.memref_slice %arg5[%add3A_75, %dma_wait3A_145] : memref<10240x128xf32, #tpu.memory_space<hbm>> -> memref<40x128xf32, #tpu.memory_space<hbm>>
      tpu.wait_dma2 semaphore(%run_scoped3A : memref<!tpu.dma_semaphore, #tpu.memory_space<semaphore_mem>>) src(%arg11 : memref<40x128xf32, #tpu.memory_space<vmem>>) dst(%dma_wait3A_146 : memref<40x128xf32, #tpu.memory_space<hbm>>)
      tpu.yield
    }) : () -> ()
    %dma_wait3A_76 = arith.constant 1280 : i32
    %dma_wait3A_77 = tpu.memref_slice %arg6[%dma_wait3A_76] : memref<2560xi32, #tpu.memory_space<vmem>> -> memref<320xi32, #tpu.memory_space<vmem>>
    %dma_wait3A_78 = arith.constant 0 : i32
    %dma_wait3A_79 = arith.constant 0 : i32
    %dma_wait3A_80 = tpu.memref_slice %arg2[%dma_wait3A_78, %dma_wait3A_79] : memref<10000x128xf32, #tpu.memory_space<hbm>> -> memref<10000x128xf32, #tpu.memory_space<hbm>>
    tpu.wait_indirect_dma semaphore(%arg12 : memref<!tpu.dma_semaphore, #tpu.memory_space<semaphore_mem>>) src(%dma_wait3A_80 : memref<10000x128xf32, #tpu.memory_space<hbm>>) dst(%arg8 : memref<320x128xf32, #tpu.memory_space<vmem>>)
    %dma_start3A_81 = arith.constant 1600 : i32
    %dma_start3A_82 = tpu.memref_slice %arg6[%dma_start3A_81] : memref<2560xi32, #tpu.memory_space<vmem>> -> memref<320xi32, #tpu.memory_space<vmem>>
    %dma_start3A_83 = arith.constant 0 : i32
    %dma_start3A_84 = arith.constant 0 : i32
    %dma_start3A_85 = tpu.memref_slice %arg2[%dma_start3A_83, %dma_start3A_84] : memref<10000x128xf32, #tpu.memory_space<hbm>> -> memref<10000x128xf32, #tpu.memory_space<hbm>>
    tpu.enqueue_indirect_dma source(%dma_start3A_85 : memref<10000x128xf32, #tpu.memory_space<hbm>>) target(%arg9 : memref<320x128xf32, #tpu.memory_space<vmem>>) offsets(%dma_start3A_82 : memref<320xi32, #tpu.memory_space<vmem>>) semaphore(%arg13 : memref<!tpu.dma_semaphore, #tpu.memory_space<semaphore_mem>>)
    %scan3A_86 = arith.constant 0 : i32
    %scan3A_87 = arith.constant 40 : i32
    %scan3A_88 = arith.addi %scan3A_86, %scan3A_87 : i32
    %scan3A_89 = arith.constant 1 : i32
    scf.for %scan3A_139 = %scan3A_86 to %scan3A_88 step %scan3A_89  : i32 {
      %mul3A_140 = arith.constant 1 : i32
      %mul3A_141 = arith.muli %scan3A_139, %mul3A_140 : i32
      %add3A_142 = arith.constant 0 : i32
      %add3A_143 = arith.addi %add3A_142, %mul3A_141 : i32
      %broadcast_in_dim3A_144 = arith.constant 0.000000e+00 : f32
      %broadcast_in_dim3A_145 = vector.broadcast %broadcast_in_dim3A_144 : f32 to vector<16xf32>
      %broadcast_in_dim3A_146 = arith.constant 0.000000e+00 : f32
      %broadcast_in_dim3A_147 = vector.broadcast %broadcast_in_dim3A_146 : f32 to vector<16xf32>
      %mul3A_148 = arith.constant 8 : i32
      %mul3A_149 = arith.muli %add3A_143, %mul3A_148 : i32
      %add3A_150 = arith.constant 0 : i32
      %add3A_151 = arith.addi %mul3A_149, %add3A_150 : i32
      %add3A_152 = arith.constant 1280 : i32
      %add3A_153 = arith.addi %add3A_152, %add3A_151 : i32
      %broadcast_in_dim3A_154 = vector.broadcast %add3A_153 : i32 to vector<16xi32>
      %gather3A = tpu.vector_load_idx %arg7[%broadcast_in_dim3A_154] : memref<2560xf32, #tpu.memory_space<vmem>>[vector<16xi32>], vector<16xf32>,
      %get3A = arith.index_cast %add3A_151 : i32 to index
      %get3A_155 = arith.constant 0 : index
      %get3A_156 = tpu.vector_load %arg8[%get3A, %get3A_155] {strides = array<i32>} : memref<320x128xf32, #tpu.memory_space<vmem>>, vector<16xf32>,
      %mul3A_157 = arith.mulf %gather3A, %get3A_156 : vector<16xf32>
      %get3A_158 = arith.index_cast %add3A_151 : i32 to index
      %get3A_159 = arith.constant 16 : index
      %get3A_160 = tpu.vector_load %arg8[%get3A_158, %get3A_159] {strides = array<i32>} : memref<320x128xf32, #tpu.memory_space<vmem>>, vector<16xf32>,
      %mul3A_161 = arith.mulf %gather3A, %get3A_160 : vector<16xf32>
      %add3A_162 = arith.addf %broadcast_in_dim3A_145, %mul3A_157 : vector<16xf32>
      %add3A_163 = arith.addf %broadcast_in_dim3A_147, %mul3A_161 : vector<16xf32>
      %max3A = arith.maximumf %broadcast_in_dim3A_5, %mul3A_157 : vector<16xf32>
      %max3A_164 = arith.maximumf %broadcast_in_dim3A_5, %mul3A_161 : vector<16xf32>
      %mul3A_165 = arith.constant 8 : i32
      %mul3A_166 = arith.muli %add3A_143, %mul3A_165 : i32
      %add3A_167 = arith.constant 1 : i32
      %add3A_168 = arith.addi %mul3A_166, %add3A_167 : i32
      %add3A_169 = arith.constant 1280 : i32
      %add3A_170 = arith.addi %add3A_169, %add3A_168 : i32
      %broadcast_in_dim3A_171 = vector.broadcast %add3A_170 : i32 to vector<16xi32>
      %gather3A_172 = tpu.vector_load_idx %arg7[%broadcast_in_dim3A_171] : memref<2560xf32, #tpu.memory_space<vmem>>[vector<16xi32>], vector<16xf32>,
      %get3A_173 = arith.index_cast %add3A_168 : i32 to index
      %get3A_174 = arith.constant 0 : index
      %get3A_175 = tpu.vector_load %arg8[%get3A_173, %get3A_174] {strides = array<i32>} : memref<320x128xf32, #tpu.memory_space<vmem>>, vector<16xf32>,
      %mul3A_176 = arith.mulf %gather3A_172, %get3A_175 : vector<16xf32>
      %get3A_177 = arith.index_cast %add3A_168 : i32 to index
      %get3A_178 = arith.constant 16 : index
      %get3A_179 = tpu.vector_load %arg8[%get3A_177, %get3A_178] {strides = array<i32>} : memref<320x128xf32, #tpu.memory_space<vmem>>, vector<16xf32>,
      %mul3A_180 = arith.mulf %gather3A_172, %get3A_179 : vector<16xf32>
      %add3A_181 = arith.addf %add3A_162, %mul3A_176 : vector<16xf32>
      %add3A_182 = arith.addf %add3A_163, %mul3A_180 : vector<16xf32>
      %max3A_183 = arith.maximumf %max3A, %mul3A_176 : vector<16xf32>
      %max3A_184 = arith.maximumf %max3A_164, %mul3A_180 : vector<16xf32>
      %mul3A_185 = arith.constant 8 : i32
      %mul3A_186 = arith.muli %add3A_143, %mul3A_185 : i32
      %add3A_187 = arith.constant 2 : i32
      %add3A_188 = arith.addi %mul3A_186, %add3A_187 : i32
      %add3A_189 = arith.constant 1280 : i32
      %add3A_190 = arith.addi %add3A_189, %add3A_188 : i32
      %broadcast_in_dim3A_191 = vector.broadcast %add3A_190 : i32 to vector<16xi32>
      %gather3A_192 = tpu.vector_load_idx %arg7[%broadcast_in_dim3A_191] : memref<2560xf32, #tpu.memory_space<vmem>>[vector<16xi32>], vector<16xf32>,
      %get3A_193 = arith.index_cast %add3A_188 : i32 to index
      %get3A_194 = arith.constant 0 : index
      %get3A_195 = tpu.vector_load %arg8[%get3A_193, %get3A_194] {strides = array<i32>} : memref<320x128xf32, #tpu.memory_space<vmem>>, vector<16xf32>,
      %mul3A_196 = arith.mulf %gather3A_192, %get3A_195 : vector<16xf32>
      %get3A_197 = arith.index_cast %add3A_188 : i32 to index
      %get3A_198 = arith.constant 16 : index
      %get3A_199 = tpu.vector_load %arg8[%get3A_197, %get3A_198] {strides = array<i32>} : memref<320x128xf32, #tpu.memory_space<vmem>>, vector<16xf32>,
      %mul3A_200 = arith.mulf %gather3A_192, %get3A_199 : vector<16xf32>
      %add3A_201 = arith.addf %add3A_181, %mul3A_196 : vector<16xf32>
      %add3A_202 = arith.addf %add3A_182, %mul3A_200 : vector<16xf32>
      %max3A_203 = arith.maximumf %max3A_183, %mul3A_196 : vector<16xf32>
      %max3A_204 = arith.maximumf %max3A_184, %mul3A_200 : vector<16xf32>
      %mul3A_205 = arith.constant 8 : i32
      %mul3A_206 = arith.muli %add3A_143, %mul3A_205 : i32
      %add3A_207 = arith.constant 3 : i32
      %add3A_208 = arith.addi %mul3A_206, %add3A_207 : i32
      %add3A_209 = arith.constant 1280 : i32
      %add3A_210 = arith.addi %add3A_209, %add3A_208 : i32
      %broadcast_in_dim3A_211 = vector.broadcast %add3A_210 : i32 to vector<16xi32>
      %gather3A_212 = tpu.vector_load_idx %arg7[%broadcast_in_dim3A_211] : memref<2560xf32, #tpu.memory_space<vmem>>[vector<16xi32>], vector<16xf32>,
      %get3A_213 = arith.index_cast %add3A_208 : i32 to index
      %get3A_214 = arith.constant 0 : index
      %get3A_215 = tpu.vector_load %arg8[%get3A_213, %get3A_214] {strides = array<i32>} : memref<320x128xf32, #tpu.memory_space<vmem>>, vector<16xf32>,
      %mul3A_216 = arith.mulf %gather3A_212, %get3A_215 : vector<16xf32>
      %get3A_217 = arith.index_cast %add3A_208 : i32 to index
      %get3A_218 = arith.constant 16 : index
      %get3A_219 = tpu.vector_load %arg8[%get3A_217, %get3A_218] {strides = array<i32>} : memref<320x128xf32, #tpu.memory_space<vmem>>, vector<16xf32>,
      %mul3A_220 = arith.mulf %gather3A_212, %get3A_219 : vector<16xf32>
      %add3A_221 = arith.addf %add3A_201, %mul3A_216 : vector<16xf32>
      %add3A_222 = arith.addf %add3A_202, %mul3A_220 : vector<16xf32>
      %max3A_223 = arith.maximumf %max3A_203, %mul3A_216 : vector<16xf32>
      %max3A_224 = arith.maximumf %max3A_204, %mul3A_220 : vector<16xf32>
      %mul3A_225 = arith.constant 8 : i32
      %mul3A_226 = arith.muli %add3A_143, %mul3A_225 : i32
      %add3A_227 = arith.constant 4 : i32
      %add3A_228 = arith.addi %mul3A_226, %add3A_227 : i32
      %add3A_229 = arith.constant 1280 : i32
      %add3A_230 = arith.addi %add3A_229, %add3A_228 : i32
      %broadcast_in_dim3A_231 = vector.broadcast %add3A_230 : i32 to vector<16xi32>
      %gather3A_232 = tpu.vector_load_idx %arg7[%broadcast_in_dim3A_231] : memref<2560xf32, #tpu.memory_space<vmem>>[vector<16xi32>], vector<16xf32>,
      %get3A_233 = arith.index_cast %add3A_228 : i32 to index
      %get3A_234 = arith.constant 0 : index
      %get3A_235 = tpu.vector_load %arg8[%get3A_233, %get3A_234] {strides = array<i32>} : memref<320x128xf32, #tpu.memory_space<vmem>>, vector<16xf32>,
      %mul3A_236 = arith.mulf %gather3A_232, %get3A_235 : vector<16xf32>
      %get3A_237 = arith.index_cast %add3A_228 : i32 to index
      %get3A_238 = arith.constant 16 : index
      %get3A_239 = tpu.vector_load %arg8[%get3A_237, %get3A_238] {strides = array<i32>} : memref<320x128xf32, #tpu.memory_space<vmem>>, vector<16xf32>,
      %mul3A_240 = arith.mulf %gather3A_232, %get3A_239 : vector<16xf32>
      %add3A_241 = arith.addf %add3A_221, %mul3A_236 : vector<16xf32>
      %add3A_242 = arith.addf %add3A_222, %mul3A_240 : vector<16xf32>
      %max3A_243 = arith.maximumf %max3A_223, %mul3A_236 : vector<16xf32>
      %max3A_244 = arith.maximumf %max3A_224, %mul3A_240 : vector<16xf32>
      %mul3A_245 = arith.constant 8 : i32
      %mul3A_246 = arith.muli %add3A_143, %mul3A_245 : i32
      %add3A_247 = arith.constant 5 : i32
      %add3A_248 = arith.addi %mul3A_246, %add3A_247 : i32
      %add3A_249 = arith.constant 1280 : i32
      %add3A_250 = arith.addi %add3A_249, %add3A_248 : i32
      %broadcast_in_dim3A_251 = vector.broadcast %add3A_250 : i32 to vector<16xi32>
      %gather3A_252 = tpu.vector_load_idx %arg7[%broadcast_in_dim3A_251] : memref<2560xf32, #tpu.memory_space<vmem>>[vector<16xi32>], vector<16xf32>,
      %get3A_253 = arith.index_cast %add3A_248 : i32 to index
      %get3A_254 = arith.constant 0 : index
      %get3A_255 = tpu.vector_load %arg8[%get3A_253, %get3A_254] {strides = array<i32>} : memref<320x128xf32, #tpu.memory_space<vmem>>, vector<16xf32>,
      %mul3A_256 = arith.mulf %gather3A_252, %get3A_255 : vector<16xf32>
      %get3A_257 = arith.index_cast %add3A_248 : i32 to index
      %get3A_258 = arith.constant 16 : index
      %get3A_259 = tpu.vector_load %arg8[%get3A_257, %get3A_258] {strides = array<i32>} : memref<320x128xf32, #tpu.memory_space<vmem>>, vector<16xf32>,
      %mul3A_260 = arith.mulf %gather3A_252, %get3A_259 : vector<16xf32>
      %add3A_261 = arith.addf %add3A_241, %mul3A_256 : vector<16xf32>
      %add3A_262 = arith.addf %add3A_242, %mul3A_260 : vector<16xf32>
      %max3A_263 = arith.maximumf %max3A_243, %mul3A_256 : vector<16xf32>
      %max3A_264 = arith.maximumf %max3A_244, %mul3A_260 : vector<16xf32>
      %mul3A_265 = arith.constant 8 : i32
      %mul3A_266 = arith.muli %add3A_143, %mul3A_265 : i32
      %add3A_267 = arith.constant 6 : i32
      %add3A_268 = arith.addi %mul3A_266, %add3A_267 : i32
      %add3A_269 = arith.constant 1280 : i32
      %add3A_270 = arith.addi %add3A_269, %add3A_268 : i32
      %broadcast_in_dim3A_271 = vector.broadcast %add3A_270 : i32 to vector<16xi32>
      %gather3A_272 = tpu.vector_load_idx %arg7[%broadcast_in_dim3A_271] : memref<2560xf32, #tpu.memory_space<vmem>>[vector<16xi32>], vector<16xf32>,
      %get3A_273 = arith.index_cast %add3A_268 : i32 to index
      %get3A_274 = arith.constant 0 : index
      %get3A_275 = tpu.vector_load %arg8[%get3A_273, %get3A_274] {strides = array<i32>} : memref<320x128xf32, #tpu.memory_space<vmem>>, vector<16xf32>,
      %mul3A_276 = arith.mulf %gather3A_272, %get3A_275 : vector<16xf32>
      %get3A_277 = arith.index_cast %add3A_268 : i32 to index
      %get3A_278 = arith.constant 16 : index
      %get3A_279 = tpu.vector_load %arg8[%get3A_277, %get3A_278] {strides = array<i32>} : memref<320x128xf32, #tpu.memory_space<vmem>>, vector<16xf32>,
      %mul3A_280 = arith.mulf %gather3A_272, %get3A_279 : vector<16xf32>
      %add3A_281 = arith.addf %add3A_261, %mul3A_276 : vector<16xf32>
      %add3A_282 = arith.addf %add3A_262, %mul3A_280 : vector<16xf32>
      %max3A_283 = arith.maximumf %max3A_263, %mul3A_276 : vector<16xf32>
      %max3A_284 = arith.maximumf %max3A_264, %mul3A_280 : vector<16xf32>
      %mul3A_285 = arith.constant 8 : i32
      %mul3A_286 = arith.muli %add3A_143, %mul3A_285 : i32
      %add3A_287 = arith.constant 7 : i32
      %add3A_288 = arith.addi %mul3A_286, %add3A_287 : i32
      %add3A_289 = arith.constant 1280 : i32
      %add3A_290 = arith.addi %add3A_289, %add3A_288 : i32
      %broadcast_in_dim3A_291 = vector.broadcast %add3A_290 : i32 to vector<16xi32>
      %gather3A_292 = tpu.vector_load_idx %arg7[%broadcast_in_dim3A_291] : memref<2560xf32, #tpu.memory_space<vmem>>[vector<16xi32>], vector<16xf32>,
      %get3A_293 = arith.index_cast %add3A_288 : i32 to index
      %get3A_294 = arith.constant 0 : index
      %get3A_295 = tpu.vector_load %arg8[%get3A_293, %get3A_294] {strides = array<i32>} : memref<320x128xf32, #tpu.memory_space<vmem>>, vector<16xf32>,
      %mul3A_296 = arith.mulf %gather3A_292, %get3A_295 : vector<16xf32>
      %get3A_297 = arith.index_cast %add3A_288 : i32 to index
      %get3A_298 = arith.constant 16 : index
      %get3A_299 = tpu.vector_load %arg8[%get3A_297, %get3A_298] {strides = array<i32>} : memref<320x128xf32, #tpu.memory_space<vmem>>, vector<16xf32>,
      %mul3A_300 = arith.mulf %gather3A_292, %get3A_299 : vector<16xf32>
      %add3A_301 = arith.addf %add3A_281, %mul3A_296 : vector<16xf32>
      %add3A_302 = arith.addf %add3A_282, %mul3A_300 : vector<16xf32>
      %max3A_303 = arith.maximumf %max3A_283, %mul3A_296 : vector<16xf32>
      %max3A_304 = arith.maximumf %max3A_284, %mul3A_300 : vector<16xf32>
      %swap3A = arith.index_cast %add3A_143 : i32 to index
      %swap3A_305 = arith.constant 0 : index
      %swap3A_306 = tpu.vector_load %arg10[%swap3A, %swap3A_305] {strides = array<i32>} : memref<40x128xf32, #tpu.memory_space<vmem>>, vector<16xf32>,
      tpu.vector_store %arg10[%swap3A, %swap3A_305], %add3A_301 {strides = array<i32>} : memref<40x128xf32, #tpu.memory_space<vmem>>, vector<16xf32>,
      %swap3A_307 = arith.index_cast %add3A_143 : i32 to index
      %swap3A_308 = arith.constant 16 : index
      %swap3A_309 = tpu.vector_load %arg10[%swap3A_307, %swap3A_308] {strides = array<i32>} : memref<40x128xf32, #tpu.memory_space<vmem>>, vector<16xf32>,
      tpu.vector_store %arg10[%swap3A_307, %swap3A_308], %add3A_302 {strides = array<i32>} : memref<40x128xf32, #tpu.memory_space<vmem>>, vector<16xf32>,
      %swap3A_310 = arith.index_cast %add3A_143 : i32 to index
      %swap3A_311 = arith.constant 32 : index
      %swap3A_312 = tpu.vector_load %arg10[%swap3A_310, %swap3A_311] {strides = array<i32>} : memref<40x128xf32, #tpu.memory_space<vmem>>, vector<16xf32>,
      tpu.vector_store %arg10[%swap3A_310, %swap3A_311], %max3A_303 {strides = array<i32>} : memref<40x128xf32, #tpu.memory_space<vmem>>, vector<16xf32>,
      %swap3A_313 = arith.index_cast %add3A_143 : i32 to index
      %swap3A_314 = arith.constant 48 : index
      %swap3A_315 = tpu.vector_load %arg10[%swap3A_313, %swap3A_314] {strides = array<i32>} : memref<40x128xf32, #tpu.memory_space<vmem>>, vector<16xf32>,
      tpu.vector_store %arg10[%swap3A_313, %swap3A_314], %max3A_304 {strides = array<i32>} : memref<40x128xf32, #tpu.memory_space<vmem>>, vector<16xf32>,
    }
    %scan3A_90 = arith.constant 40 : i32
    %add3A_91 = arith.constant 160 : i32
    %add3A_92 = arith.addi %mul3A_4, %add3A_91 : i32
    "tpu.region"() ({
      %run_scoped3A = tpu.sem_alloc : memref<!tpu.dma_semaphore, #tpu.memory_space<semaphore_mem>>
      %dma_start3A_139 = arith.constant 0 : i32
      %dma_start3A_140 = tpu.memref_slice %arg5[%add3A_92, %dma_start3A_139] : memref<10240x128xf32, #tpu.memory_space<hbm>> -> memref<40x128xf32, #tpu.memory_space<hbm>>
      %dma_start3A_141 = arith.constant 0 : i32
      %dma_start3A_142 = tpu.memref_slice %arg5[%add3A_92, %dma_start3A_141] : memref<10240x128xf32, #tpu.memory_space<hbm>> -> memref<40x128xf32, #tpu.memory_space<hbm>>
      tpu.enqueue_dma source(%arg10 : memref<40x128xf32, #tpu.memory_space<vmem>>) target(%dma_start3A_142 : memref<40x128xf32, #tpu.memory_space<hbm>>) target_semaphore(%run_scoped3A : memref<!tpu.dma_semaphore, #tpu.memory_space<semaphore_mem>>)
      %dma_wait3A_143 = arith.constant 0 : i32
      %dma_wait3A_144 = tpu.memref_slice %arg5[%add3A_92, %dma_wait3A_143] : memref<10240x128xf32, #tpu.memory_space<hbm>> -> memref<40x128xf32, #tpu.memory_space<hbm>>
      %dma_wait3A_145 = arith.constant 0 : i32
      %dma_wait3A_146 = tpu.memref_slice %arg5[%add3A_92, %dma_wait3A_145] : memref<10240x128xf32, #tpu.memory_space<hbm>> -> memref<40x128xf32, #tpu.memory_space<hbm>>
      tpu.wait_dma2 semaphore(%run_scoped3A : memref<!tpu.dma_semaphore, #tpu.memory_space<semaphore_mem>>) src(%arg10 : memref<40x128xf32, #tpu.memory_space<vmem>>) dst(%dma_wait3A_146 : memref<40x128xf32, #tpu.memory_space<hbm>>)
      tpu.yield
    }) : () -> ()
    %dma_wait3A_93 = arith.constant 1600 : i32
    %dma_wait3A_94 = tpu.memref_slice %arg6[%dma_wait3A_93] : memref<2560xi32, #tpu.memory_space<vmem>> -> memref<320xi32, #tpu.memory_space<vmem>>
    %dma_wait3A_95 = arith.constant 0 : i32
    %dma_wait3A_96 = arith.constant 0 : i32
    %dma_wait3A_97 = tpu.memref_slice %arg2[%dma_wait3A_95, %dma_wait3A_96] : memref<10000x128xf32, #tpu.memory_space<hbm>> -> memref<10000x128xf32, #tpu.memory_space<hbm>>
    tpu.wait_indirect_dma semaphore(%arg13 : memref<!tpu.dma_semaphore, #tpu.memory_space<semaphore_mem>>) src(%dma_wait3A_97 : memref<10000x128xf32, #tpu.memory_space<hbm>>) dst(%arg9 : memref<320x128xf32, #tpu.memory_space<vmem>>)
    %dma_start3A_98 = arith.constant 1920 : i32
    %dma_start3A_99 = tpu.memref_slice %arg6[%dma_start3A_98] : memref<2560xi32, #tpu.memory_space<vmem>> -> memref<320xi32, #tpu.memory_space<vmem>>
    %dma_start3A_100 = arith.constant 0 : i32
    %dma_start3A_101 = arith.constant 0 : i32
    %dma_start3A_102 = tpu.memref_slice %arg2[%dma_start3A_100, %dma_start3A_101] : memref<10000x128xf32, #tpu.memory_space<hbm>> -> memref<10000x128xf32, #tpu.memory_space<hbm>>
    tpu.enqueue_indirect_dma source(%dma_start3A_102 : memref<10000x128xf32, #tpu.memory_space<hbm>>) target(%arg8 : memref<320x128xf32, #tpu.memory_space<vmem>>) offsets(%dma_start3A_99 : memref<320xi32, #tpu.memory_space<vmem>>) semaphore(%arg12 : memref<!tpu.dma_semaphore, #tpu.memory_space<semaphore_mem>>)
    %scan3A_103 = arith.constant 0 : i32
    %scan3A_104 = arith.constant 40 : i32
    %scan3A_105 = arith.addi %scan3A_103, %scan3A_104 : i32
    %scan3A_106 = arith.constant 1 : i32
    scf.for %scan3A_139 = %scan3A_103 to %scan3A_105 step %scan3A_106  : i32 {
      %mul3A_140 = arith.constant 1 : i32
      %mul3A_141 = arith.muli %scan3A_139, %mul3A_140 : i32
      %add3A_142 = arith.constant 0 : i32
      %add3A_143 = arith.addi %add3A_142, %mul3A_141 : i32
      %broadcast_in_dim3A_144 = arith.constant 0.000000e+00 : f32
      %broadcast_in_dim3A_145 = vector.broadcast %broadcast_in_dim3A_144 : f32 to vector<16xf32>
      %broadcast_in_dim3A_146 = arith.constant 0.000000e+00 : f32
      %broadcast_in_dim3A_147 = vector.broadcast %broadcast_in_dim3A_146 : f32 to vector<16xf32>
      %mul3A_148 = arith.constant 8 : i32
      %mul3A_149 = arith.muli %add3A_143, %mul3A_148 : i32
      %add3A_150 = arith.constant 0 : i32
      %add3A_151 = arith.addi %mul3A_149, %add3A_150 : i32
      %add3A_152 = arith.constant 1600 : i32
      %add3A_153 = arith.addi %add3A_152, %add3A_151 : i32
      %broadcast_in_dim3A_154 = vector.broadcast %add3A_153 : i32 to vector<16xi32>
      %gather3A = tpu.vector_load_idx %arg7[%broadcast_in_dim3A_154] : memref<2560xf32, #tpu.memory_space<vmem>>[vector<16xi32>], vector<16xf32>,
      %get3A = arith.index_cast %add3A_151 : i32 to index
      %get3A_155 = arith.constant 0 : index
      %get3A_156 = tpu.vector_load %arg9[%get3A, %get3A_155] {strides = array<i32>} : memref<320x128xf32, #tpu.memory_space<vmem>>, vector<16xf32>,
      %mul3A_157 = arith.mulf %gather3A, %get3A_156 : vector<16xf32>
      %get3A_158 = arith.index_cast %add3A_151 : i32 to index
      %get3A_159 = arith.constant 16 : index
      %get3A_160 = tpu.vector_load %arg9[%get3A_158, %get3A_159] {strides = array<i32>} : memref<320x128xf32, #tpu.memory_space<vmem>>, vector<16xf32>,
      %mul3A_161 = arith.mulf %gather3A, %get3A_160 : vector<16xf32>
      %add3A_162 = arith.addf %broadcast_in_dim3A_145, %mul3A_157 : vector<16xf32>
      %add3A_163 = arith.addf %broadcast_in_dim3A_147, %mul3A_161 : vector<16xf32>
      %max3A = arith.maximumf %broadcast_in_dim3A_5, %mul3A_157 : vector<16xf32>
      %max3A_164 = arith.maximumf %broadcast_in_dim3A_5, %mul3A_161 : vector<16xf32>
      %mul3A_165 = arith.constant 8 : i32
      %mul3A_166 = arith.muli %add3A_143, %mul3A_165 : i32
      %add3A_167 = arith.constant 1 : i32
      %add3A_168 = arith.addi %mul3A_166, %add3A_167 : i32
      %add3A_169 = arith.constant 1600 : i32
      %add3A_170 = arith.addi %add3A_169, %add3A_168 : i32
      %broadcast_in_dim3A_171 = vector.broadcast %add3A_170 : i32 to vector<16xi32>
      %gather3A_172 = tpu.vector_load_idx %arg7[%broadcast_in_dim3A_171] : memref<2560xf32, #tpu.memory_space<vmem>>[vector<16xi32>], vector<16xf32>,
      %get3A_173 = arith.index_cast %add3A_168 : i32 to index
      %get3A_174 = arith.constant 0 : index
      %get3A_175 = tpu.vector_load %arg9[%get3A_173, %get3A_174] {strides = array<i32>} : memref<320x128xf32, #tpu.memory_space<vmem>>, vector<16xf32>,
      %mul3A_176 = arith.mulf %gather3A_172, %get3A_175 : vector<16xf32>
      %get3A_177 = arith.index_cast %add3A_168 : i32 to index
      %get3A_178 = arith.constant 16 : index
      %get3A_179 = tpu.vector_load %arg9[%get3A_177, %get3A_178] {strides = array<i32>} : memref<320x128xf32, #tpu.memory_space<vmem>>, vector<16xf32>,
      %mul3A_180 = arith.mulf %gather3A_172, %get3A_179 : vector<16xf32>
      %add3A_181 = arith.addf %add3A_162, %mul3A_176 : vector<16xf32>
      %add3A_182 = arith.addf %add3A_163, %mul3A_180 : vector<16xf32>
      %max3A_183 = arith.maximumf %max3A, %mul3A_176 : vector<16xf32>
      %max3A_184 = arith.maximumf %max3A_164, %mul3A_180 : vector<16xf32>
      %mul3A_185 = arith.constant 8 : i32
      %mul3A_186 = arith.muli %add3A_143, %mul3A_185 : i32
      %add3A_187 = arith.constant 2 : i32
      %add3A_188 = arith.addi %mul3A_186, %add3A_187 : i32
      %add3A_189 = arith.constant 1600 : i32
      %add3A_190 = arith.addi %add3A_189, %add3A_188 : i32
      %broadcast_in_dim3A_191 = vector.broadcast %add3A_190 : i32 to vector<16xi32>
      %gather3A_192 = tpu.vector_load_idx %arg7[%broadcast_in_dim3A_191] : memref<2560xf32, #tpu.memory_space<vmem>>[vector<16xi32>], vector<16xf32>,
      %get3A_193 = arith.index_cast %add3A_188 : i32 to index
      %get3A_194 = arith.constant 0 : index
      %get3A_195 = tpu.vector_load %arg9[%get3A_193, %get3A_194] {strides = array<i32>} : memref<320x128xf32, #tpu.memory_space<vmem>>, vector<16xf32>,
      %mul3A_196 = arith.mulf %gather3A_192, %get3A_195 : vector<16xf32>
      %get3A_197 = arith.index_cast %add3A_188 : i32 to index
      %get3A_198 = arith.constant 16 : index
      %get3A_199 = tpu.vector_load %arg9[%get3A_197, %get3A_198] {strides = array<i32>} : memref<320x128xf32, #tpu.memory_space<vmem>>, vector<16xf32>,
      %mul3A_200 = arith.mulf %gather3A_192, %get3A_199 : vector<16xf32>
      %add3A_201 = arith.addf %add3A_181, %mul3A_196 : vector<16xf32>
      %add3A_202 = arith.addf %add3A_182, %mul3A_200 : vector<16xf32>
      %max3A_203 = arith.maximumf %max3A_183, %mul3A_196 : vector<16xf32>
      %max3A_204 = arith.maximumf %max3A_184, %mul3A_200 : vector<16xf32>
      %mul3A_205 = arith.constant 8 : i32
      %mul3A_206 = arith.muli %add3A_143, %mul3A_205 : i32
      %add3A_207 = arith.constant 3 : i32
      %add3A_208 = arith.addi %mul3A_206, %add3A_207 : i32
      %add3A_209 = arith.constant 1600 : i32
      %add3A_210 = arith.addi %add3A_209, %add3A_208 : i32
      %broadcast_in_dim3A_211 = vector.broadcast %add3A_210 : i32 to vector<16xi32>
      %gather3A_212 = tpu.vector_load_idx %arg7[%broadcast_in_dim3A_211] : memref<2560xf32, #tpu.memory_space<vmem>>[vector<16xi32>], vector<16xf32>,
      %get3A_213 = arith.index_cast %add3A_208 : i32 to index
      %get3A_214 = arith.constant 0 : index
      %get3A_215 = tpu.vector_load %arg9[%get3A_213, %get3A_214] {strides = array<i32>} : memref<320x128xf32, #tpu.memory_space<vmem>>, vector<16xf32>,
      %mul3A_216 = arith.mulf %gather3A_212, %get3A_215 : vector<16xf32>
      %get3A_217 = arith.index_cast %add3A_208 : i32 to index
      %get3A_218 = arith.constant 16 : index
      %get3A_219 = tpu.vector_load %arg9[%get3A_217, %get3A_218] {strides = array<i32>} : memref<320x128xf32, #tpu.memory_space<vmem>>, vector<16xf32>,
      %mul3A_220 = arith.mulf %gather3A_212, %get3A_219 : vector<16xf32>
      %add3A_221 = arith.addf %add3A_201, %mul3A_216 : vector<16xf32>
      %add3A_222 = arith.addf %add3A_202, %mul3A_220 : vector<16xf32>
      %max3A_223 = arith.maximumf %max3A_203, %mul3A_216 : vector<16xf32>
      %max3A_224 = arith.maximumf %max3A_204, %mul3A_220 : vector<16xf32>
      %mul3A_225 = arith.constant 8 : i32
      %mul3A_226 = arith.muli %add3A_143, %mul3A_225 : i32
      %add3A_227 = arith.constant 4 : i32
      %add3A_228 = arith.addi %mul3A_226, %add3A_227 : i32
      %add3A_229 = arith.constant 1600 : i32
      %add3A_230 = arith.addi %add3A_229, %add3A_228 : i32
      %broadcast_in_dim3A_231 = vector.broadcast %add3A_230 : i32 to vector<16xi32>
      %gather3A_232 = tpu.vector_load_idx %arg7[%broadcast_in_dim3A_231] : memref<2560xf32, #tpu.memory_space<vmem>>[vector<16xi32>], vector<16xf32>,
      %get3A_233 = arith.index_cast %add3A_228 : i32 to index
      %get3A_234 = arith.constant 0 : index
      %get3A_235 = tpu.vector_load %arg9[%get3A_233, %get3A_234] {strides = array<i32>} : memref<320x128xf32, #tpu.memory_space<vmem>>, vector<16xf32>,
      %mul3A_236 = arith.mulf %gather3A_232, %get3A_235 : vector<16xf32>
      %get3A_237 = arith.index_cast %add3A_228 : i32 to index
      %get3A_238 = arith.constant 16 : index
      %get3A_239 = tpu.vector_load %arg9[%get3A_237, %get3A_238] {strides = array<i32>} : memref<320x128xf32, #tpu.memory_space<vmem>>, vector<16xf32>,
      %mul3A_240 = arith.mulf %gather3A_232, %get3A_239 : vector<16xf32>
      %add3A_241 = arith.addf %add3A_221, %mul3A_236 : vector<16xf32>
      %add3A_242 = arith.addf %add3A_222, %mul3A_240 : vector<16xf32>
      %max3A_243 = arith.maximumf %max3A_223, %mul3A_236 : vector<16xf32>
      %max3A_244 = arith.maximumf %max3A_224, %mul3A_240 : vector<16xf32>
      %mul3A_245 = arith.constant 8 : i32
      %mul3A_246 = arith.muli %add3A_143, %mul3A_245 : i32
      %add3A_247 = arith.constant 5 : i32
      %add3A_248 = arith.addi %mul3A_246, %add3A_247 : i32
      %add3A_249 = arith.constant 1600 : i32
      %add3A_250 = arith.addi %add3A_249, %add3A_248 : i32
      %broadcast_in_dim3A_251 = vector.broadcast %add3A_250 : i32 to vector<16xi32>
      %gather3A_252 = tpu.vector_load_idx %arg7[%broadcast_in_dim3A_251] : memref<2560xf32, #tpu.memory_space<vmem>>[vector<16xi32>], vector<16xf32>,
      %get3A_253 = arith.index_cast %add3A_248 : i32 to index
      %get3A_254 = arith.constant 0 : index
      %get3A_255 = tpu.vector_load %arg9[%get3A_253, %get3A_254] {strides = array<i32>} : memref<320x128xf32, #tpu.memory_space<vmem>>, vector<16xf32>,
      %mul3A_256 = arith.mulf %gather3A_252, %get3A_255 : vector<16xf32>
      %get3A_257 = arith.index_cast %add3A_248 : i32 to index
      %get3A_258 = arith.constant 16 : index
      %get3A_259 = tpu.vector_load %arg9[%get3A_257, %get3A_258] {strides = array<i32>} : memref<320x128xf32, #tpu.memory_space<vmem>>, vector<16xf32>,
      %mul3A_260 = arith.mulf %gather3A_252, %get3A_259 : vector<16xf32>
      %add3A_261 = arith.addf %add3A_241, %mul3A_256 : vector<16xf32>
      %add3A_262 = arith.addf %add3A_242, %mul3A_260 : vector<16xf32>
      %max3A_263 = arith.maximumf %max3A_243, %mul3A_256 : vector<16xf32>
      %max3A_264 = arith.maximumf %max3A_244, %mul3A_260 : vector<16xf32>
      %mul3A_265 = arith.constant 8 : i32
      %mul3A_266 = arith.muli %add3A_143, %mul3A_265 : i32
      %add3A_267 = arith.constant 6 : i32
      %add3A_268 = arith.addi %mul3A_266, %add3A_267 : i32
      %add3A_269 = arith.constant 1600 : i32
      %add3A_270 = arith.addi %add3A_269, %add3A_268 : i32
      %broadcast_in_dim3A_271 = vector.broadcast %add3A_270 : i32 to vector<16xi32>
      %gather3A_272 = tpu.vector_load_idx %arg7[%broadcast_in_dim3A_271] : memref<2560xf32, #tpu.memory_space<vmem>>[vector<16xi32>], vector<16xf32>,
      %get3A_273 = arith.index_cast %add3A_268 : i32 to index
      %get3A_274 = arith.constant 0 : index
      %get3A_275 = tpu.vector_load %arg9[%get3A_273, %get3A_274] {strides = array<i32>} : memref<320x128xf32, #tpu.memory_space<vmem>>, vector<16xf32>,
      %mul3A_276 = arith.mulf %gather3A_272, %get3A_275 : vector<16xf32>
      %get3A_277 = arith.index_cast %add3A_268 : i32 to index
      %get3A_278 = arith.constant 16 : index
      %get3A_279 = tpu.vector_load %arg9[%get3A_277, %get3A_278] {strides = array<i32>} : memref<320x128xf32, #tpu.memory_space<vmem>>, vector<16xf32>,
      %mul3A_280 = arith.mulf %gather3A_272, %get3A_279 : vector<16xf32>
      %add3A_281 = arith.addf %add3A_261, %mul3A_276 : vector<16xf32>
      %add3A_282 = arith.addf %add3A_262, %mul3A_280 : vector<16xf32>
      %max3A_283 = arith.maximumf %max3A_263, %mul3A_276 : vector<16xf32>
      %max3A_284 = arith.maximumf %max3A_264, %mul3A_280 : vector<16xf32>
      %mul3A_285 = arith.constant 8 : i32
      %mul3A_286 = arith.muli %add3A_143, %mul3A_285 : i32
      %add3A_287 = arith.constant 7 : i32
      %add3A_288 = arith.addi %mul3A_286, %add3A_287 : i32
      %add3A_289 = arith.constant 1600 : i32
      %add3A_290 = arith.addi %add3A_289, %add3A_288 : i32
      %broadcast_in_dim3A_291 = vector.broadcast %add3A_290 : i32 to vector<16xi32>
      %gather3A_292 = tpu.vector_load_idx %arg7[%broadcast_in_dim3A_291] : memref<2560xf32, #tpu.memory_space<vmem>>[vector<16xi32>], vector<16xf32>,
      %get3A_293 = arith.index_cast %add3A_288 : i32 to index
      %get3A_294 = arith.constant 0 : index
      %get3A_295 = tpu.vector_load %arg9[%get3A_293, %get3A_294] {strides = array<i32>} : memref<320x128xf32, #tpu.memory_space<vmem>>, vector<16xf32>,
      %mul3A_296 = arith.mulf %gather3A_292, %get3A_295 : vector<16xf32>
      %get3A_297 = arith.index_cast %add3A_288 : i32 to index
      %get3A_298 = arith.constant 16 : index
      %get3A_299 = tpu.vector_load %arg9[%get3A_297, %get3A_298] {strides = array<i32>} : memref<320x128xf32, #tpu.memory_space<vmem>>, vector<16xf32>,
      %mul3A_300 = arith.mulf %gather3A_292, %get3A_299 : vector<16xf32>
      %add3A_301 = arith.addf %add3A_281, %mul3A_296 : vector<16xf32>
      %add3A_302 = arith.addf %add3A_282, %mul3A_300 : vector<16xf32>
      %max3A_303 = arith.maximumf %max3A_283, %mul3A_296 : vector<16xf32>
      %max3A_304 = arith.maximumf %max3A_284, %mul3A_300 : vector<16xf32>
      %swap3A = arith.index_cast %add3A_143 : i32 to index
      %swap3A_305 = arith.constant 0 : index
      %swap3A_306 = tpu.vector_load %arg11[%swap3A, %swap3A_305] {strides = array<i32>} : memref<40x128xf32, #tpu.memory_space<vmem>>, vector<16xf32>,
      tpu.vector_store %arg11[%swap3A, %swap3A_305], %add3A_301 {strides = array<i32>} : memref<40x128xf32, #tpu.memory_space<vmem>>, vector<16xf32>,
      %swap3A_307 = arith.index_cast %add3A_143 : i32 to index
      %swap3A_308 = arith.constant 16 : index
      %swap3A_309 = tpu.vector_load %arg11[%swap3A_307, %swap3A_308] {strides = array<i32>} : memref<40x128xf32, #tpu.memory_space<vmem>>, vector<16xf32>,
      tpu.vector_store %arg11[%swap3A_307, %swap3A_308], %add3A_302 {strides = array<i32>} : memref<40x128xf32, #tpu.memory_space<vmem>>, vector<16xf32>,
      %swap3A_310 = arith.index_cast %add3A_143 : i32 to index
      %swap3A_311 = arith.constant 32 : index
      %swap3A_312 = tpu.vector_load %arg11[%swap3A_310, %swap3A_311] {strides = array<i32>} : memref<40x128xf32, #tpu.memory_space<vmem>>, vector<16xf32>,
      tpu.vector_store %arg11[%swap3A_310, %swap3A_311], %max3A_303 {strides = array<i32>} : memref<40x128xf32, #tpu.memory_space<vmem>>, vector<16xf32>,
      %swap3A_313 = arith.index_cast %add3A_143 : i32 to index
      %swap3A_314 = arith.constant 48 : index
      %swap3A_315 = tpu.vector_load %arg11[%swap3A_313, %swap3A_314] {strides = array<i32>} : memref<40x128xf32, #tpu.memory_space<vmem>>, vector<16xf32>,
      tpu.vector_store %arg11[%swap3A_313, %swap3A_314], %max3A_304 {strides = array<i32>} : memref<40x128xf32, #tpu.memory_space<vmem>>, vector<16xf32>,
    }
    %scan3A_107 = arith.constant 40 : i32
    %add3A_108 = arith.constant 200 : i32
    %add3A_109 = arith.addi %mul3A_4, %add3A_108 : i32
    "tpu.region"() ({
      %run_scoped3A = tpu.sem_alloc : memref<!tpu.dma_semaphore, #tpu.memory_space<semaphore_mem>>
      %dma_start3A_139 = arith.constant 0 : i32
      %dma_start3A_140 = tpu.memref_slice %arg5[%add3A_109, %dma_start3A_139] : memref<10240x128xf32, #tpu.memory_space<hbm>> -> memref<40x128xf32, #tpu.memory_space<hbm>>
      %dma_start3A_141 = arith.constant 0 : i32
      %dma_start3A_142 = tpu.memref_slice %arg5[%add3A_109, %dma_start3A_141] : memref<10240x128xf32, #tpu.memory_space<hbm>> -> memref<40x128xf32, #tpu.memory_space<hbm>>
      tpu.enqueue_dma source(%arg11 : memref<40x128xf32, #tpu.memory_space<vmem>>) target(%dma_start3A_142 : memref<40x128xf32, #tpu.memory_space<hbm>>) target_semaphore(%run_scoped3A : memref<!tpu.dma_semaphore, #tpu.memory_space<semaphore_mem>>)
      %dma_wait3A_143 = arith.constant 0 : i32
      %dma_wait3A_144 = tpu.memref_slice %arg5[%add3A_109, %dma_wait3A_143] : memref<10240x128xf32, #tpu.memory_space<hbm>> -> memref<40x128xf32, #tpu.memory_space<hbm>>
      %dma_wait3A_145 = arith.constant 0 : i32
      %dma_wait3A_146 = tpu.memref_slice %arg5[%add3A_109, %dma_wait3A_145] : memref<10240x128xf32, #tpu.memory_space<hbm>> -> memref<40x128xf32, #tpu.memory_space<hbm>>
      tpu.wait_dma2 semaphore(%run_scoped3A : memref<!tpu.dma_semaphore, #tpu.memory_space<semaphore_mem>>) src(%arg11 : memref<40x128xf32, #tpu.memory_space<vmem>>) dst(%dma_wait3A_146 : memref<40x128xf32, #tpu.memory_space<hbm>>)
      tpu.yield
    }) : () -> ()
    %dma_wait3A_110 = arith.constant 1920 : i32
    %dma_wait3A_111 = tpu.memref_slice %arg6[%dma_wait3A_110] : memref<2560xi32, #tpu.memory_space<vmem>> -> memref<320xi32, #tpu.memory_space<vmem>>
    %dma_wait3A_112 = arith.constant 0 : i32
    %dma_wait3A_113 = arith.constant 0 : i32
    %dma_wait3A_114 = tpu.memref_slice %arg2[%dma_wait3A_112, %dma_wait3A_113] : memref<10000x128xf32, #tpu.memory_space<hbm>> -> memref<10000x128xf32, #tpu.memory_space<hbm>>
    tpu.wait_indirect_dma semaphore(%arg12 : memref<!tpu.dma_semaphore, #tpu.memory_space<semaphore_mem>>) src(%dma_wait3A_114 : memref<10000x128xf32, #tpu.memory_space<hbm>>) dst(%arg8 : memref<320x128xf32, #tpu.memory_space<vmem>>)
    %dma_start3A_115 = arith.constant 2240 : i32
    %dma_start3A_116 = tpu.memref_slice %arg6[%dma_start3A_115] : memref<2560xi32, #tpu.memory_space<vmem>> -> memref<320xi32, #tpu.memory_space<vmem>>
    %dma_start3A_117 = arith.constant 0 : i32
    %dma_start3A_118 = arith.constant 0 : i32
    %dma_start3A_119 = tpu.memref_slice %arg2[%dma_start3A_117, %dma_start3A_118] : memref<10000x128xf32, #tpu.memory_space<hbm>> -> memref<10000x128xf32, #tpu.memory_space<hbm>>
    tpu.enqueue_indirect_dma source(%dma_start3A_119 : memref<10000x128xf32, #tpu.memory_space<hbm>>) target(%arg9 : memref<320x128xf32, #tpu.memory_space<vmem>>) offsets(%dma_start3A_116 : memref<320xi32, #tpu.memory_space<vmem>>) semaphore(%arg13 : memref<!tpu.dma_semaphore, #tpu.memory_space<semaphore_mem>>)
    %scan3A_120 = arith.constant 0 : i32
    %scan3A_121 = arith.constant 40 : i32
    %scan3A_122 = arith.addi %scan3A_120, %scan3A_121 : i32
    %scan3A_123 = arith.constant 1 : i32
    scf.for %scan3A_139 = %scan3A_120 to %scan3A_122 step %scan3A_123  : i32 {
      %mul3A_140 = arith.constant 1 : i32
      %mul3A_141 = arith.muli %scan3A_139, %mul3A_140 : i32
      %add3A_142 = arith.constant 0 : i32
      %add3A_143 = arith.addi %add3A_142, %mul3A_141 : i32
      %broadcast_in_dim3A_144 = arith.constant 0.000000e+00 : f32
      %broadcast_in_dim3A_145 = vector.broadcast %broadcast_in_dim3A_144 : f32 to vector<16xf32>
      %broadcast_in_dim3A_146 = arith.constant 0.000000e+00 : f32
      %broadcast_in_dim3A_147 = vector.broadcast %broadcast_in_dim3A_146 : f32 to vector<16xf32>
      %mul3A_148 = arith.constant 8 : i32
      %mul3A_149 = arith.muli %add3A_143, %mul3A_148 : i32
      %add3A_150 = arith.constant 0 : i32
      %add3A_151 = arith.addi %mul3A_149, %add3A_150 : i32
      %add3A_152 = arith.constant 1920 : i32
      %add3A_153 = arith.addi %add3A_152, %add3A_151 : i32
      %broadcast_in_dim3A_154 = vector.broadcast %add3A_153 : i32 to vector<16xi32>
      %gather3A = tpu.vector_load_idx %arg7[%broadcast_in_dim3A_154] : memref<2560xf32, #tpu.memory_space<vmem>>[vector<16xi32>], vector<16xf32>,
      %get3A = arith.index_cast %add3A_151 : i32 to index
      %get3A_155 = arith.constant 0 : index
      %get3A_156 = tpu.vector_load %arg8[%get3A, %get3A_155] {strides = array<i32>} : memref<320x128xf32, #tpu.memory_space<vmem>>, vector<16xf32>,
      %mul3A_157 = arith.mulf %gather3A, %get3A_156 : vector<16xf32>
      %get3A_158 = arith.index_cast %add3A_151 : i32 to index
      %get3A_159 = arith.constant 16 : index
      %get3A_160 = tpu.vector_load %arg8[%get3A_158, %get3A_159] {strides = array<i32>} : memref<320x128xf32, #tpu.memory_space<vmem>>, vector<16xf32>,
      %mul3A_161 = arith.mulf %gather3A, %get3A_160 : vector<16xf32>
      %add3A_162 = arith.addf %broadcast_in_dim3A_145, %mul3A_157 : vector<16xf32>
      %add3A_163 = arith.addf %broadcast_in_dim3A_147, %mul3A_161 : vector<16xf32>
      %max3A = arith.maximumf %broadcast_in_dim3A_5, %mul3A_157 : vector<16xf32>
      %max3A_164 = arith.maximumf %broadcast_in_dim3A_5, %mul3A_161 : vector<16xf32>
      %mul3A_165 = arith.constant 8 : i32
      %mul3A_166 = arith.muli %add3A_143, %mul3A_165 : i32
      %add3A_167 = arith.constant 1 : i32
      %add3A_168 = arith.addi %mul3A_166, %add3A_167 : i32
      %add3A_169 = arith.constant 1920 : i32
      %add3A_170 = arith.addi %add3A_169, %add3A_168 : i32
      %broadcast_in_dim3A_171 = vector.broadcast %add3A_170 : i32 to vector<16xi32>
      %gather3A_172 = tpu.vector_load_idx %arg7[%broadcast_in_dim3A_171] : memref<2560xf32, #tpu.memory_space<vmem>>[vector<16xi32>], vector<16xf32>,
      %get3A_173 = arith.index_cast %add3A_168 : i32 to index
      %get3A_174 = arith.constant 0 : index
      %get3A_175 = tpu.vector_load %arg8[%get3A_173, %get3A_174] {strides = array<i32>} : memref<320x128xf32, #tpu.memory_space<vmem>>, vector<16xf32>,
      %mul3A_176 = arith.mulf %gather3A_172, %get3A_175 : vector<16xf32>
      %get3A_177 = arith.index_cast %add3A_168 : i32 to index
      %get3A_178 = arith.constant 16 : index
      %get3A_179 = tpu.vector_load %arg8[%get3A_177, %get3A_178] {strides = array<i32>} : memref<320x128xf32, #tpu.memory_space<vmem>>, vector<16xf32>,
      %mul3A_180 = arith.mulf %gather3A_172, %get3A_179 : vector<16xf32>
      %add3A_181 = arith.addf %add3A_162, %mul3A_176 : vector<16xf32>
      %add3A_182 = arith.addf %add3A_163, %mul3A_180 : vector<16xf32>
      %max3A_183 = arith.maximumf %max3A, %mul3A_176 : vector<16xf32>
      %max3A_184 = arith.maximumf %max3A_164, %mul3A_180 : vector<16xf32>
      %mul3A_185 = arith.constant 8 : i32
      %mul3A_186 = arith.muli %add3A_143, %mul3A_185 : i32
      %add3A_187 = arith.constant 2 : i32
      %add3A_188 = arith.addi %mul3A_186, %add3A_187 : i32
      %add3A_189 = arith.constant 1920 : i32
      %add3A_190 = arith.addi %add3A_189, %add3A_188 : i32
      %broadcast_in_dim3A_191 = vector.broadcast %add3A_190 : i32 to vector<16xi32>
      %gather3A_192 = tpu.vector_load_idx %arg7[%broadcast_in_dim3A_191] : memref<2560xf32, #tpu.memory_space<vmem>>[vector<16xi32>], vector<16xf32>,
      %get3A_193 = arith.index_cast %add3A_188 : i32 to index
      %get3A_194 = arith.constant 0 : index
      %get3A_195 = tpu.vector_load %arg8[%get3A_193, %get3A_194] {strides = array<i32>} : memref<320x128xf32, #tpu.memory_space<vmem>>, vector<16xf32>,
      %mul3A_196 = arith.mulf %gather3A_192, %get3A_195 : vector<16xf32>
      %get3A_197 = arith.index_cast %add3A_188 : i32 to index
      %get3A_198 = arith.constant 16 : index
      %get3A_199 = tpu.vector_load %arg8[%get3A_197, %get3A_198] {strides = array<i32>} : memref<320x128xf32, #tpu.memory_space<vmem>>, vector<16xf32>,
      %mul3A_200 = arith.mulf %gather3A_192, %get3A_199 : vector<16xf32>
      %add3A_201 = arith.addf %add3A_181, %mul3A_196 : vector<16xf32>
      %add3A_202 = arith.addf %add3A_182, %mul3A_200 : vector<16xf32>
      %max3A_203 = arith.maximumf %max3A_183, %mul3A_196 : vector<16xf32>
      %max3A_204 = arith.maximumf %max3A_184, %mul3A_200 : vector<16xf32>
      %mul3A_205 = arith.constant 8 : i32
      %mul3A_206 = arith.muli %add3A_143, %mul3A_205 : i32
      %add3A_207 = arith.constant 3 : i32
      %add3A_208 = arith.addi %mul3A_206, %add3A_207 : i32
      %add3A_209 = arith.constant 1920 : i32
      %add3A_210 = arith.addi %add3A_209, %add3A_208 : i32
      %broadcast_in_dim3A_211 = vector.broadcast %add3A_210 : i32 to vector<16xi32>
      %gather3A_212 = tpu.vector_load_idx %arg7[%broadcast_in_dim3A_211] : memref<2560xf32, #tpu.memory_space<vmem>>[vector<16xi32>], vector<16xf32>,
      %get3A_213 = arith.index_cast %add3A_208 : i32 to index
      %get3A_214 = arith.constant 0 : index
      %get3A_215 = tpu.vector_load %arg8[%get3A_213, %get3A_214] {strides = array<i32>} : memref<320x128xf32, #tpu.memory_space<vmem>>, vector<16xf32>,
      %mul3A_216 = arith.mulf %gather3A_212, %get3A_215 : vector<16xf32>
      %get3A_217 = arith.index_cast %add3A_208 : i32 to index
      %get3A_218 = arith.constant 16 : index
      %get3A_219 = tpu.vector_load %arg8[%get3A_217, %get3A_218] {strides = array<i32>} : memref<320x128xf32, #tpu.memory_space<vmem>>, vector<16xf32>,
      %mul3A_220 = arith.mulf %gather3A_212, %get3A_219 : vector<16xf32>
      %add3A_221 = arith.addf %add3A_201, %mul3A_216 : vector<16xf32>
      %add3A_222 = arith.addf %add3A_202, %mul3A_220 : vector<16xf32>
      %max3A_223 = arith.maximumf %max3A_203, %mul3A_216 : vector<16xf32>
      %max3A_224 = arith.maximumf %max3A_204, %mul3A_220 : vector<16xf32>
      %mul3A_225 = arith.constant 8 : i32
      %mul3A_226 = arith.muli %add3A_143, %mul3A_225 : i32
      %add3A_227 = arith.constant 4 : i32
      %add3A_228 = arith.addi %mul3A_226, %add3A_227 : i32
      %add3A_229 = arith.constant 1920 : i32
      %add3A_230 = arith.addi %add3A_229, %add3A_228 : i32
      %broadcast_in_dim3A_231 = vector.broadcast %add3A_230 : i32 to vector<16xi32>
      %gather3A_232 = tpu.vector_load_idx %arg7[%broadcast_in_dim3A_231] : memref<2560xf32, #tpu.memory_space<vmem>>[vector<16xi32>], vector<16xf32>,
      %get3A_233 = arith.index_cast %add3A_228 : i32 to index
      %get3A_234 = arith.constant 0 : index
      %get3A_235 = tpu.vector_load %arg8[%get3A_233, %get3A_234] {strides = array<i32>} : memref<320x128xf32, #tpu.memory_space<vmem>>, vector<16xf32>,
      %mul3A_236 = arith.mulf %gather3A_232, %get3A_235 : vector<16xf32>
      %get3A_237 = arith.index_cast %add3A_228 : i32 to index
      %get3A_238 = arith.constant 16 : index
      %get3A_239 = tpu.vector_load %arg8[%get3A_237, %get3A_238] {strides = array<i32>} : memref<320x128xf32, #tpu.memory_space<vmem>>, vector<16xf32>,
      %mul3A_240 = arith.mulf %gather3A_232, %get3A_239 : vector<16xf32>
      %add3A_241 = arith.addf %add3A_221, %mul3A_236 : vector<16xf32>
      %add3A_242 = arith.addf %add3A_222, %mul3A_240 : vector<16xf32>
      %max3A_243 = arith.maximumf %max3A_223, %mul3A_236 : vector<16xf32>
      %max3A_244 = arith.maximumf %max3A_224, %mul3A_240 : vector<16xf32>
      %mul3A_245 = arith.constant 8 : i32
      %mul3A_246 = arith.muli %add3A_143, %mul3A_245 : i32
      %add3A_247 = arith.constant 5 : i32
      %add3A_248 = arith.addi %mul3A_246, %add3A_247 : i32
      %add3A_249 = arith.constant 1920 : i32
      %add3A_250 = arith.addi %add3A_249, %add3A_248 : i32
      %broadcast_in_dim3A_251 = vector.broadcast %add3A_250 : i32 to vector<16xi32>
      %gather3A_252 = tpu.vector_load_idx %arg7[%broadcast_in_dim3A_251] : memref<2560xf32, #tpu.memory_space<vmem>>[vector<16xi32>], vector<16xf32>,
      %get3A_253 = arith.index_cast %add3A_248 : i32 to index
      %get3A_254 = arith.constant 0 : index
      %get3A_255 = tpu.vector_load %arg8[%get3A_253, %get3A_254] {strides = array<i32>} : memref<320x128xf32, #tpu.memory_space<vmem>>, vector<16xf32>,
      %mul3A_256 = arith.mulf %gather3A_252, %get3A_255 : vector<16xf32>
      %get3A_257 = arith.index_cast %add3A_248 : i32 to index
      %get3A_258 = arith.constant 16 : index
      %get3A_259 = tpu.vector_load %arg8[%get3A_257, %get3A_258] {strides = array<i32>} : memref<320x128xf32, #tpu.memory_space<vmem>>, vector<16xf32>,
      %mul3A_260 = arith.mulf %gather3A_252, %get3A_259 : vector<16xf32>
      %add3A_261 = arith.addf %add3A_241, %mul3A_256 : vector<16xf32>
      %add3A_262 = arith.addf %add3A_242, %mul3A_260 : vector<16xf32>
      %max3A_263 = arith.maximumf %max3A_243, %mul3A_256 : vector<16xf32>
      %max3A_264 = arith.maximumf %max3A_244, %mul3A_260 : vector<16xf32>
      %mul3A_265 = arith.constant 8 : i32
      %mul3A_266 = arith.muli %add3A_143, %mul3A_265 : i32
      %add3A_267 = arith.constant 6 : i32
      %add3A_268 = arith.addi %mul3A_266, %add3A_267 : i32
      %add3A_269 = arith.constant 1920 : i32
      %add3A_270 = arith.addi %add3A_269, %add3A_268 : i32
      %broadcast_in_dim3A_271 = vector.broadcast %add3A_270 : i32 to vector<16xi32>
      %gather3A_272 = tpu.vector_load_idx %arg7[%broadcast_in_dim3A_271] : memref<2560xf32, #tpu.memory_space<vmem>>[vector<16xi32>], vector<16xf32>,
      %get3A_273 = arith.index_cast %add3A_268 : i32 to index
      %get3A_274 = arith.constant 0 : index
      %get3A_275 = tpu.vector_load %arg8[%get3A_273, %get3A_274] {strides = array<i32>} : memref<320x128xf32, #tpu.memory_space<vmem>>, vector<16xf32>,
      %mul3A_276 = arith.mulf %gather3A_272, %get3A_275 : vector<16xf32>
      %get3A_277 = arith.index_cast %add3A_268 : i32 to index
      %get3A_278 = arith.constant 16 : index
      %get3A_279 = tpu.vector_load %arg8[%get3A_277, %get3A_278] {strides = array<i32>} : memref<320x128xf32, #tpu.memory_space<vmem>>, vector<16xf32>,
      %mul3A_280 = arith.mulf %gather3A_272, %get3A_279 : vector<16xf32>
      %add3A_281 = arith.addf %add3A_261, %mul3A_276 : vector<16xf32>
      %add3A_282 = arith.addf %add3A_262, %mul3A_280 : vector<16xf32>
      %max3A_283 = arith.maximumf %max3A_263, %mul3A_276 : vector<16xf32>
      %max3A_284 = arith.maximumf %max3A_264, %mul3A_280 : vector<16xf32>
      %mul3A_285 = arith.constant 8 : i32
      %mul3A_286 = arith.muli %add3A_143, %mul3A_285 : i32
      %add3A_287 = arith.constant 7 : i32
      %add3A_288 = arith.addi %mul3A_286, %add3A_287 : i32
      %add3A_289 = arith.constant 1920 : i32
      %add3A_290 = arith.addi %add3A_289, %add3A_288 : i32
      %broadcast_in_dim3A_291 = vector.broadcast %add3A_290 : i32 to vector<16xi32>
      %gather3A_292 = tpu.vector_load_idx %arg7[%broadcast_in_dim3A_291] : memref<2560xf32, #tpu.memory_space<vmem>>[vector<16xi32>], vector<16xf32>,
      %get3A_293 = arith.index_cast %add3A_288 : i32 to index
      %get3A_294 = arith.constant 0 : index
      %get3A_295 = tpu.vector_load %arg8[%get3A_293, %get3A_294] {strides = array<i32>} : memref<320x128xf32, #tpu.memory_space<vmem>>, vector<16xf32>,
      %mul3A_296 = arith.mulf %gather3A_292, %get3A_295 : vector<16xf32>
      %get3A_297 = arith.index_cast %add3A_288 : i32 to index
      %get3A_298 = arith.constant 16 : index
      %get3A_299 = tpu.vector_load %arg8[%get3A_297, %get3A_298] {strides = array<i32>} : memref<320x128xf32, #tpu.memory_space<vmem>>, vector<16xf32>,
      %mul3A_300 = arith.mulf %gather3A_292, %get3A_299 : vector<16xf32>
      %add3A_301 = arith.addf %add3A_281, %mul3A_296 : vector<16xf32>
      %add3A_302 = arith.addf %add3A_282, %mul3A_300 : vector<16xf32>
      %max3A_303 = arith.maximumf %max3A_283, %mul3A_296 : vector<16xf32>
      %max3A_304 = arith.maximumf %max3A_284, %mul3A_300 : vector<16xf32>
      %swap3A = arith.index_cast %add3A_143 : i32 to index
      %swap3A_305 = arith.constant 0 : index
      %swap3A_306 = tpu.vector_load %arg10[%swap3A, %swap3A_305] {strides = array<i32>} : memref<40x128xf32, #tpu.memory_space<vmem>>, vector<16xf32>,
      tpu.vector_store %arg10[%swap3A, %swap3A_305], %add3A_301 {strides = array<i32>} : memref<40x128xf32, #tpu.memory_space<vmem>>, vector<16xf32>,
      %swap3A_307 = arith.index_cast %add3A_143 : i32 to index
      %swap3A_308 = arith.constant 16 : index
      %swap3A_309 = tpu.vector_load %arg10[%swap3A_307, %swap3A_308] {strides = array<i32>} : memref<40x128xf32, #tpu.memory_space<vmem>>, vector<16xf32>,
      tpu.vector_store %arg10[%swap3A_307, %swap3A_308], %add3A_302 {strides = array<i32>} : memref<40x128xf32, #tpu.memory_space<vmem>>, vector<16xf32>,
      %swap3A_310 = arith.index_cast %add3A_143 : i32 to index
      %swap3A_311 = arith.constant 32 : index
      %swap3A_312 = tpu.vector_load %arg10[%swap3A_310, %swap3A_311] {strides = array<i32>} : memref<40x128xf32, #tpu.memory_space<vmem>>, vector<16xf32>,
      tpu.vector_store %arg10[%swap3A_310, %swap3A_311], %max3A_303 {strides = array<i32>} : memref<40x128xf32, #tpu.memory_space<vmem>>, vector<16xf32>,
      %swap3A_313 = arith.index_cast %add3A_143 : i32 to index
      %swap3A_314 = arith.constant 48 : index
      %swap3A_315 = tpu.vector_load %arg10[%swap3A_313, %swap3A_314] {strides = array<i32>} : memref<40x128xf32, #tpu.memory_space<vmem>>, vector<16xf32>,
      tpu.vector_store %arg10[%swap3A_313, %swap3A_314], %max3A_304 {strides = array<i32>} : memref<40x128xf32, #tpu.memory_space<vmem>>, vector<16xf32>,
    }
    %scan3A_124 = arith.constant 40 : i32
    %add3A_125 = arith.constant 240 : i32
    %add3A_126 = arith.addi %mul3A_4, %add3A_125 : i32
    "tpu.region"() ({
      %run_scoped3A = tpu.sem_alloc : memref<!tpu.dma_semaphore, #tpu.memory_space<semaphore_mem>>
      %dma_start3A_139 = arith.constant 0 : i32
      %dma_start3A_140 = tpu.memref_slice %arg5[%add3A_126, %dma_start3A_139] : memref<10240x128xf32, #tpu.memory_space<hbm>> -> memref<40x128xf32, #tpu.memory_space<hbm>>
      %dma_start3A_141 = arith.constant 0 : i32
      %dma_start3A_142 = tpu.memref_slice %arg5[%add3A_126, %dma_start3A_141] : memref<10240x128xf32, #tpu.memory_space<hbm>> -> memref<40x128xf32, #tpu.memory_space<hbm>>
      tpu.enqueue_dma source(%arg10 : memref<40x128xf32, #tpu.memory_space<vmem>>) target(%dma_start3A_142 : memref<40x128xf32, #tpu.memory_space<hbm>>) target_semaphore(%run_scoped3A : memref<!tpu.dma_semaphore, #tpu.memory_space<semaphore_mem>>)
      %dma_wait3A_143 = arith.constant 0 : i32
      %dma_wait3A_144 = tpu.memref_slice %arg5[%add3A_126, %dma_wait3A_143] : memref<10240x128xf32, #tpu.memory_space<hbm>> -> memref<40x128xf32, #tpu.memory_space<hbm>>
      %dma_wait3A_145 = arith.constant 0 : i32
      %dma_wait3A_146 = tpu.memref_slice %arg5[%add3A_126, %dma_wait3A_145] : memref<10240x128xf32, #tpu.memory_space<hbm>> -> memref<40x128xf32, #tpu.memory_space<hbm>>
      tpu.wait_dma2 semaphore(%run_scoped3A : memref<!tpu.dma_semaphore, #tpu.memory_space<semaphore_mem>>) src(%arg10 : memref<40x128xf32, #tpu.memory_space<vmem>>) dst(%dma_wait3A_146 : memref<40x128xf32, #tpu.memory_space<hbm>>)
      tpu.yield
    }) : () -> ()
    %dma_wait3A_127 = arith.constant 2240 : i32
    %dma_wait3A_128 = tpu.memref_slice %arg6[%dma_wait3A_127] : memref<2560xi32, #tpu.memory_space<vmem>> -> memref<320xi32, #tpu.memory_space<vmem>>
    %dma_wait3A_129 = arith.constant 0 : i32
    %dma_wait3A_130 = arith.constant 0 : i32
    %dma_wait3A_131 = tpu.memref_slice %arg2[%dma_wait3A_129, %dma_wait3A_130] : memref<10000x128xf32, #tpu.memory_space<hbm>> -> memref<10000x128xf32, #tpu.memory_space<hbm>>
    tpu.wait_indirect_dma semaphore(%arg13 : memref<!tpu.dma_semaphore, #tpu.memory_space<semaphore_mem>>) src(%dma_wait3A_131 : memref<10000x128xf32, #tpu.memory_space<hbm>>) dst(%arg9 : memref<320x128xf32, #tpu.memory_space<vmem>>)
    %scan3A_132 = arith.constant 0 : i32
    %scan3A_133 = arith.constant 40 : i32
    %scan3A_134 = arith.addi %scan3A_132, %scan3A_133 : i32
    %scan3A_135 = arith.constant 1 : i32
    scf.for %scan3A_139 = %scan3A_132 to %scan3A_134 step %scan3A_135  : i32 {
      %mul3A_140 = arith.constant 1 : i32
      %mul3A_141 = arith.muli %scan3A_139, %mul3A_140 : i32
      %add3A_142 = arith.constant 0 : i32
      %add3A_143 = arith.addi %add3A_142, %mul3A_141 : i32
      %broadcast_in_dim3A_144 = arith.constant 0.000000e+00 : f32
      %broadcast_in_dim3A_145 = vector.broadcast %broadcast_in_dim3A_144 : f32 to vector<16xf32>
      %broadcast_in_dim3A_146 = arith.constant 0.000000e+00 : f32
      %broadcast_in_dim3A_147 = vector.broadcast %broadcast_in_dim3A_146 : f32 to vector<16xf32>
      %mul3A_148 = arith.constant 8 : i32
      %mul3A_149 = arith.muli %add3A_143, %mul3A_148 : i32
      %add3A_150 = arith.constant 0 : i32
      %add3A_151 = arith.addi %mul3A_149, %add3A_150 : i32
      %add3A_152 = arith.constant 2240 : i32
      %add3A_153 = arith.addi %add3A_152, %add3A_151 : i32
      %broadcast_in_dim3A_154 = vector.broadcast %add3A_153 : i32 to vector<16xi32>
      %gather3A = tpu.vector_load_idx %arg7[%broadcast_in_dim3A_154] : memref<2560xf32, #tpu.memory_space<vmem>>[vector<16xi32>], vector<16xf32>,
      %get3A = arith.index_cast %add3A_151 : i32 to index
      %get3A_155 = arith.constant 0 : index
      %get3A_156 = tpu.vector_load %arg9[%get3A, %get3A_155] {strides = array<i32>} : memref<320x128xf32, #tpu.memory_space<vmem>>, vector<16xf32>,
      %mul3A_157 = arith.mulf %gather3A, %get3A_156 : vector<16xf32>
      %get3A_158 = arith.index_cast %add3A_151 : i32 to index
      %get3A_159 = arith.constant 16 : index
      %get3A_160 = tpu.vector_load %arg9[%get3A_158, %get3A_159] {strides = array<i32>} : memref<320x128xf32, #tpu.memory_space<vmem>>, vector<16xf32>,
      %mul3A_161 = arith.mulf %gather3A, %get3A_160 : vector<16xf32>
      %add3A_162 = arith.addf %broadcast_in_dim3A_145, %mul3A_157 : vector<16xf32>
      %add3A_163 = arith.addf %broadcast_in_dim3A_147, %mul3A_161 : vector<16xf32>
      %max3A = arith.maximumf %broadcast_in_dim3A_5, %mul3A_157 : vector<16xf32>
      %max3A_164 = arith.maximumf %broadcast_in_dim3A_5, %mul3A_161 : vector<16xf32>
      %mul3A_165 = arith.constant 8 : i32
      %mul3A_166 = arith.muli %add3A_143, %mul3A_165 : i32
      %add3A_167 = arith.constant 1 : i32
      %add3A_168 = arith.addi %mul3A_166, %add3A_167 : i32
      %add3A_169 = arith.constant 2240 : i32
      %add3A_170 = arith.addi %add3A_169, %add3A_168 : i32
      %broadcast_in_dim3A_171 = vector.broadcast %add3A_170 : i32 to vector<16xi32>
      %gather3A_172 = tpu.vector_load_idx %arg7[%broadcast_in_dim3A_171] : memref<2560xf32, #tpu.memory_space<vmem>>[vector<16xi32>], vector<16xf32>,
      %get3A_173 = arith.index_cast %add3A_168 : i32 to index
      %get3A_174 = arith.constant 0 : index
      %get3A_175 = tpu.vector_load %arg9[%get3A_173, %get3A_174] {strides = array<i32>} : memref<320x128xf32, #tpu.memory_space<vmem>>, vector<16xf32>,
      %mul3A_176 = arith.mulf %gather3A_172, %get3A_175 : vector<16xf32>
      %get3A_177 = arith.index_cast %add3A_168 : i32 to index
      %get3A_178 = arith.constant 16 : index
      %get3A_179 = tpu.vector_load %arg9[%get3A_177, %get3A_178] {strides = array<i32>} : memref<320x128xf32, #tpu.memory_space<vmem>>, vector<16xf32>,
      %mul3A_180 = arith.mulf %gather3A_172, %get3A_179 : vector<16xf32>
      %add3A_181 = arith.addf %add3A_162, %mul3A_176 : vector<16xf32>
      %add3A_182 = arith.addf %add3A_163, %mul3A_180 : vector<16xf32>
      %max3A_183 = arith.maximumf %max3A, %mul3A_176 : vector<16xf32>
      %max3A_184 = arith.maximumf %max3A_164, %mul3A_180 : vector<16xf32>
      %mul3A_185 = arith.constant 8 : i32
      %mul3A_186 = arith.muli %add3A_143, %mul3A_185 : i32
      %add3A_187 = arith.constant 2 : i32
      %add3A_188 = arith.addi %mul3A_186, %add3A_187 : i32
      %add3A_189 = arith.constant 2240 : i32
      %add3A_190 = arith.addi %add3A_189, %add3A_188 : i32
      %broadcast_in_dim3A_191 = vector.broadcast %add3A_190 : i32 to vector<16xi32>
      %gather3A_192 = tpu.vector_load_idx %arg7[%broadcast_in_dim3A_191] : memref<2560xf32, #tpu.memory_space<vmem>>[vector<16xi32>], vector<16xf32>,
      %get3A_193 = arith.index_cast %add3A_188 : i32 to index
      %get3A_194 = arith.constant 0 : index
      %get3A_195 = tpu.vector_load %arg9[%get3A_193, %get3A_194] {strides = array<i32>} : memref<320x128xf32, #tpu.memory_space<vmem>>, vector<16xf32>,
      %mul3A_196 = arith.mulf %gather3A_192, %get3A_195 : vector<16xf32>
      %get3A_197 = arith.index_cast %add3A_188 : i32 to index
      %get3A_198 = arith.constant 16 : index
      %get3A_199 = tpu.vector_load %arg9[%get3A_197, %get3A_198] {strides = array<i32>} : memref<320x128xf32, #tpu.memory_space<vmem>>, vector<16xf32>,
      %mul3A_200 = arith.mulf %gather3A_192, %get3A_199 : vector<16xf32>
      %add3A_201 = arith.addf %add3A_181, %mul3A_196 : vector<16xf32>
      %add3A_202 = arith.addf %add3A_182, %mul3A_200 : vector<16xf32>
      %max3A_203 = arith.maximumf %max3A_183, %mul3A_196 : vector<16xf32>
      %max3A_204 = arith.maximumf %max3A_184, %mul3A_200 : vector<16xf32>
      %mul3A_205 = arith.constant 8 : i32
      %mul3A_206 = arith.muli %add3A_143, %mul3A_205 : i32
      %add3A_207 = arith.constant 3 : i32
      %add3A_208 = arith.addi %mul3A_206, %add3A_207 : i32
      %add3A_209 = arith.constant 2240 : i32
      %add3A_210 = arith.addi %add3A_209, %add3A_208 : i32
      %broadcast_in_dim3A_211 = vector.broadcast %add3A_210 : i32 to vector<16xi32>
      %gather3A_212 = tpu.vector_load_idx %arg7[%broadcast_in_dim3A_211] : memref<2560xf32, #tpu.memory_space<vmem>>[vector<16xi32>], vector<16xf32>,
      %get3A_213 = arith.index_cast %add3A_208 : i32 to index
      %get3A_214 = arith.constant 0 : index
      %get3A_215 = tpu.vector_load %arg9[%get3A_213, %get3A_214] {strides = array<i32>} : memref<320x128xf32, #tpu.memory_space<vmem>>, vector<16xf32>,
      %mul3A_216 = arith.mulf %gather3A_212, %get3A_215 : vector<16xf32>
      %get3A_217 = arith.index_cast %add3A_208 : i32 to index
      %get3A_218 = arith.constant 16 : index
      %get3A_219 = tpu.vector_load %arg9[%get3A_217, %get3A_218] {strides = array<i32>} : memref<320x128xf32, #tpu.memory_space<vmem>>, vector<16xf32>,
      %mul3A_220 = arith.mulf %gather3A_212, %get3A_219 : vector<16xf32>
      %add3A_221 = arith.addf %add3A_201, %mul3A_216 : vector<16xf32>
      %add3A_222 = arith.addf %add3A_202, %mul3A_220 : vector<16xf32>
      %max3A_223 = arith.maximumf %max3A_203, %mul3A_216 : vector<16xf32>
      %max3A_224 = arith.maximumf %max3A_204, %mul3A_220 : vector<16xf32>
      %mul3A_225 = arith.constant 8 : i32
      %mul3A_226 = arith.muli %add3A_143, %mul3A_225 : i32
      %add3A_227 = arith.constant 4 : i32
      %add3A_228 = arith.addi %mul3A_226, %add3A_227 : i32
      %add3A_229 = arith.constant 2240 : i32
      %add3A_230 = arith.addi %add3A_229, %add3A_228 : i32
      %broadcast_in_dim3A_231 = vector.broadcast %add3A_230 : i32 to vector<16xi32>
      %gather3A_232 = tpu.vector_load_idx %arg7[%broadcast_in_dim3A_231] : memref<2560xf32, #tpu.memory_space<vmem>>[vector<16xi32>], vector<16xf32>,
      %get3A_233 = arith.index_cast %add3A_228 : i32 to index
      %get3A_234 = arith.constant 0 : index
      %get3A_235 = tpu.vector_load %arg9[%get3A_233, %get3A_234] {strides = array<i32>} : memref<320x128xf32, #tpu.memory_space<vmem>>, vector<16xf32>,
      %mul3A_236 = arith.mulf %gather3A_232, %get3A_235 : vector<16xf32>
      %get3A_237 = arith.index_cast %add3A_228 : i32 to index
      %get3A_238 = arith.constant 16 : index
      %get3A_239 = tpu.vector_load %arg9[%get3A_237, %get3A_238] {strides = array<i32>} : memref<320x128xf32, #tpu.memory_space<vmem>>, vector<16xf32>,
      %mul3A_240 = arith.mulf %gather3A_232, %get3A_239 : vector<16xf32>
      %add3A_241 = arith.addf %add3A_221, %mul3A_236 : vector<16xf32>
      %add3A_242 = arith.addf %add3A_222, %mul3A_240 : vector<16xf32>
      %max3A_243 = arith.maximumf %max3A_223, %mul3A_236 : vector<16xf32>
      %max3A_244 = arith.maximumf %max3A_224, %mul3A_240 : vector<16xf32>
      %mul3A_245 = arith.constant 8 : i32
      %mul3A_246 = arith.muli %add3A_143, %mul3A_245 : i32
      %add3A_247 = arith.constant 5 : i32
      %add3A_248 = arith.addi %mul3A_246, %add3A_247 : i32
      %add3A_249 = arith.constant 2240 : i32
      %add3A_250 = arith.addi %add3A_249, %add3A_248 : i32
      %broadcast_in_dim3A_251 = vector.broadcast %add3A_250 : i32 to vector<16xi32>
      %gather3A_252 = tpu.vector_load_idx %arg7[%broadcast_in_dim3A_251] : memref<2560xf32, #tpu.memory_space<vmem>>[vector<16xi32>], vector<16xf32>,
      %get3A_253 = arith.index_cast %add3A_248 : i32 to index
      %get3A_254 = arith.constant 0 : index
      %get3A_255 = tpu.vector_load %arg9[%get3A_253, %get3A_254] {strides = array<i32>} : memref<320x128xf32, #tpu.memory_space<vmem>>, vector<16xf32>,
      %mul3A_256 = arith.mulf %gather3A_252, %get3A_255 : vector<16xf32>
      %get3A_257 = arith.index_cast %add3A_248 : i32 to index
      %get3A_258 = arith.constant 16 : index
      %get3A_259 = tpu.vector_load %arg9[%get3A_257, %get3A_258] {strides = array<i32>} : memref<320x128xf32, #tpu.memory_space<vmem>>, vector<16xf32>,
      %mul3A_260 = arith.mulf %gather3A_252, %get3A_259 : vector<16xf32>
      %add3A_261 = arith.addf %add3A_241, %mul3A_256 : vector<16xf32>
      %add3A_262 = arith.addf %add3A_242, %mul3A_260 : vector<16xf32>
      %max3A_263 = arith.maximumf %max3A_243, %mul3A_256 : vector<16xf32>
      %max3A_264 = arith.maximumf %max3A_244, %mul3A_260 : vector<16xf32>
      %mul3A_265 = arith.constant 8 : i32
      %mul3A_266 = arith.muli %add3A_143, %mul3A_265 : i32
      %add3A_267 = arith.constant 6 : i32
      %add3A_268 = arith.addi %mul3A_266, %add3A_267 : i32
      %add3A_269 = arith.constant 2240 : i32
      %add3A_270 = arith.addi %add3A_269, %add3A_268 : i32
      %broadcast_in_dim3A_271 = vector.broadcast %add3A_270 : i32 to vector<16xi32>
      %gather3A_272 = tpu.vector_load_idx %arg7[%broadcast_in_dim3A_271] : memref<2560xf32, #tpu.memory_space<vmem>>[vector<16xi32>], vector<16xf32>,
      %get3A_273 = arith.index_cast %add3A_268 : i32 to index
      %get3A_274 = arith.constant 0 : index
      %get3A_275 = tpu.vector_load %arg9[%get3A_273, %get3A_274] {strides = array<i32>} : memref<320x128xf32, #tpu.memory_space<vmem>>, vector<16xf32>,
      %mul3A_276 = arith.mulf %gather3A_272, %get3A_275 : vector<16xf32>
      %get3A_277 = arith.index_cast %add3A_268 : i32 to index
      %get3A_278 = arith.constant 16 : index
      %get3A_279 = tpu.vector_load %arg9[%get3A_277, %get3A_278] {strides = array<i32>} : memref<320x128xf32, #tpu.memory_space<vmem>>, vector<16xf32>,
      %mul3A_280 = arith.mulf %gather3A_272, %get3A_279 : vector<16xf32>
      %add3A_281 = arith.addf %add3A_261, %mul3A_276 : vector<16xf32>
      %add3A_282 = arith.addf %add3A_262, %mul3A_280 : vector<16xf32>
      %max3A_283 = arith.maximumf %max3A_263, %mul3A_276 : vector<16xf32>
      %max3A_284 = arith.maximumf %max3A_264, %mul3A_280 : vector<16xf32>
      %mul3A_285 = arith.constant 8 : i32
      %mul3A_286 = arith.muli %add3A_143, %mul3A_285 : i32
      %add3A_287 = arith.constant 7 : i32
      %add3A_288 = arith.addi %mul3A_286, %add3A_287 : i32
      %add3A_289 = arith.constant 2240 : i32
      %add3A_290 = arith.addi %add3A_289, %add3A_288 : i32
      %broadcast_in_dim3A_291 = vector.broadcast %add3A_290 : i32 to vector<16xi32>
      %gather3A_292 = tpu.vector_load_idx %arg7[%broadcast_in_dim3A_291] : memref<2560xf32, #tpu.memory_space<vmem>>[vector<16xi32>], vector<16xf32>,
      %get3A_293 = arith.index_cast %add3A_288 : i32 to index
      %get3A_294 = arith.constant 0 : index
      %get3A_295 = tpu.vector_load %arg9[%get3A_293, %get3A_294] {strides = array<i32>} : memref<320x128xf32, #tpu.memory_space<vmem>>, vector<16xf32>,
      %mul3A_296 = arith.mulf %gather3A_292, %get3A_295 : vector<16xf32>
      %get3A_297 = arith.index_cast %add3A_288 : i32 to index
      %get3A_298 = arith.constant 16 : index
      %get3A_299 = tpu.vector_load %arg9[%get3A_297, %get3A_298] {strides = array<i32>} : memref<320x128xf32, #tpu.memory_space<vmem>>, vector<16xf32>,
      %mul3A_300 = arith.mulf %gather3A_292, %get3A_299 : vector<16xf32>
      %add3A_301 = arith.addf %add3A_281, %mul3A_296 : vector<16xf32>
      %add3A_302 = arith.addf %add3A_282, %mul3A_300 : vector<16xf32>
      %max3A_303 = arith.maximumf %max3A_283, %mul3A_296 : vector<16xf32>
      %max3A_304 = arith.maximumf %max3A_284, %mul3A_300 : vector<16xf32>
      %swap3A = arith.index_cast %add3A_143 : i32 to index
      %swap3A_305 = arith.constant 0 : index
      %swap3A_306 = tpu.vector_load %arg11[%swap3A, %swap3A_305] {strides = array<i32>} : memref<40x128xf32, #tpu.memory_space<vmem>>, vector<16xf32>,
      tpu.vector_store %arg11[%swap3A, %swap3A_305], %add3A_301 {strides = array<i32>} : memref<40x128xf32, #tpu.memory_space<vmem>>, vector<16xf32>,
      %swap3A_307 = arith.index_cast %add3A_143 : i32 to index
      %swap3A_308 = arith.constant 16 : index
      %swap3A_309 = tpu.vector_load %arg11[%swap3A_307, %swap3A_308] {strides = array<i32>} : memref<40x128xf32, #tpu.memory_space<vmem>>, vector<16xf32>,
      tpu.vector_store %arg11[%swap3A_307, %swap3A_308], %add3A_302 {strides = array<i32>} : memref<40x128xf32, #tpu.memory_space<vmem>>, vector<16xf32>,
      %swap3A_310 = arith.index_cast %add3A_143 : i32 to index
      %swap3A_311 = arith.constant 32 : index
      %swap3A_312 = tpu.vector_load %arg11[%swap3A_310, %swap3A_311] {strides = array<i32>} : memref<40x128xf32, #tpu.memory_space<vmem>>, vector<16xf32>,
      tpu.vector_store %arg11[%swap3A_310, %swap3A_311], %max3A_303 {strides = array<i32>} : memref<40x128xf32, #tpu.memory_space<vmem>>, vector<16xf32>,
      %swap3A_313 = arith.index_cast %add3A_143 : i32 to index
      %swap3A_314 = arith.constant 48 : index
      %swap3A_315 = tpu.vector_load %arg11[%swap3A_313, %swap3A_314] {strides = array<i32>} : memref<40x128xf32, #tpu.memory_space<vmem>>, vector<16xf32>,
      tpu.vector_store %arg11[%swap3A_313, %swap3A_314], %max3A_304 {strides = array<i32>} : memref<40x128xf32, #tpu.memory_space<vmem>>, vector<16xf32>,
    }
    %scan3A_136 = arith.constant 40 : i32
    %add3A_137 = arith.constant 280 : i32
    %add3A_138 = arith.addi %mul3A_4, %add3A_137 : i32
    "tpu.region"() ({
      %run_scoped3A = tpu.sem_alloc : memref<!tpu.dma_semaphore, #tpu.memory_space<semaphore_mem>>
      %dma_start3A_139 = arith.constant 0 : i32
      %dma_start3A_140 = tpu.memref_slice %arg5[%add3A_138, %dma_start3A_139] : memref<10240x128xf32, #tpu.memory_space<hbm>> -> memref<40x128xf32, #tpu.memory_space<hbm>>
      %dma_start3A_141 = arith.constant 0 : i32
      %dma_start3A_142 = tpu.memref_slice %arg5[%add3A_138, %dma_start3A_141] : memref<10240x128xf32, #tpu.memory_space<hbm>> -> memref<40x128xf32, #tpu.memory_space<hbm>>
      tpu.enqueue_dma source(%arg11 : memref<40x128xf32, #tpu.memory_space<vmem>>) target(%dma_start3A_142 : memref<40x128xf32, #tpu.memory_space<hbm>>) target_semaphore(%run_scoped3A : memref<!tpu.dma_semaphore, #tpu.memory_space<semaphore_mem>>)
      %dma_wait3A_143 = arith.constant 0 : i32
      %dma_wait3A_144 = tpu.memref_slice %arg5[%add3A_138, %dma_wait3A_143] : memref<10240x128xf32, #tpu.memory_space<hbm>> -> memref<40x128xf32, #tpu.memory_space<hbm>>
      %dma_wait3A_145 = arith.constant 0 : i32
      %dma_wait3A_146 = tpu.memref_slice %arg5[%add3A_138, %dma_wait3A_145] : memref<10240x128xf32, #tpu.memory_space<hbm>> -> memref<40x128xf32, #tpu.memory_space<hbm>>
      tpu.wait_dma2 semaphore(%run_scoped3A : memref<!tpu.dma_semaphore, #tpu.memory_space<semaphore_mem>>) src(%arg11 : memref<40x128xf32, #tpu.memory_space<vmem>>) dst(%dma_wait3A_146 : memref<40x128xf32, #tpu.memory_space<hbm>>)
      tpu.yield
    }) : () -> ()
    return
  }
}

module attributes {stable_mosaic.version = 14 : i64} {
  func.func @_topk_body(%arg0: i32, %arg1: memref<25xi32, #tpu.memory_space<smem>>, %arg2: memref<25xi32, #tpu.memory_space<smem>>, %arg3: memref<400x34xf32, #tpu.memory_space<vmem>>, %arg4: memref<10240x34xf32, #tpu.memory_space<vmem>>, %arg5: memref<400x1xi32, #tpu.memory_space<vmem>>, %arg6: memref<1x10240xi32, #tpu.memory_space<vmem>>, %arg7: memref<34x4xf32, #tpu.memory_space<vmem>>, %arg8: memref<1x4xf32, #tpu.memory_space<vmem>>, %arg9: memref<34x128xf32, #tpu.memory_space<vmem>>, %arg10: memref<1x128xf32, #tpu.memory_space<vmem>>, %arg11: memref<34x34xf32, #tpu.memory_space<vmem>>, %arg12: memref<400x8xf32, #tpu.memory_space<vmem>>, %arg13: memref<400x8xi32, #tpu.memory_space<vmem>>, %arg14: memref<400x128xf32, #tpu.memory_space<vmem>>, %arg15: memref<400x34xf32, #tpu.memory_space<vmem>>, %arg16: memref<400x16xf32, #tpu.memory_space<vmem>>, %arg17: memref<400x16xf32, #tpu.memory_space<vmem>>) attributes {dimension_semantics = [#tpu.dimension_semantics<arbitrary>], iteration_bounds = array<i64: 25>, scalar_prefetch = 2 : i64, scratch_operands = 2 : i64, tpu.core_type = #tpu.core_type<tc>, window_params = [{transform_indices = @transform_0, window_bounds = array<i64: 400, 34>}, {pipeline_mode = #tpu.pipeline_mode<synchronous>, transform_indices = @transform_1, window_bounds = array<i64: 10240, 34>}, {transform_indices = @transform_2, window_bounds = array<i64: 400, 1>}, {pipeline_mode = #tpu.pipeline_mode<synchronous>, transform_indices = @transform_3, window_bounds = array<i64: 1, 10240>}, {pipeline_mode = #tpu.pipeline_mode<synchronous>, transform_indices = @transform_4, window_bounds = array<i64: 34, 4>}, {pipeline_mode = #tpu.pipeline_mode<synchronous>, transform_indices = @transform_5, window_bounds = array<i64: 1, 4>}, {pipeline_mode = #tpu.pipeline_mode<synchronous>, transform_indices = @transform_6, window_bounds = array<i64: 34, 128>}, {pipeline_mode = #tpu.pipeline_mode<synchronous>, transform_indices = @transform_7, window_bounds = array<i64: 1, 128>}, {pipeline_mode = #tpu.pipeline_mode<synchronous>, transform_indices = @transform_8, window_bounds = array<i64: 34, 34>}, {transform_indices = @transform_9, window_bounds = array<i64: 400, 8>}, {transform_indices = @transform_10, window_bounds = array<i64: 400, 8>}, {transform_indices = @transform_11, window_bounds = array<i64: 400, 128>}, {transform_indices = @transform_12, window_bounds = array<i64: 400, 34>}]} {
    %get3A = arith.constant 0 : index
    %get3A_0 = arith.constant 0 : index
    %get3A_1 = vector.load %arg3[%get3A, %get3A_0] : memref<400x34xf32, #tpu.memory_space<vmem>>, vector<400x34xf32>
    %get3A_2 = arith.constant 0 : index
    %get3A_3 = arith.constant 0 : index
    %get3A_4 = vector.load %arg7[%get3A_2, %get3A_3] : memref<34x4xf32, #tpu.memory_space<vmem>>, vector<34x4xf32>
    %dot_general3A = arith.constant dense<0.000000e+00> : vector<400x4xf32>
    %dot_general3A_5 = tpu.matmul %get3A_1, %get3A_4, %dot_general3A {dimension_numbers = #tpu.dot_dimension_numbers<[1], [0], [0], [1], [0, 0, 1, 1], [], []>, transpose_lhs_hint = false} : vector<400x34xf32>, vector<34x4xf32>, vector<400x4xf32> -> vector<400x4xf32>
    %get3A_6 = arith.constant 0 : index
    %get3A_7 = arith.constant 0 : index
    %get3A_8 = vector.load %arg8[%get3A_6, %get3A_7] : memref<1x4xf32, #tpu.memory_space<vmem>>, vector<1x4xf32>
    %add3A = vector.broadcast %get3A_8 : vector<1x4xf32> to vector<400x4xf32>
    %add3A_9 = arith.addf %dot_general3A_5, %add3A : vector<400x4xf32>
    %mul3A = arith.mulf %add3A_9, %add3A_9 : vector<400x4xf32>
    %reduce_sum3A = arith.constant dense<0.000000e+00> : vector<400xf32>
    %reduce_sum3A_10 = vector.multi_reduction <add>, %mul3A, %reduce_sum3A [1] : vector<400x4xf32> to vector<400xf32>
    %broadcast_in_dim3A = vector.shape_cast %reduce_sum3A_10 : vector<400xf32> to vector<400x1xf32>
    %get3A_11 = arith.constant 0 : index
    %get3A_12 = arith.constant 0 : index
    %get3A_13 = vector.load %arg9[%get3A_11, %get3A_12] : memref<34x128xf32, #tpu.memory_space<vmem>>, vector<34x128xf32>
    %dot_general3A_14 = arith.constant dense<0.000000e+00> : vector<400x128xf32>
    %dot_general3A_15 = tpu.matmul %get3A_1, %get3A_13, %dot_general3A_14 {dimension_numbers = #tpu.dot_dimension_numbers<[1], [0], [0], [1], [0, 0, 1, 1], [], []>, transpose_lhs_hint = false} : vector<400x34xf32>, vector<34x128xf32>, vector<400x128xf32> -> vector<400x128xf32>
    %get3A_16 = arith.constant 0 : index
    %get3A_17 = arith.constant 0 : index
    %get3A_18 = vector.load %arg10[%get3A_16, %get3A_17] : memref<1x128xf32, #tpu.memory_space<vmem>>, vector<1x128xf32>
    %add3A_19 = vector.broadcast %get3A_18 : vector<1x128xf32> to vector<400x128xf32>
    %add3A_20 = arith.addf %dot_general3A_15, %add3A_19 : vector<400x128xf32>
    %swap3A = arith.constant 0 : index
    %swap3A_21 = arith.constant 0 : index
    %swap3A_22 = vector.load %arg14[%swap3A, %swap3A_21] : memref<400x128xf32, #tpu.memory_space<vmem>>, vector<400x128xf32>
    tpu.vector_store %arg14[%swap3A, %swap3A_21], %add3A_20 {strides = array<i32>} : memref<400x128xf32, #tpu.memory_space<vmem>>, vector<400x128xf32>,
    %get3A_23 = arith.constant 0 : index
    %get3A_24 = arith.constant 0 : index
    %get3A_25 = vector.load %arg11[%get3A_23, %get3A_24] : memref<34x34xf32, #tpu.memory_space<vmem>>, vector<34x34xf32>
    %dot_general3A_26 = arith.constant dense<0.000000e+00> : vector<400x34xf32>
    %dot_general3A_27 = tpu.matmul %get3A_1, %get3A_25, %dot_general3A_26 {dimension_numbers = #tpu.dot_dimension_numbers<[1], [0], [0], [1], [0, 0, 1, 1], [], []>, transpose_lhs_hint = false} : vector<400x34xf32>, vector<34x34xf32>, vector<400x34xf32> -> vector<400x34xf32>
    %swap3A_28 = arith.constant 0 : index
    %swap3A_29 = arith.constant 0 : index
    %swap3A_30 = vector.load %arg15[%swap3A_28, %swap3A_29] : memref<400x34xf32, #tpu.memory_space<vmem>>, vector<400x34xf32>
    tpu.vector_store %arg15[%swap3A_28, %swap3A_29], %dot_general3A_27 {strides = array<i32>} : memref<400x34xf32, #tpu.memory_space<vmem>>, vector<400x34xf32>,
    %broadcast_in_dim3A_31 = arith.constant 0xFF800000 : f32
    %broadcast_in_dim3A_32 = vector.broadcast %broadcast_in_dim3A_31 : f32 to vector<400x16xf32>
    %swap3A_33 = arith.constant 0 : index
    %swap3A_34 = arith.constant 0 : index
    %swap3A_35 = vector.load %arg16[%swap3A_33, %swap3A_34] : memref<400x16xf32, #tpu.memory_space<vmem>>, vector<400x16xf32>
    tpu.vector_store %arg16[%swap3A_33, %swap3A_34], %broadcast_in_dim3A_32 {strides = array<i32>} : memref<400x16xf32, #tpu.memory_space<vmem>>, vector<400x16xf32>,
    %broadcast_in_dim3A_36 = arith.constant 0.000000e+00 : f32
    %broadcast_in_dim3A_37 = vector.broadcast %broadcast_in_dim3A_36 : f32 to vector<400x16xf32>
    %swap3A_38 = arith.constant 0 : index
    %swap3A_39 = arith.constant 0 : index
    %swap3A_40 = vector.load %arg17[%swap3A_38, %swap3A_39] : memref<400x16xf32, #tpu.memory_space<vmem>>, vector<400x16xf32>
    tpu.vector_store %arg17[%swap3A_38, %swap3A_39], %broadcast_in_dim3A_37 {strides = array<i32>} : memref<400x16xf32, #tpu.memory_space<vmem>>, vector<400x16xf32>,
    %get3A_41 = arith.constant 0 : index
    %get3A_42 = arith.constant 0 : index
    %get3A_43 = vector.load %arg5[%get3A_41, %get3A_42] : memref<400x1xi32, #tpu.memory_space<vmem>>, vector<400x1xi32>
    %broadcast_in_dim3A_44 = arith.constant 1.000000e+00 : f32
    %broadcast_in_dim3A_45 = vector.broadcast %broadcast_in_dim3A_44 : f32 to vector<1x4xf32>
    %get3A_46 = arith.index_cast %arg0 : i32 to index
    %get3A_47 = memref.load %arg1[%get3A_46] : memref<25xi32, #tpu.memory_space<smem>>
    %get3A_48 = arith.index_cast %arg0 : i32 to index
    %get3A_49 = memref.load %arg2[%get3A_48] : memref<25xi32, #tpu.memory_space<smem>>
    %while3A = arith.constant 0 : i32
    %while3A_50 = arith.constant 0 : i32
    %while3A_51 = arith.subi %get3A_49, %while3A_50 : i32
    %while3A_52 = arith.addi %while3A_50, %while3A_51 : i32
    %while3A_53 = arith.constant 1 : i32
    %while3A_54 = arith.divsi %while3A_51, %while3A_53 : i32
    %while3A_55 = arith.muli %while3A_54, %while3A_53 : i32
    %while3A_56 = arith.addi %while3A_50, %while3A_55 : i32
    %while3A_57 = arith.constant 1 : i32
    scf.for %while3A_77 = %while3A_50 to %while3A_56 step %while3A_57  : i32 {
      %mul3A_78 = arith.constant 512 : i32
      %mul3A_79 = arith.muli %while3A_77, %mul3A_78 : i32
      %add3A_80 = arith.addi %get3A_47, %mul3A_79 : i32
      %multiple_of3A = tpu.assume_multiple %add3A_80, 512 : i32
      %get3A_81 = arith.index_cast %multiple_of3A : i32 to index
      %get3A_82 = arith.constant 0 : index
      %get3A_83 = vector.load %arg4[%get3A_81, %get3A_82] : memref<10240x34xf32, #tpu.memory_space<vmem>>, vector<512x34xf32>
      %get3A_84 = arith.constant 0 : index
      %get3A_85 = arith.constant 0 : index
      %get3A_86 = vector.load %arg7[%get3A_84, %get3A_85] : memref<34x4xf32, #tpu.memory_space<vmem>>, vector<34x4xf32>
      %dot_general3A_87 = arith.constant dense<0.000000e+00> : vector<512x4xf32>
      %dot_general3A_88 = tpu.matmul %get3A_83, %get3A_86, %dot_general3A_87 {dimension_numbers = #tpu.dot_dimension_numbers<[1], [0], [0], [1], [0, 0, 1, 1], [], []>, transpose_lhs_hint = false} : vector<512x34xf32>, vector<34x4xf32>, vector<512x4xf32> -> vector<512x4xf32>
      %get3A_89 = arith.constant 0 : index
      %get3A_90 = arith.constant 0 : index
      %get3A_91 = vector.load %arg8[%get3A_89, %get3A_90] : memref<1x4xf32, #tpu.memory_space<vmem>>, vector<1x4xf32>
      %add3A_92 = vector.broadcast %get3A_91 : vector<1x4xf32> to vector<512x4xf32>
      %add3A_93 = arith.addf %dot_general3A_88, %add3A_92 : vector<512x4xf32>
      %mul3A_94 = arith.mulf %add3A_93, %add3A_93 : vector<512x4xf32>
      %dot_general3A_95 = arith.constant dense<0.000000e+00> : vector<1x512xf32>
      %dot_general3A_96 = tpu.matmul %broadcast_in_dim3A_45, %mul3A_94, %dot_general3A_95 {dimension_numbers = #tpu.dot_dimension_numbers<[1], [1], [0], [0], [0, 0, 1, 0], [], []>, precision = #tpu.contract_precision<fp32>, transpose_lhs_hint = false} : vector<1x4xf32>, vector<512x4xf32>, vector<1x512xf32> -> vector<1x512xf32>
      %dot_general3A_97 = arith.constant dense<0.000000e+00> : vector<400x512xf32>
      %dot_general3A_98 = tpu.matmul %add3A_9, %add3A_93, %dot_general3A_97 {dimension_numbers = #tpu.dot_dimension_numbers<[1], [1], [0], [0], [0, 0, 1, 0], [], []>, transpose_lhs_hint = false} : vector<400x4xf32>, vector<512x4xf32>, vector<400x512xf32> -> vector<400x512xf32>
      %add3A_99 = vector.broadcast %broadcast_in_dim3A : vector<400x1xf32> to vector<400x512xf32>
      %add3A_100 = vector.broadcast %dot_general3A_96 : vector<1x512xf32> to vector<400x512xf32>
      %add3A_101 = arith.addf %add3A_99, %add3A_100 : vector<400x512xf32>
      %mul3A_102 = arith.constant 2.000000e+00 : f32
      %mul3A_103 = vector.broadcast %mul3A_102 : f32 to vector<400x512xf32>
      %mul3A_104 = arith.mulf %mul3A_103, %dot_general3A_98 : vector<400x512xf32>
      %sub3A = arith.subf %add3A_101, %mul3A_104 : vector<400x512xf32>
      %max3A = arith.constant 0.000000e+00 : f32
      %max3A_105 = vector.broadcast %max3A : f32 to vector<400x512xf32>
      %max3A_106 = arith.maximumf %sub3A, %max3A_105 : vector<400x512xf32>
      %get3A_107 = arith.constant 0 : index
      %get3A_108 = arith.index_cast %multiple_of3A : i32 to index
      %get3A_109 = vector.load %arg6[%get3A_107, %get3A_108] : memref<1x10240xi32, #tpu.memory_space<vmem>>, vector<1x512xi32>
      %ne3A = vector.broadcast %get3A_43 : vector<400x1xi32> to vector<400x512xi32>
      %ne3A_110 = vector.broadcast %get3A_109 : vector<1x512xi32> to vector<400x512xi32>
      %ne3A_111 = arith.cmpi ne, %ne3A, %ne3A_110 : vector<400x512xi32>
      %neg3A = arith.constant 0.000000e+00 : f32
      %neg3A_112 = vector.broadcast %neg3A : f32 to vector<400x512xf32>
      %neg3A_113 = arith.subf %neg3A_112, %max3A_106 : vector<400x512xf32>
      %jit3A_114 = arith.constant 0xFF800000 : f32
      %broadcast_in_dim3A_115 = vector.broadcast %jit3A_114 : f32 to vector<400x512xf32>
      %select_n3A_116 = arith.select %ne3A_111, %broadcast_in_dim3A_115, %neg3A_113 : vector<400x512xi1>, vector<400x512xf32>
      %iota3A = tpu.iota {dimensions = array<i32: 1>} : vector<1x512xi32>
      %convert_element_type3A_117 = arith.sitofp %iota3A : vector<1x512xi32> to vector<1x512xf32>
      %convert_element_type3A_118 = arith.sitofp %multiple_of3A : i32 to f32
      %add3A_119 = vector.broadcast %convert_element_type3A_118 : f32 to vector<1x512xf32>
      %add3A_120 = arith.addf %convert_element_type3A_117, %add3A_119 : vector<1x512xf32>
      %reduce_max3A = arith.constant dense<0xFF800000> : vector<400xf32>
      %reduce_max3A_121 = vector.multi_reduction <maximumf>, %select_n3A_116, %reduce_max3A [1] : vector<400x512xf32> to vector<400xf32>
      %broadcast_in_dim3A_122 = vector.shape_cast %reduce_max3A_121 : vector<400xf32> to vector<400x1xf32>
      %eq3A_123 = vector.broadcast %broadcast_in_dim3A_122 : vector<400x1xf32> to vector<400x512xf32>
      %eq3A_124 = arith.cmpf oeq, %select_n3A_116, %eq3A_123 : vector<400x512xf32>
      %jit3A_125 = arith.constant 0x7F800000 : f32
      %broadcast_in_dim3A_126 = vector.shape_cast %add3A_120 : vector<1x512xf32> to vector<1x512xf32>
      %broadcast_in_dim3A_127 = vector.broadcast %broadcast_in_dim3A_126 : vector<1x512xf32> to vector<400x512xf32>
      %broadcast_in_dim3A_128 = vector.broadcast %jit3A_125 : f32 to vector<400x512xf32>
      %select_n3A_129 = arith.select %eq3A_124, %broadcast_in_dim3A_127, %broadcast_in_dim3A_128 : vector<400x512xi1>, vector<400x512xf32>
      %reduce_min3A = arith.constant dense<0x7F800000> : vector<400xf32>
      %reduce_min3A_130 = vector.multi_reduction <minimumf>, %select_n3A_129, %reduce_min3A [1] : vector<400x512xf32> to vector<400xf32>
      %broadcast_in_dim3A_131 = vector.shape_cast %reduce_min3A_130 : vector<400xf32> to vector<400x1xf32>
      %eq3A_132 = vector.broadcast %add3A_120 : vector<1x512xf32> to vector<400x512xf32>
      %eq3A_133 = vector.broadcast %broadcast_in_dim3A_131 : vector<400x1xf32> to vector<400x512xf32>
      %eq3A_134 = arith.cmpf oeq, %eq3A_132, %eq3A_133 : vector<400x512xf32>
      %jit3A_135 = arith.constant 0xFF800000 : f32
      %broadcast_in_dim3A_136 = vector.broadcast %jit3A_135 : f32 to vector<400x512xf32>
      %select_n3A_137 = arith.select %eq3A_134, %broadcast_in_dim3A_136, %select_n3A_116 : vector<400x512xi1>, vector<400x512xf32>
      %swap3A_138 = arith.constant 0 : index
      %swap3A_139 = arith.constant 8 : index
      %swap3A_140 = vector.load %arg16[%swap3A_138, %swap3A_139] : memref<400x16xf32, #tpu.memory_space<vmem>>, vector<400x1xf32>
      tpu.vector_store %arg16[%swap3A_138, %swap3A_139], %broadcast_in_dim3A_122 {strides = array<i32>} : memref<400x16xf32, #tpu.memory_space<vmem>>, vector<400x1xf32>,
      %swap3A_141 = arith.constant 0 : index
      %swap3A_142 = arith.constant 8 : index
      %swap3A_143 = vector.load %arg17[%swap3A_141, %swap3A_142] : memref<400x16xf32, #tpu.memory_space<vmem>>, vector<400x1xf32>
      tpu.vector_store %arg17[%swap3A_141, %swap3A_142], %broadcast_in_dim3A_131 {strides = array<i32>} : memref<400x16xf32, #tpu.memory_space<vmem>>, vector<400x1xf32>,
      %reduce_max3A_144 = arith.constant dense<0xFF800000> : vector<400xf32>
      %reduce_max3A_145 = vector.multi_reduction <maximumf>, %select_n3A_137, %reduce_max3A_144 [1] : vector<400x512xf32> to vector<400xf32>
      %broadcast_in_dim3A_146 = vector.shape_cast %reduce_max3A_145 : vector<400xf32> to vector<400x1xf32>
      %eq3A_147 = vector.broadcast %broadcast_in_dim3A_146 : vector<400x1xf32> to vector<400x512xf32>
      %eq3A_148 = arith.cmpf oeq, %select_n3A_137, %eq3A_147 : vector<400x512xf32>
      %jit3A_149 = arith.constant 0x7F800000 : f32
      %broadcast_in_dim3A_150 = vector.shape_cast %add3A_120 : vector<1x512xf32> to vector<1x512xf32>
      %broadcast_in_dim3A_151 = vector.broadcast %broadcast_in_dim3A_150 : vector<1x512xf32> to vector<400x512xf32>
      %broadcast_in_dim3A_152 = vector.broadcast %jit3A_149 : f32 to vector<400x512xf32>
      %select_n3A_153 = arith.select %eq3A_148, %broadcast_in_dim3A_151, %broadcast_in_dim3A_152 : vector<400x512xi1>, vector<400x512xf32>
      %reduce_min3A_154 = arith.constant dense<0x7F800000> : vector<400xf32>
      %reduce_min3A_155 = vector.multi_reduction <minimumf>, %select_n3A_153, %reduce_min3A_154 [1] : vector<400x512xf32> to vector<400xf32>
      %broadcast_in_dim3A_156 = vector.shape_cast %reduce_min3A_155 : vector<400xf32> to vector<400x1xf32>
      %eq3A_157 = vector.broadcast %add3A_120 : vector<1x512xf32> to vector<400x512xf32>
      %eq3A_158 = vector.broadcast %broadcast_in_dim3A_156 : vector<400x1xf32> to vector<400x512xf32>
      %eq3A_159 = arith.cmpf oeq, %eq3A_157, %eq3A_158 : vector<400x512xf32>
      %jit3A_160 = arith.constant 0xFF800000 : f32
      %broadcast_in_dim3A_161 = vector.broadcast %jit3A_160 : f32 to vector<400x512xf32>
      %select_n3A_162 = arith.select %eq3A_159, %broadcast_in_dim3A_161, %select_n3A_137 : vector<400x512xi1>, vector<400x512xf32>
      %swap3A_163 = arith.constant 0 : index
      %swap3A_164 = arith.constant 9 : index
      %swap3A_165 = vector.load %arg16[%swap3A_163, %swap3A_164] : memref<400x16xf32, #tpu.memory_space<vmem>>, vector<400x1xf32>
      tpu.vector_store %arg16[%swap3A_163, %swap3A_164], %broadcast_in_dim3A_146 {strides = array<i32>} : memref<400x16xf32, #tpu.memory_space<vmem>>, vector<400x1xf32>,
      %swap3A_166 = arith.constant 0 : index
      %swap3A_167 = arith.constant 9 : index
      %swap3A_168 = vector.load %arg17[%swap3A_166, %swap3A_167] : memref<400x16xf32, #tpu.memory_space<vmem>>, vector<400x1xf32>
      tpu.vector_store %arg17[%swap3A_166, %swap3A_167], %broadcast_in_dim3A_156 {strides = array<i32>} : memref<400x16xf32, #tpu.memory_space<vmem>>, vector<400x1xf32>,
      %reduce_max3A_169 = arith.constant dense<0xFF800000> : vector<400xf32>
      %reduce_max3A_170 = vector.multi_reduction <maximumf>, %select_n3A_162, %reduce_max3A_169 [1] : vector<400x512xf32> to vector<400xf32>
      %broadcast_in_dim3A_171 = vector.shape_cast %reduce_max3A_170 : vector<400xf32> to vector<400x1xf32>
      %eq3A_172 = vector.broadcast %broadcast_in_dim3A_171 : vector<400x1xf32> to vector<400x512xf32>
      %eq3A_173 = arith.cmpf oeq, %select_n3A_162, %eq3A_172 : vector<400x512xf32>
      %jit3A_174 = arith.constant 0x7F800000 : f32
      %broadcast_in_dim3A_175 = vector.shape_cast %add3A_120 : vector<1x512xf32> to vector<1x512xf32>
      %broadcast_in_dim3A_176 = vector.broadcast %broadcast_in_dim3A_175 : vector<1x512xf32> to vector<400x512xf32>
      %broadcast_in_dim3A_177 = vector.broadcast %jit3A_174 : f32 to vector<400x512xf32>
      %select_n3A_178 = arith.select %eq3A_173, %broadcast_in_dim3A_176, %broadcast_in_dim3A_177 : vector<400x512xi1>, vector<400x512xf32>
      %reduce_min3A_179 = arith.constant dense<0x7F800000> : vector<400xf32>
      %reduce_min3A_180 = vector.multi_reduction <minimumf>, %select_n3A_178, %reduce_min3A_179 [1] : vector<400x512xf32> to vector<400xf32>
      %broadcast_in_dim3A_181 = vector.shape_cast %reduce_min3A_180 : vector<400xf32> to vector<400x1xf32>
      %eq3A_182 = vector.broadcast %add3A_120 : vector<1x512xf32> to vector<400x512xf32>
      %eq3A_183 = vector.broadcast %broadcast_in_dim3A_181 : vector<400x1xf32> to vector<400x512xf32>
      %eq3A_184 = arith.cmpf oeq, %eq3A_182, %eq3A_183 : vector<400x512xf32>
      %jit3A_185 = arith.constant 0xFF800000 : f32
      %broadcast_in_dim3A_186 = vector.broadcast %jit3A_185 : f32 to vector<400x512xf32>
      %select_n3A_187 = arith.select %eq3A_184, %broadcast_in_dim3A_186, %select_n3A_162 : vector<400x512xi1>, vector<400x512xf32>
      %swap3A_188 = arith.constant 0 : index
      %swap3A_189 = arith.constant 10 : index
      %swap3A_190 = vector.load %arg16[%swap3A_188, %swap3A_189] : memref<400x16xf32, #tpu.memory_space<vmem>>, vector<400x1xf32>
      tpu.vector_store %arg16[%swap3A_188, %swap3A_189], %broadcast_in_dim3A_171 {strides = array<i32>} : memref<400x16xf32, #tpu.memory_space<vmem>>, vector<400x1xf32>,
      %swap3A_191 = arith.constant 0 : index
      %swap3A_192 = arith.constant 10 : index
      %swap3A_193 = vector.load %arg17[%swap3A_191, %swap3A_192] : memref<400x16xf32, #tpu.memory_space<vmem>>, vector<400x1xf32>
      tpu.vector_store %arg17[%swap3A_191, %swap3A_192], %broadcast_in_dim3A_181 {strides = array<i32>} : memref<400x16xf32, #tpu.memory_space<vmem>>, vector<400x1xf32>,
      %reduce_max3A_194 = arith.constant dense<0xFF800000> : vector<400xf32>
      %reduce_max3A_195 = vector.multi_reduction <maximumf>, %select_n3A_187, %reduce_max3A_194 [1] : vector<400x512xf32> to vector<400xf32>
      %broadcast_in_dim3A_196 = vector.shape_cast %reduce_max3A_195 : vector<400xf32> to vector<400x1xf32>
      %eq3A_197 = vector.broadcast %broadcast_in_dim3A_196 : vector<400x1xf32> to vector<400x512xf32>
      %eq3A_198 = arith.cmpf oeq, %select_n3A_187, %eq3A_197 : vector<400x512xf32>
      %jit3A_199 = arith.constant 0x7F800000 : f32
      %broadcast_in_dim3A_200 = vector.shape_cast %add3A_120 : vector<1x512xf32> to vector<1x512xf32>
      %broadcast_in_dim3A_201 = vector.broadcast %broadcast_in_dim3A_200 : vector<1x512xf32> to vector<400x512xf32>
      %broadcast_in_dim3A_202 = vector.broadcast %jit3A_199 : f32 to vector<400x512xf32>
      %select_n3A_203 = arith.select %eq3A_198, %broadcast_in_dim3A_201, %broadcast_in_dim3A_202 : vector<400x512xi1>, vector<400x512xf32>
      %reduce_min3A_204 = arith.constant dense<0x7F800000> : vector<400xf32>
      %reduce_min3A_205 = vector.multi_reduction <minimumf>, %select_n3A_203, %reduce_min3A_204 [1] : vector<400x512xf32> to vector<400xf32>
      %broadcast_in_dim3A_206 = vector.shape_cast %reduce_min3A_205 : vector<400xf32> to vector<400x1xf32>
      %eq3A_207 = vector.broadcast %add3A_120 : vector<1x512xf32> to vector<400x512xf32>
      %eq3A_208 = vector.broadcast %broadcast_in_dim3A_206 : vector<400x1xf32> to vector<400x512xf32>
      %eq3A_209 = arith.cmpf oeq, %eq3A_207, %eq3A_208 : vector<400x512xf32>
      %jit3A_210 = arith.constant 0xFF800000 : f32
      %broadcast_in_dim3A_211 = vector.broadcast %jit3A_210 : f32 to vector<400x512xf32>
      %select_n3A_212 = arith.select %eq3A_209, %broadcast_in_dim3A_211, %select_n3A_187 : vector<400x512xi1>, vector<400x512xf32>
      %swap3A_213 = arith.constant 0 : index
      %swap3A_214 = arith.constant 11 : index
      %swap3A_215 = vector.load %arg16[%swap3A_213, %swap3A_214] : memref<400x16xf32, #tpu.memory_space<vmem>>, vector<400x1xf32>
      tpu.vector_store %arg16[%swap3A_213, %swap3A_214], %broadcast_in_dim3A_196 {strides = array<i32>} : memref<400x16xf32, #tpu.memory_space<vmem>>, vector<400x1xf32>,
      %swap3A_216 = arith.constant 0 : index
      %swap3A_217 = arith.constant 11 : index
      %swap3A_218 = vector.load %arg17[%swap3A_216, %swap3A_217] : memref<400x16xf32, #tpu.memory_space<vmem>>, vector<400x1xf32>
      tpu.vector_store %arg17[%swap3A_216, %swap3A_217], %broadcast_in_dim3A_206 {strides = array<i32>} : memref<400x16xf32, #tpu.memory_space<vmem>>, vector<400x1xf32>,
      %reduce_max3A_219 = arith.constant dense<0xFF800000> : vector<400xf32>
      %reduce_max3A_220 = vector.multi_reduction <maximumf>, %select_n3A_212, %reduce_max3A_219 [1] : vector<400x512xf32> to vector<400xf32>
      %broadcast_in_dim3A_221 = vector.shape_cast %reduce_max3A_220 : vector<400xf32> to vector<400x1xf32>
      %eq3A_222 = vector.broadcast %broadcast_in_dim3A_221 : vector<400x1xf32> to vector<400x512xf32>
      %eq3A_223 = arith.cmpf oeq, %select_n3A_212, %eq3A_222 : vector<400x512xf32>
      %jit3A_224 = arith.constant 0x7F800000 : f32
      %broadcast_in_dim3A_225 = vector.shape_cast %add3A_120 : vector<1x512xf32> to vector<1x512xf32>
      %broadcast_in_dim3A_226 = vector.broadcast %broadcast_in_dim3A_225 : vector<1x512xf32> to vector<400x512xf32>
      %broadcast_in_dim3A_227 = vector.broadcast %jit3A_224 : f32 to vector<400x512xf32>
      %select_n3A_228 = arith.select %eq3A_223, %broadcast_in_dim3A_226, %broadcast_in_dim3A_227 : vector<400x512xi1>, vector<400x512xf32>
      %reduce_min3A_229 = arith.constant dense<0x7F800000> : vector<400xf32>
      %reduce_min3A_230 = vector.multi_reduction <minimumf>, %select_n3A_228, %reduce_min3A_229 [1] : vector<400x512xf32> to vector<400xf32>
      %broadcast_in_dim3A_231 = vector.shape_cast %reduce_min3A_230 : vector<400xf32> to vector<400x1xf32>
      %eq3A_232 = vector.broadcast %add3A_120 : vector<1x512xf32> to vector<400x512xf32>
      %eq3A_233 = vector.broadcast %broadcast_in_dim3A_231 : vector<400x1xf32> to vector<400x512xf32>
      %eq3A_234 = arith.cmpf oeq, %eq3A_232, %eq3A_233 : vector<400x512xf32>
      %jit3A_235 = arith.constant 0xFF800000 : f32
      %broadcast_in_dim3A_236 = vector.broadcast %jit3A_235 : f32 to vector<400x512xf32>
      %select_n3A_237 = arith.select %eq3A_234, %broadcast_in_dim3A_236, %select_n3A_212 : vector<400x512xi1>, vector<400x512xf32>
      %swap3A_238 = arith.constant 0 : index
      %swap3A_239 = arith.constant 12 : index
      %swap3A_240 = vector.load %arg16[%swap3A_238, %swap3A_239] : memref<400x16xf32, #tpu.memory_space<vmem>>, vector<400x1xf32>
      tpu.vector_store %arg16[%swap3A_238, %swap3A_239], %broadcast_in_dim3A_221 {strides = array<i32>} : memref<400x16xf32, #tpu.memory_space<vmem>>, vector<400x1xf32>,
      %swap3A_241 = arith.constant 0 : index
      %swap3A_242 = arith.constant 12 : index
      %swap3A_243 = vector.load %arg17[%swap3A_241, %swap3A_242] : memref<400x16xf32, #tpu.memory_space<vmem>>, vector<400x1xf32>
      tpu.vector_store %arg17[%swap3A_241, %swap3A_242], %broadcast_in_dim3A_231 {strides = array<i32>} : memref<400x16xf32, #tpu.memory_space<vmem>>, vector<400x1xf32>,
      %reduce_max3A_244 = arith.constant dense<0xFF800000> : vector<400xf32>
      %reduce_max3A_245 = vector.multi_reduction <maximumf>, %select_n3A_237, %reduce_max3A_244 [1] : vector<400x512xf32> to vector<400xf32>
      %broadcast_in_dim3A_246 = vector.shape_cast %reduce_max3A_245 : vector<400xf32> to vector<400x1xf32>
      %eq3A_247 = vector.broadcast %broadcast_in_dim3A_246 : vector<400x1xf32> to vector<400x512xf32>
      %eq3A_248 = arith.cmpf oeq, %select_n3A_237, %eq3A_247 : vector<400x512xf32>
      %jit3A_249 = arith.constant 0x7F800000 : f32
      %broadcast_in_dim3A_250 = vector.shape_cast %add3A_120 : vector<1x512xf32> to vector<1x512xf32>
      %broadcast_in_dim3A_251 = vector.broadcast %broadcast_in_dim3A_250 : vector<1x512xf32> to vector<400x512xf32>
      %broadcast_in_dim3A_252 = vector.broadcast %jit3A_249 : f32 to vector<400x512xf32>
      %select_n3A_253 = arith.select %eq3A_248, %broadcast_in_dim3A_251, %broadcast_in_dim3A_252 : vector<400x512xi1>, vector<400x512xf32>
      %reduce_min3A_254 = arith.constant dense<0x7F800000> : vector<400xf32>
      %reduce_min3A_255 = vector.multi_reduction <minimumf>, %select_n3A_253, %reduce_min3A_254 [1] : vector<400x512xf32> to vector<400xf32>
      %broadcast_in_dim3A_256 = vector.shape_cast %reduce_min3A_255 : vector<400xf32> to vector<400x1xf32>
      %eq3A_257 = vector.broadcast %add3A_120 : vector<1x512xf32> to vector<400x512xf32>
      %eq3A_258 = vector.broadcast %broadcast_in_dim3A_256 : vector<400x1xf32> to vector<400x512xf32>
      %eq3A_259 = arith.cmpf oeq, %eq3A_257, %eq3A_258 : vector<400x512xf32>
      %jit3A_260 = arith.constant 0xFF800000 : f32
      %broadcast_in_dim3A_261 = vector.broadcast %jit3A_260 : f32 to vector<400x512xf32>
      %select_n3A_262 = arith.select %eq3A_259, %broadcast_in_dim3A_261, %select_n3A_237 : vector<400x512xi1>, vector<400x512xf32>
      %swap3A_263 = arith.constant 0 : index
      %swap3A_264 = arith.constant 13 : index
      %swap3A_265 = vector.load %arg16[%swap3A_263, %swap3A_264] : memref<400x16xf32, #tpu.memory_space<vmem>>, vector<400x1xf32>
      tpu.vector_store %arg16[%swap3A_263, %swap3A_264], %broadcast_in_dim3A_246 {strides = array<i32>} : memref<400x16xf32, #tpu.memory_space<vmem>>, vector<400x1xf32>,
      %swap3A_266 = arith.constant 0 : index
      %swap3A_267 = arith.constant 13 : index
      %swap3A_268 = vector.load %arg17[%swap3A_266, %swap3A_267] : memref<400x16xf32, #tpu.memory_space<vmem>>, vector<400x1xf32>
      tpu.vector_store %arg17[%swap3A_266, %swap3A_267], %broadcast_in_dim3A_256 {strides = array<i32>} : memref<400x16xf32, #tpu.memory_space<vmem>>, vector<400x1xf32>,
      %reduce_max3A_269 = arith.constant dense<0xFF800000> : vector<400xf32>
      %reduce_max3A_270 = vector.multi_reduction <maximumf>, %select_n3A_262, %reduce_max3A_269 [1] : vector<400x512xf32> to vector<400xf32>
      %broadcast_in_dim3A_271 = vector.shape_cast %reduce_max3A_270 : vector<400xf32> to vector<400x1xf32>
      %eq3A_272 = vector.broadcast %broadcast_in_dim3A_271 : vector<400x1xf32> to vector<400x512xf32>
      %eq3A_273 = arith.cmpf oeq, %select_n3A_262, %eq3A_272 : vector<400x512xf32>
      %jit3A_274 = arith.constant 0x7F800000 : f32
      %broadcast_in_dim3A_275 = vector.shape_cast %add3A_120 : vector<1x512xf32> to vector<1x512xf32>
      %broadcast_in_dim3A_276 = vector.broadcast %broadcast_in_dim3A_275 : vector<1x512xf32> to vector<400x512xf32>
      %broadcast_in_dim3A_277 = vector.broadcast %jit3A_274 : f32 to vector<400x512xf32>
      %select_n3A_278 = arith.select %eq3A_273, %broadcast_in_dim3A_276, %broadcast_in_dim3A_277 : vector<400x512xi1>, vector<400x512xf32>
      %reduce_min3A_279 = arith.constant dense<0x7F800000> : vector<400xf32>
      %reduce_min3A_280 = vector.multi_reduction <minimumf>, %select_n3A_278, %reduce_min3A_279 [1] : vector<400x512xf32> to vector<400xf32>
      %broadcast_in_dim3A_281 = vector.shape_cast %reduce_min3A_280 : vector<400xf32> to vector<400x1xf32>
      %eq3A_282 = vector.broadcast %add3A_120 : vector<1x512xf32> to vector<400x512xf32>
      %eq3A_283 = vector.broadcast %broadcast_in_dim3A_281 : vector<400x1xf32> to vector<400x512xf32>
      %eq3A_284 = arith.cmpf oeq, %eq3A_282, %eq3A_283 : vector<400x512xf32>
      %jit3A_285 = arith.constant 0xFF800000 : f32
      %broadcast_in_dim3A_286 = vector.broadcast %jit3A_285 : f32 to vector<400x512xf32>
      %select_n3A_287 = arith.select %eq3A_284, %broadcast_in_dim3A_286, %select_n3A_262 : vector<400x512xi1>, vector<400x512xf32>
      %swap3A_288 = arith.constant 0 : index
      %swap3A_289 = arith.constant 14 : index
      %swap3A_290 = vector.load %arg16[%swap3A_288, %swap3A_289] : memref<400x16xf32, #tpu.memory_space<vmem>>, vector<400x1xf32>
      tpu.vector_store %arg16[%swap3A_288, %swap3A_289], %broadcast_in_dim3A_271 {strides = array<i32>} : memref<400x16xf32, #tpu.memory_space<vmem>>, vector<400x1xf32>,
      %swap3A_291 = arith.constant 0 : index
      %swap3A_292 = arith.constant 14 : index
      %swap3A_293 = vector.load %arg17[%swap3A_291, %swap3A_292] : memref<400x16xf32, #tpu.memory_space<vmem>>, vector<400x1xf32>
      tpu.vector_store %arg17[%swap3A_291, %swap3A_292], %broadcast_in_dim3A_281 {strides = array<i32>} : memref<400x16xf32, #tpu.memory_space<vmem>>, vector<400x1xf32>,
      %reduce_max3A_294 = arith.constant dense<0xFF800000> : vector<400xf32>
      %reduce_max3A_295 = vector.multi_reduction <maximumf>, %select_n3A_287, %reduce_max3A_294 [1] : vector<400x512xf32> to vector<400xf32>
      %broadcast_in_dim3A_296 = vector.shape_cast %reduce_max3A_295 : vector<400xf32> to vector<400x1xf32>
      %eq3A_297 = vector.broadcast %broadcast_in_dim3A_296 : vector<400x1xf32> to vector<400x512xf32>
      %eq3A_298 = arith.cmpf oeq, %select_n3A_287, %eq3A_297 : vector<400x512xf32>
      %jit3A_299 = arith.constant 0x7F800000 : f32
      %broadcast_in_dim3A_300 = vector.shape_cast %add3A_120 : vector<1x512xf32> to vector<1x512xf32>
      %broadcast_in_dim3A_301 = vector.broadcast %broadcast_in_dim3A_300 : vector<1x512xf32> to vector<400x512xf32>
      %broadcast_in_dim3A_302 = vector.broadcast %jit3A_299 : f32 to vector<400x512xf32>
      %select_n3A_303 = arith.select %eq3A_298, %broadcast_in_dim3A_301, %broadcast_in_dim3A_302 : vector<400x512xi1>, vector<400x512xf32>
      %reduce_min3A_304 = arith.constant dense<0x7F800000> : vector<400xf32>
      %reduce_min3A_305 = vector.multi_reduction <minimumf>, %select_n3A_303, %reduce_min3A_304 [1] : vector<400x512xf32> to vector<400xf32>
      %broadcast_in_dim3A_306 = vector.shape_cast %reduce_min3A_305 : vector<400xf32> to vector<400x1xf32>
      %eq3A_307 = vector.broadcast %add3A_120 : vector<1x512xf32> to vector<400x512xf32>
      %eq3A_308 = vector.broadcast %broadcast_in_dim3A_306 : vector<400x1xf32> to vector<400x512xf32>
      %eq3A_309 = arith.cmpf oeq, %eq3A_307, %eq3A_308 : vector<400x512xf32>
      %jit3A_310 = arith.constant 0xFF800000 : f32
      %broadcast_in_dim3A_311 = vector.broadcast %jit3A_310 : f32 to vector<400x512xf32>
      %select_n3A_312 = arith.select %eq3A_309, %broadcast_in_dim3A_311, %select_n3A_287 : vector<400x512xi1>, vector<400x512xf32>
      %swap3A_313 = arith.constant 0 : index
      %swap3A_314 = arith.constant 15 : index
      %swap3A_315 = vector.load %arg16[%swap3A_313, %swap3A_314] : memref<400x16xf32, #tpu.memory_space<vmem>>, vector<400x1xf32>
      tpu.vector_store %arg16[%swap3A_313, %swap3A_314], %broadcast_in_dim3A_296 {strides = array<i32>} : memref<400x16xf32, #tpu.memory_space<vmem>>, vector<400x1xf32>,
      %swap3A_316 = arith.constant 0 : index
      %swap3A_317 = arith.constant 15 : index
      %swap3A_318 = vector.load %arg17[%swap3A_316, %swap3A_317] : memref<400x16xf32, #tpu.memory_space<vmem>>, vector<400x1xf32>
      tpu.vector_store %arg17[%swap3A_316, %swap3A_317], %broadcast_in_dim3A_306 {strides = array<i32>} : memref<400x16xf32, #tpu.memory_space<vmem>>, vector<400x1xf32>,
      %get3A_319 = arith.constant 0 : index
      %get3A_320 = arith.constant 0 : index
      %get3A_321 = vector.load %arg16[%get3A_319, %get3A_320] : memref<400x16xf32, #tpu.memory_space<vmem>>, vector<400x16xf32>
      %get3A_322 = arith.constant 0 : index
      %get3A_323 = arith.constant 0 : index
      %get3A_324 = vector.load %arg17[%get3A_322, %get3A_323] : memref<400x16xf32, #tpu.memory_space<vmem>>, vector<400x16xf32>
      %reduce_max3A_325 = arith.constant dense<0xFF800000> : vector<400xf32>
      %reduce_max3A_326 = vector.multi_reduction <maximumf>, %get3A_321, %reduce_max3A_325 [1] : vector<400x16xf32> to vector<400xf32>
      %broadcast_in_dim3A_327 = vector.shape_cast %reduce_max3A_326 : vector<400xf32> to vector<400x1xf32>
      %eq3A_328 = vector.broadcast %broadcast_in_dim3A_327 : vector<400x1xf32> to vector<400x16xf32>
      %eq3A_329 = arith.cmpf oeq, %get3A_321, %eq3A_328 : vector<400x16xf32>
      %jit3A_330 = arith.constant 0x7F800000 : f32
      %broadcast_in_dim3A_331 = vector.broadcast %jit3A_330 : f32 to vector<400x16xf32>
      %select_n3A_332 = arith.select %eq3A_329, %get3A_324, %broadcast_in_dim3A_331 : vector<400x16xi1>, vector<400x16xf32>
      %reduce_min3A_333 = arith.constant dense<0x7F800000> : vector<400xf32>
      %reduce_min3A_334 = vector.multi_reduction <minimumf>, %select_n3A_332, %reduce_min3A_333 [1] : vector<400x16xf32> to vector<400xf32>
      %broadcast_in_dim3A_335 = vector.shape_cast %reduce_min3A_334 : vector<400xf32> to vector<400x1xf32>
      %eq3A_336 = vector.broadcast %broadcast_in_dim3A_335 : vector<400x1xf32> to vector<400x16xf32>
      %eq3A_337 = arith.cmpf oeq, %get3A_324, %eq3A_336 : vector<400x16xf32>
      %jit3A_338 = arith.constant 0xFF800000 : f32
      %broadcast_in_dim3A_339 = vector.broadcast %jit3A_338 : f32 to vector<400x16xf32>
      %select_n3A_340 = arith.select %eq3A_337, %broadcast_in_dim3A_339, %get3A_321 : vector<400x16xi1>, vector<400x16xf32>
      %swap3A_341 = arith.constant 0 : index
      %swap3A_342 = arith.constant 0 : index
      %swap3A_343 = vector.load %arg16[%swap3A_341, %swap3A_342] : memref<400x16xf32, #tpu.memory_space<vmem>>, vector<400x1xf32>
      tpu.vector_store %arg16[%swap3A_341, %swap3A_342], %broadcast_in_dim3A_327 {strides = array<i32>} : memref<400x16xf32, #tpu.memory_space<vmem>>, vector<400x1xf32>,
      %swap3A_344 = arith.constant 0 : index
      %swap3A_345 = arith.constant 0 : index
      %swap3A_346 = vector.load %arg17[%swap3A_344, %swap3A_345] : memref<400x16xf32, #tpu.memory_space<vmem>>, vector<400x1xf32>
      tpu.vector_store %arg17[%swap3A_344, %swap3A_345], %broadcast_in_dim3A_335 {strides = array<i32>} : memref<400x16xf32, #tpu.memory_space<vmem>>, vector<400x1xf32>,
      %reduce_max3A_347 = arith.constant dense<0xFF800000> : vector<400xf32>
      %reduce_max3A_348 = vector.multi_reduction <maximumf>, %select_n3A_340, %reduce_max3A_347 [1] : vector<400x16xf32> to vector<400xf32>
      %broadcast_in_dim3A_349 = vector.shape_cast %reduce_max3A_348 : vector<400xf32> to vector<400x1xf32>
      %eq3A_350 = vector.broadcast %broadcast_in_dim3A_349 : vector<400x1xf32> to vector<400x16xf32>
      %eq3A_351 = arith.cmpf oeq, %select_n3A_340, %eq3A_350 : vector<400x16xf32>
      %jit3A_352 = arith.constant 0x7F800000 : f32
      %broadcast_in_dim3A_353 = vector.broadcast %jit3A_352 : f32 to vector<400x16xf32>
      %select_n3A_354 = arith.select %eq3A_351, %get3A_324, %broadcast_in_dim3A_353 : vector<400x16xi1>, vector<400x16xf32>
      %reduce_min3A_355 = arith.constant dense<0x7F800000> : vector<400xf32>
      %reduce_min3A_356 = vector.multi_reduction <minimumf>, %select_n3A_354, %reduce_min3A_355 [1] : vector<400x16xf32> to vector<400xf32>
      %broadcast_in_dim3A_357 = vector.shape_cast %reduce_min3A_356 : vector<400xf32> to vector<400x1xf32>
      %eq3A_358 = vector.broadcast %broadcast_in_dim3A_357 : vector<400x1xf32> to vector<400x16xf32>
      %eq3A_359 = arith.cmpf oeq, %get3A_324, %eq3A_358 : vector<400x16xf32>
      %jit3A_360 = arith.constant 0xFF800000 : f32
      %broadcast_in_dim3A_361 = vector.broadcast %jit3A_360 : f32 to vector<400x16xf32>
      %select_n3A_362 = arith.select %eq3A_359, %broadcast_in_dim3A_361, %select_n3A_340 : vector<400x16xi1>, vector<400x16xf32>
      %swap3A_363 = arith.constant 0 : index
      %swap3A_364 = arith.constant 1 : index
      %swap3A_365 = vector.load %arg16[%swap3A_363, %swap3A_364] : memref<400x16xf32, #tpu.memory_space<vmem>>, vector<400x1xf32>
      tpu.vector_store %arg16[%swap3A_363, %swap3A_364], %broadcast_in_dim3A_349 {strides = array<i32>} : memref<400x16xf32, #tpu.memory_space<vmem>>, vector<400x1xf32>,
      %swap3A_366 = arith.constant 0 : index
      %swap3A_367 = arith.constant 1 : index
      %swap3A_368 = vector.load %arg17[%swap3A_366, %swap3A_367] : memref<400x16xf32, #tpu.memory_space<vmem>>, vector<400x1xf32>
      tpu.vector_store %arg17[%swap3A_366, %swap3A_367], %broadcast_in_dim3A_357 {strides = array<i32>} : memref<400x16xf32, #tpu.memory_space<vmem>>, vector<400x1xf32>,
      %reduce_max3A_369 = arith.constant dense<0xFF800000> : vector<400xf32>
      %reduce_max3A_370 = vector.multi_reduction <maximumf>, %select_n3A_362, %reduce_max3A_369 [1] : vector<400x16xf32> to vector<400xf32>
      %broadcast_in_dim3A_371 = vector.shape_cast %reduce_max3A_370 : vector<400xf32> to vector<400x1xf32>
      %eq3A_372 = vector.broadcast %broadcast_in_dim3A_371 : vector<400x1xf32> to vector<400x16xf32>
      %eq3A_373 = arith.cmpf oeq, %select_n3A_362, %eq3A_372 : vector<400x16xf32>
      %jit3A_374 = arith.constant 0x7F800000 : f32
      %broadcast_in_dim3A_375 = vector.broadcast %jit3A_374 : f32 to vector<400x16xf32>
      %select_n3A_376 = arith.select %eq3A_373, %get3A_324, %broadcast_in_dim3A_375 : vector<400x16xi1>, vector<400x16xf32>
      %reduce_min3A_377 = arith.constant dense<0x7F800000> : vector<400xf32>
      %reduce_min3A_378 = vector.multi_reduction <minimumf>, %select_n3A_376, %reduce_min3A_377 [1] : vector<400x16xf32> to vector<400xf32>
      %broadcast_in_dim3A_379 = vector.shape_cast %reduce_min3A_378 : vector<400xf32> to vector<400x1xf32>
      %eq3A_380 = vector.broadcast %broadcast_in_dim3A_379 : vector<400x1xf32> to vector<400x16xf32>
      %eq3A_381 = arith.cmpf oeq, %get3A_324, %eq3A_380 : vector<400x16xf32>
      %jit3A_382 = arith.constant 0xFF800000 : f32
      %broadcast_in_dim3A_383 = vector.broadcast %jit3A_382 : f32 to vector<400x16xf32>
      %select_n3A_384 = arith.select %eq3A_381, %broadcast_in_dim3A_383, %select_n3A_362 : vector<400x16xi1>, vector<400x16xf32>
      %swap3A_385 = arith.constant 0 : index
      %swap3A_386 = arith.constant 2 : index
      %swap3A_387 = vector.load %arg16[%swap3A_385, %swap3A_386] : memref<400x16xf32, #tpu.memory_space<vmem>>, vector<400x1xf32>
      tpu.vector_store %arg16[%swap3A_385, %swap3A_386], %broadcast_in_dim3A_371 {strides = array<i32>} : memref<400x16xf32, #tpu.memory_space<vmem>>, vector<400x1xf32>,
      %swap3A_388 = arith.constant 0 : index
      %swap3A_389 = arith.constant 2 : index
      %swap3A_390 = vector.load %arg17[%swap3A_388, %swap3A_389] : memref<400x16xf32, #tpu.memory_space<vmem>>, vector<400x1xf32>
      tpu.vector_store %arg17[%swap3A_388, %swap3A_389], %broadcast_in_dim3A_379 {strides = array<i32>} : memref<400x16xf32, #tpu.memory_space<vmem>>, vector<400x1xf32>,
      %reduce_max3A_391 = arith.constant dense<0xFF800000> : vector<400xf32>
      %reduce_max3A_392 = vector.multi_reduction <maximumf>, %select_n3A_384, %reduce_max3A_391 [1] : vector<400x16xf32> to vector<400xf32>
      %broadcast_in_dim3A_393 = vector.shape_cast %reduce_max3A_392 : vector<400xf32> to vector<400x1xf32>
      %eq3A_394 = vector.broadcast %broadcast_in_dim3A_393 : vector<400x1xf32> to vector<400x16xf32>
      %eq3A_395 = arith.cmpf oeq, %select_n3A_384, %eq3A_394 : vector<400x16xf32>
      %jit3A_396 = arith.constant 0x7F800000 : f32
      %broadcast_in_dim3A_397 = vector.broadcast %jit3A_396 : f32 to vector<400x16xf32>
      %select_n3A_398 = arith.select %eq3A_395, %get3A_324, %broadcast_in_dim3A_397 : vector<400x16xi1>, vector<400x16xf32>
      %reduce_min3A_399 = arith.constant dense<0x7F800000> : vector<400xf32>
      %reduce_min3A_400 = vector.multi_reduction <minimumf>, %select_n3A_398, %reduce_min3A_399 [1] : vector<400x16xf32> to vector<400xf32>
      %broadcast_in_dim3A_401 = vector.shape_cast %reduce_min3A_400 : vector<400xf32> to vector<400x1xf32>
      %eq3A_402 = vector.broadcast %broadcast_in_dim3A_401 : vector<400x1xf32> to vector<400x16xf32>
      %eq3A_403 = arith.cmpf oeq, %get3A_324, %eq3A_402 : vector<400x16xf32>
      %jit3A_404 = arith.constant 0xFF800000 : f32
      %broadcast_in_dim3A_405 = vector.broadcast %jit3A_404 : f32 to vector<400x16xf32>
      %select_n3A_406 = arith.select %eq3A_403, %broadcast_in_dim3A_405, %select_n3A_384 : vector<400x16xi1>, vector<400x16xf32>
      %swap3A_407 = arith.constant 0 : index
      %swap3A_408 = arith.constant 3 : index
      %swap3A_409 = vector.load %arg16[%swap3A_407, %swap3A_408] : memref<400x16xf32, #tpu.memory_space<vmem>>, vector<400x1xf32>
      tpu.vector_store %arg16[%swap3A_407, %swap3A_408], %broadcast_in_dim3A_393 {strides = array<i32>} : memref<400x16xf32, #tpu.memory_space<vmem>>, vector<400x1xf32>,
      %swap3A_410 = arith.constant 0 : index
      %swap3A_411 = arith.constant 3 : index
      %swap3A_412 = vector.load %arg17[%swap3A_410, %swap3A_411] : memref<400x16xf32, #tpu.memory_space<vmem>>, vector<400x1xf32>
      tpu.vector_store %arg17[%swap3A_410, %swap3A_411], %broadcast_in_dim3A_401 {strides = array<i32>} : memref<400x16xf32, #tpu.memory_space<vmem>>, vector<400x1xf32>,
      %reduce_max3A_413 = arith.constant dense<0xFF800000> : vector<400xf32>
      %reduce_max3A_414 = vector.multi_reduction <maximumf>, %select_n3A_406, %reduce_max3A_413 [1] : vector<400x16xf32> to vector<400xf32>
      %broadcast_in_dim3A_415 = vector.shape_cast %reduce_max3A_414 : vector<400xf32> to vector<400x1xf32>
      %eq3A_416 = vector.broadcast %broadcast_in_dim3A_415 : vector<400x1xf32> to vector<400x16xf32>
      %eq3A_417 = arith.cmpf oeq, %select_n3A_406, %eq3A_416 : vector<400x16xf32>
      %jit3A_418 = arith.constant 0x7F800000 : f32
      %broadcast_in_dim3A_419 = vector.broadcast %jit3A_418 : f32 to vector<400x16xf32>
      %select_n3A_420 = arith.select %eq3A_417, %get3A_324, %broadcast_in_dim3A_419 : vector<400x16xi1>, vector<400x16xf32>
      %reduce_min3A_421 = arith.constant dense<0x7F800000> : vector<400xf32>
      %reduce_min3A_422 = vector.multi_reduction <minimumf>, %select_n3A_420, %reduce_min3A_421 [1] : vector<400x16xf32> to vector<400xf32>
      %broadcast_in_dim3A_423 = vector.shape_cast %reduce_min3A_422 : vector<400xf32> to vector<400x1xf32>
      %eq3A_424 = vector.broadcast %broadcast_in_dim3A_423 : vector<400x1xf32> to vector<400x16xf32>
      %eq3A_425 = arith.cmpf oeq, %get3A_324, %eq3A_424 : vector<400x16xf32>
      %jit3A_426 = arith.constant 0xFF800000 : f32
      %broadcast_in_dim3A_427 = vector.broadcast %jit3A_426 : f32 to vector<400x16xf32>
      %select_n3A_428 = arith.select %eq3A_425, %broadcast_in_dim3A_427, %select_n3A_406 : vector<400x16xi1>, vector<400x16xf32>
      %swap3A_429 = arith.constant 0 : index
      %swap3A_430 = arith.constant 4 : index
      %swap3A_431 = vector.load %arg16[%swap3A_429, %swap3A_430] : memref<400x16xf32, #tpu.memory_space<vmem>>, vector<400x1xf32>
      tpu.vector_store %arg16[%swap3A_429, %swap3A_430], %broadcast_in_dim3A_415 {strides = array<i32>} : memref<400x16xf32, #tpu.memory_space<vmem>>, vector<400x1xf32>,
      %swap3A_432 = arith.constant 0 : index
      %swap3A_433 = arith.constant 4 : index
      %swap3A_434 = vector.load %arg17[%swap3A_432, %swap3A_433] : memref<400x16xf32, #tpu.memory_space<vmem>>, vector<400x1xf32>
      tpu.vector_store %arg17[%swap3A_432, %swap3A_433], %broadcast_in_dim3A_423 {strides = array<i32>} : memref<400x16xf32, #tpu.memory_space<vmem>>, vector<400x1xf32>,
      %reduce_max3A_435 = arith.constant dense<0xFF800000> : vector<400xf32>
      %reduce_max3A_436 = vector.multi_reduction <maximumf>, %select_n3A_428, %reduce_max3A_435 [1] : vector<400x16xf32> to vector<400xf32>
      %broadcast_in_dim3A_437 = vector.shape_cast %reduce_max3A_436 : vector<400xf32> to vector<400x1xf32>
      %eq3A_438 = vector.broadcast %broadcast_in_dim3A_437 : vector<400x1xf32> to vector<400x16xf32>
      %eq3A_439 = arith.cmpf oeq, %select_n3A_428, %eq3A_438 : vector<400x16xf32>
      %jit3A_440 = arith.constant 0x7F800000 : f32
      %broadcast_in_dim3A_441 = vector.broadcast %jit3A_440 : f32 to vector<400x16xf32>
      %select_n3A_442 = arith.select %eq3A_439, %get3A_324, %broadcast_in_dim3A_441 : vector<400x16xi1>, vector<400x16xf32>
      %reduce_min3A_443 = arith.constant dense<0x7F800000> : vector<400xf32>
      %reduce_min3A_444 = vector.multi_reduction <minimumf>, %select_n3A_442, %reduce_min3A_443 [1] : vector<400x16xf32> to vector<400xf32>
      %broadcast_in_dim3A_445 = vector.shape_cast %reduce_min3A_444 : vector<400xf32> to vector<400x1xf32>
      %eq3A_446 = vector.broadcast %broadcast_in_dim3A_445 : vector<400x1xf32> to vector<400x16xf32>
      %eq3A_447 = arith.cmpf oeq, %get3A_324, %eq3A_446 : vector<400x16xf32>
      %jit3A_448 = arith.constant 0xFF800000 : f32
      %broadcast_in_dim3A_449 = vector.broadcast %jit3A_448 : f32 to vector<400x16xf32>
      %select_n3A_450 = arith.select %eq3A_447, %broadcast_in_dim3A_449, %select_n3A_428 : vector<400x16xi1>, vector<400x16xf32>
      %swap3A_451 = arith.constant 0 : index
      %swap3A_452 = arith.constant 5 : index
      %swap3A_453 = vector.load %arg16[%swap3A_451, %swap3A_452] : memref<400x16xf32, #tpu.memory_space<vmem>>, vector<400x1xf32>
      tpu.vector_store %arg16[%swap3A_451, %swap3A_452], %broadcast_in_dim3A_437 {strides = array<i32>} : memref<400x16xf32, #tpu.memory_space<vmem>>, vector<400x1xf32>,
      %swap3A_454 = arith.constant 0 : index
      %swap3A_455 = arith.constant 5 : index
      %swap3A_456 = vector.load %arg17[%swap3A_454, %swap3A_455] : memref<400x16xf32, #tpu.memory_space<vmem>>, vector<400x1xf32>
      tpu.vector_store %arg17[%swap3A_454, %swap3A_455], %broadcast_in_dim3A_445 {strides = array<i32>} : memref<400x16xf32, #tpu.memory_space<vmem>>, vector<400x1xf32>,
      %reduce_max3A_457 = arith.constant dense<0xFF800000> : vector<400xf32>
      %reduce_max3A_458 = vector.multi_reduction <maximumf>, %select_n3A_450, %reduce_max3A_457 [1] : vector<400x16xf32> to vector<400xf32>
      %broadcast_in_dim3A_459 = vector.shape_cast %reduce_max3A_458 : vector<400xf32> to vector<400x1xf32>
      %eq3A_460 = vector.broadcast %broadcast_in_dim3A_459 : vector<400x1xf32> to vector<400x16xf32>
      %eq3A_461 = arith.cmpf oeq, %select_n3A_450, %eq3A_460 : vector<400x16xf32>
      %jit3A_462 = arith.constant 0x7F800000 : f32
      %broadcast_in_dim3A_463 = vector.broadcast %jit3A_462 : f32 to vector<400x16xf32>
      %select_n3A_464 = arith.select %eq3A_461, %get3A_324, %broadcast_in_dim3A_463 : vector<400x16xi1>, vector<400x16xf32>
      %reduce_min3A_465 = arith.constant dense<0x7F800000> : vector<400xf32>
      %reduce_min3A_466 = vector.multi_reduction <minimumf>, %select_n3A_464, %reduce_min3A_465 [1] : vector<400x16xf32> to vector<400xf32>
      %broadcast_in_dim3A_467 = vector.shape_cast %reduce_min3A_466 : vector<400xf32> to vector<400x1xf32>
      %eq3A_468 = vector.broadcast %broadcast_in_dim3A_467 : vector<400x1xf32> to vector<400x16xf32>
      %eq3A_469 = arith.cmpf oeq, %get3A_324, %eq3A_468 : vector<400x16xf32>
      %jit3A_470 = arith.constant 0xFF800000 : f32
      %broadcast_in_dim3A_471 = vector.broadcast %jit3A_470 : f32 to vector<400x16xf32>
      %select_n3A_472 = arith.select %eq3A_469, %broadcast_in_dim3A_471, %select_n3A_450 : vector<400x16xi1>, vector<400x16xf32>
      %swap3A_473 = arith.constant 0 : index
      %swap3A_474 = arith.constant 6 : index
      %swap3A_475 = vector.load %arg16[%swap3A_473, %swap3A_474] : memref<400x16xf32, #tpu.memory_space<vmem>>, vector<400x1xf32>
      tpu.vector_store %arg16[%swap3A_473, %swap3A_474], %broadcast_in_dim3A_459 {strides = array<i32>} : memref<400x16xf32, #tpu.memory_space<vmem>>, vector<400x1xf32>,
      %swap3A_476 = arith.constant 0 : index
      %swap3A_477 = arith.constant 6 : index
      %swap3A_478 = vector.load %arg17[%swap3A_476, %swap3A_477] : memref<400x16xf32, #tpu.memory_space<vmem>>, vector<400x1xf32>
      tpu.vector_store %arg17[%swap3A_476, %swap3A_477], %broadcast_in_dim3A_467 {strides = array<i32>} : memref<400x16xf32, #tpu.memory_space<vmem>>, vector<400x1xf32>,
      %reduce_max3A_479 = arith.constant dense<0xFF800000> : vector<400xf32>
      %reduce_max3A_480 = vector.multi_reduction <maximumf>, %select_n3A_472, %reduce_max3A_479 [1] : vector<400x16xf32> to vector<400xf32>
      %broadcast_in_dim3A_481 = vector.shape_cast %reduce_max3A_480 : vector<400xf32> to vector<400x1xf32>
      %eq3A_482 = vector.broadcast %broadcast_in_dim3A_481 : vector<400x1xf32> to vector<400x16xf32>
      %eq3A_483 = arith.cmpf oeq, %select_n3A_472, %eq3A_482 : vector<400x16xf32>
      %jit3A_484 = arith.constant 0x7F800000 : f32
      %broadcast_in_dim3A_485 = vector.broadcast %jit3A_484 : f32 to vector<400x16xf32>
      %select_n3A_486 = arith.select %eq3A_483, %get3A_324, %broadcast_in_dim3A_485 : vector<400x16xi1>, vector<400x16xf32>
      %reduce_min3A_487 = arith.constant dense<0x7F800000> : vector<400xf32>
      %reduce_min3A_488 = vector.multi_reduction <minimumf>, %select_n3A_486, %reduce_min3A_487 [1] : vector<400x16xf32> to vector<400xf32>
      %broadcast_in_dim3A_489 = vector.shape_cast %reduce_min3A_488 : vector<400xf32> to vector<400x1xf32>
      %eq3A_490 = vector.broadcast %broadcast_in_dim3A_489 : vector<400x1xf32> to vector<400x16xf32>
      %eq3A_491 = arith.cmpf oeq, %get3A_324, %eq3A_490 : vector<400x16xf32>
      %jit3A_492 = arith.constant 0xFF800000 : f32
      %broadcast_in_dim3A_493 = vector.broadcast %jit3A_492 : f32 to vector<400x16xf32>
      %select_n3A_494 = arith.select %eq3A_491, %broadcast_in_dim3A_493, %select_n3A_472 : vector<400x16xi1>, vector<400x16xf32>
      %swap3A_495 = arith.constant 0 : index
      %swap3A_496 = arith.constant 7 : index
      %swap3A_497 = vector.load %arg16[%swap3A_495, %swap3A_496] : memref<400x16xf32, #tpu.memory_space<vmem>>, vector<400x1xf32>
      tpu.vector_store %arg16[%swap3A_495, %swap3A_496], %broadcast_in_dim3A_481 {strides = array<i32>} : memref<400x16xf32, #tpu.memory_space<vmem>>, vector<400x1xf32>,
      %swap3A_498 = arith.constant 0 : index
      %swap3A_499 = arith.constant 7 : index
      %swap3A_500 = vector.load %arg17[%swap3A_498, %swap3A_499] : memref<400x16xf32, #tpu.memory_space<vmem>>, vector<400x1xf32>
      tpu.vector_store %arg17[%swap3A_498, %swap3A_499], %broadcast_in_dim3A_489 {strides = array<i32>} : memref<400x16xf32, #tpu.memory_space<vmem>>, vector<400x1xf32>,
    }
    %while3A_58 = arith.constant 1 : i32
    scf.for %while3A_77 = %while3A_56 to %while3A_52 step %while3A_58  : i32 {
      %mul3A_78 = arith.constant 512 : i32
      %mul3A_79 = arith.muli %while3A_77, %mul3A_78 : i32
      %add3A_80 = arith.addi %get3A_47, %mul3A_79 : i32
      %multiple_of3A = tpu.assume_multiple %add3A_80, 512 : i32
      %get3A_81 = arith.index_cast %multiple_of3A : i32 to index
      %get3A_82 = arith.constant 0 : index
      %get3A_83 = vector.load %arg4[%get3A_81, %get3A_82] : memref<10240x34xf32, #tpu.memory_space<vmem>>, vector<512x34xf32>
      %get3A_84 = arith.constant 0 : index
      %get3A_85 = arith.constant 0 : index
      %get3A_86 = vector.load %arg7[%get3A_84, %get3A_85] : memref<34x4xf32, #tpu.memory_space<vmem>>, vector<34x4xf32>
      %dot_general3A_87 = arith.constant dense<0.000000e+00> : vector<512x4xf32>
      %dot_general3A_88 = tpu.matmul %get3A_83, %get3A_86, %dot_general3A_87 {dimension_numbers = #tpu.dot_dimension_numbers<[1], [0], [0], [1], [0, 0, 1, 1], [], []>, transpose_lhs_hint = false} : vector<512x34xf32>, vector<34x4xf32>, vector<512x4xf32> -> vector<512x4xf32>
      %get3A_89 = arith.constant 0 : index
      %get3A_90 = arith.constant 0 : index
      %get3A_91 = vector.load %arg8[%get3A_89, %get3A_90] : memref<1x4xf32, #tpu.memory_space<vmem>>, vector<1x4xf32>
      %add3A_92 = vector.broadcast %get3A_91 : vector<1x4xf32> to vector<512x4xf32>
      %add3A_93 = arith.addf %dot_general3A_88, %add3A_92 : vector<512x4xf32>
      %mul3A_94 = arith.mulf %add3A_93, %add3A_93 : vector<512x4xf32>
      %dot_general3A_95 = arith.constant dense<0.000000e+00> : vector<1x512xf32>
      %dot_general3A_96 = tpu.matmul %broadcast_in_dim3A_45, %mul3A_94, %dot_general3A_95 {dimension_numbers = #tpu.dot_dimension_numbers<[1], [1], [0], [0], [0, 0, 1, 0], [], []>, precision = #tpu.contract_precision<fp32>, transpose_lhs_hint = false} : vector<1x4xf32>, vector<512x4xf32>, vector<1x512xf32> -> vector<1x512xf32>
      %dot_general3A_97 = arith.constant dense<0.000000e+00> : vector<400x512xf32>
      %dot_general3A_98 = tpu.matmul %add3A_9, %add3A_93, %dot_general3A_97 {dimension_numbers = #tpu.dot_dimension_numbers<[1], [1], [0], [0], [0, 0, 1, 0], [], []>, transpose_lhs_hint = false} : vector<400x4xf32>, vector<512x4xf32>, vector<400x512xf32> -> vector<400x512xf32>
      %add3A_99 = vector.broadcast %broadcast_in_dim3A : vector<400x1xf32> to vector<400x512xf32>
      %add3A_100 = vector.broadcast %dot_general3A_96 : vector<1x512xf32> to vector<400x512xf32>
      %add3A_101 = arith.addf %add3A_99, %add3A_100 : vector<400x512xf32>
      %mul3A_102 = arith.constant 2.000000e+00 : f32
      %mul3A_103 = vector.broadcast %mul3A_102 : f32 to vector<400x512xf32>
      %mul3A_104 = arith.mulf %mul3A_103, %dot_general3A_98 : vector<400x512xf32>
      %sub3A = arith.subf %add3A_101, %mul3A_104 : vector<400x512xf32>
      %max3A = arith.constant 0.000000e+00 : f32
      %max3A_105 = vector.broadcast %max3A : f32 to vector<400x512xf32>
      %max3A_106 = arith.maximumf %sub3A, %max3A_105 : vector<400x512xf32>
      %get3A_107 = arith.constant 0 : index
      %get3A_108 = arith.index_cast %multiple_of3A : i32 to index
      %get3A_109 = vector.load %arg6[%get3A_107, %get3A_108] : memref<1x10240xi32, #tpu.memory_space<vmem>>, vector<1x512xi32>
      %ne3A = vector.broadcast %get3A_43 : vector<400x1xi32> to vector<400x512xi32>
      %ne3A_110 = vector.broadcast %get3A_109 : vector<1x512xi32> to vector<400x512xi32>
      %ne3A_111 = arith.cmpi ne, %ne3A, %ne3A_110 : vector<400x512xi32>
      %neg3A = arith.constant 0.000000e+00 : f32
      %neg3A_112 = vector.broadcast %neg3A : f32 to vector<400x512xf32>
      %neg3A_113 = arith.subf %neg3A_112, %max3A_106 : vector<400x512xf32>
      %jit3A_114 = arith.constant 0xFF800000 : f32
      %broadcast_in_dim3A_115 = vector.broadcast %jit3A_114 : f32 to vector<400x512xf32>
      %select_n3A_116 = arith.select %ne3A_111, %broadcast_in_dim3A_115, %neg3A_113 : vector<400x512xi1>, vector<400x512xf32>
      %iota3A = tpu.iota {dimensions = array<i32: 1>} : vector<1x512xi32>
      %convert_element_type3A_117 = arith.sitofp %iota3A : vector<1x512xi32> to vector<1x512xf32>
      %convert_element_type3A_118 = arith.sitofp %multiple_of3A : i32 to f32
      %add3A_119 = vector.broadcast %convert_element_type3A_118 : f32 to vector<1x512xf32>
      %add3A_120 = arith.addf %convert_element_type3A_117, %add3A_119 : vector<1x512xf32>
      %reduce_max3A = arith.constant dense<0xFF800000> : vector<400xf32>
      %reduce_max3A_121 = vector.multi_reduction <maximumf>, %select_n3A_116, %reduce_max3A [1] : vector<400x512xf32> to vector<400xf32>
      %broadcast_in_dim3A_122 = vector.shape_cast %reduce_max3A_121 : vector<400xf32> to vector<400x1xf32>
      %eq3A_123 = vector.broadcast %broadcast_in_dim3A_122 : vector<400x1xf32> to vector<400x512xf32>
      %eq3A_124 = arith.cmpf oeq, %select_n3A_116, %eq3A_123 : vector<400x512xf32>
      %jit3A_125 = arith.constant 0x7F800000 : f32
      %broadcast_in_dim3A_126 = vector.shape_cast %add3A_120 : vector<1x512xf32> to vector<1x512xf32>
      %broadcast_in_dim3A_127 = vector.broadcast %broadcast_in_dim3A_126 : vector<1x512xf32> to vector<400x512xf32>
      %broadcast_in_dim3A_128 = vector.broadcast %jit3A_125 : f32 to vector<400x512xf32>
      %select_n3A_129 = arith.select %eq3A_124, %broadcast_in_dim3A_127, %broadcast_in_dim3A_128 : vector<400x512xi1>, vector<400x512xf32>
      %reduce_min3A = arith.constant dense<0x7F800000> : vector<400xf32>
      %reduce_min3A_130 = vector.multi_reduction <minimumf>, %select_n3A_129, %reduce_min3A [1] : vector<400x512xf32> to vector<400xf32>
      %broadcast_in_dim3A_131 = vector.shape_cast %reduce_min3A_130 : vector<400xf32> to vector<400x1xf32>
      %eq3A_132 = vector.broadcast %add3A_120 : vector<1x512xf32> to vector<400x512xf32>
      %eq3A_133 = vector.broadcast %broadcast_in_dim3A_131 : vector<400x1xf32> to vector<400x512xf32>
      %eq3A_134 = arith.cmpf oeq, %eq3A_132, %eq3A_133 : vector<400x512xf32>
      %jit3A_135 = arith.constant 0xFF800000 : f32
      %broadcast_in_dim3A_136 = vector.broadcast %jit3A_135 : f32 to vector<400x512xf32>
      %select_n3A_137 = arith.select %eq3A_134, %broadcast_in_dim3A_136, %select_n3A_116 : vector<400x512xi1>, vector<400x512xf32>
      %swap3A_138 = arith.constant 0 : index
      %swap3A_139 = arith.constant 8 : index
      %swap3A_140 = vector.load %arg16[%swap3A_138, %swap3A_139] : memref<400x16xf32, #tpu.memory_space<vmem>>, vector<400x1xf32>
      tpu.vector_store %arg16[%swap3A_138, %swap3A_139], %broadcast_in_dim3A_122 {strides = array<i32>} : memref<400x16xf32, #tpu.memory_space<vmem>>, vector<400x1xf32>,
      %swap3A_141 = arith.constant 0 : index
      %swap3A_142 = arith.constant 8 : index
      %swap3A_143 = vector.load %arg17[%swap3A_141, %swap3A_142] : memref<400x16xf32, #tpu.memory_space<vmem>>, vector<400x1xf32>
      tpu.vector_store %arg17[%swap3A_141, %swap3A_142], %broadcast_in_dim3A_131 {strides = array<i32>} : memref<400x16xf32, #tpu.memory_space<vmem>>, vector<400x1xf32>,
      %reduce_max3A_144 = arith.constant dense<0xFF800000> : vector<400xf32>
      %reduce_max3A_145 = vector.multi_reduction <maximumf>, %select_n3A_137, %reduce_max3A_144 [1] : vector<400x512xf32> to vector<400xf32>
      %broadcast_in_dim3A_146 = vector.shape_cast %reduce_max3A_145 : vector<400xf32> to vector<400x1xf32>
      %eq3A_147 = vector.broadcast %broadcast_in_dim3A_146 : vector<400x1xf32> to vector<400x512xf32>
      %eq3A_148 = arith.cmpf oeq, %select_n3A_137, %eq3A_147 : vector<400x512xf32>
      %jit3A_149 = arith.constant 0x7F800000 : f32
      %broadcast_in_dim3A_150 = vector.shape_cast %add3A_120 : vector<1x512xf32> to vector<1x512xf32>
      %broadcast_in_dim3A_151 = vector.broadcast %broadcast_in_dim3A_150 : vector<1x512xf32> to vector<400x512xf32>
      %broadcast_in_dim3A_152 = vector.broadcast %jit3A_149 : f32 to vector<400x512xf32>
      %select_n3A_153 = arith.select %eq3A_148, %broadcast_in_dim3A_151, %broadcast_in_dim3A_152 : vector<400x512xi1>, vector<400x512xf32>
      %reduce_min3A_154 = arith.constant dense<0x7F800000> : vector<400xf32>
      %reduce_min3A_155 = vector.multi_reduction <minimumf>, %select_n3A_153, %reduce_min3A_154 [1] : vector<400x512xf32> to vector<400xf32>
      %broadcast_in_dim3A_156 = vector.shape_cast %reduce_min3A_155 : vector<400xf32> to vector<400x1xf32>
      %eq3A_157 = vector.broadcast %add3A_120 : vector<1x512xf32> to vector<400x512xf32>
      %eq3A_158 = vector.broadcast %broadcast_in_dim3A_156 : vector<400x1xf32> to vector<400x512xf32>
      %eq3A_159 = arith.cmpf oeq, %eq3A_157, %eq3A_158 : vector<400x512xf32>
      %jit3A_160 = arith.constant 0xFF800000 : f32
      %broadcast_in_dim3A_161 = vector.broadcast %jit3A_160 : f32 to vector<400x512xf32>
      %select_n3A_162 = arith.select %eq3A_159, %broadcast_in_dim3A_161, %select_n3A_137 : vector<400x512xi1>, vector<400x512xf32>
      %swap3A_163 = arith.constant 0 : index
      %swap3A_164 = arith.constant 9 : index
      %swap3A_165 = vector.load %arg16[%swap3A_163, %swap3A_164] : memref<400x16xf32, #tpu.memory_space<vmem>>, vector<400x1xf32>
      tpu.vector_store %arg16[%swap3A_163, %swap3A_164], %broadcast_in_dim3A_146 {strides = array<i32>} : memref<400x16xf32, #tpu.memory_space<vmem>>, vector<400x1xf32>,
      %swap3A_166 = arith.constant 0 : index
      %swap3A_167 = arith.constant 9 : index
      %swap3A_168 = vector.load %arg17[%swap3A_166, %swap3A_167] : memref<400x16xf32, #tpu.memory_space<vmem>>, vector<400x1xf32>
      tpu.vector_store %arg17[%swap3A_166, %swap3A_167], %broadcast_in_dim3A_156 {strides = array<i32>} : memref<400x16xf32, #tpu.memory_space<vmem>>, vector<400x1xf32>,
      %reduce_max3A_169 = arith.constant dense<0xFF800000> : vector<400xf32>
      %reduce_max3A_170 = vector.multi_reduction <maximumf>, %select_n3A_162, %reduce_max3A_169 [1] : vector<400x512xf32> to vector<400xf32>
      %broadcast_in_dim3A_171 = vector.shape_cast %reduce_max3A_170 : vector<400xf32> to vector<400x1xf32>
      %eq3A_172 = vector.broadcast %broadcast_in_dim3A_171 : vector<400x1xf32> to vector<400x512xf32>
      %eq3A_173 = arith.cmpf oeq, %select_n3A_162, %eq3A_172 : vector<400x512xf32>
      %jit3A_174 = arith.constant 0x7F800000 : f32
      %broadcast_in_dim3A_175 = vector.shape_cast %add3A_120 : vector<1x512xf32> to vector<1x512xf32>
      %broadcast_in_dim3A_176 = vector.broadcast %broadcast_in_dim3A_175 : vector<1x512xf32> to vector<400x512xf32>
      %broadcast_in_dim3A_177 = vector.broadcast %jit3A_174 : f32 to vector<400x512xf32>
      %select_n3A_178 = arith.select %eq3A_173, %broadcast_in_dim3A_176, %broadcast_in_dim3A_177 : vector<400x512xi1>, vector<400x512xf32>
      %reduce_min3A_179 = arith.constant dense<0x7F800000> : vector<400xf32>
      %reduce_min3A_180 = vector.multi_reduction <minimumf>, %select_n3A_178, %reduce_min3A_179 [1] : vector<400x512xf32> to vector<400xf32>
      %broadcast_in_dim3A_181 = vector.shape_cast %reduce_min3A_180 : vector<400xf32> to vector<400x1xf32>
      %eq3A_182 = vector.broadcast %add3A_120 : vector<1x512xf32> to vector<400x512xf32>
      %eq3A_183 = vector.broadcast %broadcast_in_dim3A_181 : vector<400x1xf32> to vector<400x512xf32>
      %eq3A_184 = arith.cmpf oeq, %eq3A_182, %eq3A_183 : vector<400x512xf32>
      %jit3A_185 = arith.constant 0xFF800000 : f32
      %broadcast_in_dim3A_186 = vector.broadcast %jit3A_185 : f32 to vector<400x512xf32>
      %select_n3A_187 = arith.select %eq3A_184, %broadcast_in_dim3A_186, %select_n3A_162 : vector<400x512xi1>, vector<400x512xf32>
      %swap3A_188 = arith.constant 0 : index
      %swap3A_189 = arith.constant 10 : index
      %swap3A_190 = vector.load %arg16[%swap3A_188, %swap3A_189] : memref<400x16xf32, #tpu.memory_space<vmem>>, vector<400x1xf32>
      tpu.vector_store %arg16[%swap3A_188, %swap3A_189], %broadcast_in_dim3A_171 {strides = array<i32>} : memref<400x16xf32, #tpu.memory_space<vmem>>, vector<400x1xf32>,
      %swap3A_191 = arith.constant 0 : index
      %swap3A_192 = arith.constant 10 : index
      %swap3A_193 = vector.load %arg17[%swap3A_191, %swap3A_192] : memref<400x16xf32, #tpu.memory_space<vmem>>, vector<400x1xf32>
      tpu.vector_store %arg17[%swap3A_191, %swap3A_192], %broadcast_in_dim3A_181 {strides = array<i32>} : memref<400x16xf32, #tpu.memory_space<vmem>>, vector<400x1xf32>,
      %reduce_max3A_194 = arith.constant dense<0xFF800000> : vector<400xf32>
      %reduce_max3A_195 = vector.multi_reduction <maximumf>, %select_n3A_187, %reduce_max3A_194 [1] : vector<400x512xf32> to vector<400xf32>
      %broadcast_in_dim3A_196 = vector.shape_cast %reduce_max3A_195 : vector<400xf32> to vector<400x1xf32>
      %eq3A_197 = vector.broadcast %broadcast_in_dim3A_196 : vector<400x1xf32> to vector<400x512xf32>
      %eq3A_198 = arith.cmpf oeq, %select_n3A_187, %eq3A_197 : vector<400x512xf32>
      %jit3A_199 = arith.constant 0x7F800000 : f32
      %broadcast_in_dim3A_200 = vector.shape_cast %add3A_120 : vector<1x512xf32> to vector<1x512xf32>
      %broadcast_in_dim3A_201 = vector.broadcast %broadcast_in_dim3A_200 : vector<1x512xf32> to vector<400x512xf32>
      %broadcast_in_dim3A_202 = vector.broadcast %jit3A_199 : f32 to vector<400x512xf32>
      %select_n3A_203 = arith.select %eq3A_198, %broadcast_in_dim3A_201, %broadcast_in_dim3A_202 : vector<400x512xi1>, vector<400x512xf32>
      %reduce_min3A_204 = arith.constant dense<0x7F800000> : vector<400xf32>
      %reduce_min3A_205 = vector.multi_reduction <minimumf>, %select_n3A_203, %reduce_min3A_204 [1] : vector<400x512xf32> to vector<400xf32>
      %broadcast_in_dim3A_206 = vector.shape_cast %reduce_min3A_205 : vector<400xf32> to vector<400x1xf32>
      %eq3A_207 = vector.broadcast %add3A_120 : vector<1x512xf32> to vector<400x512xf32>
      %eq3A_208 = vector.broadcast %broadcast_in_dim3A_206 : vector<400x1xf32> to vector<400x512xf32>
      %eq3A_209 = arith.cmpf oeq, %eq3A_207, %eq3A_208 : vector<400x512xf32>
      %jit3A_210 = arith.constant 0xFF800000 : f32
      %broadcast_in_dim3A_211 = vector.broadcast %jit3A_210 : f32 to vector<400x512xf32>
      %select_n3A_212 = arith.select %eq3A_209, %broadcast_in_dim3A_211, %select_n3A_187 : vector<400x512xi1>, vector<400x512xf32>
      %swap3A_213 = arith.constant 0 : index
      %swap3A_214 = arith.constant 11 : index
      %swap3A_215 = vector.load %arg16[%swap3A_213, %swap3A_214] : memref<400x16xf32, #tpu.memory_space<vmem>>, vector<400x1xf32>
      tpu.vector_store %arg16[%swap3A_213, %swap3A_214], %broadcast_in_dim3A_196 {strides = array<i32>} : memref<400x16xf32, #tpu.memory_space<vmem>>, vector<400x1xf32>,
      %swap3A_216 = arith.constant 0 : index
      %swap3A_217 = arith.constant 11 : index
      %swap3A_218 = vector.load %arg17[%swap3A_216, %swap3A_217] : memref<400x16xf32, #tpu.memory_space<vmem>>, vector<400x1xf32>
      tpu.vector_store %arg17[%swap3A_216, %swap3A_217], %broadcast_in_dim3A_206 {strides = array<i32>} : memref<400x16xf32, #tpu.memory_space<vmem>>, vector<400x1xf32>,
      %reduce_max3A_219 = arith.constant dense<0xFF800000> : vector<400xf32>
      %reduce_max3A_220 = vector.multi_reduction <maximumf>, %select_n3A_212, %reduce_max3A_219 [1] : vector<400x512xf32> to vector<400xf32>
      %broadcast_in_dim3A_221 = vector.shape_cast %reduce_max3A_220 : vector<400xf32> to vector<400x1xf32>
      %eq3A_222 = vector.broadcast %broadcast_in_dim3A_221 : vector<400x1xf32> to vector<400x512xf32>
      %eq3A_223 = arith.cmpf oeq, %select_n3A_212, %eq3A_222 : vector<400x512xf32>
      %jit3A_224 = arith.constant 0x7F800000 : f32
      %broadcast_in_dim3A_225 = vector.shape_cast %add3A_120 : vector<1x512xf32> to vector<1x512xf32>
      %broadcast_in_dim3A_226 = vector.broadcast %broadcast_in_dim3A_225 : vector<1x512xf32> to vector<400x512xf32>
      %broadcast_in_dim3A_227 = vector.broadcast %jit3A_224 : f32 to vector<400x512xf32>
      %select_n3A_228 = arith.select %eq3A_223, %broadcast_in_dim3A_226, %broadcast_in_dim3A_227 : vector<400x512xi1>, vector<400x512xf32>
      %reduce_min3A_229 = arith.constant dense<0x7F800000> : vector<400xf32>
      %reduce_min3A_230 = vector.multi_reduction <minimumf>, %select_n3A_228, %reduce_min3A_229 [1] : vector<400x512xf32> to vector<400xf32>
      %broadcast_in_dim3A_231 = vector.shape_cast %reduce_min3A_230 : vector<400xf32> to vector<400x1xf32>
      %eq3A_232 = vector.broadcast %add3A_120 : vector<1x512xf32> to vector<400x512xf32>
      %eq3A_233 = vector.broadcast %broadcast_in_dim3A_231 : vector<400x1xf32> to vector<400x512xf32>
      %eq3A_234 = arith.cmpf oeq, %eq3A_232, %eq3A_233 : vector<400x512xf32>
      %jit3A_235 = arith.constant 0xFF800000 : f32
      %broadcast_in_dim3A_236 = vector.broadcast %jit3A_235 : f32 to vector<400x512xf32>
      %select_n3A_237 = arith.select %eq3A_234, %broadcast_in_dim3A_236, %select_n3A_212 : vector<400x512xi1>, vector<400x512xf32>
      %swap3A_238 = arith.constant 0 : index
      %swap3A_239 = arith.constant 12 : index
      %swap3A_240 = vector.load %arg16[%swap3A_238, %swap3A_239] : memref<400x16xf32, #tpu.memory_space<vmem>>, vector<400x1xf32>
      tpu.vector_store %arg16[%swap3A_238, %swap3A_239], %broadcast_in_dim3A_221 {strides = array<i32>} : memref<400x16xf32, #tpu.memory_space<vmem>>, vector<400x1xf32>,
      %swap3A_241 = arith.constant 0 : index
      %swap3A_242 = arith.constant 12 : index
      %swap3A_243 = vector.load %arg17[%swap3A_241, %swap3A_242] : memref<400x16xf32, #tpu.memory_space<vmem>>, vector<400x1xf32>
      tpu.vector_store %arg17[%swap3A_241, %swap3A_242], %broadcast_in_dim3A_231 {strides = array<i32>} : memref<400x16xf32, #tpu.memory_space<vmem>>, vector<400x1xf32>,
      %reduce_max3A_244 = arith.constant dense<0xFF800000> : vector<400xf32>
      %reduce_max3A_245 = vector.multi_reduction <maximumf>, %select_n3A_237, %reduce_max3A_244 [1] : vector<400x512xf32> to vector<400xf32>
      %broadcast_in_dim3A_246 = vector.shape_cast %reduce_max3A_245 : vector<400xf32> to vector<400x1xf32>
      %eq3A_247 = vector.broadcast %broadcast_in_dim3A_246 : vector<400x1xf32> to vector<400x512xf32>
      %eq3A_248 = arith.cmpf oeq, %select_n3A_237, %eq3A_247 : vector<400x512xf32>
      %jit3A_249 = arith.constant 0x7F800000 : f32
      %broadcast_in_dim3A_250 = vector.shape_cast %add3A_120 : vector<1x512xf32> to vector<1x512xf32>
      %broadcast_in_dim3A_251 = vector.broadcast %broadcast_in_dim3A_250 : vector<1x512xf32> to vector<400x512xf32>
      %broadcast_in_dim3A_252 = vector.broadcast %jit3A_249 : f32 to vector<400x512xf32>
      %select_n3A_253 = arith.select %eq3A_248, %broadcast_in_dim3A_251, %broadcast_in_dim3A_252 : vector<400x512xi1>, vector<400x512xf32>
      %reduce_min3A_254 = arith.constant dense<0x7F800000> : vector<400xf32>
      %reduce_min3A_255 = vector.multi_reduction <minimumf>, %select_n3A_253, %reduce_min3A_254 [1] : vector<400x512xf32> to vector<400xf32>
      %broadcast_in_dim3A_256 = vector.shape_cast %reduce_min3A_255 : vector<400xf32> to vector<400x1xf32>
      %eq3A_257 = vector.broadcast %add3A_120 : vector<1x512xf32> to vector<400x512xf32>
      %eq3A_258 = vector.broadcast %broadcast_in_dim3A_256 : vector<400x1xf32> to vector<400x512xf32>
      %eq3A_259 = arith.cmpf oeq, %eq3A_257, %eq3A_258 : vector<400x512xf32>
      %jit3A_260 = arith.constant 0xFF800000 : f32
      %broadcast_in_dim3A_261 = vector.broadcast %jit3A_260 : f32 to vector<400x512xf32>
      %select_n3A_262 = arith.select %eq3A_259, %broadcast_in_dim3A_261, %select_n3A_237 : vector<400x512xi1>, vector<400x512xf32>
      %swap3A_263 = arith.constant 0 : index
      %swap3A_264 = arith.constant 13 : index
      %swap3A_265 = vector.load %arg16[%swap3A_263, %swap3A_264] : memref<400x16xf32, #tpu.memory_space<vmem>>, vector<400x1xf32>
      tpu.vector_store %arg16[%swap3A_263, %swap3A_264], %broadcast_in_dim3A_246 {strides = array<i32>} : memref<400x16xf32, #tpu.memory_space<vmem>>, vector<400x1xf32>,
      %swap3A_266 = arith.constant 0 : index
      %swap3A_267 = arith.constant 13 : index
      %swap3A_268 = vector.load %arg17[%swap3A_266, %swap3A_267] : memref<400x16xf32, #tpu.memory_space<vmem>>, vector<400x1xf32>
      tpu.vector_store %arg17[%swap3A_266, %swap3A_267], %broadcast_in_dim3A_256 {strides = array<i32>} : memref<400x16xf32, #tpu.memory_space<vmem>>, vector<400x1xf32>,
      %reduce_max3A_269 = arith.constant dense<0xFF800000> : vector<400xf32>
      %reduce_max3A_270 = vector.multi_reduction <maximumf>, %select_n3A_262, %reduce_max3A_269 [1] : vector<400x512xf32> to vector<400xf32>
      %broadcast_in_dim3A_271 = vector.shape_cast %reduce_max3A_270 : vector<400xf32> to vector<400x1xf32>
      %eq3A_272 = vector.broadcast %broadcast_in_dim3A_271 : vector<400x1xf32> to vector<400x512xf32>
      %eq3A_273 = arith.cmpf oeq, %select_n3A_262, %eq3A_272 : vector<400x512xf32>
      %jit3A_274 = arith.constant 0x7F800000 : f32
      %broadcast_in_dim3A_275 = vector.shape_cast %add3A_120 : vector<1x512xf32> to vector<1x512xf32>
      %broadcast_in_dim3A_276 = vector.broadcast %broadcast_in_dim3A_275 : vector<1x512xf32> to vector<400x512xf32>
      %broadcast_in_dim3A_277 = vector.broadcast %jit3A_274 : f32 to vector<400x512xf32>
      %select_n3A_278 = arith.select %eq3A_273, %broadcast_in_dim3A_276, %broadcast_in_dim3A_277 : vector<400x512xi1>, vector<400x512xf32>
      %reduce_min3A_279 = arith.constant dense<0x7F800000> : vector<400xf32>
      %reduce_min3A_280 = vector.multi_reduction <minimumf>, %select_n3A_278, %reduce_min3A_279 [1] : vector<400x512xf32> to vector<400xf32>
      %broadcast_in_dim3A_281 = vector.shape_cast %reduce_min3A_280 : vector<400xf32> to vector<400x1xf32>
      %eq3A_282 = vector.broadcast %add3A_120 : vector<1x512xf32> to vector<400x512xf32>
      %eq3A_283 = vector.broadcast %broadcast_in_dim3A_281 : vector<400x1xf32> to vector<400x512xf32>
      %eq3A_284 = arith.cmpf oeq, %eq3A_282, %eq3A_283 : vector<400x512xf32>
      %jit3A_285 = arith.constant 0xFF800000 : f32
      %broadcast_in_dim3A_286 = vector.broadcast %jit3A_285 : f32 to vector<400x512xf32>
      %select_n3A_287 = arith.select %eq3A_284, %broadcast_in_dim3A_286, %select_n3A_262 : vector<400x512xi1>, vector<400x512xf32>
      %swap3A_288 = arith.constant 0 : index
      %swap3A_289 = arith.constant 14 : index
      %swap3A_290 = vector.load %arg16[%swap3A_288, %swap3A_289] : memref<400x16xf32, #tpu.memory_space<vmem>>, vector<400x1xf32>
      tpu.vector_store %arg16[%swap3A_288, %swap3A_289], %broadcast_in_dim3A_271 {strides = array<i32>} : memref<400x16xf32, #tpu.memory_space<vmem>>, vector<400x1xf32>,
      %swap3A_291 = arith.constant 0 : index
      %swap3A_292 = arith.constant 14 : index
      %swap3A_293 = vector.load %arg17[%swap3A_291, %swap3A_292] : memref<400x16xf32, #tpu.memory_space<vmem>>, vector<400x1xf32>
      tpu.vector_store %arg17[%swap3A_291, %swap3A_292], %broadcast_in_dim3A_281 {strides = array<i32>} : memref<400x16xf32, #tpu.memory_space<vmem>>, vector<400x1xf32>,
      %reduce_max3A_294 = arith.constant dense<0xFF800000> : vector<400xf32>
      %reduce_max3A_295 = vector.multi_reduction <maximumf>, %select_n3A_287, %reduce_max3A_294 [1] : vector<400x512xf32> to vector<400xf32>
      %broadcast_in_dim3A_296 = vector.shape_cast %reduce_max3A_295 : vector<400xf32> to vector<400x1xf32>
      %eq3A_297 = vector.broadcast %broadcast_in_dim3A_296 : vector<400x1xf32> to vector<400x512xf32>
      %eq3A_298 = arith.cmpf oeq, %select_n3A_287, %eq3A_297 : vector<400x512xf32>
      %jit3A_299 = arith.constant 0x7F800000 : f32
      %broadcast_in_dim3A_300 = vector.shape_cast %add3A_120 : vector<1x512xf32> to vector<1x512xf32>
      %broadcast_in_dim3A_301 = vector.broadcast %broadcast_in_dim3A_300 : vector<1x512xf32> to vector<400x512xf32>
      %broadcast_in_dim3A_302 = vector.broadcast %jit3A_299 : f32 to vector<400x512xf32>
      %select_n3A_303 = arith.select %eq3A_298, %broadcast_in_dim3A_301, %broadcast_in_dim3A_302 : vector<400x512xi1>, vector<400x512xf32>
      %reduce_min3A_304 = arith.constant dense<0x7F800000> : vector<400xf32>
      %reduce_min3A_305 = vector.multi_reduction <minimumf>, %select_n3A_303, %reduce_min3A_304 [1] : vector<400x512xf32> to vector<400xf32>
      %broadcast_in_dim3A_306 = vector.shape_cast %reduce_min3A_305 : vector<400xf32> to vector<400x1xf32>
      %eq3A_307 = vector.broadcast %add3A_120 : vector<1x512xf32> to vector<400x512xf32>
      %eq3A_308 = vector.broadcast %broadcast_in_dim3A_306 : vector<400x1xf32> to vector<400x512xf32>
      %eq3A_309 = arith.cmpf oeq, %eq3A_307, %eq3A_308 : vector<400x512xf32>
      %jit3A_310 = arith.constant 0xFF800000 : f32
      %broadcast_in_dim3A_311 = vector.broadcast %jit3A_310 : f32 to vector<400x512xf32>
      %select_n3A_312 = arith.select %eq3A_309, %broadcast_in_dim3A_311, %select_n3A_287 : vector<400x512xi1>, vector<400x512xf32>
      %swap3A_313 = arith.constant 0 : index
      %swap3A_314 = arith.constant 15 : index
      %swap3A_315 = vector.load %arg16[%swap3A_313, %swap3A_314] : memref<400x16xf32, #tpu.memory_space<vmem>>, vector<400x1xf32>
      tpu.vector_store %arg16[%swap3A_313, %swap3A_314], %broadcast_in_dim3A_296 {strides = array<i32>} : memref<400x16xf32, #tpu.memory_space<vmem>>, vector<400x1xf32>,
      %swap3A_316 = arith.constant 0 : index
      %swap3A_317 = arith.constant 15 : index
      %swap3A_318 = vector.load %arg17[%swap3A_316, %swap3A_317] : memref<400x16xf32, #tpu.memory_space<vmem>>, vector<400x1xf32>
      tpu.vector_store %arg17[%swap3A_316, %swap3A_317], %broadcast_in_dim3A_306 {strides = array<i32>} : memref<400x16xf32, #tpu.memory_space<vmem>>, vector<400x1xf32>,
      %get3A_319 = arith.constant 0 : index
      %get3A_320 = arith.constant 0 : index
      %get3A_321 = vector.load %arg16[%get3A_319, %get3A_320] : memref<400x16xf32, #tpu.memory_space<vmem>>, vector<400x16xf32>
      %get3A_322 = arith.constant 0 : index
      %get3A_323 = arith.constant 0 : index
      %get3A_324 = vector.load %arg17[%get3A_322, %get3A_323] : memref<400x16xf32, #tpu.memory_space<vmem>>, vector<400x16xf32>
      %reduce_max3A_325 = arith.constant dense<0xFF800000> : vector<400xf32>
      %reduce_max3A_326 = vector.multi_reduction <maximumf>, %get3A_321, %reduce_max3A_325 [1] : vector<400x16xf32> to vector<400xf32>
      %broadcast_in_dim3A_327 = vector.shape_cast %reduce_max3A_326 : vector<400xf32> to vector<400x1xf32>
      %eq3A_328 = vector.broadcast %broadcast_in_dim3A_327 : vector<400x1xf32> to vector<400x16xf32>
      %eq3A_329 = arith.cmpf oeq, %get3A_321, %eq3A_328 : vector<400x16xf32>
      %jit3A_330 = arith.constant 0x7F800000 : f32
      %broadcast_in_dim3A_331 = vector.broadcast %jit3A_330 : f32 to vector<400x16xf32>
      %select_n3A_332 = arith.select %eq3A_329, %get3A_324, %broadcast_in_dim3A_331 : vector<400x16xi1>, vector<400x16xf32>
      %reduce_min3A_333 = arith.constant dense<0x7F800000> : vector<400xf32>
      %reduce_min3A_334 = vector.multi_reduction <minimumf>, %select_n3A_332, %reduce_min3A_333 [1] : vector<400x16xf32> to vector<400xf32>
      %broadcast_in_dim3A_335 = vector.shape_cast %reduce_min3A_334 : vector<400xf32> to vector<400x1xf32>
      %eq3A_336 = vector.broadcast %broadcast_in_dim3A_335 : vector<400x1xf32> to vector<400x16xf32>
      %eq3A_337 = arith.cmpf oeq, %get3A_324, %eq3A_336 : vector<400x16xf32>
      %jit3A_338 = arith.constant 0xFF800000 : f32
      %broadcast_in_dim3A_339 = vector.broadcast %jit3A_338 : f32 to vector<400x16xf32>
      %select_n3A_340 = arith.select %eq3A_337, %broadcast_in_dim3A_339, %get3A_321 : vector<400x16xi1>, vector<400x16xf32>
      %swap3A_341 = arith.constant 0 : index
      %swap3A_342 = arith.constant 0 : index
      %swap3A_343 = vector.load %arg16[%swap3A_341, %swap3A_342] : memref<400x16xf32, #tpu.memory_space<vmem>>, vector<400x1xf32>
      tpu.vector_store %arg16[%swap3A_341, %swap3A_342], %broadcast_in_dim3A_327 {strides = array<i32>} : memref<400x16xf32, #tpu.memory_space<vmem>>, vector<400x1xf32>,
      %swap3A_344 = arith.constant 0 : index
      %swap3A_345 = arith.constant 0 : index
      %swap3A_346 = vector.load %arg17[%swap3A_344, %swap3A_345] : memref<400x16xf32, #tpu.memory_space<vmem>>, vector<400x1xf32>
      tpu.vector_store %arg17[%swap3A_344, %swap3A_345], %broadcast_in_dim3A_335 {strides = array<i32>} : memref<400x16xf32, #tpu.memory_space<vmem>>, vector<400x1xf32>,
      %reduce_max3A_347 = arith.constant dense<0xFF800000> : vector<400xf32>
      %reduce_max3A_348 = vector.multi_reduction <maximumf>, %select_n3A_340, %reduce_max3A_347 [1] : vector<400x16xf32> to vector<400xf32>
      %broadcast_in_dim3A_349 = vector.shape_cast %reduce_max3A_348 : vector<400xf32> to vector<400x1xf32>
      %eq3A_350 = vector.broadcast %broadcast_in_dim3A_349 : vector<400x1xf32> to vector<400x16xf32>
      %eq3A_351 = arith.cmpf oeq, %select_n3A_340, %eq3A_350 : vector<400x16xf32>
      %jit3A_352 = arith.constant 0x7F800000 : f32
      %broadcast_in_dim3A_353 = vector.broadcast %jit3A_352 : f32 to vector<400x16xf32>
      %select_n3A_354 = arith.select %eq3A_351, %get3A_324, %broadcast_in_dim3A_353 : vector<400x16xi1>, vector<400x16xf32>
      %reduce_min3A_355 = arith.constant dense<0x7F800000> : vector<400xf32>
      %reduce_min3A_356 = vector.multi_reduction <minimumf>, %select_n3A_354, %reduce_min3A_355 [1] : vector<400x16xf32> to vector<400xf32>
      %broadcast_in_dim3A_357 = vector.shape_cast %reduce_min3A_356 : vector<400xf32> to vector<400x1xf32>
      %eq3A_358 = vector.broadcast %broadcast_in_dim3A_357 : vector<400x1xf32> to vector<400x16xf32>
      %eq3A_359 = arith.cmpf oeq, %get3A_324, %eq3A_358 : vector<400x16xf32>
      %jit3A_360 = arith.constant 0xFF800000 : f32
      %broadcast_in_dim3A_361 = vector.broadcast %jit3A_360 : f32 to vector<400x16xf32>
      %select_n3A_362 = arith.select %eq3A_359, %broadcast_in_dim3A_361, %select_n3A_340 : vector<400x16xi1>, vector<400x16xf32>
      %swap3A_363 = arith.constant 0 : index
      %swap3A_364 = arith.constant 1 : index
      %swap3A_365 = vector.load %arg16[%swap3A_363, %swap3A_364] : memref<400x16xf32, #tpu.memory_space<vmem>>, vector<400x1xf32>
      tpu.vector_store %arg16[%swap3A_363, %swap3A_364], %broadcast_in_dim3A_349 {strides = array<i32>} : memref<400x16xf32, #tpu.memory_space<vmem>>, vector<400x1xf32>,
      %swap3A_366 = arith.constant 0 : index
      %swap3A_367 = arith.constant 1 : index
      %swap3A_368 = vector.load %arg17[%swap3A_366, %swap3A_367] : memref<400x16xf32, #tpu.memory_space<vmem>>, vector<400x1xf32>
      tpu.vector_store %arg17[%swap3A_366, %swap3A_367], %broadcast_in_dim3A_357 {strides = array<i32>} : memref<400x16xf32, #tpu.memory_space<vmem>>, vector<400x1xf32>,
      %reduce_max3A_369 = arith.constant dense<0xFF800000> : vector<400xf32>
      %reduce_max3A_370 = vector.multi_reduction <maximumf>, %select_n3A_362, %reduce_max3A_369 [1] : vector<400x16xf32> to vector<400xf32>
      %broadcast_in_dim3A_371 = vector.shape_cast %reduce_max3A_370 : vector<400xf32> to vector<400x1xf32>
      %eq3A_372 = vector.broadcast %broadcast_in_dim3A_371 : vector<400x1xf32> to vector<400x16xf32>
      %eq3A_373 = arith.cmpf oeq, %select_n3A_362, %eq3A_372 : vector<400x16xf32>
      %jit3A_374 = arith.constant 0x7F800000 : f32
      %broadcast_in_dim3A_375 = vector.broadcast %jit3A_374 : f32 to vector<400x16xf32>
      %select_n3A_376 = arith.select %eq3A_373, %get3A_324, %broadcast_in_dim3A_375 : vector<400x16xi1>, vector<400x16xf32>
      %reduce_min3A_377 = arith.constant dense<0x7F800000> : vector<400xf32>
      %reduce_min3A_378 = vector.multi_reduction <minimumf>, %select_n3A_376, %reduce_min3A_377 [1] : vector<400x16xf32> to vector<400xf32>
      %broadcast_in_dim3A_379 = vector.shape_cast %reduce_min3A_378 : vector<400xf32> to vector<400x1xf32>
      %eq3A_380 = vector.broadcast %broadcast_in_dim3A_379 : vector<400x1xf32> to vector<400x16xf32>
      %eq3A_381 = arith.cmpf oeq, %get3A_324, %eq3A_380 : vector<400x16xf32>
      %jit3A_382 = arith.constant 0xFF800000 : f32
      %broadcast_in_dim3A_383 = vector.broadcast %jit3A_382 : f32 to vector<400x16xf32>
      %select_n3A_384 = arith.select %eq3A_381, %broadcast_in_dim3A_383, %select_n3A_362 : vector<400x16xi1>, vector<400x16xf32>
      %swap3A_385 = arith.constant 0 : index
      %swap3A_386 = arith.constant 2 : index
      %swap3A_387 = vector.load %arg16[%swap3A_385, %swap3A_386] : memref<400x16xf32, #tpu.memory_space<vmem>>, vector<400x1xf32>
      tpu.vector_store %arg16[%swap3A_385, %swap3A_386], %broadcast_in_dim3A_371 {strides = array<i32>} : memref<400x16xf32, #tpu.memory_space<vmem>>, vector<400x1xf32>,
      %swap3A_388 = arith.constant 0 : index
      %swap3A_389 = arith.constant 2 : index
      %swap3A_390 = vector.load %arg17[%swap3A_388, %swap3A_389] : memref<400x16xf32, #tpu.memory_space<vmem>>, vector<400x1xf32>
      tpu.vector_store %arg17[%swap3A_388, %swap3A_389], %broadcast_in_dim3A_379 {strides = array<i32>} : memref<400x16xf32, #tpu.memory_space<vmem>>, vector<400x1xf32>,
      %reduce_max3A_391 = arith.constant dense<0xFF800000> : vector<400xf32>
      %reduce_max3A_392 = vector.multi_reduction <maximumf>, %select_n3A_384, %reduce_max3A_391 [1] : vector<400x16xf32> to vector<400xf32>
      %broadcast_in_dim3A_393 = vector.shape_cast %reduce_max3A_392 : vector<400xf32> to vector<400x1xf32>
      %eq3A_394 = vector.broadcast %broadcast_in_dim3A_393 : vector<400x1xf32> to vector<400x16xf32>
      %eq3A_395 = arith.cmpf oeq, %select_n3A_384, %eq3A_394 : vector<400x16xf32>
      %jit3A_396 = arith.constant 0x7F800000 : f32
      %broadcast_in_dim3A_397 = vector.broadcast %jit3A_396 : f32 to vector<400x16xf32>
      %select_n3A_398 = arith.select %eq3A_395, %get3A_324, %broadcast_in_dim3A_397 : vector<400x16xi1>, vector<400x16xf32>
      %reduce_min3A_399 = arith.constant dense<0x7F800000> : vector<400xf32>
      %reduce_min3A_400 = vector.multi_reduction <minimumf>, %select_n3A_398, %reduce_min3A_399 [1] : vector<400x16xf32> to vector<400xf32>
      %broadcast_in_dim3A_401 = vector.shape_cast %reduce_min3A_400 : vector<400xf32> to vector<400x1xf32>
      %eq3A_402 = vector.broadcast %broadcast_in_dim3A_401 : vector<400x1xf32> to vector<400x16xf32>
      %eq3A_403 = arith.cmpf oeq, %get3A_324, %eq3A_402 : vector<400x16xf32>
      %jit3A_404 = arith.constant 0xFF800000 : f32
      %broadcast_in_dim3A_405 = vector.broadcast %jit3A_404 : f32 to vector<400x16xf32>
      %select_n3A_406 = arith.select %eq3A_403, %broadcast_in_dim3A_405, %select_n3A_384 : vector<400x16xi1>, vector<400x16xf32>
      %swap3A_407 = arith.constant 0 : index
      %swap3A_408 = arith.constant 3 : index
      %swap3A_409 = vector.load %arg16[%swap3A_407, %swap3A_408] : memref<400x16xf32, #tpu.memory_space<vmem>>, vector<400x1xf32>
      tpu.vector_store %arg16[%swap3A_407, %swap3A_408], %broadcast_in_dim3A_393 {strides = array<i32>} : memref<400x16xf32, #tpu.memory_space<vmem>>, vector<400x1xf32>,
      %swap3A_410 = arith.constant 0 : index
      %swap3A_411 = arith.constant 3 : index
      %swap3A_412 = vector.load %arg17[%swap3A_410, %swap3A_411] : memref<400x16xf32, #tpu.memory_space<vmem>>, vector<400x1xf32>
      tpu.vector_store %arg17[%swap3A_410, %swap3A_411], %broadcast_in_dim3A_401 {strides = array<i32>} : memref<400x16xf32, #tpu.memory_space<vmem>>, vector<400x1xf32>,
      %reduce_max3A_413 = arith.constant dense<0xFF800000> : vector<400xf32>
      %reduce_max3A_414 = vector.multi_reduction <maximumf>, %select_n3A_406, %reduce_max3A_413 [1] : vector<400x16xf32> to vector<400xf32>
      %broadcast_in_dim3A_415 = vector.shape_cast %reduce_max3A_414 : vector<400xf32> to vector<400x1xf32>
      %eq3A_416 = vector.broadcast %broadcast_in_dim3A_415 : vector<400x1xf32> to vector<400x16xf32>
      %eq3A_417 = arith.cmpf oeq, %select_n3A_406, %eq3A_416 : vector<400x16xf32>
      %jit3A_418 = arith.constant 0x7F800000 : f32
      %broadcast_in_dim3A_419 = vector.broadcast %jit3A_418 : f32 to vector<400x16xf32>
      %select_n3A_420 = arith.select %eq3A_417, %get3A_324, %broadcast_in_dim3A_419 : vector<400x16xi1>, vector<400x16xf32>
      %reduce_min3A_421 = arith.constant dense<0x7F800000> : vector<400xf32>
      %reduce_min3A_422 = vector.multi_reduction <minimumf>, %select_n3A_420, %reduce_min3A_421 [1] : vector<400x16xf32> to vector<400xf32>
      %broadcast_in_dim3A_423 = vector.shape_cast %reduce_min3A_422 : vector<400xf32> to vector<400x1xf32>
      %eq3A_424 = vector.broadcast %broadcast_in_dim3A_423 : vector<400x1xf32> to vector<400x16xf32>
      %eq3A_425 = arith.cmpf oeq, %get3A_324, %eq3A_424 : vector<400x16xf32>
      %jit3A_426 = arith.constant 0xFF800000 : f32
      %broadcast_in_dim3A_427 = vector.broadcast %jit3A_426 : f32 to vector<400x16xf32>
      %select_n3A_428 = arith.select %eq3A_425, %broadcast_in_dim3A_427, %select_n3A_406 : vector<400x16xi1>, vector<400x16xf32>
      %swap3A_429 = arith.constant 0 : index
      %swap3A_430 = arith.constant 4 : index
      %swap3A_431 = vector.load %arg16[%swap3A_429, %swap3A_430] : memref<400x16xf32, #tpu.memory_space<vmem>>, vector<400x1xf32>
      tpu.vector_store %arg16[%swap3A_429, %swap3A_430], %broadcast_in_dim3A_415 {strides = array<i32>} : memref<400x16xf32, #tpu.memory_space<vmem>>, vector<400x1xf32>,
      %swap3A_432 = arith.constant 0 : index
      %swap3A_433 = arith.constant 4 : index
      %swap3A_434 = vector.load %arg17[%swap3A_432, %swap3A_433] : memref<400x16xf32, #tpu.memory_space<vmem>>, vector<400x1xf32>
      tpu.vector_store %arg17[%swap3A_432, %swap3A_433], %broadcast_in_dim3A_423 {strides = array<i32>} : memref<400x16xf32, #tpu.memory_space<vmem>>, vector<400x1xf32>,
      %reduce_max3A_435 = arith.constant dense<0xFF800000> : vector<400xf32>
      %reduce_max3A_436 = vector.multi_reduction <maximumf>, %select_n3A_428, %reduce_max3A_435 [1] : vector<400x16xf32> to vector<400xf32>
      %broadcast_in_dim3A_437 = vector.shape_cast %reduce_max3A_436 : vector<400xf32> to vector<400x1xf32>
      %eq3A_438 = vector.broadcast %broadcast_in_dim3A_437 : vector<400x1xf32> to vector<400x16xf32>
      %eq3A_439 = arith.cmpf oeq, %select_n3A_428, %eq3A_438 : vector<400x16xf32>
      %jit3A_440 = arith.constant 0x7F800000 : f32
      %broadcast_in_dim3A_441 = vector.broadcast %jit3A_440 : f32 to vector<400x16xf32>
      %select_n3A_442 = arith.select %eq3A_439, %get3A_324, %broadcast_in_dim3A_441 : vector<400x16xi1>, vector<400x16xf32>
      %reduce_min3A_443 = arith.constant dense<0x7F800000> : vector<400xf32>
      %reduce_min3A_444 = vector.multi_reduction <minimumf>, %select_n3A_442, %reduce_min3A_443 [1] : vector<400x16xf32> to vector<400xf32>
      %broadcast_in_dim3A_445 = vector.shape_cast %reduce_min3A_444 : vector<400xf32> to vector<400x1xf32>
      %eq3A_446 = vector.broadcast %broadcast_in_dim3A_445 : vector<400x1xf32> to vector<400x16xf32>
      %eq3A_447 = arith.cmpf oeq, %get3A_324, %eq3A_446 : vector<400x16xf32>
      %jit3A_448 = arith.constant 0xFF800000 : f32
      %broadcast_in_dim3A_449 = vector.broadcast %jit3A_448 : f32 to vector<400x16xf32>
      %select_n3A_450 = arith.select %eq3A_447, %broadcast_in_dim3A_449, %select_n3A_428 : vector<400x16xi1>, vector<400x16xf32>
      %swap3A_451 = arith.constant 0 : index
      %swap3A_452 = arith.constant 5 : index
      %swap3A_453 = vector.load %arg16[%swap3A_451, %swap3A_452] : memref<400x16xf32, #tpu.memory_space<vmem>>, vector<400x1xf32>
      tpu.vector_store %arg16[%swap3A_451, %swap3A_452], %broadcast_in_dim3A_437 {strides = array<i32>} : memref<400x16xf32, #tpu.memory_space<vmem>>, vector<400x1xf32>,
      %swap3A_454 = arith.constant 0 : index
      %swap3A_455 = arith.constant 5 : index
      %swap3A_456 = vector.load %arg17[%swap3A_454, %swap3A_455] : memref<400x16xf32, #tpu.memory_space<vmem>>, vector<400x1xf32>
      tpu.vector_store %arg17[%swap3A_454, %swap3A_455], %broadcast_in_dim3A_445 {strides = array<i32>} : memref<400x16xf32, #tpu.memory_space<vmem>>, vector<400x1xf32>,
      %reduce_max3A_457 = arith.constant dense<0xFF800000> : vector<400xf32>
      %reduce_max3A_458 = vector.multi_reduction <maximumf>, %select_n3A_450, %reduce_max3A_457 [1] : vector<400x16xf32> to vector<400xf32>
      %broadcast_in_dim3A_459 = vector.shape_cast %reduce_max3A_458 : vector<400xf32> to vector<400x1xf32>
      %eq3A_460 = vector.broadcast %broadcast_in_dim3A_459 : vector<400x1xf32> to vector<400x16xf32>
      %eq3A_461 = arith.cmpf oeq, %select_n3A_450, %eq3A_460 : vector<400x16xf32>
      %jit3A_462 = arith.constant 0x7F800000 : f32
      %broadcast_in_dim3A_463 = vector.broadcast %jit3A_462 : f32 to vector<400x16xf32>
      %select_n3A_464 = arith.select %eq3A_461, %get3A_324, %broadcast_in_dim3A_463 : vector<400x16xi1>, vector<400x16xf32>
      %reduce_min3A_465 = arith.constant dense<0x7F800000> : vector<400xf32>
      %reduce_min3A_466 = vector.multi_reduction <minimumf>, %select_n3A_464, %reduce_min3A_465 [1] : vector<400x16xf32> to vector<400xf32>
      %broadcast_in_dim3A_467 = vector.shape_cast %reduce_min3A_466 : vector<400xf32> to vector<400x1xf32>
      %eq3A_468 = vector.broadcast %broadcast_in_dim3A_467 : vector<400x1xf32> to vector<400x16xf32>
      %eq3A_469 = arith.cmpf oeq, %get3A_324, %eq3A_468 : vector<400x16xf32>
      %jit3A_470 = arith.constant 0xFF800000 : f32
      %broadcast_in_dim3A_471 = vector.broadcast %jit3A_470 : f32 to vector<400x16xf32>
      %select_n3A_472 = arith.select %eq3A_469, %broadcast_in_dim3A_471, %select_n3A_450 : vector<400x16xi1>, vector<400x16xf32>
      %swap3A_473 = arith.constant 0 : index
      %swap3A_474 = arith.constant 6 : index
      %swap3A_475 = vector.load %arg16[%swap3A_473, %swap3A_474] : memref<400x16xf32, #tpu.memory_space<vmem>>, vector<400x1xf32>
      tpu.vector_store %arg16[%swap3A_473, %swap3A_474], %broadcast_in_dim3A_459 {strides = array<i32>} : memref<400x16xf32, #tpu.memory_space<vmem>>, vector<400x1xf32>,
      %swap3A_476 = arith.constant 0 : index
      %swap3A_477 = arith.constant 6 : index
      %swap3A_478 = vector.load %arg17[%swap3A_476, %swap3A_477] : memref<400x16xf32, #tpu.memory_space<vmem>>, vector<400x1xf32>
      tpu.vector_store %arg17[%swap3A_476, %swap3A_477], %broadcast_in_dim3A_467 {strides = array<i32>} : memref<400x16xf32, #tpu.memory_space<vmem>>, vector<400x1xf32>,
      %reduce_max3A_479 = arith.constant dense<0xFF800000> : vector<400xf32>
      %reduce_max3A_480 = vector.multi_reduction <maximumf>, %select_n3A_472, %reduce_max3A_479 [1] : vector<400x16xf32> to vector<400xf32>
      %broadcast_in_dim3A_481 = vector.shape_cast %reduce_max3A_480 : vector<400xf32> to vector<400x1xf32>
      %eq3A_482 = vector.broadcast %broadcast_in_dim3A_481 : vector<400x1xf32> to vector<400x16xf32>
      %eq3A_483 = arith.cmpf oeq, %select_n3A_472, %eq3A_482 : vector<400x16xf32>
      %jit3A_484 = arith.constant 0x7F800000 : f32
      %broadcast_in_dim3A_485 = vector.broadcast %jit3A_484 : f32 to vector<400x16xf32>
      %select_n3A_486 = arith.select %eq3A_483, %get3A_324, %broadcast_in_dim3A_485 : vector<400x16xi1>, vector<400x16xf32>
      %reduce_min3A_487 = arith.constant dense<0x7F800000> : vector<400xf32>
      %reduce_min3A_488 = vector.multi_reduction <minimumf>, %select_n3A_486, %reduce_min3A_487 [1] : vector<400x16xf32> to vector<400xf32>
      %broadcast_in_dim3A_489 = vector.shape_cast %reduce_min3A_488 : vector<400xf32> to vector<400x1xf32>
      %eq3A_490 = vector.broadcast %broadcast_in_dim3A_489 : vector<400x1xf32> to vector<400x16xf32>
      %eq3A_491 = arith.cmpf oeq, %get3A_324, %eq3A_490 : vector<400x16xf32>
      %jit3A_492 = arith.constant 0xFF800000 : f32
      %broadcast_in_dim3A_493 = vector.broadcast %jit3A_492 : f32 to vector<400x16xf32>
      %select_n3A_494 = arith.select %eq3A_491, %broadcast_in_dim3A_493, %select_n3A_472 : vector<400x16xi1>, vector<400x16xf32>
      %swap3A_495 = arith.constant 0 : index
      %swap3A_496 = arith.constant 7 : index
      %swap3A_497 = vector.load %arg16[%swap3A_495, %swap3A_496] : memref<400x16xf32, #tpu.memory_space<vmem>>, vector<400x1xf32>
      tpu.vector_store %arg16[%swap3A_495, %swap3A_496], %broadcast_in_dim3A_481 {strides = array<i32>} : memref<400x16xf32, #tpu.memory_space<vmem>>, vector<400x1xf32>,
      %swap3A_498 = arith.constant 0 : index
      %swap3A_499 = arith.constant 7 : index
      %swap3A_500 = vector.load %arg17[%swap3A_498, %swap3A_499] : memref<400x16xf32, #tpu.memory_space<vmem>>, vector<400x1xf32>
      tpu.vector_store %arg17[%swap3A_498, %swap3A_499], %broadcast_in_dim3A_489 {strides = array<i32>} : memref<400x16xf32, #tpu.memory_space<vmem>>, vector<400x1xf32>,
    }
    %get3A_59 = arith.constant 0 : index
    %get3A_60 = arith.constant 0 : index
    %get3A_61 = vector.load %arg16[%get3A_59, %get3A_60] : memref<400x16xf32, #tpu.memory_space<vmem>>, vector<400x8xf32>
    %get3A_62 = arith.constant 0 : index
    %get3A_63 = arith.constant 0 : index
    %get3A_64 = vector.load %arg17[%get3A_62, %get3A_63] : memref<400x16xf32, #tpu.memory_space<vmem>>, vector<400x8xf32>
    %mul3A_65 = arith.constant 1.000000e+01 : f32
    %mul3A_66 = vector.broadcast %mul3A_65 : f32 to vector<400x8xf32>
    %mul3A_67 = arith.mulf %mul3A_66, %get3A_61 : vector<400x8xf32>
    %exp3A = math.exp %mul3A_67 : vector<400x8xf32>
    %swap3A_68 = arith.constant 0 : index
    %swap3A_69 = arith.constant 0 : index
    %swap3A_70 = vector.load %arg12[%swap3A_68, %swap3A_69] : memref<400x8xf32, #tpu.memory_space<vmem>>, vector<400x8xf32>
    tpu.vector_store %arg12[%swap3A_68, %swap3A_69], %exp3A {strides = array<i32>} : memref<400x8xf32, #tpu.memory_space<vmem>>, vector<400x8xf32>,
    %eq3A = arith.constant 0xFF800000 : f32
    %eq3A_71 = vector.broadcast %eq3A : f32 to vector<400x8xf32>
    %eq3A_72 = arith.cmpf oeq, %get3A_61, %eq3A_71 : vector<400x8xf32>
    %jit3A = arith.constant 0.000000e+00 : f32
    %broadcast_in_dim3A_73 = vector.broadcast %jit3A : f32 to vector<400x8xf32>
    %select_n3A = arith.select %eq3A_72, %broadcast_in_dim3A_73, %get3A_64 : vector<400x8xi1>, vector<400x8xf32>
    %convert_element_type3A = arith.fptosi %select_n3A : vector<400x8xf32> to vector<400x8xi32>
    %swap3A_74 = arith.constant 0 : index
    %swap3A_75 = arith.constant 0 : index
    %swap3A_76 = vector.load %arg13[%swap3A_74, %swap3A_75] : memref<400x8xi32, #tpu.memory_space<vmem>>, vector<400x8xi32>
    tpu.vector_store %arg13[%swap3A_74, %swap3A_75], %convert_element_type3A {strides = array<i32>} : memref<400x8xi32, #tpu.memory_space<vmem>>, vector<400x8xi32>,
    return
  }
  func.func @transform_0(%arg0: i32, %arg1: memref<25xi32, #tpu.memory_space<smem>>, %arg2: memref<25xi32, #tpu.memory_space<smem>>) -> (i32, i32) {
    %c0_i32 = arith.constant 0 : i32
    %c0_i32_0 = arith.constant 0 : i32
    return %arg0, %c0_i32 : i32, i32
  }
  func.func @transform_1(%arg0: i32, %arg1: memref<25xi32, #tpu.memory_space<smem>>, %arg2: memref<25xi32, #tpu.memory_space<smem>>) -> (i32, i32) {
    %c0_i32 = arith.constant 0 : i32
    %c0_i32_0 = arith.constant 0 : i32
    %c0_i32_1 = arith.constant 0 : i32
    return %c0_i32, %c0_i32_0 : i32, i32
  }
  func.func @transform_2(%arg0: i32, %arg1: memref<25xi32, #tpu.memory_space<smem>>, %arg2: memref<25xi32, #tpu.memory_space<smem>>) -> (i32, i32) {
    %c0_i32 = arith.constant 0 : i32
    %c0_i32_0 = arith.constant 0 : i32
    return %arg0, %c0_i32 : i32, i32
  }
  func.func @transform_3(%arg0: i32, %arg1: memref<25xi32, #tpu.memory_space<smem>>, %arg2: memref<25xi32, #tpu.memory_space<smem>>) -> (i32, i32) {
    %c0_i32 = arith.constant 0 : i32
    %c0_i32_0 = arith.constant 0 : i32
    %c0_i32_1 = arith.constant 0 : i32
    return %c0_i32, %c0_i32_0 : i32, i32
  }
  func.func @transform_4(%arg0: i32, %arg1: memref<25xi32, #tpu.memory_space<smem>>, %arg2: memref<25xi32, #tpu.memory_space<smem>>) -> (i32, i32) {
    %c0_i32 = arith.constant 0 : i32
    %c0_i32_0 = arith.constant 0 : i32
    %c0_i32_1 = arith.constant 0 : i32
    return %c0_i32, %c0_i32_0 : i32, i32
  }
  func.func @transform_5(%arg0: i32, %arg1: memref<25xi32, #tpu.memory_space<smem>>, %arg2: memref<25xi32, #tpu.memory_space<smem>>) -> (i32, i32) {
    %c0_i32 = arith.constant 0 : i32
    %c0_i32_0 = arith.constant 0 : i32
    %c0_i32_1 = arith.constant 0 : i32
    return %c0_i32, %c0_i32_0 : i32, i32
  }
  func.func @transform_6(%arg0: i32, %arg1: memref<25xi32, #tpu.memory_space<smem>>, %arg2: memref<25xi32, #tpu.memory_space<smem>>) -> (i32, i32) {
    %c0_i32 = arith.constant 0 : i32
    %c0_i32_0 = arith.constant 0 : i32
    %c0_i32_1 = arith.constant 0 : i32
    return %c0_i32, %c0_i32_0 : i32, i32
  }
  func.func @transform_7(%arg0: i32, %arg1: memref<25xi32, #tpu.memory_space<smem>>, %arg2: memref<25xi32, #tpu.memory_space<smem>>) -> (i32, i32) {
    %c0_i32 = arith.constant 0 : i32
    %c0_i32_0 = arith.constant 0 : i32
    %c0_i32_1 = arith.constant 0 : i32
    return %c0_i32, %c0_i32_0 : i32, i32
  }
  func.func @transform_8(%arg0: i32, %arg1: memref<25xi32, #tpu.memory_space<smem>>, %arg2: memref<25xi32, #tpu.memory_space<smem>>) -> (i32, i32) {
    %c0_i32 = arith.constant 0 : i32
    %c0_i32_0 = arith.constant 0 : i32
    %c0_i32_1 = arith.constant 0 : i32
    return %c0_i32, %c0_i32_0 : i32, i32
  }
  func.func @transform_9(%arg0: i32, %arg1: memref<25xi32, #tpu.memory_space<smem>>, %arg2: memref<25xi32, #tpu.memory_space<smem>>) -> (i32, i32) {
    %c0_i32 = arith.constant 0 : i32
    %c0_i32_0 = arith.constant 0 : i32
    return %arg0, %c0_i32 : i32, i32
  }
  func.func @transform_10(%arg0: i32, %arg1: memref<25xi32, #tpu.memory_space<smem>>, %arg2: memref<25xi32, #tpu.memory_space<smem>>) -> (i32, i32) {
    %c0_i32 = arith.constant 0 : i32
    %c0_i32_0 = arith.constant 0 : i32
    return %arg0, %c0_i32 : i32, i32
  }
  func.func @transform_11(%arg0: i32, %arg1: memref<25xi32, #tpu.memory_space<smem>>, %arg2: memref<25xi32, #tpu.memory_space<smem>>) -> (i32, i32) {
    %c0_i32 = arith.constant 0 : i32
    %c0_i32_0 = arith.constant 0 : i32
    return %arg0, %c0_i32 : i32, i32
  }
  func.func @transform_12(%arg0: i32, %arg1: memref<25xi32, #tpu.memory_space<smem>>, %arg2: memref<25xi32, #tpu.memory_space<smem>>) -> (i32, i32) {
    %c0_i32 = arith.constant 0 : i32
    %c0_i32_0 = arith.constant 0 : i32
    return %arg0, %c0_i32 : i32, i32
  }
}

module attributes {stable_mosaic.version = 14 : i64} {
  func.func @_head_body(%arg0: i32, %arg1: memref<400x128xf32, #tpu.memory_space<vmem>>, %arg2: memref<400x34xf32, #tpu.memory_space<vmem>>, %arg3: memref<32x34xf32, #tpu.memory_space<vmem>>, %arg4: memref<32x34xf32, #tpu.memory_space<vmem>>, %arg5: memref<1x34xf32, #tpu.memory_space<vmem>>, %arg6: memref<34x126xf32, #tpu.memory_space<vmem>>, %arg7: memref<1x126xf32, #tpu.memory_space<vmem>>, %arg8: memref<126x126xf32, #tpu.memory_space<vmem>>, %arg9: memref<1x126xf32, #tpu.memory_space<vmem>>, %arg10: memref<126x6xf32, #tpu.memory_space<vmem>>, %arg11: memref<1x6xf32, #tpu.memory_space<vmem>>, %arg12: memref<400x6xf32, #tpu.memory_space<vmem>>) attributes {dimension_semantics = [#tpu.dimension_semantics<arbitrary>], iteration_bounds = array<i64: 25>, scalar_prefetch = 0 : i64, scratch_operands = 0 : i64, tpu.core_type = #tpu.core_type<tc>, window_params = [{transform_indices = @transform_0, window_bounds = array<i64: 400, 128>}, {transform_indices = @transform_1, window_bounds = array<i64: 400, 34>}, {pipeline_mode = #tpu.pipeline_mode<synchronous>, transform_indices = @transform_2, window_bounds = array<i64: 32, 34>}, {pipeline_mode = #tpu.pipeline_mode<synchronous>, transform_indices = @transform_3, window_bounds = array<i64: 32, 34>}, {pipeline_mode = #tpu.pipeline_mode<synchronous>, transform_indices = @transform_4, window_bounds = array<i64: 1, 34>}, {pipeline_mode = #tpu.pipeline_mode<synchronous>, transform_indices = @transform_5, window_bounds = array<i64: 34, 126>}, {pipeline_mode = #tpu.pipeline_mode<synchronous>, transform_indices = @transform_6, window_bounds = array<i64: 1, 126>}, {pipeline_mode = #tpu.pipeline_mode<synchronous>, transform_indices = @transform_7, window_bounds = array<i64: 126, 126>}, {pipeline_mode = #tpu.pipeline_mode<synchronous>, transform_indices = @transform_8, window_bounds = array<i64: 1, 126>}, {pipeline_mode = #tpu.pipeline_mode<synchronous>, transform_indices = @transform_9, window_bounds = array<i64: 126, 6>}, {pipeline_mode = #tpu.pipeline_mode<synchronous>, transform_indices = @transform_10, window_bounds = array<i64: 1, 6>}, {transform_indices = @transform_11, window_bounds = array<i64: 400, 6>}]} {
    %get3A = arith.constant 0 : index
    %get3A_0 = arith.constant 0 : index
    %get3A_1 = vector.load %arg1[%get3A, %get3A_0] : memref<400x128xf32, #tpu.memory_space<vmem>>, vector<400x128xf32>
    %slice3A = vector.extract_strided_slice %get3A_1 {offsets = [0, 0], sizes = [400, 32], strides = [1, 1]} : vector<400x128xf32> to vector<400x32xf32>
    %mul3A = arith.constant 1.250000e-01 : f32
    %mul3A_2 = vector.broadcast %mul3A : f32 to vector<400x32xf32>
    %mul3A_3 = arith.mulf %slice3A, %mul3A_2 : vector<400x32xf32>
    %slice3A_4 = vector.extract_strided_slice %get3A_1 {offsets = [0, 32], sizes = [400, 32], strides = [1, 1]} : vector<400x128xf32> to vector<400x32xf32>
    %get3A_5 = arith.constant 0 : index
    %get3A_6 = arith.constant 0 : index
    %get3A_7 = vector.load %arg2[%get3A_5, %get3A_6] : memref<400x34xf32, #tpu.memory_space<vmem>>, vector<400x34xf32>
    %get3A_8 = arith.constant 0 : index
    %get3A_9 = arith.constant 0 : index
    %get3A_10 = vector.load %arg3[%get3A_8, %get3A_9] : memref<32x34xf32, #tpu.memory_space<vmem>>, vector<32x34xf32>
    %dot_general3A = arith.constant dense<0.000000e+00> : vector<400x34xf32>
    %dot_general3A_11 = tpu.matmul %mul3A_3, %get3A_10, %dot_general3A {dimension_numbers = #tpu.dot_dimension_numbers<[1], [0], [0], [1], [0, 0, 1, 1], [], []>, transpose_lhs_hint = false} : vector<400x32xf32>, vector<32x34xf32>, vector<400x34xf32> -> vector<400x34xf32>
    %add3A = arith.addf %get3A_7, %dot_general3A_11 : vector<400x34xf32>
    %get3A_12 = arith.constant 0 : index
    %get3A_13 = arith.constant 0 : index
    %get3A_14 = vector.load %arg4[%get3A_12, %get3A_13] : memref<32x34xf32, #tpu.memory_space<vmem>>, vector<32x34xf32>
    %dot_general3A_15 = arith.constant dense<0.000000e+00> : vector<400x34xf32>
    %dot_general3A_16 = tpu.matmul %slice3A_4, %get3A_14, %dot_general3A_15 {dimension_numbers = #tpu.dot_dimension_numbers<[1], [0], [0], [1], [0, 0, 1, 1], [], []>, transpose_lhs_hint = false} : vector<400x32xf32>, vector<32x34xf32>, vector<400x34xf32> -> vector<400x34xf32>
    %add3A_17 = arith.addf %add3A, %dot_general3A_16 : vector<400x34xf32>
    %get3A_18 = arith.constant 0 : index
    %get3A_19 = arith.constant 0 : index
    %get3A_20 = vector.load %arg5[%get3A_18, %get3A_19] : memref<1x34xf32, #tpu.memory_space<vmem>>, vector<1x34xf32>
    %add3A_21 = vector.broadcast %get3A_20 : vector<1x34xf32> to vector<400x34xf32>
    %add3A_22 = arith.addf %add3A_17, %add3A_21 : vector<400x34xf32>
    %get3A_23 = arith.constant 0 : index
    %get3A_24 = arith.constant 0 : index
    %get3A_25 = vector.load %arg6[%get3A_23, %get3A_24] : memref<34x126xf32, #tpu.memory_space<vmem>>, vector<34x126xf32>
    %dot_general3A_26 = arith.constant dense<0.000000e+00> : vector<400x126xf32>
    %dot_general3A_27 = tpu.matmul %add3A_22, %get3A_25, %dot_general3A_26 {dimension_numbers = #tpu.dot_dimension_numbers<[1], [0], [0], [1], [0, 0, 1, 1], [], []>, transpose_lhs_hint = false} : vector<400x34xf32>, vector<34x126xf32>, vector<400x126xf32> -> vector<400x126xf32>
    %get3A_28 = arith.constant 0 : index
    %get3A_29 = arith.constant 0 : index
    %get3A_30 = vector.load %arg7[%get3A_28, %get3A_29] : memref<1x126xf32, #tpu.memory_space<vmem>>, vector<1x126xf32>
    %add3A_31 = vector.broadcast %get3A_30 : vector<1x126xf32> to vector<400x126xf32>
    %add3A_32 = arith.addf %dot_general3A_27, %add3A_31 : vector<400x126xf32>
    %gt3A = arith.constant 0.000000e+00 : f32
    %gt3A_33 = vector.broadcast %gt3A : f32 to vector<400x126xf32>
    %gt3A_34 = arith.cmpf ogt, %add3A_32, %gt3A_33 : vector<400x126xf32>
    %exp3A = math.exp %add3A_32 : vector<400x126xf32>
    %sub3A = arith.constant 1.000000e+00 : f32
    %sub3A_35 = vector.broadcast %sub3A : f32 to vector<400x126xf32>
    %sub3A_36 = arith.subf %exp3A, %sub3A_35 : vector<400x126xf32>
    %select_n3A = arith.select %gt3A_34, %add3A_32, %sub3A_36 : vector<400x126xi1>, vector<400x126xf32>
    %get3A_37 = arith.constant 0 : index
    %get3A_38 = arith.constant 0 : index
    %get3A_39 = vector.load %arg8[%get3A_37, %get3A_38] : memref<126x126xf32, #tpu.memory_space<vmem>>, vector<126x126xf32>
    %dot_general3A_40 = arith.constant dense<0.000000e+00> : vector<400x126xf32>
    %dot_general3A_41 = tpu.matmul %select_n3A, %get3A_39, %dot_general3A_40 {dimension_numbers = #tpu.dot_dimension_numbers<[1], [0], [0], [1], [0, 0, 1, 1], [], []>, transpose_lhs_hint = false} : vector<400x126xf32>, vector<126x126xf32>, vector<400x126xf32> -> vector<400x126xf32>
    %get3A_42 = arith.constant 0 : index
    %get3A_43 = arith.constant 0 : index
    %get3A_44 = vector.load %arg9[%get3A_42, %get3A_43] : memref<1x126xf32, #tpu.memory_space<vmem>>, vector<1x126xf32>
    %add3A_45 = vector.broadcast %get3A_44 : vector<1x126xf32> to vector<400x126xf32>
    %add3A_46 = arith.addf %dot_general3A_41, %add3A_45 : vector<400x126xf32>
    %gt3A_47 = arith.constant 0.000000e+00 : f32
    %gt3A_48 = vector.broadcast %gt3A_47 : f32 to vector<400x126xf32>
    %gt3A_49 = arith.cmpf ogt, %add3A_46, %gt3A_48 : vector<400x126xf32>
    %exp3A_50 = math.exp %add3A_46 : vector<400x126xf32>
    %sub3A_51 = arith.constant 1.000000e+00 : f32
    %sub3A_52 = vector.broadcast %sub3A_51 : f32 to vector<400x126xf32>
    %sub3A_53 = arith.subf %exp3A_50, %sub3A_52 : vector<400x126xf32>
    %select_n3A_54 = arith.select %gt3A_49, %add3A_46, %sub3A_53 : vector<400x126xi1>, vector<400x126xf32>
    %get3A_55 = arith.constant 0 : index
    %get3A_56 = arith.constant 0 : index
    %get3A_57 = vector.load %arg10[%get3A_55, %get3A_56] : memref<126x6xf32, #tpu.memory_space<vmem>>, vector<126x6xf32>
    %dot_general3A_58 = arith.constant dense<0.000000e+00> : vector<400x6xf32>
    %dot_general3A_59 = tpu.matmul %select_n3A_54, %get3A_57, %dot_general3A_58 {dimension_numbers = #tpu.dot_dimension_numbers<[1], [0], [0], [1], [0, 0, 1, 1], [], []>, transpose_lhs_hint = false} : vector<400x126xf32>, vector<126x6xf32>, vector<400x6xf32> -> vector<400x6xf32>
    %get3A_60 = arith.constant 0 : index
    %get3A_61 = arith.constant 0 : index
    %get3A_62 = vector.load %arg11[%get3A_60, %get3A_61] : memref<1x6xf32, #tpu.memory_space<vmem>>, vector<1x6xf32>
    %add3A_63 = vector.broadcast %get3A_62 : vector<1x6xf32> to vector<400x6xf32>
    %add3A_64 = arith.addf %dot_general3A_59, %add3A_63 : vector<400x6xf32>
    %swap3A = arith.constant 0 : index
    %swap3A_65 = arith.constant 0 : index
    %swap3A_66 = vector.load %arg12[%swap3A, %swap3A_65] : memref<400x6xf32, #tpu.memory_space<vmem>>, vector<400x6xf32>
    tpu.vector_store %arg12[%swap3A, %swap3A_65], %add3A_64 {strides = array<i32>} : memref<400x6xf32, #tpu.memory_space<vmem>>, vector<400x6xf32>,
    return
  }
  func.func @transform_0(%arg0: i32) -> (i32, i32) {
    %c0_i32 = arith.constant 0 : i32
    %c0_i32_0 = arith.constant 0 : i32
    return %arg0, %c0_i32 : i32, i32
  }
  func.func @transform_1(%arg0: i32) -> (i32, i32) {
    %c0_i32 = arith.constant 0 : i32
    %c0_i32_0 = arith.constant 0 : i32
    return %arg0, %c0_i32 : i32, i32
  }
  func.func @transform_2(%arg0: i32) -> (i32, i32) {
    %c0_i32 = arith.constant 0 : i32
    %c0_i32_0 = arith.constant 0 : i32
    %c0_i32_1 = arith.constant 0 : i32
    return %c0_i32, %c0_i32_0 : i32, i32
  }
  func.func @transform_3(%arg0: i32) -> (i32, i32) {
    %c0_i32 = arith.constant 0 : i32
    %c0_i32_0 = arith.constant 0 : i32
    %c0_i32_1 = arith.constant 0 : i32
    return %c0_i32, %c0_i32_0 : i32, i32
  }
  func.func @transform_4(%arg0: i32) -> (i32, i32) {
    %c0_i32 = arith.constant 0 : i32
    %c0_i32_0 = arith.constant 0 : i32
    %c0_i32_1 = arith.constant 0 : i32
    return %c0_i32, %c0_i32_0 : i32, i32
  }
  func.func @transform_5(%arg0: i32) -> (i32, i32) {
    %c0_i32 = arith.constant 0 : i32
    %c0_i32_0 = arith.constant 0 : i32
    %c0_i32_1 = arith.constant 0 : i32
    return %c0_i32, %c0_i32_0 : i32, i32
  }
  func.func @transform_6(%arg0: i32) -> (i32, i32) {
    %c0_i32 = arith.constant 0 : i32
    %c0_i32_0 = arith.constant 0 : i32
    %c0_i32_1 = arith.constant 0 : i32
    return %c0_i32, %c0_i32_0 : i32, i32
  }
  func.func @transform_7(%arg0: i32) -> (i32, i32) {
    %c0_i32 = arith.constant 0 : i32
    %c0_i32_0 = arith.constant 0 : i32
    %c0_i32_1 = arith.constant 0 : i32
    return %c0_i32, %c0_i32_0 : i32, i32
  }
  func.func @transform_8(%arg0: i32) -> (i32, i32) {
    %c0_i32 = arith.constant 0 : i32
    %c0_i32_0 = arith.constant 0 : i32
    %c0_i32_1 = arith.constant 0 : i32
    return %c0_i32, %c0_i32_0 : i32, i32
  }
  func.func @transform_9(%arg0: i32) -> (i32, i32) {
    %c0_i32 = arith.constant 0 : i32
    %c0_i32_0 = arith.constant 0 : i32
    %c0_i32_1 = arith.constant 0 : i32
    return %c0_i32, %c0_i32_0 : i32, i32
  }
  func.func @transform_10(%arg0: i32) -> (i32, i32) {
    %c0_i32 = arith.constant 0 : i32
    %c0_i32_0 = arith.constant 0 : i32
    %c0_i32_1 = arith.constant 0 : i32
    return %c0_i32, %c0_i32_0 : i32, i32
  }
  func.func @transform_11(%arg0: i32) -> (i32, i32) {
    %c0_i32 = arith.constant 0 : i32
    %c0_i32_0 = arith.constant 0 : i32
    return %arg0, %c0_i32 : i32, i32
  }
}

</mosaic_0001>

<sc_bundles>
// kernel: kernel.5.cloned.1.call-start
scs
__scs_entry_jumppad:
0x0: {  	(pc) =	sbr.rel $0x88, $3  }
0x1: {  	(tag) =	ssettag $0x0;
	lr =	simm.s32 $0x1  }
0x2: {  	[smem:$0x3F92] =	sst lr;
	_ =	strace $0xD0000000  }
0x3: {  	_ = 	snop  }
0x4: {  	_ = 	snop  }
0x5: {  	_ = 	snop  }
0x6: {  	_ = 	snop  }
0x7: {  	_ = 	snop  }
__scs_overlays_trampoline_lowered:
0x8: {  	[smem:$0x3FA1] =	sst s0  }
0x9: {  	[smem:$0x3FA2] =	sst s1  }
0xa: {  	[smem:$0x3FA3] =	sst s2  }
0xb: {  	[smem:$0x3FA4] =	sst s3  }
0xc: {  	[smem:$0x3FA5] =	sst s4  }
0xd: {  	[smem:$0x3FA6] =	sst s5  }
0xe: {  	[smem:$0x3FA7] =	sst s6  }
0xf: {  	[smem:$0x3FA8] =	sst s7  }
0x10: {  	[smem:$0x3FA9] =	sst s8  }
0x11: {  	[smem:$0x3FAA] =	sst s9;
	s0 =	simm.s32 @!p0 $0x0  }
0x12: {  	s1 =	sld [smem:$0x3F90];
	s0 =	simm.s32 @p0 $0x1  }
0x13: {  	[smem:$0x3FAB] =	sst s0;
	s0 =	simm.s32 @!p1 $0x0  }
0x14: {  	s2 =	sld [smem:$0x3F8F];
	s0 =	simm.s32 @p1 $0x1  }
0x15: {  	[smem:$0x3FAC] =	sst s0;
	s0 =	simm.s32 @!p2 $0x0  }
0x16: {  	s3 =	sld [smem:$0x3FDB];
	s0 =	simm.s32 @p2 $0x1  }
0x17: {  	s4 =	simm.s32 $0x1BF5;
	[smem:$0x3FAE] =	sst s0  }
0x18: {  	s0 =	sld [smem:$0x3F91];
	_ =	swait.ge [sflag:s4], $0x0  }
0x19: {  	s7 =	sld [smem:$0x3F92]  }
0x1a: {  	s8 =	sadd.s32 $0xFFFFE003, lr  }
0x1b: {  	s9 =	sadd.s32 $0xFFFFFEF7, lr;
	s5 =	simm.s32 $0xFFFFFFFF;
	p2 =	slt.u32 s8, $0xFFFFF086  }
0x1c: {  	p1 =	slt.u32 s9, $0xF7A;
	s5 =	simm.s32 @!p2 $0x0  }
0x1d: {  	s5 =	simm.s32 @p1 $0x1;
	p0 =	seq.s32 s7, s2  }
0x1e: {  	s7 =	smul.u32 @!p0 $0xF7A, s2;
	p2 =	seq.s32 @!p0 s5, $0x0  }
0x1f: {  	s9 =	smul.u32 $0xF7A, s1;
	s8 =	simm.s32 @!p0 $0x1BF5;
	p2 =	por !p2, p0  }
0x20: {  	[sflag:s8] =	ssyncset.s32 @!p0 $0xFFFFF086;
	s6 =	sadd.s32 @!p0 s3, s7;
	s7 =	simm.s32 @!p0 $0x108  }
0x21: {  	s3 =	sadd.s32 s3, s9;
	s6 =	sadd.s32 @!p0 $0x88, s6;
	s7 =	simm.s32 @p2 $0x1082  }
0x22: {  	[simem:s7], [sflag:s8] =	dma.local @!p0 [hbm:s6], $0xF7A  }
0x23: {  	s9 =	sor.u32 $0xD0000000, s2;
	s6 =	simm.s32 $0x108;
	_ =	swait.ge @!p0 [sflag:s8], $0x0  }
0x24: {  	s3 =	sadd.s32 $0x88, s3;
	s6 =	simm.s32 @!p1 $0x1082;
	[sflag:s4] =	ssyncset.s32 $0xFFFFF086  }
0x25: {  	[simem:s6], [sflag:s4] =	dma.local [hbm:s3], $0xF7A  }
0x26: {  	[smem:$0x3F92] =	sst s1;
	(tag) =	ssettag s2;
	_ =	strace s9  }
0x27: {  	s1 =	sld [smem:$0x3FA2]  }
0x28: {  	s2 =	sld [smem:$0x3FA3]  }
0x29: {  	s4 =	sld [smem:$0x3FA5]  }
0x2a: {  	p0 =	seq.s32 s5, $0x0;
	s5 =	sld [smem:$0x3FA6]  }
0x2b: {  	s6 =	sld [smem:$0x3FA7]  }
0x2c: {  	s7 =	sld [smem:$0x3FA8]  }
0x2d: {  	s3 =	simm.s32 $0x108;
	s8 =	sld [smem:$0x3FA9]  }
0x2e: {  	s3 =	simm.s32 @!p0 $0x1082;
	s9 =	sld [smem:$0x3FAA]  }
0x2f: {  	lr =	sadd.s32 s0, s3;
	s0 =	sld [smem:$0x3FA1]  }
0x30: {  	s3 =	sld [smem:$0x3FA4]  }
0x31: {  	[smem:$0x3FAD] =	sst s10  }
0x32: {  	s10 =	sld [smem:$0x3FAB];
	_ =	sdelay $0x3  }
0x33: {  	p0 =	seq.s32 s10, $0x1;
	s10 =	sld [smem:$0x3FAD];
	_ =	sdelay $0x3  }
0x34: {  	[smem:$0x3FAD] =	sst s10  }
0x35: {  	s10 =	sld [smem:$0x3FAC];
	_ =	sdelay $0x3  }
0x36: {  	p1 =	seq.s32 s10, $0x1;
	s10 =	sld [smem:$0x3FAD];
	_ =	sdelay $0x3  }
0x37: {  	[smem:$0x3FAD] =	sst s10  }
0x38: {  	s10 =	sld [smem:$0x3FAE]  }
0x39: {  	_ = 	snop;
	(pc) =	sbr.ind lr, $3  }
0x3a: {  	_ = 	snop  }
0x3b: {  	_ = 	snop  }
0x3c: {  	p2 =	seq.s32 s10, $0x1;
	s10 =	sld [smem:$0x3FAD]  }
0x3d: {  	_ =	shalt  }
0x3e: {  	_ =	shalt  }
0x3f: {  	_ =	shalt  }
0x40: {  	_ =	shalt  }
0x41: {  	_ =	shalt  }
0x42: {  	_ =	shalt  }
0x43: {  	_ =	shalt  }
0x44: {  	_ =	shalt  }
0x45: {  	_ =	shalt  }
0x46: {  	_ =	shalt  }
0x47: {  	_ =	shalt  }
0x48: {  	_ =	shalt  }
0x49: {  	_ =	shalt  }
0x4a: {  	_ =	shalt  }
0x4b: {  	_ =	shalt  }
0x4c: {  	_ =	shalt  }
0x4d: {  	_ =	shalt  }
0x4e: {  	_ =	shalt  }
0x4f: {  	_ =	shalt  }
0x50: {  	_ =	shalt  }
0x51: {  	_ =	shalt  }
0x52: {  	_ =	shalt  }
0x53: {  	_ =	shalt  }
0x54: {  	_ =	shalt  }
0x55: {  	_ =	shalt  }
0x56: {  	_ =	shalt  }
0x57: {  	_ =	shalt  }
0x58: {  	_ =	shalt  }
0x59: {  	_ =	shalt  }
0x5a: {  	_ =	shalt  }
0x5b: {  	_ =	shalt  }
0x5c: {  	_ =	shalt  }
0x5d: {  	_ =	shalt  }
0x5e: {  	_ =	shalt  }
0x5f: {  	_ =	shalt  }
0x60: {  	_ =	shalt  }
0x61: {  	_ =	shalt  }
0x62: {  	_ =	shalt  }
0x63: {  	_ =	shalt  }
0x64: {  	_ =	shalt  }
0x65: {  	_ =	shalt  }
0x66: {  	_ =	shalt  }
0x67: {  	_ =	shalt  }
0x68: {  	_ =	shalt  }
0x69: {  	_ =	shalt  }
0x6a: {  	_ =	shalt  }
0x6b: {  	_ =	shalt  }
0x6c: {  	_ =	shalt  }
0x6d: {  	_ =	shalt  }
0x6e: {  	_ =	shalt  }
0x6f: {  	_ =	shalt  }
0x70: {  	_ =	shalt  }
0x71: {  	_ =	shalt  }
0x72: {  	_ =	shalt  }
0x73: {  	_ =	shalt  }
0x74: {  	_ =	shalt  }
0x75: {  	_ =	shalt  }
0x76: {  	_ =	shalt  }
0x77: {  	_ =	shalt  }
0x78: {  	_ =	shalt  }
0x79: {  	_ =	shalt  }
0x7a: {  	_ =	shalt  }
0x7b: {  	_ =	shalt  }
0x7c: {  	_ =	shalt  }
0x7d: {  	_ =	shalt  }
0x7e: {  	_ =	shalt  }
0x7f: {  	_ =	shalt  }
0x80: {  	_ =	shalt  }
0x81: {  	_ =	shalt  }
0x82: {  	_ =	shalt  }
0x83: {  	_ =	shalt  }
0x84: {  	_ =	shalt  }
0x85: {  	_ =	shalt  }
0x86: {  	_ =	shalt  }
0x87: {  	_ =	shalt  }
.Lfunc_end0:
.L_simem_size_0:
called_computation_lowered:
.L_overlay_start_0:
0x88: {  	s2 =	sld [smem:$0x3FD9]  }
0x89: {  	s3 =	sld [smem:$0x3FFE];
	_ =	sdelay $0x1  }
0x8a: {  	s1 =	srdreg.scid  }
0x8b: {  	s0 =	sand.u32 $0x1, s1  }
0x8c: {  	s16 =	sshll.u32 s0, $0xA;
	s2 =	sadd.s32 s3, s2  }
0x8d: {  	s2 =	sadd.s32 s2, s16  }
0x8e: {  	[smem:$0x3FB9] =	sst s2  }
0x8f: {  	_ = 	snop  }
0x90: {  	(tm) =	ssettm $0x1  }
0x91: {  	s17 =	sld [smem:$0x3FFB];
	_ =	sdelay $0x3  }
0x92: {  	_ =	strace s17  }
0x93: {  	s2 =	sld [smem:$0x3FFC];
	_ =	sdelay $0x3  }
0x94: {  	_ =	strace s2  }
0x95: {  	s2 =	sld [smem:$0x3FFD];
	_ =	sdelay $0x3  }
0x96: {  	_ =	strace s2  }
0x97: {  	_ =	strace $0x8FFFFFFF  }
0x98: {  	s18 =	sld [smem:$0x3FDB];
	_ =	sdelay $0x1  }
0x99: {  	s19 =	simm.s32 $_scs_section_size  }
0x9a: {  	s4 =	simm.s32 $_size__tile_overlayer_lowered;
	s5 =	simm.s32 $_tile_overlayer_lowered  }
0x9b: {  	s22 =	simm.s32 $0x1BFF;
	s21 =	sshll.u32 s5, $0x1;
	s2 =	sadd.s32 s19, s18  }
0x9c: {  	s6 =	simm.s32 $0x0;
	s20 =	sshll.u32 s4, $0x1;
	s4 =	sadd.s32 s21, s2  }
0x9d: {  	[timem:s6], [sflag:s22] =	dma.local [hbm:s4], s20  }
0x9e: {  	_ =	swait.ge [sflag:s22], s20  }
0x9f: {  	s3 =	ssub.s32 $0x0, s20;
	[sflag:s22] =	ssyncset.done $0x0  }
0xa0: {  	[sflag:s22] =	ssyncadd.s32 s3;
	_ =	sdelay $0x1  }
0xa1: {  	s23 =	simm.s32 $0x1B8B  }
0xa2: {  	_ =	swait.ge [sflag:s23], $0x1  }
0xa3: {  	[sflag:s23] =	ssyncset.done $0x0  }
0xa4: {  	s25 =	simm.s32 $0x1B8E;
	s24 =	sld [smem:$0x3FFE];
	[sflag:s23] =	ssyncadd.s32 $0xFFFFFFFF  }
0xa5: {  	s26 =	simm.s32 $execute0_lowered;
	[smem:$0x3FD2] =	sst s25  }
0xa6: {  	s4 =	sshll.u32 s26, $0x1;
	_ =	strace $0x80000046;
	[dreg:$0x1] =	wrdreg $0xFFFFFFFF  }
0xa7: {  	s28 =	simm.s32 $_size_execute0_lowered;
	s2 =	sadd.s32 s2, s4;
	[dreg:$0x0] =	wrdreg $0x0  }
0xa8: {  	s4 =	sshll.u32 s28, $0x1;
	[dreg:$0x2] =	wrdreg s2  }
0xa9: {  	[dreg:$0x3] =	wrdreg s4  }
0xaa: {  	[dreg:$0x4] =	wrdreg $0xC0  }
0xab: {  	_ =	task [dreg:s6], $0x5FFFF  }
0xac: {  	[dreg:$0x1] =	wrdreg $0xFFFFFFFF  }
0xad: {  	[dreg:$0x0] =	wrdreg $0x60  }
0xae: {  	[dreg:$0x2] =	wrdreg s24  }
0xaf: {  	[dreg:$0x3] =	wrdreg $0x9  }
0xb0: {  	_ =	task.clear_ibuf [dreg:s6], $0x4FFFF;
	_ =	strace $0x90000046  }
0xb1: {  	s29 =	simm.s32 $0x9;
	_ =	strace $0x80000048  }
0xb2: {  	_ =	swait.ge [sflag:s29], $0x1  }
0xb3: {  	[sflag:s29] =	ssyncadd.s32 $0xFFFFFFFF  }
0xb4: {  	_ =	strace $0x90000048  }
0xb5: {  	_ =	sfence  }
0xb6: {  	s30 =	sld [smem:$0x0];
	_ =	sdelay $0x2  }
0xb7: {  	s31 =	sshll.u32 s1, $0xD;
	s1 =	sshrl.u32 s1, $0x2  }
0xb8: {  	s3 =	sand.u32 $0x4000, s31;
	s1 =	sadd.s32 s1, s30  }
0xb9: {  	s0 =	sor.u32 s3, s0;
	s1 =	sshll.u32 s1, $0x11  }
0xba: {  	s0 =	sor.u32 s1, s0  }
0xbb: {  	s0 =	sadd.s32 $0x8F2B, s0  }
0xbc: {  	[sflag:s0] =	ssyncadd.remote.s32 $0x1  }
0xbd: {  	_ =	sfence.sel $0xFFFF  }
0xbe: {  	[dreg:$0x0] =	wrdreg $0xFFFFFFFF;
	(pc) =	sbr.abs _section_cstart, $3  }
0xbf: {  	[dreg:$0x1] =	wrdreg $0xFFFFFFFF  }
0xc0: {  	_ =	task.clear_ibuf [dreg:s6], $0x2FFFF;
	_ =	strace $0x9FFFFFFF  }
0xc1: {  	(tm) =	ssettm $0x7FFFFFFF  }
tec
execute0_lowered:
.L_overlay_start_1:
0x0: {  	(tag) =	ssettag $0x1  }
0x1: {  	s0 =	srdreg.scid  }
0x2: {  	s2 =	stileid.u32;
	s1 =	rddreg [dreg:$0x0];
	s15 =	simm.s32 $0x3  }
0x3: {  	s16 =	simm.s32 $0xA00;
	s17 =	simm.s32 $0x140;
	s18 =	simm.s32 $0x1400  }
0x4: {  	s19 =	simm.s32 $0x1;
	s20 =	simm.s32 $0xB400;
	s21 =	simm.s32 $0x15400  }
0x5: {  	s22 =	simm.s32 $0x2;
	s24 =	simm.s32 $0x16800;
	s29 =	simm.s32 $0x780  }
0x6: {  	s30 =	simm.s32 $0x8C0;
	s0 =	sand.u32 $0x1, s0;
	s3 =	sshll.u32 s2, $0x1  }
0x7: {  	s31 =	simm.s32 $0x0;
	s2 =	simm.s32 $0x0;
	s4 =	sor.u32 s0, s3  }
0x8: {  	[smem:$0x7FF] =	sst s2;
	s0 =	ssub.s32 $0x2, s0;
	s5 =	smul.u32 $0x140, s4  }
0x9: {  	s3 =	sadd.s32 $0x2000, s1;
	s6 =	smul.u32 $0xA000, s4;
	s7 =	sshrl.u32 s0, $0x1  }
0xa: {  	_ =	strace $0x80000047;
	s8 =	smul.u32 $0x1400, s4;
	s0 =	ssub.s32 s0, s7  }
0xb: {  	s5 =	sadd.s32 s5, s1;
	s1 =	sadd.s32 $0x2E200, s1;
	s28 =	sshrl.u32 s6, $0x3  }
0xc: {  	s14 =	smax.u32 s0, $0x1;
	s4 =	sadd.s32 $0x29200, s5;
	s6 =	sadd.s32 s1, s8  }
0xd: {  	s5 =	sadd.s32 $0x2BA00, s5;
	s1 =	sadd.s32 s1, s28;
	s7 =	sadd.s32 $0x280, s6  }
0xe: {  	s8 =	sadd.s32 $0x500, s1;
	s9 =	sadd.s32 $0x780, s1;
	s10 =	sadd.s32 $0xA00, s1  }
0xf: {  	s11 =	sadd.s32 $0xC80, s1;
	s12 =	sadd.s32 $0xF00, s1;
	s13 =	sadd.s32 $0x1180, s1  }
.LBB2_1:
0x10: {  	[tilespmem:s2], [sflag:$0x3] =	stream.linear.gather [hbm4b:s4+s2], $0xA00, $0x38;
	[tilespmem:$0x17C00] =	vst v63  }
0x11: {  	_ =	swait.ge [sflag:s15], $0xA00  }
0x12: {  	[sflag:s15] =	ssyncset.done $0x0  }
0x13: {  	[sflag:s15] =	ssyncadd.s32 $0xFFFFF600  }
0x14: {  	[tilespmem:s16], [sflag:$0x3] =	stream.linear.gather [hbm4b:s5+s2], $0xA00, $0x38;
	[tilespmem:$0x17C00] =	vst v63  }
0x15: {  	_ =	swait.ge [sflag:s15], $0xA00  }
0x16: {  	[sflag:s15] =	ssyncset.done $0x0  }
0x17: {  	[sflag:s15] =	ssyncadd.s32 $0xFFFFF600  }
0x18: {  	[tilespmem:s18], [sflag:$0x1] =	stream.indirect.gather [hbm4b:s3+s17], $0x80, s2, s17, $0xb8;
	[tilespmem:$0x17C00] =	vst v63  }
0x19: {  	_ =	swait.ge [sflag:s19], $0xA000  }
0x1a: {  	s0 =	simm.s32 $0x0;
	[sflag:s19] =	ssyncset.done $0x0  }
0x1b: {  	s1 =	simm.s32 $0x1600;
	s25 =	simm.s32 $0x1;
	v0 =	vmov s0;
	[sflag:s19] =	ssyncadd.s32 $0xFFFF6000  }
0x1c: {  	v0 =	vand.u32 $0xFFFFFFF8, v0;
	[tilespmem:s20], [sflag:$0x2] =	stream.indirect.gather [hbm4b:s3+s17], $0x80, s17, s17, $0xb8;
	[tilespmem:$0x17C00] =	vst v63  }
0x1d: {  	v3 =	vmov s25;
	v0 =	vbroadcast v0, $0x0;
	v1 =	vld [tilespmem:s1+$0x90]  }
0x1e: {  	s26 =	simm.s32 $0x2;
	v3 =	vand.u32 $0xFFFFFFF9, v3;
	v2 =	vld [tilespmem:s1+$0x0]  }
0x1f: {  	s28 =	simm.s32 $0x3;
	v6 =	vmov s26;
	v3 =	vbroadcast v3, $0x0;
	v7 =	vld [tilespmem:s1+$0xFFFFFF80]  }
0x20: {  	v9 =	vmov s28;
	v6 =	vand.u32 $0xFFFFFFFA, v6;
	v8 =	vld [tilespmem:s1+$0xFFFFFF00]  }
0x21: {  	s23 =	simm.s32 $0x4;
	v9 =	vand.u32 $0xFFFFFFFB, v9;
	v6 =	vbroadcast v6, $0x0;
	v10 =	vld [tilespmem:s1+$0xFFFFFE90]  }
0x22: {  	v12 =	vmov s23;
	v9 =	vbroadcast v9, $0x0;
	v11 =	vld [tilespmem:s1+$0xFFFFFE10]  }
0x23: {  	v12 =	vand.u32 $0xFFFFFFFC, v12;
	v0 =	vld.idx.msk [tilespmem:v0+s16+$0x0], $0xffff  }
0x24: {  	s25 =	simm.s32 $0x5;
	v12 =	vbroadcast v12, $0x0;
	v13 =	vld [tilespmem:s1+$0xFFFFFE00]  }
0x25: {  	v14 =	vmov s25;
	v3 =	vld.idx.msk [tilespmem:v3+s16+$0x0], $0xffff  }
0x26: {  	s26 =	simm.s32 $0x6;
	v14 =	vand.u32 $0xFFFFFFFD, v14;
	v16 =	vld [tilespmem:s1+$0xFFFFFE80]  }
0x27: {  	v15 =	vmov s26;
	v14 =	vbroadcast v14, $0x0;
	v6 =	vld.idx.msk [tilespmem:v6+s16+$0x0], $0xffff  }
0x28: {  	v15 =	vand.u32 $0xFFFFFFFE, v15;
	v9 =	vld.idx.msk [tilespmem:v9+s16+$0x0], $0xffff  }
0x29: {  	v15 =	vbroadcast v15, $0x0;
	v17 =	vld [tilespmem:s1+$0xFFFFFF10]  }
0x2a: {  	s28 =	simm.s32 $0x7;
	v49 =	vld.idx.msk [tilespmem:v12+s16+$0x0], $0xffff  }
0x2b: {  	v18 =	vmov s28;
	v19 =	vld [tilespmem:s1+$0x10];
	v13 =	vmul.f32 v13, v0;
	v0 =	vmul.f32 v11, v0  }
0x2c: {  	v5 =	vld [tilespmem:s1+$0xFFFFFF90]  }
0x2d: {  	v51 =	vld.idx.msk [tilespmem:v14+s16+$0x0], $0xffff;
	v16 =	vmul.f32 v16, v3;
	v3 =	vmul.f32 v10, v3;
	v20 =	vadd.f32 $0.0e+00, v0  }
0x2e: {  	v4 =	vld [tilespmem:s1+$0x80];
	v8 =	vmul.f32 v8, v6;
	v50 =	vadd.f32 $0.0e+00, v13  }
0x2f: {  	v52 =	vld.idx.msk [tilespmem:v15+s16+$0x0], $0xffff;
	v6 =	vmul.f32 v17, v6;
	v7 =	vmul.f32 v7, v9;
	v53 =	vadd.f32 v3, v20  }
0x30: {  	v54 =	vld.idx.msk [tilespmem:v18+s16+$0x0], $0xffff;
	v59 =	vmul.f32 v19, v49;
	v2 =	vmul.f32 v2, v49;
	v12 =	vadd.f32 v16, v50  }
0x31: {  	v55 =	vld [tilespmem:s1+$0x100];
	v0 =	vmax.f32 v0, v3;
	v3 =	vmul.f32 v5, v9;
	v5 =	vadd.f32 v6, v53  }
0x32: {  	v58 =	vld [tilespmem:s1+$0x110];
	v1 =	vmul.f32 v1, v51;
	v0 =	vmax.f32 v0, v6;
	v12 =	vadd.f32 v8, v12  }
0x33: {  	v60 =	vld [tilespmem:s1+$0x180];
	v13 =	vmax.f32 v13, v16;
	v0 =	vmax.f32 v0, v3;
	v5 =	vadd.f32 v3, v5  }
0x34: {  	v56 =	vld [tilespmem:s1+$0x190];
	v8 =	vmax.f32 v13, v8;
	v0 =	vmax.f32 v0, v59;
	v57 =	vadd.f32 v7, v12  }
0x35: {  	v7 =	vmax.f32 v8, v7;
	v3 =	vmul.f32 v4, v51;
	v4 =	vadd.f32 v59, v5  }
0x36: {  	v61 =	vmax.f32 v0, v1;
	v0 =	vmax.f32 v7, v2;
	v6 =	vadd.f32 v2, v57  }
0x37: {  	v5 =	vmul.f32 v55, v52;
	v2 =	vmul.f32 v58, v52;
	v1 =	vadd.f32 v1, v4  }
0x38: {  	v7 =	vmax.f32 v0, v3;
	v0 =	vmul.f32 v60, v54;
	v3 =	vadd.f32 v3, v6  }
0x39: {  	v4 =	vmul.f32 v56, v54;
	v62 =	vmax.f32 v7, v5;
	v1 =	vadd.f32 v2, v1  }
0x3a: {  	s0 =	simm.s32 $0x15420;
	v63 =	vmax.f32 v61, v2;
	v6 =	vmax.f32 v62, v0;
	v2 =	vadd.f32 v5, v3  }
0x3b: {  	s23 =	simm.s32 $0xF;
	s25 =	simm.s32 $0x15420;
	v3 =	vmax.f32 v63, v4;
	[tilespmem:s0+$0x0] =	vst v6;
	v1 =	vadd.f32 v4, v1  }
.LBB2_2:
0x3c: {  	p0 =	sne.s32 s23, $0x13F;
	v0 =	vadd.f32 v0, v2;
	[tilespmem:s0+$0x10] =	vst v3;
	s25 =	sadd.s32 $0x80, s25;
	s1 =	sadd.s32 $0x400, s1  }
0x3d: {  	s26 =	smov.u32 s23;
	s23 =	sadd.s32 $0x8, s23;
	[tilespmem:s0+$0xFFFFFFF0] =	vst v1  }
0x3e: {  	s28 =	sadd.s32 $0xFFFFFFF9, s26;
	[tilespmem:s0+$0xFFFFFFE0] =	vst v0;
	s0 =	smov.u32 s25  }
0x3f: {  	v0 =	vmov s28;
	v1 =	vld [tilespmem:s1+$0x90]  }
0x40: {  	s28 =	sadd.s32 $0xFFFFFFFA, s26;
	v0 =	vand.u32 $0xFFFFFFF8, v0;
	v2 =	vld [tilespmem:s1+$0x0]  }
0x41: {  	v3 =	vmov s28;
	v0 =	vbroadcast v0, $0x0;
	v4 =	vld [tilespmem:s1+$0x80]  }
0x42: {  	s28 =	sadd.s32 $0xFFFFFFFB, s26;
	v3 =	vand.u32 $0xFFFFFFF9, v3;
	v5 =	vld [tilespmem:s1+$0xFFFFFF90]  }
0x43: {  	v6 =	vmov s28;
	s28 =	sadd.s32 $0xFFFFFFFC, s26;
	v3 =	vbroadcast v3, $0x0;
	v7 =	vld [tilespmem:s1+$0xFFFFFF80]  }
0x44: {  	v6 =	vand.u32 $0xFFFFFFFA, v6;
	v9 =	vmov s28;
	v8 =	vld [tilespmem:s1+$0xFFFFFF00]  }
0x45: {  	s28 =	sadd.s32 $0xFFFFFFFD, s26;
	v6 =	vbroadcast v6, $0x0;
	v9 =	vand.u32 $0xFFFFFFFB, v9;
	v10 =	vld [tilespmem:s1+$0xFFFFFE90]  }
0x46: {  	v12 =	vmov s28;
	v9 =	vbroadcast v9, $0x0;
	v11 =	vld [tilespmem:s1+$0xFFFFFE10]  }
0x47: {  	s28 =	sadd.s32 $0xFFFFFFFE, s26;
	v12 =	vand.u32 $0xFFFFFFFC, v12;
	v0 =	vld.idx.msk [tilespmem:v0+s16+$0x0], $0xffff  }
0x48: {  	v14 =	vmov s28;
	s28 =	sadd.s32 $0xFFFFFFFF, s26;
	v12 =	vbroadcast v12, $0x0;
	v13 =	vld [tilespmem:s1+$0xFFFFFE00]  }
0x49: {  	v14 =	vand.u32 $0xFFFFFFFD, v14;
	v15 =	vmov s28;
	v3 =	vld.idx.msk [tilespmem:v3+s16+$0x0], $0xffff  }
0x4a: {  	v14 =	vbroadcast v14, $0x0;
	v15 =	vand.u32 $0xFFFFFFFE, v15;
	v16 =	vld [tilespmem:s1+$0xFFFFFE80]  }
0x4b: {  	v15 =	vbroadcast v15, $0x0;
	v6 =	vld.idx.msk [tilespmem:v6+s16+$0x0], $0xffff  }
0x4c: {  	v9 =	vld.idx.msk [tilespmem:v9+s16+$0x0], $0xffff  }
0x4d: {  	v17 =	vmov s26;
	v13 =	vmul.f32 v13, v0;
	v0 =	vmul.f32 v11, v0;
	v11 =	vld [tilespmem:s1+$0xFFFFFF10]  }
0x4e: {  	v12 =	vld.idx.msk [tilespmem:v12+s16+$0x0], $0xffff  }
0x4f: {  	v18 =	vadd.f32 $0.0e+00, v13;
	v19 =	vadd.f32 $0.0e+00, v0;
	v16 =	vmul.f32 v16, v3;
	v20 =	vld [tilespmem:s1+$0x10]  }
0x50: {  	v3 =	vmul.f32 v10, v3;
	v10 =	vld.idx.msk [tilespmem:v14+s16+$0x0], $0xffff  }
0x51: {  	v8 =	vmul.f32 v8, v6;
	v14 =	vadd.f32 v16, v18;
	v13 =	vmax.f32 v13, v16;
	v15 =	vld.idx.msk [tilespmem:v15+s16+$0x0], $0xffff  }
0x52: {  	v16 =	vadd.f32 v3, v19;
	v0 =	vmax.f32 v0, v3;
	v3 =	vmul.f32 v11, v6;
	v6 =	vld.idx.msk [tilespmem:v17+s16+$0x0], $0xffff  }
0x53: {  	v7 =	vmul.f32 v7, v9;
	v5 =	vmul.f32 v5, v9;
	v11 =	vadd.f32 v8, v14;
	v9 =	vld [tilespmem:s1+$0x100]  }
0x54: {  	v8 =	vmax.f32 v13, v8;
	v14 =	vadd.f32 v3, v16;
	v0 =	vmax.f32 v0, v3;
	v3 =	vld [tilespmem:s1+$0x190]  }
0x55: {  	v11 =	vadd.f32 v7, v11;
	v7 =	vmax.f32 v8, v7;
	v8 =	vmul.f32 v20, v12;
	v13 =	vld [tilespmem:s1+$0x110]  }
0x56: {  	v0 =	vmax.f32 v0, v5;
	v4 =	vmul.f32 v4, v10;
	v14 =	vadd.f32 v5, v14;
	v5 =	vld [tilespmem:s1+$0x180]  }
0x57: {  	v2 =	vmul.f32 v2, v12;
	v1 =	vmul.f32 v1, v10;
	v0 =	vmax.f32 v0, v8  }
0x58: {  	v8 =	vadd.f32 v8, v14;
	v9 =	vmul.f32 v9, v15  }
0x59: {  	v10 =	vadd.f32 v2, v11;
	v11 =	vmax.f32 v0, v1;
	v12 =	vmul.f32 v3, v6  }
.Ltmp0:
0x5a: {  	v0 =	vmax.f32 v7, v2;
	v1 =	vadd.f32 v1, v8;
	v2 =	vmul.f32 v13, v15;
	(pc) =	sbr.rel @p0 .LBB2_2-.Ltmp0, $4  }
0x5b: {  	v3 =	vadd.f32 v4, v10;
	v4 =	vmax.f32 v0, v4;
	v0 =	vmul.f32 v5, v6  }
0x5c: {  	v4 =	vmax.f32 v4, v9;
	v1 =	vadd.f32 v2, v1;
	v5 =	vmax.f32 v11, v2  }
0x5d: {  	v2 =	vadd.f32 v9, v3;
	v4 =	vmax.f32 v4, v0;
	v3 =	vmax.f32 v5, v12  }
0x5e: {  	v1 =	vadd.f32 v12, v1;
	[tilespmem:s25+$0x0] =	vst v4  }
0x5f: {  	v0 =	vadd.f32 v0, v2;
	[tilespmem:s0+$0x10] =	vst v3  }
0x60: {  	[tilespmem:s0+$0xFFFFFFF0] =	vst v1  }
0x61: {  	[tilespmem:s0+$0xFFFFFFE0] =	vst v0  }
0x62: {  	[hbm4b:s6+s2] =	stream.linear.scatter [tilespmem:s21], [sflag:$0x3], $0x1400, $0x38;
	[tilespmem:$0x17C00] =	vst v63  }
0x63: {  	_ =	swait.ge [sflag:s15], $0x1400  }
0x64: {  	[sflag:s15] =	ssyncset.done $0x0  }
0x65: {  	[sflag:s15] =	ssyncadd.s32 $0xFFFFEC00  }
0x66: {  	_ =	swait.ge [sflag:s22], $0xA000  }
0x67: {  	[sflag:s22] =	ssyncset.done $0x0  }
0x68: {  	s23 =	simm.s32 $0x140;
	s1 =	simm.s32 $0x280;
	[sflag:s22] =	ssyncadd.s32 $0xFFFF6000  }
0x69: {  	[tilespmem:s18], [sflag:$0x1] =	stream.indirect.gather [hbm4b:s3+s23], $0x80, s1, s23, $0xb8;
	[tilespmem:$0x17C00] =	vst v63  }
0x6a: {  	v0 =	vmov s23;
	s1 =	simm.s32 $0xB600  }
0x6b: {  	s25 =	simm.s32 $0x141;
	v0 =	vand.u32 $0xFFFFFFF8, v0;
	v1 =	vld [tilespmem:s1+$0x90]  }
0x6c: {  	v3 =	vmov s25;
	v0 =	vbroadcast v0, $0x0;
	v2 =	vld [tilespmem:s1+$0x0]  }
0x6d: {  	s26 =	simm.s32 $0x142;
	v3 =	vand.u32 $0xFFFFFFF9, v3;
	v4 =	vld [tilespmem:s1+$0x80]  }
0x6e: {  	s28 =	simm.s32 $0x143;
	v6 =	vmov s26;
	v3 =	vbroadcast v3, $0x0;
	v7 =	vld [tilespmem:s1+$0xFFFFFF80]  }
0x6f: {  	v9 =	vmov s28;
	v6 =	vand.u32 $0xFFFFFFFA, v6;
	v8 =	vld [tilespmem:s1+$0xFFFFFF00]  }
0x70: {  	s25 =	simm.s32 $0x145;
	v9 =	vand.u32 $0xFFFFFFFB, v9;
	v6 =	vbroadcast v6, $0x0;
	v10 =	vld [tilespmem:s1+$0xFFFFFE90]  }
0x71: {  	v14 =	vmov s25;
	v9 =	vbroadcast v9, $0x0;
	v11 =	vld [tilespmem:s1+$0xFFFFFE10]  }
0x72: {  	v14 =	vand.u32 $0xFFFFFFFD, v14;
	v0 =	vld.idx.msk [tilespmem:v0+s16+$0x0], $0xffff  }
0x73: {  	v14 =	vbroadcast v14, $0x0;
	s23 =	simm.s32 $0x144;
	v13 =	vld [tilespmem:s1+$0xFFFFFE00]  }
0x74: {  	s26 =	simm.s32 $0x146;
	v12 =	vmov s23;
	v3 =	vld.idx.msk [tilespmem:v3+s16+$0x0], $0xffff  }
0x75: {  	v15 =	vmov s26;
	v16 =	vld [tilespmem:s1+$0xFFFFFE80];
	v12 =	vand.u32 $0xFFFFFFFC, v12  }
0x76: {  	v15 =	vand.u32 $0xFFFFFFFE, v15;
	v6 =	vld.idx.msk [tilespmem:v6+s16+$0x0], $0xffff;
	v12 =	vbroadcast v12, $0x0  }
0x77: {  	v15 =	vbroadcast v15, $0x0;
	v9 =	vld.idx.msk [tilespmem:v9+s16+$0x0], $0xffff  }
0x78: {  	s28 =	simm.s32 $0x147;
	v17 =	vld [tilespmem:s1+$0xFFFFFF10]  }
0x79: {  	v18 =	vmov s28;
	v51 =	vld.idx.msk [tilespmem:v14+s16+$0x0], $0xffff;
	v13 =	vmul.f32 v13, v0;
	v0 =	vmul.f32 v11, v0  }
0x7a: {  	v5 =	vld [tilespmem:s1+$0xFFFFFF90]  }
0x7b: {  	v19 =	vld [tilespmem:s1+$0x10];
	v16 =	vmul.f32 v16, v3;
	v3 =	vmul.f32 v10, v3;
	v20 =	vadd.f32 $0.0e+00, v0  }
0x7c: {  	v8 =	vmul.f32 v8, v6;
	v50 =	vadd.f32 $0.0e+00, v13;
	v49 =	vld.idx.msk [tilespmem:v12+s16+$0x0], $0xffff  }
0x7d: {  	v52 =	vld.idx.msk [tilespmem:v15+s16+$0x0], $0xffff;
	v6 =	vmul.f32 v17, v6;
	v7 =	vmul.f32 v7, v9;
	v53 =	vadd.f32 v3, v20  }
0x7e: {  	v54 =	vld.idx.msk [tilespmem:v18+s16+$0x0], $0xffff;
	v1 =	vmul.f32 v1, v51;
	v13 =	vmax.f32 v13, v16;
	v12 =	vadd.f32 v16, v50  }
0x7f: {  	v55 =	vld [tilespmem:s1+$0x100];
	v0 =	vmax.f32 v0, v3;
	v3 =	vmul.f32 v5, v9;
	v5 =	vadd.f32 v6, v53  }
0x80: {  	v58 =	vld [tilespmem:s1+$0x110];
	v0 =	vmax.f32 v0, v6;
	v12 =	vadd.f32 v8, v12;
	v8 =	vmax.f32 v13, v8  }
0x81: {  	v60 =	vld [tilespmem:s1+$0x180];
	v0 =	vmax.f32 v0, v3;
	v59 =	vmul.f32 v19, v49;
	v5 =	vadd.f32 v3, v5  }
0x82: {  	v56 =	vld [tilespmem:s1+$0x190];
	v57 =	vadd.f32 v7, v12;
	v7 =	vmax.f32 v8, v7;
	v2 =	vmul.f32 v2, v49  }
0x83: {  	v3 =	vmul.f32 v4, v51;
	v0 =	vmax.f32 v0, v59;
	v4 =	vadd.f32 v59, v5  }
0x84: {  	v5 =	vmul.f32 v55, v52;
	v6 =	vadd.f32 v2, v57;
	v61 =	vmax.f32 v0, v1  }
0x85: {  	v0 =	vmax.f32 v7, v2;
	v2 =	vmul.f32 v58, v52;
	v1 =	vadd.f32 v1, v4  }
0x86: {  	v7 =	vmax.f32 v0, v3;
	v0 =	vmul.f32 v60, v54;
	v3 =	vadd.f32 v3, v6  }
0x87: {  	v4 =	vmul.f32 v56, v54;
	v62 =	vmax.f32 v7, v5;
	v1 =	vadd.f32 v2, v1  }
0x88: {  	s0 =	simm.s32 $0x16820;
	v63 =	vmax.f32 v61, v2;
	v6 =	vmax.f32 v62, v0;
	v2 =	vadd.f32 v5, v3  }
0x89: {  	s25 =	simm.s32 $0x16820;
	s23 =	simm.s32 $0x148;
	v3 =	vmax.f32 v63, v4;
	[tilespmem:s0+$0x0] =	vst v6;
	v1 =	vadd.f32 v4, v1  }
.LBB2_4:
0x8a: {  	p0 =	sne.s32 s23, $0x278;
	v0 =	vadd.f32 v0, v2;
	[tilespmem:s0+$0x10] =	vst v3;
	s25 =	sadd.s32 $0x80, s25;
	s1 =	sadd.s32 $0x400, s1  }
0x8b: {  	s26 =	smov.u32 s23;
	s23 =	sadd.s32 $0x8, s23;
	[tilespmem:s0+$0xFFFFFFF0] =	vst v1  }
0x8c: {  	[tilespmem:s0+$0xFFFFFFE0] =	vst v0;
	s0 =	smov.u32 s25  }
0x8d: {  	v0 =	vmov s26;
	v1 =	vld [tilespmem:s1+$0x90]  }
0x8e: {  	s28 =	sadd.s32 $0x1, s26;
	v0 =	vand.u32 $0xFFFFFFF8, v0;
	v2 =	vld [tilespmem:s1+$0x0]  }
0x8f: {  	v3 =	vmov s28;
	v0 =	vbroadcast v0, $0x0;
	v4 =	vld [tilespmem:s1+$0x80]  }
0x90: {  	s28 =	sadd.s32 $0x2, s26;
	v3 =	vand.u32 $0xFFFFFFF9, v3;
	v5 =	vld [tilespmem:s1+$0xFFFFFF90]  }
0x91: {  	v6 =	vmov s28;
	s28 =	sadd.s32 $0x3, s26;
	v3 =	vbroadcast v3, $0x0;
	v7 =	vld [tilespmem:s1+$0xFFFFFF80]  }
0x92: {  	v6 =	vand.u32 $0xFFFFFFFA, v6;
	v9 =	vmov s28;
	v8 =	vld [tilespmem:s1+$0xFFFFFF00]  }
0x93: {  	s28 =	sadd.s32 $0x4, s26;
	v6 =	vbroadcast v6, $0x0;
	v9 =	vand.u32 $0xFFFFFFFB, v9;
	v10 =	vld [tilespmem:s1+$0xFFFFFE90]  }
0x94: {  	v12 =	vmov s28;
	v9 =	vbroadcast v9, $0x0;
	v11 =	vld [tilespmem:s1+$0xFFFFFE10]  }
0x95: {  	s28 =	sadd.s32 $0x5, s26;
	v12 =	vand.u32 $0xFFFFFFFC, v12;
	v0 =	vld.idx.msk [tilespmem:v0+s16+$0x0], $0xffff  }
0x96: {  	v14 =	vmov s28;
	s28 =	sadd.s32 $0x6, s26;
	v12 =	vbroadcast v12, $0x0;
	v13 =	vld [tilespmem:s1+$0xFFFFFE00]  }
0x97: {  	v14 =	vand.u32 $0xFFFFFFFD, v14;
	v15 =	vmov s28;
	v3 =	vld.idx.msk [tilespmem:v3+s16+$0x0], $0xffff  }
0x98: {  	v14 =	vbroadcast v14, $0x0;
	v15 =	vand.u32 $0xFFFFFFFE, v15;
	v16 =	vld [tilespmem:s1+$0xFFFFFE80]  }
0x99: {  	v15 =	vbroadcast v15, $0x0;
	v6 =	vld.idx.msk [tilespmem:v6+s16+$0x0], $0xffff  }
0x9a: {  	s26 =	sadd.s32 $0x7, s26;
	v9 =	vld.idx.msk [tilespmem:v9+s16+$0x0], $0xffff  }
0x9b: {  	v17 =	vmov s26;
	v13 =	vmul.f32 v13, v0;
	v0 =	vmul.f32 v11, v0;
	v11 =	vld [tilespmem:s1+$0xFFFFFF10]  }
0x9c: {  	v12 =	vld.idx.msk [tilespmem:v12+s16+$0x0], $0xffff  }
0x9d: {  	v18 =	vadd.f32 $0.0e+00, v13;
	v19 =	vadd.f32 $0.0e+00, v0;
	v16 =	vmul.f32 v16, v3;
	v20 =	vld [tilespmem:s1+$0x10]  }
0x9e: {  	v3 =	vmul.f32 v10, v3;
	v10 =	vld.idx.msk [tilespmem:v14+s16+$0x0], $0xffff  }
0x9f: {  	v8 =	vmul.f32 v8, v6;
	v14 =	vadd.f32 v16, v18;
	v13 =	vmax.f32 v13, v16;
	v15 =	vld.idx.msk [tilespmem:v15+s16+$0x0], $0xffff  }
0xa0: {  	v16 =	vadd.f32 v3, v19;
	v0 =	vmax.f32 v0, v3;
	v3 =	vmul.f32 v11, v6;
	v6 =	vld.idx.msk [tilespmem:v17+s16+$0x0], $0xffff  }
0xa1: {  	v7 =	vmul.f32 v7, v9;
	v5 =	vmul.f32 v5, v9;
	v11 =	vadd.f32 v8, v14;
	v9 =	vld [tilespmem:s1+$0x100]  }
0xa2: {  	v8 =	vmax.f32 v13, v8;
	v14 =	vadd.f32 v3, v16;
	v0 =	vmax.f32 v0, v3;
	v3 =	vld [tilespmem:s1+$0x190]  }
0xa3: {  	v11 =	vadd.f32 v7, v11;
	v7 =	vmax.f32 v8, v7;
	v8 =	vmul.f32 v20, v12;
	v13 =	vld [tilespmem:s1+$0x110]  }
0xa4: {  	v0 =	vmax.f32 v0, v5;
	v4 =	vmul.f32 v4, v10;
	v14 =	vadd.f32 v5, v14;
	v5 =	vld [tilespmem:s1+$0x180]  }
0xa5: {  	v2 =	vmul.f32 v2, v12;
	v1 =	vmul.f32 v1, v10;
	v0 =	vmax.f32 v0, v8  }
0xa6: {  	v8 =	vadd.f32 v8, v14;
	v9 =	vmul.f32 v9, v15  }
0xa7: {  	v10 =	vadd.f32 v2, v11;
	v11 =	vmax.f32 v0, v1;
	v12 =	vmul.f32 v3, v6  }
.Ltmp1:
0xa8: {  	v0 =	vmax.f32 v7, v2;
	v1 =	vadd.f32 v1, v8;
	v2 =	vmul.f32 v13, v15;
	(pc) =	sbr.rel @p0 .LBB2_4-.Ltmp1, $4  }
0xa9: {  	v3 =	vadd.f32 v4, v10;
	v4 =	vmax.f32 v0, v4;
	v0 =	vmul.f32 v5, v6  }
0xaa: {  	v4 =	vmax.f32 v4, v9;
	v1 =	vadd.f32 v2, v1;
	v5 =	vmax.f32 v11, v2  }
0xab: {  	v2 =	vadd.f32 v9, v3;
	v4 =	vmax.f32 v4, v0;
	v3 =	vmax.f32 v5, v12  }
0xac: {  	v1 =	vadd.f32 v12, v1;
	[tilespmem:s25+$0x0] =	vst v4  }
0xad: {  	v0 =	vadd.f32 v0, v2;
	[tilespmem:s0+$0x10] =	vst v3  }
0xae: {  	[tilespmem:s0+$0xFFFFFFF0] =	vst v1  }
0xaf: {  	[tilespmem:s0+$0xFFFFFFE0] =	vst v0  }
0xb0: {  	[hbm4b:s7+s2] =	stream.linear.scatter [tilespmem:s24], [sflag:$0x3], $0x1400, $0x38;
	[tilespmem:$0x17C00] =	vst v63  }
0xb1: {  	_ =	swait.ge [sflag:s15], $0x1400  }
0xb2: {  	[sflag:s15] =	ssyncset.done $0x0  }
0xb3: {  	[sflag:s15] =	ssyncadd.s32 $0xFFFFEC00  }
0xb4: {  	_ =	swait.ge [sflag:s19], $0xA000  }
0xb5: {  	[sflag:s19] =	ssyncset.done $0x0  }
0xb6: {  	s1 =	simm.s32 $0x3C0;
	s23 =	simm.s32 $0x280;
	[sflag:s19] =	ssyncadd.s32 $0xFFFF6000  }
0xb7: {  	v0 =	vmov s23;
	[tilespmem:s20], [sflag:$0x2] =	stream.indirect.gather [hbm4b:s3+s17], $0x80, s1, s17, $0xb8;
	[tilespmem:$0x17C00] =	vst v63  }
0xb8: {  	s25 =	simm.s32 $0x281;
	v0 =	vand.u32 $0xFFFFFFF8, v0;
	s1 =	simm.s32 $0x1600  }
0xb9: {  	v3 =	vmov s25;
	v0 =	vbroadcast v0, $0x0;
	v1 =	vld [tilespmem:s1+$0x90]  }
0xba: {  	s26 =	simm.s32 $0x282;
	v3 =	vand.u32 $0xFFFFFFF9, v3;
	v2 =	vld [tilespmem:s1+$0x0]  }
0xbb: {  	s28 =	simm.s32 $0x283;
	v6 =	vmov s26;
	v3 =	vbroadcast v3, $0x0;
	v7 =	vld [tilespmem:s1+$0xFFFFFF80]  }
0xbc: {  	v9 =	vmov s28;
	v6 =	vand.u32 $0xFFFFFFFA, v6;
	v8 =	vld [tilespmem:s1+$0xFFFFFF00]  }
0xbd: {  	v9 =	vand.u32 $0xFFFFFFFB, v9;
	s23 =	simm.s32 $0x284;
	v6 =	vbroadcast v6, $0x0;
	v10 =	vld [tilespmem:s1+$0xFFFFFE90]  }
0xbe: {  	v9 =	vbroadcast v9, $0x0;
	v12 =	vmov s23;
	v11 =	vld [tilespmem:s1+$0xFFFFFE10]  }
0xbf: {  	v12 =	vand.u32 $0xFFFFFFFC, v12;
	v0 =	vld.idx.msk [tilespmem:v0+s16+$0x0], $0xffff  }
0xc0: {  	s25 =	simm.s32 $0x285;
	v12 =	vbroadcast v12, $0x0;
	v13 =	vld [tilespmem:s1+$0xFFFFFE00]  }
0xc1: {  	v14 =	vmov s25;
	v3 =	vld.idx.msk [tilespmem:v3+s16+$0x0], $0xffff  }
0xc2: {  	s26 =	simm.s32 $0x286;
	v14 =	vand.u32 $0xFFFFFFFD, v14;
	v16 =	vld [tilespmem:s1+$0xFFFFFE80]  }
0xc3: {  	v15 =	vmov s26;
	v14 =	vbroadcast v14, $0x0;
	v6 =	vld.idx.msk [tilespmem:v6+s16+$0x0], $0xffff  }
0xc4: {  	v15 =	vand.u32 $0xFFFFFFFE, v15;
	v9 =	vld.idx.msk [tilespmem:v9+s16+$0x0], $0xffff  }
0xc5: {  	v15 =	vbroadcast v15, $0x0;
	v17 =	vld [tilespmem:s1+$0xFFFFFF10]  }
0xc6: {  	s28 =	simm.s32 $0x287;
	v49 =	vld.idx.msk [tilespmem:v12+s16+$0x0], $0xffff  }
0xc7: {  	v18 =	vmov s28;
	v19 =	vld [tilespmem:s1+$0x10];
	v13 =	vmul.f32 v13, v0;
	v0 =	vmul.f32 v11, v0  }
0xc8: {  	v5 =	vld [tilespmem:s1+$0xFFFFFF90]  }
0xc9: {  	v51 =	vld.idx.msk [tilespmem:v14+s16+$0x0], $0xffff;
	v16 =	vmul.f32 v16, v3;
	v3 =	vmul.f32 v10, v3;
	v20 =	vadd.f32 $0.0e+00, v0  }
0xca: {  	v4 =	vld [tilespmem:s1+$0x80];
	v8 =	vmul.f32 v8, v6;
	v50 =	vadd.f32 $0.0e+00, v13  }
0xcb: {  	v52 =	vld.idx.msk [tilespmem:v15+s16+$0x0], $0xffff;
	v6 =	vmul.f32 v17, v6;
	v7 =	vmul.f32 v7, v9;
	v53 =	vadd.f32 v3, v20  }
0xcc: {  	v54 =	vld.idx.msk [tilespmem:v18+s16+$0x0], $0xffff;
	v59 =	vmul.f32 v19, v49;
	v2 =	vmul.f32 v2, v49;
	v12 =	vadd.f32 v16, v50  }
0xcd: {  	v55 =	vld [tilespmem:s1+$0x100];
	v0 =	vmax.f32 v0, v3;
	v3 =	vmul.f32 v5, v9;
	v5 =	vadd.f32 v6, v53  }
0xce: {  	v58 =	vld [tilespmem:s1+$0x110];
	v1 =	vmul.f32 v1, v51;
	v0 =	vmax.f32 v0, v6;
	v12 =	vadd.f32 v8, v12  }
0xcf: {  	v60 =	vld [tilespmem:s1+$0x180];
	v13 =	vmax.f32 v13, v16;
	v0 =	vmax.f32 v0, v3;
	v5 =	vadd.f32 v3, v5  }
0xd0: {  	v56 =	vld [tilespmem:s1+$0x190];
	v8 =	vmax.f32 v13, v8;
	v0 =	vmax.f32 v0, v59;
	v57 =	vadd.f32 v7, v12  }
0xd1: {  	v7 =	vmax.f32 v8, v7;
	v3 =	vmul.f32 v4, v51;
	v4 =	vadd.f32 v59, v5  }
0xd2: {  	v61 =	vmax.f32 v0, v1;
	v0 =	vmax.f32 v7, v2;
	v6 =	vadd.f32 v2, v57  }
0xd3: {  	v5 =	vmul.f32 v55, v52;
	v2 =	vmul.f32 v58, v52;
	v1 =	vadd.f32 v1, v4  }
0xd4: {  	v7 =	vmax.f32 v0, v3;
	v0 =	vmul.f32 v60, v54;
	v3 =	vadd.f32 v3, v6  }
0xd5: {  	v4 =	vmul.f32 v56, v54;
	v62 =	vmax.f32 v7, v5;
	v1 =	vadd.f32 v2, v1  }
0xd6: {  	s0 =	simm.s32 $0x15420;
	v63 =	vmax.f32 v61, v2;
	v6 =	vmax.f32 v62, v0;
	v2 =	vadd.f32 v5, v3  }
0xd7: {  	s25 =	simm.s32 $0x15420;
	s23 =	simm.s32 $0x288;
	v3 =	vmax.f32 v63, v4;
	[tilespmem:s0+$0x0] =	vst v6;
	v1 =	vadd.f32 v4, v1  }
.LBB2_6:
0xd8: {  	p0 =	sne.s32 s23, $0x3B8;
	v0 =	vadd.f32 v0, v2;
	[tilespmem:s0+$0x10] =	vst v3;
	s25 =	sadd.s32 $0x80, s25;
	s1 =	sadd.s32 $0x400, s1  }
0xd9: {  	s26 =	smov.u32 s23;
	s23 =	sadd.s32 $0x8, s23;
	[tilespmem:s0+$0xFFFFFFF0] =	vst v1  }
0xda: {  	[tilespmem:s0+$0xFFFFFFE0] =	vst v0;
	s0 =	smov.u32 s25  }
0xdb: {  	v0 =	vmov s26;
	v1 =	vld [tilespmem:s1+$0x90]  }
0xdc: {  	s28 =	sadd.s32 $0x1, s26;
	v0 =	vand.u32 $0xFFFFFFF8, v0;
	v2 =	vld [tilespmem:s1+$0x0]  }
0xdd: {  	v3 =	vmov s28;
	v0 =	vbroadcast v0, $0x0;
	v4 =	vld [tilespmem:s1+$0x80]  }
0xde: {  	s28 =	sadd.s32 $0x2, s26;
	v3 =	vand.u32 $0xFFFFFFF9, v3;
	v5 =	vld [tilespmem:s1+$0xFFFFFF90]  }
0xdf: {  	v6 =	vmov s28;
	s28 =	sadd.s32 $0x3, s26;
	v3 =	vbroadcast v3, $0x0;
	v7 =	vld [tilespmem:s1+$0xFFFFFF80]  }
0xe0: {  	v6 =	vand.u32 $0xFFFFFFFA, v6;
	v9 =	vmov s28;
	v8 =	vld [tilespmem:s1+$0xFFFFFF00]  }
0xe1: {  	s28 =	sadd.s32 $0x4, s26;
	v6 =	vbroadcast v6, $0x0;
	v9 =	vand.u32 $0xFFFFFFFB, v9;
	v10 =	vld [tilespmem:s1+$0xFFFFFE90]  }
0xe2: {  	v12 =	vmov s28;
	v9 =	vbroadcast v9, $0x0;
	v11 =	vld [tilespmem:s1+$0xFFFFFE10]  }
0xe3: {  	s28 =	sadd.s32 $0x5, s26;
	v12 =	vand.u32 $0xFFFFFFFC, v12;
	v0 =	vld.idx.msk [tilespmem:v0+s16+$0x0], $0xffff  }
0xe4: {  	v14 =	vmov s28;
	s28 =	sadd.s32 $0x6, s26;
	v12 =	vbroadcast v12, $0x0;
	v13 =	vld [tilespmem:s1+$0xFFFFFE00]  }
0xe5: {  	v14 =	vand.u32 $0xFFFFFFFD, v14;
	v15 =	vmov s28;
	v3 =	vld.idx.msk [tilespmem:v3+s16+$0x0], $0xffff  }
0xe6: {  	v14 =	vbroadcast v14, $0x0;
	v15 =	vand.u32 $0xFFFFFFFE, v15;
	v16 =	vld [tilespmem:s1+$0xFFFFFE80]  }
0xe7: {  	v15 =	vbroadcast v15, $0x0;
	v6 =	vld.idx.msk [tilespmem:v6+s16+$0x0], $0xffff  }
0xe8: {  	s26 =	sadd.s32 $0x7, s26;
	v9 =	vld.idx.msk [tilespmem:v9+s16+$0x0], $0xffff  }
0xe9: {  	v17 =	vmov s26;
	v13 =	vmul.f32 v13, v0;
	v0 =	vmul.f32 v11, v0;
	v11 =	vld [tilespmem:s1+$0xFFFFFF10]  }
0xea: {  	v12 =	vld.idx.msk [tilespmem:v12+s16+$0x0], $0xffff  }
0xeb: {  	v18 =	vadd.f32 $0.0e+00, v13;
	v19 =	vadd.f32 $0.0e+00, v0;
	v16 =	vmul.f32 v16, v3;
	v20 =	vld [tilespmem:s1+$0x10]  }
0xec: {  	v3 =	vmul.f32 v10, v3;
	v10 =	vld.idx.msk [tilespmem:v14+s16+$0x0], $0xffff  }
0xed: {  	v8 =	vmul.f32 v8, v6;
	v14 =	vadd.f32 v16, v18;
	v13 =	vmax.f32 v13, v16;
	v15 =	vld.idx.msk [tilespmem:v15+s16+$0x0], $0xffff  }
0xee: {  	v16 =	vadd.f32 v3, v19;
	v0 =	vmax.f32 v0, v3;
	v3 =	vmul.f32 v11, v6;
	v6 =	vld.idx.msk [tilespmem:v17+s16+$0x0], $0xffff  }
0xef: {  	v7 =	vmul.f32 v7, v9;
	v5 =	vmul.f32 v5, v9;
	v11 =	vadd.f32 v8, v14;
	v9 =	vld [tilespmem:s1+$0x100]  }
0xf0: {  	v8 =	vmax.f32 v13, v8;
	v14 =	vadd.f32 v3, v16;
	v0 =	vmax.f32 v0, v3;
	v3 =	vld [tilespmem:s1+$0x190]  }
0xf1: {  	v11 =	vadd.f32 v7, v11;
	v7 =	vmax.f32 v8, v7;
	v8 =	vmul.f32 v20, v12;
	v13 =	vld [tilespmem:s1+$0x110]  }
0xf2: {  	v0 =	vmax.f32 v0, v5;
	v4 =	vmul.f32 v4, v10;
	v14 =	vadd.f32 v5, v14;
	v5 =	vld [tilespmem:s1+$0x180]  }
0xf3: {  	v2 =	vmul.f32 v2, v12;
	v1 =	vmul.f32 v1, v10;
	v0 =	vmax.f32 v0, v8  }
0xf4: {  	v8 =	vadd.f32 v8, v14;
	v9 =	vmul.f32 v9, v15  }
0xf5: {  	v10 =	vadd.f32 v2, v11;
	v11 =	vmax.f32 v0, v1;
	v12 =	vmul.f32 v3, v6  }
.Ltmp2:
0xf6: {  	v0 =	vmax.f32 v7, v2;
	v1 =	vadd.f32 v1, v8;
	v2 =	vmul.f32 v13, v15;
	(pc) =	sbr.rel @p0 .LBB2_6-.Ltmp2, $4  }
0xf7: {  	v3 =	vadd.f32 v4, v10;
	v4 =	vmax.f32 v0, v4;
	v0 =	vmul.f32 v5, v6  }
0xf8: {  	v4 =	vmax.f32 v4, v9;
	v1 =	vadd.f32 v2, v1;
	v5 =	vmax.f32 v11, v2  }
0xf9: {  	v2 =	vadd.f32 v9, v3;
	v4 =	vmax.f32 v4, v0;
	v3 =	vmax.f32 v5, v12  }
0xfa: {  	v1 =	vadd.f32 v12, v1;
	[tilespmem:s25+$0x0] =	vst v4  }
0xfb: {  	v0 =	vadd.f32 v0, v2;
	[tilespmem:s0+$0x10] =	vst v3  }
0xfc: {  	[tilespmem:s0+$0xFFFFFFF0] =	vst v1  }
0xfd: {  	[tilespmem:s0+$0xFFFFFFE0] =	vst v0  }
0xfe: {  	[hbm4b:s8+s2] =	stream.linear.scatter [tilespmem:s21], [sflag:$0x3], $0x1400, $0x38;
	[tilespmem:$0x17C00] =	vst v63  }
0xff: {  	_ =	swait.ge [sflag:s15], $0x1400  }
0x100: {  	[sflag:s15] =	ssyncset.done $0x0  }
0x101: {  	[sflag:s15] =	ssyncadd.s32 $0xFFFFEC00  }
0x102: {  	_ =	swait.ge [sflag:s22], $0xA000  }
0x103: {  	[sflag:s22] =	ssyncset.done $0x0  }
0x104: {  	s1 =	simm.s32 $0x500;
	s23 =	simm.s32 $0x3C0;
	[sflag:s22] =	ssyncadd.s32 $0xFFFF6000  }
0x105: {  	v0 =	vmov s23;
	[tilespmem:s18], [sflag:$0x1] =	stream.indirect.gather [hbm4b:s3+s17], $0x80, s1, s17, $0xb8;
	[tilespmem:$0x17C00] =	vst v63  }
0x106: {  	s25 =	simm.s32 $0x3C1;
	v0 =	vand.u32 $0xFFFFFFF8, v0;
	s1 =	simm.s32 $0xB600  }
0x107: {  	v3 =	vmov s25;
	v0 =	vbroadcast v0, $0x0;
	v1 =	vld [tilespmem:s1+$0x90]  }
0x108: {  	s26 =	simm.s32 $0x3C2;
	v3 =	vand.u32 $0xFFFFFFF9, v3;
	v2 =	vld [tilespmem:s1+$0x0]  }
0x109: {  	s28 =	simm.s32 $0x3C3;
	v6 =	vmov s26;
	v3 =	vbroadcast v3, $0x0;
	v7 =	vld [tilespmem:s1+$0xFFFFFF80]  }
0x10a: {  	v9 =	vmov s28;
	v6 =	vand.u32 $0xFFFFFFFA, v6;
	v8 =	vld [tilespmem:s1+$0xFFFFFF00]  }
0x10b: {  	v9 =	vand.u32 $0xFFFFFFFB, v9;
	s23 =	simm.s32 $0x3C4;
	v6 =	vbroadcast v6, $0x0;
	v10 =	vld [tilespmem:s1+$0xFFFFFE90]  }
0x10c: {  	v9 =	vbroadcast v9, $0x0;
	v12 =	vmov s23;
	v11 =	vld [tilespmem:s1+$0xFFFFFE10]  }
0x10d: {  	v12 =	vand.u32 $0xFFFFFFFC, v12;
	v0 =	vld.idx.msk [tilespmem:v0+s16+$0x0], $0xffff  }
0x10e: {  	s25 =	simm.s32 $0x3C5;
	v12 =	vbroadcast v12, $0x0;
	v13 =	vld [tilespmem:s1+$0xFFFFFE00]  }
0x10f: {  	v14 =	vmov s25;
	v3 =	vld.idx.msk [tilespmem:v3+s16+$0x0], $0xffff  }
0x110: {  	s26 =	simm.s32 $0x3C6;
	v14 =	vand.u32 $0xFFFFFFFD, v14;
	v16 =	vld [tilespmem:s1+$0xFFFFFE80]  }
0x111: {  	v15 =	vmov s26;
	v14 =	vbroadcast v14, $0x0;
	v6 =	vld.idx.msk [tilespmem:v6+s16+$0x0], $0xffff  }
0x112: {  	v15 =	vand.u32 $0xFFFFFFFE, v15;
	v9 =	vld.idx.msk [tilespmem:v9+s16+$0x0], $0xffff  }
0x113: {  	v15 =	vbroadcast v15, $0x0;
	v17 =	vld [tilespmem:s1+$0xFFFFFF10]  }
0x114: {  	s28 =	simm.s32 $0x3C7;
	v49 =	vld.idx.msk [tilespmem:v12+s16+$0x0], $0xffff  }
0x115: {  	v18 =	vmov s28;
	v19 =	vld [tilespmem:s1+$0x10];
	v13 =	vmul.f32 v13, v0;
	v0 =	vmul.f32 v11, v0  }
0x116: {  	v5 =	vld [tilespmem:s1+$0xFFFFFF90]  }
0x117: {  	v51 =	vld.idx.msk [tilespmem:v14+s16+$0x0], $0xffff;
	v16 =	vmul.f32 v16, v3;
	v3 =	vmul.f32 v10, v3;
	v20 =	vadd.f32 $0.0e+00, v0  }
0x118: {  	v4 =	vld [tilespmem:s1+$0x80];
	v8 =	vmul.f32 v8, v6;
	v50 =	vadd.f32 $0.0e+00, v13  }
0x119: {  	v52 =	vld.idx.msk [tilespmem:v15+s16+$0x0], $0xffff;
	v6 =	vmul.f32 v17, v6;
	v7 =	vmul.f32 v7, v9;
	v53 =	vadd.f32 v3, v20  }
0x11a: {  	v54 =	vld.idx.msk [tilespmem:v18+s16+$0x0], $0xffff;
	v59 =	vmul.f32 v19, v49;
	v2 =	vmul.f32 v2, v49;
	v12 =	vadd.f32 v16, v50  }
0x11b: {  	v55 =	vld [tilespmem:s1+$0x100];
	v0 =	vmax.f32 v0, v3;
	v3 =	vmul.f32 v5, v9;
	v5 =	vadd.f32 v6, v53  }
0x11c: {  	v58 =	vld [tilespmem:s1+$0x110];
	v1 =	vmul.f32 v1, v51;
	v0 =	vmax.f32 v0, v6;
	v12 =	vadd.f32 v8, v12  }
0x11d: {  	v60 =	vld [tilespmem:s1+$0x180];
	v13 =	vmax.f32 v13, v16;
	v0 =	vmax.f32 v0, v3;
	v5 =	vadd.f32 v3, v5  }
0x11e: {  	v56 =	vld [tilespmem:s1+$0x190];
	v8 =	vmax.f32 v13, v8;
	v0 =	vmax.f32 v0, v59;
	v57 =	vadd.f32 v7, v12  }
0x11f: {  	v7 =	vmax.f32 v8, v7;
	v3 =	vmul.f32 v4, v51;
	v4 =	vadd.f32 v59, v5  }
0x120: {  	v61 =	vmax.f32 v0, v1;
	v0 =	vmax.f32 v7, v2;
	v6 =	vadd.f32 v2, v57  }
0x121: {  	v5 =	vmul.f32 v55, v52;
	v2 =	vmul.f32 v58, v52;
	v1 =	vadd.f32 v1, v4  }
0x122: {  	v7 =	vmax.f32 v0, v3;
	v0 =	vmul.f32 v60, v54;
	v3 =	vadd.f32 v3, v6  }
0x123: {  	v4 =	vmul.f32 v56, v54;
	v62 =	vmax.f32 v7, v5;
	v1 =	vadd.f32 v2, v1  }
0x124: {  	s0 =	simm.s32 $0x16820;
	v63 =	vmax.f32 v61, v2;
	v6 =	vmax.f32 v62, v0;
	v2 =	vadd.f32 v5, v3  }
0x125: {  	s25 =	simm.s32 $0x16820;
	s23 =	simm.s32 $0x3C8;
	v3 =	vmax.f32 v63, v4;
	[tilespmem:s0+$0x0] =	vst v6;
	v1 =	vadd.f32 v4, v1  }
.LBB2_8:
0x126: {  	p0 =	sne.s32 s23, $0x4F8;
	v0 =	vadd.f32 v0, v2;
	[tilespmem:s0+$0x10] =	vst v3;
	s25 =	sadd.s32 $0x80, s25;
	s1 =	sadd.s32 $0x400, s1  }
0x127: {  	s26 =	smov.u32 s23;
	s23 =	sadd.s32 $0x8, s23;
	[tilespmem:s0+$0xFFFFFFF0] =	vst v1  }
0x128: {  	[tilespmem:s0+$0xFFFFFFE0] =	vst v0;
	s0 =	smov.u32 s25  }
0x129: {  	v0 =	vmov s26;
	v1 =	vld [tilespmem:s1+$0x90]  }
0x12a: {  	s28 =	sadd.s32 $0x1, s26;
	v0 =	vand.u32 $0xFFFFFFF8, v0;
	v2 =	vld [tilespmem:s1+$0x0]  }
0x12b: {  	v3 =	vmov s28;
	v0 =	vbroadcast v0, $0x0;
	v4 =	vld [tilespmem:s1+$0x80]  }
0x12c: {  	s28 =	sadd.s32 $0x2, s26;
	v3 =	vand.u32 $0xFFFFFFF9, v3;
	v5 =	vld [tilespmem:s1+$0xFFFFFF90]  }
0x12d: {  	v6 =	vmov s28;
	s28 =	sadd.s32 $0x3, s26;
	v3 =	vbroadcast v3, $0x0;
	v7 =	vld [tilespmem:s1+$0xFFFFFF80]  }
0x12e: {  	v6 =	vand.u32 $0xFFFFFFFA, v6;
	v9 =	vmov s28;
	v8 =	vld [tilespmem:s1+$0xFFFFFF00]  }
0x12f: {  	s28 =	sadd.s32 $0x4, s26;
	v6 =	vbroadcast v6, $0x0;
	v9 =	vand.u32 $0xFFFFFFFB, v9;
	v10 =	vld [tilespmem:s1+$0xFFFFFE90]  }
0x130: {  	v12 =	vmov s28;
	v9 =	vbroadcast v9, $0x0;
	v11 =	vld [tilespmem:s1+$0xFFFFFE10]  }
0x131: {  	s28 =	sadd.s32 $0x5, s26;
	v12 =	vand.u32 $0xFFFFFFFC, v12;
	v0 =	vld.idx.msk [tilespmem:v0+s16+$0x0], $0xffff  }
0x132: {  	v14 =	vmov s28;
	s28 =	sadd.s32 $0x6, s26;
	v12 =	vbroadcast v12, $0x0;
	v13 =	vld [tilespmem:s1+$0xFFFFFE00]  }
0x133: {  	v14 =	vand.u32 $0xFFFFFFFD, v14;
	v15 =	vmov s28;
	v3 =	vld.idx.msk [tilespmem:v3+s16+$0x0], $0xffff  }
0x134: {  	v14 =	vbroadcast v14, $0x0;
	v15 =	vand.u32 $0xFFFFFFFE, v15;
	v16 =	vld [tilespmem:s1+$0xFFFFFE80]  }
0x135: {  	v15 =	vbroadcast v15, $0x0;
	v6 =	vld.idx.msk [tilespmem:v6+s16+$0x0], $0xffff  }
0x136: {  	s26 =	sadd.s32 $0x7, s26;
	v9 =	vld.idx.msk [tilespmem:v9+s16+$0x0], $0xffff  }
0x137: {  	v17 =	vmov s26;
	v13 =	vmul.f32 v13, v0;
	v0 =	vmul.f32 v11, v0;
	v11 =	vld [tilespmem:s1+$0xFFFFFF10]  }
0x138: {  	v12 =	vld.idx.msk [tilespmem:v12+s16+$0x0], $0xffff  }
0x139: {  	v18 =	vadd.f32 $0.0e+00, v13;
	v19 =	vadd.f32 $0.0e+00, v0;
	v16 =	vmul.f32 v16, v3;
	v20 =	vld [tilespmem:s1+$0x10]  }
0x13a: {  	v3 =	vmul.f32 v10, v3;
	v10 =	vld.idx.msk [tilespmem:v14+s16+$0x0], $0xffff  }
0x13b: {  	v8 =	vmul.f32 v8, v6;
	v14 =	vadd.f32 v16, v18;
	v13 =	vmax.f32 v13, v16;
	v15 =	vld.idx.msk [tilespmem:v15+s16+$0x0], $0xffff  }
0x13c: {  	v16 =	vadd.f32 v3, v19;
	v0 =	vmax.f32 v0, v3;
	v3 =	vmul.f32 v11, v6;
	v6 =	vld.idx.msk [tilespmem:v17+s16+$0x0], $0xffff  }
0x13d: {  	v7 =	vmul.f32 v7, v9;
	v5 =	vmul.f32 v5, v9;
	v11 =	vadd.f32 v8, v14;
	v9 =	vld [tilespmem:s1+$0x100]  }
0x13e: {  	v8 =	vmax.f32 v13, v8;
	v14 =	vadd.f32 v3, v16;
	v0 =	vmax.f32 v0, v3;
	v3 =	vld [tilespmem:s1+$0x190]  }
0x13f: {  	v11 =	vadd.f32 v7, v11;
	v7 =	vmax.f32 v8, v7;
	v8 =	vmul.f32 v20, v12;
	v13 =	vld [tilespmem:s1+$0x110]  }
0x140: {  	v0 =	vmax.f32 v0, v5;
	v4 =	vmul.f32 v4, v10;
	v14 =	vadd.f32 v5, v14;
	v5 =	vld [tilespmem:s1+$0x180]  }
0x141: {  	v2 =	vmul.f32 v2, v12;
	v1 =	vmul.f32 v1, v10;
	v0 =	vmax.f32 v0, v8  }
0x142: {  	v8 =	vadd.f32 v8, v14;
	v9 =	vmul.f32 v9, v15  }
0x143: {  	v10 =	vadd.f32 v2, v11;
	v11 =	vmax.f32 v0, v1;
	v12 =	vmul.f32 v3, v6  }
.Ltmp3:
0x144: {  	v0 =	vmax.f32 v7, v2;
	v1 =	vadd.f32 v1, v8;
	v2 =	vmul.f32 v13, v15;
	(pc) =	sbr.rel @p0 .LBB2_8-.Ltmp3, $4  }
0x145: {  	v3 =	vadd.f32 v4, v10;
	v4 =	vmax.f32 v0, v4;
	v0 =	vmul.f32 v5, v6  }
0x146: {  	v4 =	vmax.f32 v4, v9;
	v1 =	vadd.f32 v2, v1;
	v5 =	vmax.f32 v11, v2  }
0x147: {  	v2 =	vadd.f32 v9, v3;
	v4 =	vmax.f32 v4, v0;
	v3 =	vmax.f32 v5, v12  }
0x148: {  	v1 =	vadd.f32 v12, v1;
	[tilespmem:s25+$0x0] =	vst v4  }
0x149: {  	v0 =	vadd.f32 v0, v2;
	[tilespmem:s0+$0x10] =	vst v3  }
0x14a: {  	[tilespmem:s0+$0xFFFFFFF0] =	vst v1  }
0x14b: {  	[tilespmem:s0+$0xFFFFFFE0] =	vst v0  }
0x14c: {  	[hbm4b:s9+s2] =	stream.linear.scatter [tilespmem:s24], [sflag:$0x3], $0x1400, $0x38;
	[tilespmem:$0x17C00] =	vst v63  }
0x14d: {  	_ =	swait.ge [sflag:s15], $0x1400  }
0x14e: {  	[sflag:s15] =	ssyncset.done $0x0  }
0x14f: {  	[sflag:s15] =	ssyncadd.s32 $0xFFFFEC00  }
0x150: {  	_ =	swait.ge [sflag:s19], $0xA000  }
0x151: {  	[sflag:s19] =	ssyncset.done $0x0  }
0x152: {  	s1 =	simm.s32 $0x640;
	s23 =	simm.s32 $0x500;
	[sflag:s19] =	ssyncadd.s32 $0xFFFF6000  }
0x153: {  	v0 =	vmov s23;
	[tilespmem:s20], [sflag:$0x2] =	stream.indirect.gather [hbm4b:s3+s17], $0x80, s1, s17, $0xb8;
	[tilespmem:$0x17C00] =	vst v63  }
0x154: {  	s25 =	simm.s32 $0x501;
	v0 =	vand.u32 $0xFFFFFFF8, v0;
	s1 =	simm.s32 $0x1600  }
0x155: {  	v3 =	vmov s25;
	v0 =	vbroadcast v0, $0x0;
	v1 =	vld [tilespmem:s1+$0x90]  }
0x156: {  	s26 =	simm.s32 $0x502;
	v3 =	vand.u32 $0xFFFFFFF9, v3;
	v2 =	vld [tilespmem:s1+$0x0]  }
0x157: {  	s28 =	simm.s32 $0x503;
	v6 =	vmov s26;
	v3 =	vbroadcast v3, $0x0;
	v7 =	vld [tilespmem:s1+$0xFFFFFF80]  }
0x158: {  	v9 =	vmov s28;
	v6 =	vand.u32 $0xFFFFFFFA, v6;
	v8 =	vld [tilespmem:s1+$0xFFFFFF00]  }
0x159: {  	v9 =	vand.u32 $0xFFFFFFFB, v9;
	s23 =	simm.s32 $0x504;
	v6 =	vbroadcast v6, $0x0;
	v10 =	vld [tilespmem:s1+$0xFFFFFE90]  }
0x15a: {  	v9 =	vbroadcast v9, $0x0;
	v12 =	vmov s23;
	v11 =	vld [tilespmem:s1+$0xFFFFFE10]  }
0x15b: {  	v12 =	vand.u32 $0xFFFFFFFC, v12;
	v0 =	vld.idx.msk [tilespmem:v0+s16+$0x0], $0xffff  }
0x15c: {  	s25 =	simm.s32 $0x505;
	v12 =	vbroadcast v12, $0x0;
	v13 =	vld [tilespmem:s1+$0xFFFFFE00]  }
0x15d: {  	v14 =	vmov s25;
	v3 =	vld.idx.msk [tilespmem:v3+s16+$0x0], $0xffff  }
0x15e: {  	s26 =	simm.s32 $0x506;
	v14 =	vand.u32 $0xFFFFFFFD, v14;
	v16 =	vld [tilespmem:s1+$0xFFFFFE80]  }
0x15f: {  	v15 =	vmov s26;
	v14 =	vbroadcast v14, $0x0;
	v6 =	vld.idx.msk [tilespmem:v6+s16+$0x0], $0xffff  }
0x160: {  	v15 =	vand.u32 $0xFFFFFFFE, v15;
	v9 =	vld.idx.msk [tilespmem:v9+s16+$0x0], $0xffff  }
0x161: {  	v15 =	vbroadcast v15, $0x0;
	v17 =	vld [tilespmem:s1+$0xFFFFFF10]  }
0x162: {  	s28 =	simm.s32 $0x507;
	v49 =	vld.idx.msk [tilespmem:v12+s16+$0x0], $0xffff  }
0x163: {  	v18 =	vmov s28;
	v19 =	vld [tilespmem:s1+$0x10];
	v13 =	vmul.f32 v13, v0;
	v0 =	vmul.f32 v11, v0  }
0x164: {  	v5 =	vld [tilespmem:s1+$0xFFFFFF90]  }
0x165: {  	v51 =	vld.idx.msk [tilespmem:v14+s16+$0x0], $0xffff;
	v16 =	vmul.f32 v16, v3;
	v3 =	vmul.f32 v10, v3;
	v20 =	vadd.f32 $0.0e+00, v0  }
0x166: {  	v4 =	vld [tilespmem:s1+$0x80];
	v8 =	vmul.f32 v8, v6;
	v50 =	vadd.f32 $0.0e+00, v13  }
0x167: {  	v52 =	vld.idx.msk [tilespmem:v15+s16+$0x0], $0xffff;
	v6 =	vmul.f32 v17, v6;
	v7 =	vmul.f32 v7, v9;
	v53 =	vadd.f32 v3, v20  }
0x168: {  	v54 =	vld.idx.msk [tilespmem:v18+s16+$0x0], $0xffff;
	v59 =	vmul.f32 v19, v49;
	v2 =	vmul.f32 v2, v49;
	v12 =	vadd.f32 v16, v50  }
0x169: {  	v55 =	vld [tilespmem:s1+$0x100];
	v0 =	vmax.f32 v0, v3;
	v3 =	vmul.f32 v5, v9;
	v5 =	vadd.f32 v6, v53  }
0x16a: {  	v58 =	vld [tilespmem:s1+$0x110];
	v1 =	vmul.f32 v1, v51;
	v0 =	vmax.f32 v0, v6;
	v12 =	vadd.f32 v8, v12  }
0x16b: {  	v60 =	vld [tilespmem:s1+$0x180];
	v13 =	vmax.f32 v13, v16;
	v0 =	vmax.f32 v0, v3;
	v5 =	vadd.f32 v3, v5  }
0x16c: {  	v56 =	vld [tilespmem:s1+$0x190];
	v8 =	vmax.f32 v13, v8;
	v0 =	vmax.f32 v0, v59;
	v57 =	vadd.f32 v7, v12  }
0x16d: {  	v7 =	vmax.f32 v8, v7;
	v3 =	vmul.f32 v4, v51;
	v4 =	vadd.f32 v59, v5  }
0x16e: {  	v61 =	vmax.f32 v0, v1;
	v0 =	vmax.f32 v7, v2;
	v6 =	vadd.f32 v2, v57  }
0x16f: {  	v5 =	vmul.f32 v55, v52;
	v2 =	vmul.f32 v58, v52;
	v1 =	vadd.f32 v1, v4  }
0x170: {  	v7 =	vmax.f32 v0, v3;
	v0 =	vmul.f32 v60, v54;
	v3 =	vadd.f32 v3, v6  }
0x171: {  	v4 =	vmul.f32 v56, v54;
	v62 =	vmax.f32 v7, v5;
	v1 =	vadd.f32 v2, v1  }
0x172: {  	s0 =	simm.s32 $0x15420;
	v63 =	vmax.f32 v61, v2;
	v6 =	vmax.f32 v62, v0;
	v2 =	vadd.f32 v5, v3  }
0x173: {  	s25 =	simm.s32 $0x15420;
	s23 =	simm.s32 $0x508;
	v3 =	vmax.f32 v63, v4;
	[tilespmem:s0+$0x0] =	vst v6;
	v1 =	vadd.f32 v4, v1  }
.LBB2_10:
0x174: {  	p0 =	sne.s32 s23, $0x638;
	v0 =	vadd.f32 v0, v2;
	[tilespmem:s0+$0x10] =	vst v3;
	s25 =	sadd.s32 $0x80, s25;
	s1 =	sadd.s32 $0x400, s1  }
0x175: {  	s26 =	smov.u32 s23;
	s23 =	sadd.s32 $0x8, s23;
	[tilespmem:s0+$0xFFFFFFF0] =	vst v1  }
0x176: {  	[tilespmem:s0+$0xFFFFFFE0] =	vst v0;
	s0 =	smov.u32 s25  }
0x177: {  	v0 =	vmov s26;
	v1 =	vld [tilespmem:s1+$0x90]  }
0x178: {  	s28 =	sadd.s32 $0x1, s26;
	v0 =	vand.u32 $0xFFFFFFF8, v0;
	v2 =	vld [tilespmem:s1+$0x0]  }
0x179: {  	v3 =	vmov s28;
	v0 =	vbroadcast v0, $0x0;
	v4 =	vld [tilespmem:s1+$0x80]  }
0x17a: {  	s28 =	sadd.s32 $0x2, s26;
	v3 =	vand.u32 $0xFFFFFFF9, v3;
	v5 =	vld [tilespmem:s1+$0xFFFFFF90]  }
0x17b: {  	v6 =	vmov s28;
	s28 =	sadd.s32 $0x3, s26;
	v3 =	vbroadcast v3, $0x0;
	v7 =	vld [tilespmem:s1+$0xFFFFFF80]  }
0x17c: {  	v6 =	vand.u32 $0xFFFFFFFA, v6;
	v9 =	vmov s28;
	v8 =	vld [tilespmem:s1+$0xFFFFFF00]  }
0x17d: {  	s28 =	sadd.s32 $0x4, s26;
	v6 =	vbroadcast v6, $0x0;
	v9 =	vand.u32 $0xFFFFFFFB, v9;
	v10 =	vld [tilespmem:s1+$0xFFFFFE90]  }
0x17e: {  	v12 =	vmov s28;
	v9 =	vbroadcast v9, $0x0;
	v11 =	vld [tilespmem:s1+$0xFFFFFE10]  }
0x17f: {  	s28 =	sadd.s32 $0x5, s26;
	v12 =	vand.u32 $0xFFFFFFFC, v12;
	v0 =	vld.idx.msk [tilespmem:v0+s16+$0x0], $0xffff  }
0x180: {  	v14 =	vmov s28;
	s28 =	sadd.s32 $0x6, s26;
	v12 =	vbroadcast v12, $0x0;
	v13 =	vld [tilespmem:s1+$0xFFFFFE00]  }
0x181: {  	v14 =	vand.u32 $0xFFFFFFFD, v14;
	v15 =	vmov s28;
	v3 =	vld.idx.msk [tilespmem:v3+s16+$0x0], $0xffff  }
0x182: {  	v14 =	vbroadcast v14, $0x0;
	v15 =	vand.u32 $0xFFFFFFFE, v15;
	v16 =	vld [tilespmem:s1+$0xFFFFFE80]  }
0x183: {  	v15 =	vbroadcast v15, $0x0;
	v6 =	vld.idx.msk [tilespmem:v6+s16+$0x0], $0xffff  }
0x184: {  	s26 =	sadd.s32 $0x7, s26;
	v9 =	vld.idx.msk [tilespmem:v9+s16+$0x0], $0xffff  }
0x185: {  	v17 =	vmov s26;
	v13 =	vmul.f32 v13, v0;
	v0 =	vmul.f32 v11, v0;
	v11 =	vld [tilespmem:s1+$0xFFFFFF10]  }
0x186: {  	v12 =	vld.idx.msk [tilespmem:v12+s16+$0x0], $0xffff  }
0x187: {  	v18 =	vadd.f32 $0.0e+00, v13;
	v19 =	vadd.f32 $0.0e+00, v0;
	v16 =	vmul.f32 v16, v3;
	v20 =	vld [tilespmem:s1+$0x10]  }
0x188: {  	v3 =	vmul.f32 v10, v3;
	v10 =	vld.idx.msk [tilespmem:v14+s16+$0x0], $0xffff  }
0x189: {  	v8 =	vmul.f32 v8, v6;
	v14 =	vadd.f32 v16, v18;
	v13 =	vmax.f32 v13, v16;
	v15 =	vld.idx.msk [tilespmem:v15+s16+$0x0], $0xffff  }
0x18a: {  	v16 =	vadd.f32 v3, v19;
	v0 =	vmax.f32 v0, v3;
	v3 =	vmul.f32 v11, v6;
	v6 =	vld.idx.msk [tilespmem:v17+s16+$0x0], $0xffff  }
0x18b: {  	v7 =	vmul.f32 v7, v9;
	v5 =	vmul.f32 v5, v9;
	v11 =	vadd.f32 v8, v14;
	v9 =	vld [tilespmem:s1+$0x100]  }
0x18c: {  	v8 =	vmax.f32 v13, v8;
	v14 =	vadd.f32 v3, v16;
	v0 =	vmax.f32 v0, v3;
	v3 =	vld [tilespmem:s1+$0x190]  }
0x18d: {  	v11 =	vadd.f32 v7, v11;
	v7 =	vmax.f32 v8, v7;
	v8 =	vmul.f32 v20, v12;
	v13 =	vld [tilespmem:s1+$0x110]  }
0x18e: {  	v0 =	vmax.f32 v0, v5;
	v4 =	vmul.f32 v4, v10;
	v14 =	vadd.f32 v5, v14;
	v5 =	vld [tilespmem:s1+$0x180]  }
0x18f: {  	v2 =	vmul.f32 v2, v12;
	v1 =	vmul.f32 v1, v10;
	v0 =	vmax.f32 v0, v8  }
0x190: {  	v8 =	vadd.f32 v8, v14;
	v9 =	vmul.f32 v9, v15  }
0x191: {  	v10 =	vadd.f32 v2, v11;
	v11 =	vmax.f32 v0, v1;
	v12 =	vmul.f32 v3, v6  }
.Ltmp4:
0x192: {  	v0 =	vmax.f32 v7, v2;
	v1 =	vadd.f32 v1, v8;
	v2 =	vmul.f32 v13, v15;
	(pc) =	sbr.rel @p0 .LBB2_10-.Ltmp4, $4  }
0x193: {  	v3 =	vadd.f32 v4, v10;
	v4 =	vmax.f32 v0, v4;
	v0 =	vmul.f32 v5, v6  }
0x194: {  	v4 =	vmax.f32 v4, v9;
	v1 =	vadd.f32 v2, v1;
	v5 =	vmax.f32 v11, v2  }
0x195: {  	v2 =	vadd.f32 v9, v3;
	v4 =	vmax.f32 v4, v0;
	v3 =	vmax.f32 v5, v12  }
0x196: {  	v1 =	vadd.f32 v12, v1;
	[tilespmem:s25+$0x0] =	vst v4  }
0x197: {  	v0 =	vadd.f32 v0, v2;
	[tilespmem:s0+$0x10] =	vst v3  }
0x198: {  	[tilespmem:s0+$0xFFFFFFF0] =	vst v1  }
0x199: {  	[tilespmem:s0+$0xFFFFFFE0] =	vst v0  }
0x19a: {  	[hbm4b:s10+s2] =	stream.linear.scatter [tilespmem:s21], [sflag:$0x3], $0x1400, $0x38;
	[tilespmem:$0x17C00] =	vst v63  }
0x19b: {  	_ =	swait.ge [sflag:s15], $0x1400  }
0x19c: {  	[sflag:s15] =	ssyncset.done $0x0  }
0x19d: {  	[sflag:s15] =	ssyncadd.s32 $0xFFFFEC00  }
0x19e: {  	_ =	swait.ge [sflag:s22], $0xA000  }
0x19f: {  	s23 =	simm.s32 $0x640;
	[sflag:s22] =	ssyncset.done $0x0  }
0x1a0: {  	s1 =	simm.s32 $0xB600;
	s25 =	simm.s32 $0x641;
	v0 =	vmov s23;
	[sflag:s22] =	ssyncadd.s32 $0xFFFF6000  }
0x1a1: {  	v0 =	vand.u32 $0xFFFFFFF8, v0;
	[tilespmem:s18], [sflag:$0x1] =	stream.indirect.gather [hbm4b:s3+s17], $0x80, s29, s17, $0xb8;
	[tilespmem:$0x17C00] =	vst v63  }
0x1a2: {  	v3 =	vmov s25;
	v0 =	vbroadcast v0, $0x0;
	v1 =	vld [tilespmem:s1+$0x90]  }
0x1a3: {  	s26 =	simm.s32 $0x642;
	v3 =	vand.u32 $0xFFFFFFF9, v3;
	v2 =	vld [tilespmem:s1+$0x0]  }
0x1a4: {  	s28 =	simm.s32 $0x643;
	v6 =	vmov s26;
	v3 =	vbroadcast v3, $0x0;
	v7 =	vld [tilespmem:s1+$0xFFFFFF80]  }
0x1a5: {  	v9 =	vmov s28;
	v6 =	vand.u32 $0xFFFFFFFA, v6;
	v8 =	vld [tilespmem:s1+$0xFFFFFF00]  }
0x1a6: {  	v9 =	vand.u32 $0xFFFFFFFB, v9;
	s23 =	simm.s32 $0x644;
	v6 =	vbroadcast v6, $0x0;
	v10 =	vld [tilespmem:s1+$0xFFFFFE90]  }
0x1a7: {  	v9 =	vbroadcast v9, $0x0;
	v12 =	vmov s23;
	v11 =	vld [tilespmem:s1+$0xFFFFFE10]  }
0x1a8: {  	v12 =	vand.u32 $0xFFFFFFFC, v12;
	v0 =	vld.idx.msk [tilespmem:v0+s16+$0x0], $0xffff  }
0x1a9: {  	s25 =	simm.s32 $0x645;
	v12 =	vbroadcast v12, $0x0;
	v13 =	vld [tilespmem:s1+$0xFFFFFE00]  }
0x1aa: {  	v14 =	vmov s25;
	v3 =	vld.idx.msk [tilespmem:v3+s16+$0x0], $0xffff  }
0x1ab: {  	s26 =	simm.s32 $0x646;
	v14 =	vand.u32 $0xFFFFFFFD, v14;
	v16 =	vld [tilespmem:s1+$0xFFFFFE80]  }
0x1ac: {  	v15 =	vmov s26;
	v14 =	vbroadcast v14, $0x0;
	v6 =	vld.idx.msk [tilespmem:v6+s16+$0x0], $0xffff  }
0x1ad: {  	v15 =	vand.u32 $0xFFFFFFFE, v15;
	v9 =	vld.idx.msk [tilespmem:v9+s16+$0x0], $0xffff  }
0x1ae: {  	v15 =	vbroadcast v15, $0x0;
	v17 =	vld [tilespmem:s1+$0xFFFFFF10]  }
0x1af: {  	s28 =	simm.s32 $0x647;
	v49 =	vld.idx.msk [tilespmem:v12+s16+$0x0], $0xffff  }
0x1b0: {  	v18 =	vmov s28;
	v19 =	vld [tilespmem:s1+$0x10];
	v13 =	vmul.f32 v13, v0;
	v0 =	vmul.f32 v11, v0  }
0x1b1: {  	v5 =	vld [tilespmem:s1+$0xFFFFFF90]  }
0x1b2: {  	v51 =	vld.idx.msk [tilespmem:v14+s16+$0x0], $0xffff;
	v16 =	vmul.f32 v16, v3;
	v3 =	vmul.f32 v10, v3;
	v20 =	vadd.f32 $0.0e+00, v0  }
0x1b3: {  	v4 =	vld [tilespmem:s1+$0x80];
	v8 =	vmul.f32 v8, v6;
	v50 =	vadd.f32 $0.0e+00, v13  }
0x1b4: {  	v52 =	vld.idx.msk [tilespmem:v15+s16+$0x0], $0xffff;
	v6 =	vmul.f32 v17, v6;
	v7 =	vmul.f32 v7, v9;
	v53 =	vadd.f32 v3, v20  }
0x1b5: {  	v54 =	vld.idx.msk [tilespmem:v18+s16+$0x0], $0xffff;
	v59 =	vmul.f32 v19, v49;
	v2 =	vmul.f32 v2, v49;
	v12 =	vadd.f32 v16, v50  }
0x1b6: {  	v55 =	vld [tilespmem:s1+$0x100];
	v0 =	vmax.f32 v0, v3;
	v3 =	vmul.f32 v5, v9;
	v5 =	vadd.f32 v6, v53  }
0x1b7: {  	v58 =	vld [tilespmem:s1+$0x110];
	v1 =	vmul.f32 v1, v51;
	v0 =	vmax.f32 v0, v6;
	v12 =	vadd.f32 v8, v12  }
0x1b8: {  	v60 =	vld [tilespmem:s1+$0x180];
	v13 =	vmax.f32 v13, v16;
	v0 =	vmax.f32 v0, v3;
	v5 =	vadd.f32 v3, v5  }
0x1b9: {  	v56 =	vld [tilespmem:s1+$0x190];
	v8 =	vmax.f32 v13, v8;
	v0 =	vmax.f32 v0, v59;
	v57 =	vadd.f32 v7, v12  }
0x1ba: {  	v7 =	vmax.f32 v8, v7;
	v3 =	vmul.f32 v4, v51;
	v4 =	vadd.f32 v59, v5  }
0x1bb: {  	v61 =	vmax.f32 v0, v1;
	v0 =	vmax.f32 v7, v2;
	v6 =	vadd.f32 v2, v57  }
0x1bc: {  	v5 =	vmul.f32 v55, v52;
	v2 =	vmul.f32 v58, v52;
	v1 =	vadd.f32 v1, v4  }
0x1bd: {  	v7 =	vmax.f32 v0, v3;
	v0 =	vmul.f32 v60, v54;
	v3 =	vadd.f32 v3, v6  }
0x1be: {  	v4 =	vmul.f32 v56, v54;
	v62 =	vmax.f32 v7, v5;
	v1 =	vadd.f32 v2, v1  }
0x1bf: {  	s0 =	simm.s32 $0x16820;
	v63 =	vmax.f32 v61, v2;
	v6 =	vmax.f32 v62, v0;
	v2 =	vadd.f32 v5, v3  }
0x1c0: {  	s25 =	simm.s32 $0x16820;
	s23 =	simm.s32 $0x648;
	v3 =	vmax.f32 v63, v4;
	[tilespmem:s0+$0x0] =	vst v6;
	v1 =	vadd.f32 v4, v1  }
.LBB2_12:
0x1c1: {  	p0 =	sne.s32 s23, $0x778;
	v0 =	vadd.f32 v0, v2;
	[tilespmem:s0+$0x10] =	vst v3;
	s25 =	sadd.s32 $0x80, s25;
	s1 =	sadd.s32 $0x400, s1  }
0x1c2: {  	s26 =	smov.u32 s23;
	s23 =	sadd.s32 $0x8, s23;
	[tilespmem:s0+$0xFFFFFFF0] =	vst v1  }
0x1c3: {  	[tilespmem:s0+$0xFFFFFFE0] =	vst v0;
	s0 =	smov.u32 s25  }
0x1c4: {  	v0 =	vmov s26;
	v1 =	vld [tilespmem:s1+$0x90]  }
0x1c5: {  	s28 =	sadd.s32 $0x1, s26;
	v0 =	vand.u32 $0xFFFFFFF8, v0;
	v2 =	vld [tilespmem:s1+$0x0]  }
0x1c6: {  	v3 =	vmov s28;
	v0 =	vbroadcast v0, $0x0;
	v4 =	vld [tilespmem:s1+$0x80]  }
0x1c7: {  	s28 =	sadd.s32 $0x2, s26;
	v3 =	vand.u32 $0xFFFFFFF9, v3;
	v5 =	vld [tilespmem:s1+$0xFFFFFF90]  }
0x1c8: {  	v6 =	vmov s28;
	s28 =	sadd.s32 $0x3, s26;
	v3 =	vbroadcast v3, $0x0;
	v7 =	vld [tilespmem:s1+$0xFFFFFF80]  }
0x1c9: {  	v6 =	vand.u32 $0xFFFFFFFA, v6;
	v9 =	vmov s28;
	v8 =	vld [tilespmem:s1+$0xFFFFFF00]  }
0x1ca: {  	s28 =	sadd.s32 $0x4, s26;
	v6 =	vbroadcast v6, $0x0;
	v9 =	vand.u32 $0xFFFFFFFB, v9;
	v10 =	vld [tilespmem:s1+$0xFFFFFE90]  }
0x1cb: {  	v12 =	vmov s28;
	v9 =	vbroadcast v9, $0x0;
	v11 =	vld [tilespmem:s1+$0xFFFFFE10]  }
0x1cc: {  	s28 =	sadd.s32 $0x5, s26;
	v12 =	vand.u32 $0xFFFFFFFC, v12;
	v0 =	vld.idx.msk [tilespmem:v0+s16+$0x0], $0xffff  }
0x1cd: {  	v14 =	vmov s28;
	s28 =	sadd.s32 $0x6, s26;
	v12 =	vbroadcast v12, $0x0;
	v13 =	vld [tilespmem:s1+$0xFFFFFE00]  }
0x1ce: {  	v14 =	vand.u32 $0xFFFFFFFD, v14;
	v15 =	vmov s28;
	v3 =	vld.idx.msk [tilespmem:v3+s16+$0x0], $0xffff  }
0x1cf: {  	v14 =	vbroadcast v14, $0x0;
	v15 =	vand.u32 $0xFFFFFFFE, v15;
	v16 =	vld [tilespmem:s1+$0xFFFFFE80]  }
0x1d0: {  	v15 =	vbroadcast v15, $0x0;
	v6 =	vld.idx.msk [tilespmem:v6+s16+$0x0], $0xffff  }
0x1d1: {  	s26 =	sadd.s32 $0x7, s26;
	v9 =	vld.idx.msk [tilespmem:v9+s16+$0x0], $0xffff  }
0x1d2: {  	v17 =	vmov s26;
	v13 =	vmul.f32 v13, v0;
	v0 =	vmul.f32 v11, v0;
	v11 =	vld [tilespmem:s1+$0xFFFFFF10]  }
0x1d3: {  	v12 =	vld.idx.msk [tilespmem:v12+s16+$0x0], $0xffff  }
0x1d4: {  	v18 =	vadd.f32 $0.0e+00, v13;
	v19 =	vadd.f32 $0.0e+00, v0;
	v16 =	vmul.f32 v16, v3;
	v20 =	vld [tilespmem:s1+$0x10]  }
0x1d5: {  	v3 =	vmul.f32 v10, v3;
	v10 =	vld.idx.msk [tilespmem:v14+s16+$0x0], $0xffff  }
0x1d6: {  	v8 =	vmul.f32 v8, v6;
	v14 =	vadd.f32 v16, v18;
	v13 =	vmax.f32 v13, v16;
	v15 =	vld.idx.msk [tilespmem:v15+s16+$0x0], $0xffff  }
0x1d7: {  	v16 =	vadd.f32 v3, v19;
	v0 =	vmax.f32 v0, v3;
	v3 =	vmul.f32 v11, v6;
	v6 =	vld.idx.msk [tilespmem:v17+s16+$0x0], $0xffff  }
0x1d8: {  	v7 =	vmul.f32 v7, v9;
	v5 =	vmul.f32 v5, v9;
	v11 =	vadd.f32 v8, v14;
	v9 =	vld [tilespmem:s1+$0x100]  }
0x1d9: {  	v8 =	vmax.f32 v13, v8;
	v14 =	vadd.f32 v3, v16;
	v0 =	vmax.f32 v0, v3;
	v3 =	vld [tilespmem:s1+$0x190]  }
0x1da: {  	v11 =	vadd.f32 v7, v11;
	v7 =	vmax.f32 v8, v7;
	v8 =	vmul.f32 v20, v12;
	v13 =	vld [tilespmem:s1+$0x110]  }
0x1db: {  	v0 =	vmax.f32 v0, v5;
	v4 =	vmul.f32 v4, v10;
	v14 =	vadd.f32 v5, v14;
	v5 =	vld [tilespmem:s1+$0x180]  }
0x1dc: {  	v2 =	vmul.f32 v2, v12;
	v1 =	vmul.f32 v1, v10;
	v0 =	vmax.f32 v0, v8  }
0x1dd: {  	v8 =	vadd.f32 v8, v14;
	v9 =	vmul.f32 v9, v15  }
0x1de: {  	v10 =	vadd.f32 v2, v11;
	v11 =	vmax.f32 v0, v1;
	v12 =	vmul.f32 v3, v6  }
.Ltmp5:
0x1df: {  	v0 =	vmax.f32 v7, v2;
	v1 =	vadd.f32 v1, v8;
	v2 =	vmul.f32 v13, v15;
	(pc) =	sbr.rel @p0 .LBB2_12-.Ltmp5, $4  }
0x1e0: {  	v3 =	vadd.f32 v4, v10;
	v4 =	vmax.f32 v0, v4;
	v0 =	vmul.f32 v5, v6  }
0x1e1: {  	v4 =	vmax.f32 v4, v9;
	v1 =	vadd.f32 v2, v1;
	v5 =	vmax.f32 v11, v2  }
0x1e2: {  	v2 =	vadd.f32 v9, v3;
	v4 =	vmax.f32 v4, v0;
	v3 =	vmax.f32 v5, v12  }
0x1e3: {  	v1 =	vadd.f32 v12, v1;
	[tilespmem:s25+$0x0] =	vst v4  }
0x1e4: {  	v0 =	vadd.f32 v0, v2;
	[tilespmem:s0+$0x10] =	vst v3  }
0x1e5: {  	[tilespmem:s0+$0xFFFFFFF0] =	vst v1  }
0x1e6: {  	[tilespmem:s0+$0xFFFFFFE0] =	vst v0  }
0x1e7: {  	[hbm4b:s11+s2] =	stream.linear.scatter [tilespmem:s24], [sflag:$0x3], $0x1400, $0x38;
	[tilespmem:$0x17C00] =	vst v63  }
0x1e8: {  	_ =	swait.ge [sflag:s15], $0x1400  }
0x1e9: {  	[sflag:s15] =	ssyncset.done $0x0  }
0x1ea: {  	[sflag:s15] =	ssyncadd.s32 $0xFFFFEC00  }
0x1eb: {  	_ =	swait.ge [sflag:s19], $0xA000  }
0x1ec: {  	s23 =	simm.s32 $0x780;
	[sflag:s19] =	ssyncset.done $0x0  }
0x1ed: {  	s1 =	simm.s32 $0x1600;
	s25 =	simm.s32 $0x781;
	v0 =	vmov s23;
	[sflag:s19] =	ssyncadd.s32 $0xFFFF6000  }
0x1ee: {  	v0 =	vand.u32 $0xFFFFFFF8, v0;
	[tilespmem:s20], [sflag:$0x2] =	stream.indirect.gather [hbm4b:s3+s17], $0x80, s30, s17, $0xb8;
	[tilespmem:$0x17C00] =	vst v63  }
0x1ef: {  	v3 =	vmov s25;
	v0 =	vbroadcast v0, $0x0;
	v1 =	vld [tilespmem:s1+$0x90]  }
0x1f0: {  	s26 =	simm.s32 $0x782;
	v3 =	vand.u32 $0xFFFFFFF9, v3;
	v2 =	vld [tilespmem:s1+$0x0]  }
0x1f1: {  	s28 =	simm.s32 $0x783;
	v6 =	vmov s26;
	v3 =	vbroadcast v3, $0x0;
	v7 =	vld [tilespmem:s1+$0xFFFFFF80]  }
0x1f2: {  	v9 =	vmov s28;
	v6 =	vand.u32 $0xFFFFFFFA, v6;
	v8 =	vld [tilespmem:s1+$0xFFFFFF00]  }
0x1f3: {  	v9 =	vand.u32 $0xFFFFFFFB, v9;
	s23 =	simm.s32 $0x784;
	v6 =	vbroadcast v6, $0x0;
	v10 =	vld [tilespmem:s1+$0xFFFFFE90]  }
0x1f4: {  	v9 =	vbroadcast v9, $0x0;
	v12 =	vmov s23;
	v11 =	vld [tilespmem:s1+$0xFFFFFE10]  }
0x1f5: {  	v12 =	vand.u32 $0xFFFFFFFC, v12;
	v0 =	vld.idx.msk [tilespmem:v0+s16+$0x0], $0xffff  }
0x1f6: {  	s25 =	simm.s32 $0x785;
	v12 =	vbroadcast v12, $0x0;
	v13 =	vld [tilespmem:s1+$0xFFFFFE00]  }
0x1f7: {  	v14 =	vmov s25;
	v3 =	vld.idx.msk [tilespmem:v3+s16+$0x0], $0xffff  }
0x1f8: {  	s26 =	simm.s32 $0x786;
	v14 =	vand.u32 $0xFFFFFFFD, v14;
	v16 =	vld [tilespmem:s1+$0xFFFFFE80]  }
0x1f9: {  	v15 =	vmov s26;
	v14 =	vbroadcast v14, $0x0;
	v6 =	vld.idx.msk [tilespmem:v6+s16+$0x0], $0xffff  }
0x1fa: {  	v15 =	vand.u32 $0xFFFFFFFE, v15;
	v9 =	vld.idx.msk [tilespmem:v9+s16+$0x0], $0xffff  }
0x1fb: {  	v15 =	vbroadcast v15, $0x0;
	v17 =	vld [tilespmem:s1+$0xFFFFFF10]  }
0x1fc: {  	s28 =	simm.s32 $0x787;
	v49 =	vld.idx.msk [tilespmem:v12+s16+$0x0], $0xffff  }
0x1fd: {  	v18 =	vmov s28;
	v19 =	vld [tilespmem:s1+$0x10];
	v13 =	vmul.f32 v13, v0;
	v0 =	vmul.f32 v11, v0  }
0x1fe: {  	v5 =	vld [tilespmem:s1+$0xFFFFFF90]  }
0x1ff: {  	v51 =	vld.idx.msk [tilespmem:v14+s16+$0x0], $0xffff;
	v16 =	vmul.f32 v16, v3;
	v3 =	vmul.f32 v10, v3;
	v20 =	vadd.f32 $0.0e+00, v0  }
0x200: {  	v4 =	vld [tilespmem:s1+$0x80];
	v8 =	vmul.f32 v8, v6;
	v50 =	vadd.f32 $0.0e+00, v13  }
0x201: {  	v52 =	vld.idx.msk [tilespmem:v15+s16+$0x0], $0xffff;
	v6 =	vmul.f32 v17, v6;
	v7 =	vmul.f32 v7, v9;
	v53 =	vadd.f32 v3, v20  }
0x202: {  	v54 =	vld.idx.msk [tilespmem:v18+s16+$0x0], $0xffff;
	v59 =	vmul.f32 v19, v49;
	v2 =	vmul.f32 v2, v49;
	v12 =	vadd.f32 v16, v50  }
0x203: {  	v55 =	vld [tilespmem:s1+$0x100];
	v0 =	vmax.f32 v0, v3;
	v3 =	vmul.f32 v5, v9;
	v5 =	vadd.f32 v6, v53  }
0x204: {  	v58 =	vld [tilespmem:s1+$0x110];
	v1 =	vmul.f32 v1, v51;
	v0 =	vmax.f32 v0, v6;
	v12 =	vadd.f32 v8, v12  }
0x205: {  	v60 =	vld [tilespmem:s1+$0x180];
	v13 =	vmax.f32 v13, v16;
	v0 =	vmax.f32 v0, v3;
	v5 =	vadd.f32 v3, v5  }
0x206: {  	v56 =	vld [tilespmem:s1+$0x190];
	v8 =	vmax.f32 v13, v8;
	v0 =	vmax.f32 v0, v59;
	v57 =	vadd.f32 v7, v12  }
0x207: {  	v7 =	vmax.f32 v8, v7;
	v3 =	vmul.f32 v4, v51;
	v4 =	vadd.f32 v59, v5  }
0x208: {  	v61 =	vmax.f32 v0, v1;
	v0 =	vmax.f32 v7, v2;
	v6 =	vadd.f32 v2, v57  }
0x209: {  	v5 =	vmul.f32 v55, v52;
	v2 =	vmul.f32 v58, v52;
	v1 =	vadd.f32 v1, v4  }
0x20a: {  	v7 =	vmax.f32 v0, v3;
	v0 =	vmul.f32 v60, v54;
	v3 =	vadd.f32 v3, v6  }
0x20b: {  	v4 =	vmul.f32 v56, v54;
	v62 =	vmax.f32 v7, v5;
	v1 =	vadd.f32 v2, v1  }
0x20c: {  	s0 =	simm.s32 $0x15420;
	v63 =	vmax.f32 v61, v2;
	v6 =	vmax.f32 v62, v0;
	v2 =	vadd.f32 v5, v3  }
0x20d: {  	s25 =	simm.s32 $0x15420;
	s23 =	simm.s32 $0x788;
	v3 =	vmax.f32 v63, v4;
	[tilespmem:s0+$0x0] =	vst v6;
	v1 =	vadd.f32 v4, v1  }
.LBB2_14:
0x20e: {  	p0 =	sne.s32 s23, $0x8B8;
	v0 =	vadd.f32 v0, v2;
	[tilespmem:s0+$0x10] =	vst v3;
	s25 =	sadd.s32 $0x80, s25;
	s1 =	sadd.s32 $0x400, s1  }
0x20f: {  	s26 =	smov.u32 s23;
	s23 =	sadd.s32 $0x8, s23;
	[tilespmem:s0+$0xFFFFFFF0] =	vst v1  }
0x210: {  	[tilespmem:s0+$0xFFFFFFE0] =	vst v0;
	s0 =	smov.u32 s25  }
0x211: {  	v0 =	vmov s26;
	v1 =	vld [tilespmem:s1+$0x90]  }
0x212: {  	s28 =	sadd.s32 $0x1, s26;
	v0 =	vand.u32 $0xFFFFFFF8, v0;
	v2 =	vld [tilespmem:s1+$0x0]  }
0x213: {  	v3 =	vmov s28;
	v0 =	vbroadcast v0, $0x0;
	v4 =	vld [tilespmem:s1+$0x80]  }
0x214: {  	s28 =	sadd.s32 $0x2, s26;
	v3 =	vand.u32 $0xFFFFFFF9, v3;
	v5 =	vld [tilespmem:s1+$0xFFFFFF90]  }
0x215: {  	v6 =	vmov s28;
	s28 =	sadd.s32 $0x3, s26;
	v3 =	vbroadcast v3, $0x0;
	v7 =	vld [tilespmem:s1+$0xFFFFFF80]  }
0x216: {  	v6 =	vand.u32 $0xFFFFFFFA, v6;
	v9 =	vmov s28;
	v8 =	vld [tilespmem:s1+$0xFFFFFF00]  }
0x217: {  	s28 =	sadd.s32 $0x4, s26;
	v6 =	vbroadcast v6, $0x0;
	v9 =	vand.u32 $0xFFFFFFFB, v9;
	v10 =	vld [tilespmem:s1+$0xFFFFFE90]  }
0x218: {  	v12 =	vmov s28;
	v9 =	vbroadcast v9, $0x0;
	v11 =	vld [tilespmem:s1+$0xFFFFFE10]  }
0x219: {  	s28 =	sadd.s32 $0x5, s26;
	v12 =	vand.u32 $0xFFFFFFFC, v12;
	v0 =	vld.idx.msk [tilespmem:v0+s16+$0x0], $0xffff  }
0x21a: {  	v14 =	vmov s28;
	s28 =	sadd.s32 $0x6, s26;
	v12 =	vbroadcast v12, $0x0;
	v13 =	vld [tilespmem:s1+$0xFFFFFE00]  }
0x21b: {  	v14 =	vand.u32 $0xFFFFFFFD, v14;
	v15 =	vmov s28;
	v3 =	vld.idx.msk [tilespmem:v3+s16+$0x0], $0xffff  }
0x21c: {  	v14 =	vbroadcast v14, $0x0;
	v15 =	vand.u32 $0xFFFFFFFE, v15;
	v16 =	vld [tilespmem:s1+$0xFFFFFE80]  }
0x21d: {  	v15 =	vbroadcast v15, $0x0;
	v6 =	vld.idx.msk [tilespmem:v6+s16+$0x0], $0xffff  }
0x21e: {  	s26 =	sadd.s32 $0x7, s26;
	v9 =	vld.idx.msk [tilespmem:v9+s16+$0x0], $0xffff  }
0x21f: {  	v17 =	vmov s26;
	v13 =	vmul.f32 v13, v0;
	v0 =	vmul.f32 v11, v0;
	v11 =	vld [tilespmem:s1+$0xFFFFFF10]  }
0x220: {  	v12 =	vld.idx.msk [tilespmem:v12+s16+$0x0], $0xffff  }
0x221: {  	v18 =	vadd.f32 $0.0e+00, v13;
	v19 =	vadd.f32 $0.0e+00, v0;
	v16 =	vmul.f32 v16, v3;
	v20 =	vld [tilespmem:s1+$0x10]  }
0x222: {  	v3 =	vmul.f32 v10, v3;
	v10 =	vld.idx.msk [tilespmem:v14+s16+$0x0], $0xffff  }
0x223: {  	v8 =	vmul.f32 v8, v6;
	v14 =	vadd.f32 v16, v18;
	v13 =	vmax.f32 v13, v16;
	v15 =	vld.idx.msk [tilespmem:v15+s16+$0x0], $0xffff  }
0x224: {  	v16 =	vadd.f32 v3, v19;
	v0 =	vmax.f32 v0, v3;
	v3 =	vmul.f32 v11, v6;
	v6 =	vld.idx.msk [tilespmem:v17+s16+$0x0], $0xffff  }
0x225: {  	v7 =	vmul.f32 v7, v9;
	v5 =	vmul.f32 v5, v9;
	v11 =	vadd.f32 v8, v14;
	v9 =	vld [tilespmem:s1+$0x100]  }
0x226: {  	v8 =	vmax.f32 v13, v8;
	v14 =	vadd.f32 v3, v16;
	v0 =	vmax.f32 v0, v3;
	v3 =	vld [tilespmem:s1+$0x190]  }
0x227: {  	v11 =	vadd.f32 v7, v11;
	v7 =	vmax.f32 v8, v7;
	v8 =	vmul.f32 v20, v12;
	v13 =	vld [tilespmem:s1+$0x110]  }
0x228: {  	v0 =	vmax.f32 v0, v5;
	v4 =	vmul.f32 v4, v10;
	v14 =	vadd.f32 v5, v14;
	v5 =	vld [tilespmem:s1+$0x180]  }
0x229: {  	v2 =	vmul.f32 v2, v12;
	v1 =	vmul.f32 v1, v10;
	v0 =	vmax.f32 v0, v8  }
0x22a: {  	v8 =	vadd.f32 v8, v14;
	v9 =	vmul.f32 v9, v15  }
0x22b: {  	v10 =	vadd.f32 v2, v11;
	v11 =	vmax.f32 v0, v1;
	v12 =	vmul.f32 v3, v6  }
.Ltmp6:
0x22c: {  	v0 =	vmax.f32 v7, v2;
	v1 =	vadd.f32 v1, v8;
	v2 =	vmul.f32 v13, v15;
	(pc) =	sbr.rel @p0 .LBB2_14-.Ltmp6, $4  }
0x22d: {  	v3 =	vadd.f32 v4, v10;
	v4 =	vmax.f32 v0, v4;
	v0 =	vmul.f32 v5, v6  }
0x22e: {  	v4 =	vmax.f32 v4, v9;
	v1 =	vadd.f32 v2, v1;
	v5 =	vmax.f32 v11, v2  }
0x22f: {  	v2 =	vadd.f32 v9, v3;
	v4 =	vmax.f32 v4, v0;
	v3 =	vmax.f32 v5, v12  }
0x230: {  	v1 =	vadd.f32 v12, v1;
	[tilespmem:s25+$0x0] =	vst v4  }
0x231: {  	v0 =	vadd.f32 v0, v2;
	[tilespmem:s0+$0x10] =	vst v3  }
0x232: {  	[tilespmem:s0+$0xFFFFFFF0] =	vst v1  }
0x233: {  	[tilespmem:s0+$0xFFFFFFE0] =	vst v0  }
0x234: {  	[hbm4b:s12+s2] =	stream.linear.scatter [tilespmem:s21], [sflag:$0x3], $0x1400, $0x38;
	[tilespmem:$0x17C00] =	vst v63  }
0x235: {  	_ =	swait.ge [sflag:s15], $0x1400  }
0x236: {  	[sflag:s15] =	ssyncset.done $0x0  }
0x237: {  	s23 =	simm.s32 $0x8C0;
	[sflag:s15] =	ssyncadd.s32 $0xFFFFEC00  }
0x238: {  	v0 =	vmov s23;
	_ =	swait.ge [sflag:s22], $0xA000  }
0x239: {  	s25 =	simm.s32 $0x8C1;
	v0 =	vand.u32 $0xFFFFFFF8, v0;
	[sflag:s22] =	ssyncset.done $0x0  }
0x23a: {  	s1 =	simm.s32 $0xB600;
	v3 =	vmov s25;
	v0 =	vbroadcast v0, $0x0;
	[sflag:s22] =	ssyncadd.s32 $0xFFFF6000  }
0x23b: {  	s26 =	simm.s32 $0x8C2;
	v3 =	vand.u32 $0xFFFFFFF9, v3;
	v1 =	vld [tilespmem:s1+$0x90]  }
0x23c: {  	s28 =	simm.s32 $0x8C3;
	v6 =	vmov s26;
	v3 =	vbroadcast v3, $0x0;
	v7 =	vld [tilespmem:s1+$0xFFFFFF80]  }
0x23d: {  	v9 =	vmov s28;
	v6 =	vand.u32 $0xFFFFFFFA, v6;
	v8 =	vld [tilespmem:s1+$0xFFFFFF00]  }
0x23e: {  	v9 =	vand.u32 $0xFFFFFFFB, v9;
	v6 =	vbroadcast v6, $0x0;
	v10 =	vld [tilespmem:s1+$0xFFFFFE90]  }
0x23f: {  	s25 =	simm.s32 $0x8C5;
	v9 =	vbroadcast v9, $0x0;
	v11 =	vld [tilespmem:s1+$0xFFFFFE10]  }
0x240: {  	s23 =	simm.s32 $0x8C4;
	v14 =	vmov s25;
	v0 =	vld.idx.msk [tilespmem:v0+s16+$0x0], $0xffff  }
0x241: {  	v12 =	vmov s23;
	v14 =	vand.u32 $0xFFFFFFFD, v14;
	v13 =	vld [tilespmem:s1+$0xFFFFFE00]  }
0x242: {  	v12 =	vand.u32 $0xFFFFFFFC, v12;
	v14 =	vbroadcast v14, $0x0;
	v3 =	vld.idx.msk [tilespmem:v3+s16+$0x0], $0xffff  }
0x243: {  	v12 =	vbroadcast v12, $0x0;
	v16 =	vld [tilespmem:s1+$0xFFFFFE80]  }
0x244: {  	s26 =	simm.s32 $0x8C6;
	v6 =	vld.idx.msk [tilespmem:v6+s16+$0x0], $0xffff  }
0x245: {  	v15 =	vmov s26;
	v9 =	vld.idx.msk [tilespmem:v9+s16+$0x0], $0xffff  }
0x246: {  	v15 =	vand.u32 $0xFFFFFFFE, v15;
	v17 =	vld [tilespmem:s1+$0xFFFFFF10]  }
0x247: {  	v15 =	vbroadcast v15, $0x0;
	v19 =	vld [tilespmem:s1+$0x10]  }
0x248: {  	s28 =	simm.s32 $0x8C7;
	v51 =	vld.idx.msk [tilespmem:v14+s16+$0x0], $0xffff  }
0x249: {  	v18 =	vmov s28;
	v49 =	vld.idx.msk [tilespmem:v12+s16+$0x0], $0xffff;
	v13 =	vmul.f32 v13, v0;
	v0 =	vmul.f32 v11, v0  }
0x24a: {  	v5 =	vld [tilespmem:s1+$0xFFFFFF90]  }
0x24b: {  	v2 =	vld [tilespmem:s1+$0x0];
	v16 =	vmul.f32 v16, v3;
	v3 =	vmul.f32 v10, v3;
	v20 =	vadd.f32 $0.0e+00, v0  }
0x24c: {  	v4 =	vld [tilespmem:s1+$0x80];
	v8 =	vmul.f32 v8, v6;
	v50 =	vadd.f32 $0.0e+00, v13  }
0x24d: {  	v52 =	vld.idx.msk [tilespmem:v15+s16+$0x0], $0xffff;
	v6 =	vmul.f32 v17, v6;
	v7 =	vmul.f32 v7, v9;
	v53 =	vadd.f32 v3, v20  }
0x24e: {  	v54 =	vld.idx.msk [tilespmem:v18+s16+$0x0], $0xffff;
	v1 =	vmul.f32 v1, v51;
	v59 =	vmul.f32 v19, v49;
	v12 =	vadd.f32 v16, v50  }
0x24f: {  	v55 =	vld [tilespmem:s1+$0x100];
	v0 =	vmax.f32 v0, v3;
	v3 =	vmul.f32 v5, v9;
	v5 =	vadd.f32 v6, v53  }
0x250: {  	v58 =	vld [tilespmem:s1+$0x110];
	v2 =	vmul.f32 v2, v49;
	v0 =	vmax.f32 v0, v6;
	v12 =	vadd.f32 v8, v12  }
0x251: {  	v60 =	vld [tilespmem:s1+$0x180];
	v13 =	vmax.f32 v13, v16;
	v0 =	vmax.f32 v0, v3;
	v5 =	vadd.f32 v3, v5  }
0x252: {  	v56 =	vld [tilespmem:s1+$0x190];
	v8 =	vmax.f32 v13, v8;
	v0 =	vmax.f32 v0, v59;
	v57 =	vadd.f32 v7, v12  }
0x253: {  	v7 =	vmax.f32 v8, v7;
	v3 =	vmul.f32 v4, v51;
	v4 =	vadd.f32 v59, v5  }
0x254: {  	v61 =	vmax.f32 v0, v1;
	v0 =	vmax.f32 v7, v2;
	v6 =	vadd.f32 v2, v57  }
0x255: {  	v5 =	vmul.f32 v55, v52;
	v2 =	vmul.f32 v58, v52;
	v1 =	vadd.f32 v1, v4  }
0x256: {  	v7 =	vmax.f32 v0, v3;
	v0 =	vmul.f32 v60, v54;
	v3 =	vadd.f32 v3, v6  }
0x257: {  	v4 =	vmul.f32 v56, v54;
	v62 =	vmax.f32 v7, v5;
	v1 =	vadd.f32 v2, v1  }
0x258: {  	s0 =	simm.s32 $0x16820;
	v63 =	vmax.f32 v61, v2;
	v6 =	vmax.f32 v62, v0;
	v2 =	vadd.f32 v5, v3  }
0x259: {  	s25 =	simm.s32 $0x16820;
	s23 =	simm.s32 $0x8C8;
	v3 =	vmax.f32 v63, v4;
	[tilespmem:s0+$0x0] =	vst v6;
	v1 =	vadd.f32 v4, v1  }
.LBB2_16:
0x25a: {  	p0 =	sne.s32 s23, $0x9F8;
	v0 =	vadd.f32 v0, v2;
	[tilespmem:s0+$0x10] =	vst v3;
	s25 =	sadd.s32 $0x80, s25;
	s1 =	sadd.s32 $0x400, s1  }
0x25b: {  	s26 =	smov.u32 s23;
	s23 =	sadd.s32 $0x8, s23;
	[tilespmem:s0+$0xFFFFFFF0] =	vst v1  }
0x25c: {  	[tilespmem:s0+$0xFFFFFFE0] =	vst v0;
	s0 =	smov.u32 s25  }
0x25d: {  	v0 =	vmov s26;
	v1 =	vld [tilespmem:s1+$0x90]  }
0x25e: {  	s28 =	sadd.s32 $0x1, s26;
	v0 =	vand.u32 $0xFFFFFFF8, v0;
	v2 =	vld [tilespmem:s1+$0x0]  }
0x25f: {  	v3 =	vmov s28;
	v0 =	vbroadcast v0, $0x0;
	v4 =	vld [tilespmem:s1+$0x80]  }
0x260: {  	s28 =	sadd.s32 $0x2, s26;
	v3 =	vand.u32 $0xFFFFFFF9, v3;
	v5 =	vld [tilespmem:s1+$0xFFFFFF90]  }
0x261: {  	v6 =	vmov s28;
	s28 =	sadd.s32 $0x3, s26;
	v3 =	vbroadcast v3, $0x0;
	v7 =	vld [tilespmem:s1+$0xFFFFFF80]  }
0x262: {  	v6 =	vand.u32 $0xFFFFFFFA, v6;
	v9 =	vmov s28;
	v8 =	vld [tilespmem:s1+$0xFFFFFF00]  }
0x263: {  	s28 =	sadd.s32 $0x4, s26;
	v6 =	vbroadcast v6, $0x0;
	v9 =	vand.u32 $0xFFFFFFFB, v9;
	v10 =	vld [tilespmem:s1+$0xFFFFFE90]  }
0x264: {  	v12 =	vmov s28;
	v9 =	vbroadcast v9, $0x0;
	v11 =	vld [tilespmem:s1+$0xFFFFFE10]  }
0x265: {  	s28 =	sadd.s32 $0x5, s26;
	v12 =	vand.u32 $0xFFFFFFFC, v12;
	v0 =	vld.idx.msk [tilespmem:v0+s16+$0x0], $0xffff  }
0x266: {  	v14 =	vmov s28;
	s28 =	sadd.s32 $0x6, s26;
	v12 =	vbroadcast v12, $0x0;
	v13 =	vld [tilespmem:s1+$0xFFFFFE00]  }
0x267: {  	v14 =	vand.u32 $0xFFFFFFFD, v14;
	v15 =	vmov s28;
	v3 =	vld.idx.msk [tilespmem:v3+s16+$0x0], $0xffff  }
0x268: {  	v14 =	vbroadcast v14, $0x0;
	v15 =	vand.u32 $0xFFFFFFFE, v15;
	v16 =	vld [tilespmem:s1+$0xFFFFFE80]  }
0x269: {  	v15 =	vbroadcast v15, $0x0;
	v6 =	vld.idx.msk [tilespmem:v6+s16+$0x0], $0xffff  }
0x26a: {  	s26 =	sadd.s32 $0x7, s26;
	v9 =	vld.idx.msk [tilespmem:v9+s16+$0x0], $0xffff  }
0x26b: {  	v17 =	vmov s26;
	v13 =	vmul.f32 v13, v0;
	v0 =	vmul.f32 v11, v0;
	v11 =	vld [tilespmem:s1+$0xFFFFFF10]  }
0x26c: {  	v12 =	vld.idx.msk [tilespmem:v12+s16+$0x0], $0xffff  }
0x26d: {  	v18 =	vadd.f32 $0.0e+00, v13;
	v19 =	vadd.f32 $0.0e+00, v0;
	v16 =	vmul.f32 v16, v3;
	v20 =	vld [tilespmem:s1+$0x10]  }
0x26e: {  	v3 =	vmul.f32 v10, v3;
	v10 =	vld.idx.msk [tilespmem:v14+s16+$0x0], $0xffff  }
0x26f: {  	v8 =	vmul.f32 v8, v6;
	v14 =	vadd.f32 v16, v18;
	v13 =	vmax.f32 v13, v16;
	v15 =	vld.idx.msk [tilespmem:v15+s16+$0x0], $0xffff  }
0x270: {  	v16 =	vadd.f32 v3, v19;
	v0 =	vmax.f32 v0, v3;
	v3 =	vmul.f32 v11, v6;
	v6 =	vld.idx.msk [tilespmem:v17+s16+$0x0], $0xffff  }
0x271: {  	v7 =	vmul.f32 v7, v9;
	v5 =	vmul.f32 v5, v9;
	v11 =	vadd.f32 v8, v14;
	v9 =	vld [tilespmem:s1+$0x100]  }
0x272: {  	v8 =	vmax.f32 v13, v8;
	v14 =	vadd.f32 v3, v16;
	v0 =	vmax.f32 v0, v3;
	v3 =	vld [tilespmem:s1+$0x190]  }
0x273: {  	v11 =	vadd.f32 v7, v11;
	v7 =	vmax.f32 v8, v7;
	v8 =	vmul.f32 v20, v12;
	v13 =	vld [tilespmem:s1+$0x110]  }
0x274: {  	v0 =	vmax.f32 v0, v5;
	v4 =	vmul.f32 v4, v10;
	v14 =	vadd.f32 v5, v14;
	v5 =	vld [tilespmem:s1+$0x180]  }
0x275: {  	v2 =	vmul.f32 v2, v12;
	v1 =	vmul.f32 v1, v10;
	v0 =	vmax.f32 v0, v8  }
0x276: {  	v8 =	vadd.f32 v8, v14;
	v9 =	vmul.f32 v9, v15  }
0x277: {  	v10 =	vadd.f32 v2, v11;
	v11 =	vmax.f32 v0, v1;
	v12 =	vmul.f32 v3, v6  }
.Ltmp7:
0x278: {  	v0 =	vmax.f32 v7, v2;
	v1 =	vadd.f32 v1, v8;
	v2 =	vmul.f32 v13, v15;
	(pc) =	sbr.rel @p0 .LBB2_16-.Ltmp7, $4  }
0x279: {  	v3 =	vadd.f32 v4, v10;
	v4 =	vmax.f32 v0, v4;
	v0 =	vmul.f32 v5, v6  }
0x27a: {  	v4 =	vmax.f32 v4, v9;
	v1 =	vadd.f32 v2, v1;
	v5 =	vmax.f32 v11, v2  }
0x27b: {  	v2 =	vadd.f32 v9, v3;
	v4 =	vmax.f32 v4, v0;
	v3 =	vmax.f32 v5, v12  }
0x27c: {  	v1 =	vadd.f32 v12, v1;
	[tilespmem:s25+$0x0] =	vst v4  }
0x27d: {  	v0 =	vadd.f32 v0, v2;
	[tilespmem:s0+$0x10] =	vst v3;
	s31 =	sadd.s32 $0x1, s31  }
0x27e: {  	[tilespmem:s0+$0xFFFFFFF0] =	vst v1;
	p0 =	sne.s32 s31, s14  }
.Ltmp8:
0x27f: {  	[tilespmem:s0+$0xFFFFFFE0] =	vst v0;
	(pc) =	sbr.rel @p0 .LBB2_1-.Ltmp8, $4  }
0x280: {  	[hbm4b:s13+s2] =	stream.linear.scatter [tilespmem:s24], [sflag:$0x3], $0x1400, $0x38;
	[tilespmem:$0x17C00] =	vst v63  }
0x281: {  	_ =	swait.ge [sflag:s15], $0x1400  }
0x282: {  	[sflag:s15] =	ssyncset.done $0x0  }
0x283: {  	[sflag:s15] =	ssyncadd.s32 $0xFFFFEC00  }
0x284: {  	_ =	sfence.sel $0x180000  }
0x285: {  	[bflag:$0x0] =	sbarrier.arrive $0xFFFF  }
0x286: {  	_ =	strace $0x90000047  }
0x287: {  	s0 =	stileid.u32;
	[bflag:$0x2] =	sbarrier.arrive $0xFFFF  }
0x288: {  	p0 =	sne.s32 s0, $0x0;
	s0 =	rddreg [dreg:$0x1]  }
0x289: {  	s0 =	sadd.s32 @!p0 $0x100000, s0  }
0x28a: {  	[sflag:s0] =	ssyncadd.tile.s32 @!p0 $0x1;
	_ =	shalt  }
.Lfunc_end2:
_tile_overlayer_lowered:
.L_overlay_start_2:
0x28b: {  	(tag) =	ssettag $0x2  }
0x28c: {  	s0 =	rddreg [dreg:$0x0];
	s2 =	stileid.u32  }
0x28d: {  	s1 =	rddreg [dreg:$0x1];
	p0 =	sne.s32 s2, $0x0  }
0x28e: {  	s3 =	rddreg [dreg:$0x2];
	[bflag:$0x3] =	sbarrier.arrive $0xFFFF;
	s2 =	simm.s32 @!p0 $0x1C03  }
0x28f: {  	[timem:s3], [sflag:s2] =	dma.local @!p0 [hbm:s0], s1  }
0x290: {  	s0 =	simm.s32 @!p0 $0x3  }
0x291: {  	_ =	swait.ge @!p0 [sflag:s0], s1  }
0x292: {  	s1 =	ssub.s32 @!p0 $0x0, s1;
	[sflag:s0] =	ssyncset.done @!p0 $0x0  }
0x293: {  	[sflag:s0] =	ssyncadd.s32 @!p0 s1  }
0x294: {  	[bflag:$0x3] =	sbarrier.arrive $0xFFFF  }
0x295: {  	_ =	shalt  }

</sc_bundles>
